<compile_context>
chip_gen: v7x
topology: tpu7x:2x2x1
jax: 0.10.2.dev20260603
libtpu: 0.0.44.dev20260713+nightly
codegen_flags: <defaults>
</compile_context>

<pallas_src>
import functools

import jax
import jax.numpy as jnp
from jax import lax
from jax.experimental import pallas as pl
from jax.experimental.pallas import tpu as pltpu
from jax.experimental.pallas import tpu_sc as plsc

S = 13
NCELL = S * S
NCH = 25
BATCH = 256
NOBJ = 8
NC, NS, L = 2, 16, 16
NW = NC * NS
NSLOT = 6
CLAMP = float(S - 1e-6)

_mesh = plsc.VectorSubcoreMesh(core_axis_name="c", subcore_axis_name="s")


@functools.partial(
    pl.kernel,
    out_type=jax.ShapeDtypeStruct((NW, L), jnp.float32),
    mesh=_mesh,
    scratch_types=[
        pltpu.VMEM((NCH, 2, 2, 128), jnp.float32),
        pltpu.VMEM((NCH, 2, 2, 128), jnp.float32),
        pltpu.VMEM((NOBJ, 2, 4, 128), jnp.float32),
        pltpu.VMEM((NOBJ, 2, 128), jnp.int32),
        pltpu.VMEM((NOBJ, 2, 128), jnp.float32),
        pltpu.VMEM((NOBJ, 2, 128), jnp.float32),
        pltpu.VMEM((NOBJ, 2, 128), jnp.float32),
        pltpu.VMEM((NOBJ, 2, 128), jnp.float32),
        pltpu.VMEM((L,), jnp.float32),
        pltpu.SemaphoreType.DMA,
        pltpu.SemaphoreType.DMA,
    ],
)
def _yolo_sc(pred_hbm, box_hbm, out_hbm, cb0, cb1, box_b, cid_s, tx_s, ty_s,
             tw_s, th_s, acc_r, sem0, sem1):
    wid = lax.axis_index("s") * NC + lax.axis_index("c")
    bufs = (cb0, cb1)
    sems = (sem0, sem1)

    def start_fetch(slot):
        cid = slot * NW + wid

        @pl.when(cid < NCELL)
        def _():
            pltpu.async_copy(pred_hbm.at[cid // S, cid % S],
                             bufs[slot % 2], sems[slot % 2])

    start_fetch(0)
    pltpu.sync_copy(box_hbm, box_b)

    iota = lax.iota(jnp.int32, L)
    zero = jnp.float32(0.0) * iota.astype(jnp.float32)
    acc_r[...] = zero

    def geom_body(i, _):
        j = i >> 4
        bh = (i >> 3) & 1
        bl0 = (i & 7) * L
        x1 = box_b[j, bh, 0, pl.ds(bl0, L)]
        y1 = box_b[j, bh, 1, pl.ds(bl0, L)]
        x2 = box_b[j, bh, 2, pl.ds(bl0, L)]
        y2 = box_b[j, bh, 3, pl.ds(bl0, L)]
        x = jnp.minimum(((x1 + x2) / 2.0) / 32.0, CLAMP)
        y = jnp.minimum(((y1 + y2) / 2.0) / 32.0, CLAMP)
        gxi = x.astype(jnp.int32)
        gyi = y.astype(jnp.int32)
        cid_s[j, bh, pl.ds(bl0, L)] = gyi * S + gxi
        tx_s[j, bh, pl.ds(bl0, L)] = x - gxi.astype(jnp.float32)
        ty_s[j, bh, pl.ds(bl0, L)] = y - gyi.astype(jnp.float32)
        tw_s[j, bh, pl.ds(bl0, L)] = (x2 - x1) / 416.0
        th_s[j, bh, pl.ds(bl0, L)] = (y2 - y1) / 416.0
        return 0

    lax.fori_loop(0, NOBJ * 2 * NOBJ, geom_body, 0)

    for slot in range(NSLOT):
        cid = slot * NW + wid
        if slot + 1 < NSLOT:
            start_fetch(slot + 1)

        @pl.when(cid < NCELL)
        def _process():
            cell_b = bufs[slot % 2]
            pltpu.make_async_copy(pred_hbm.at[cid // S, cid % S],
                                  cell_b, sems[slot % 2]).wait()

            def bg_body(bg, acc):
                bh = bg >> 3
                bl0 = (bg & 7) * L
                v0 = cell_b[4, bh, 0, pl.ds(bl0, L)]
                v1 = cell_b[4, bh, 1, pl.ds(bl0, L)]
                acc = acc + v0 * v0 + v1 * v1
                mask = iota < 0
                tx = zero
                ty = zero
                tw = zero
                th = zero
                for j in range(NOBJ):
                    cj = cid_s[j, bh, pl.ds(bl0, L)]
                    m = cj == cid
                    mask = mask | m
                    tx = jnp.where(m, tx_s[j, bh, pl.ds(bl0, L)], tx)
                    ty = jnp.where(m, ty_s[j, bh, pl.ds(bl0, L)], ty)
                    tw = jnp.where(m, tw_s[j, bh, pl.ds(bl0, L)], tw)
                    th = jnp.where(m, th_s[j, bh, pl.ds(bl0, L)], th)
                coord = zero
                cls = zero
                for ch in range(NCH):
                    v = cell_b[ch, bh, 0, pl.ds(bl0, L)]
                    if ch == 0:
                        d = v - tx
                        coord = coord + d * d
                    elif ch == 1:
                        d = v - ty
                        coord = coord + d * d
                    elif ch == 2:
                        d = v - tw
                        coord = coord + d * d
                    elif ch == 3:
                        d = v - th
                        coord = coord + d * d
                    elif ch == 4:
                        conf_c = 1.0 - 2.0 * v
                    else:
                        cls = cls + v * v
                corr = 5.0 * coord + conf_c + cls
                return acc + jnp.where(mask, corr, 0.0)

            total = lax.fori_loop(0, 16, bg_body, zero)
            acc_r[...] = acc_r[...] + total

    pltpu.sync_copy(acc_r, out_hbm.at[wid])


def kernel(predictions, boxes, labels):
    pred6 = (predictions.reshape(2, 128, S, S, 2, NCH)
                        .transpose(2, 3, 5, 0, 4, 1))
    box4 = (boxes.reshape(2, 128, NOBJ, 4)
                 .transpose(2, 0, 3, 1))
    partials = _yolo_sc(pred6, box4)
    return jnp.sum(partials) / predictions.shape[0]

# --- scband reference (transcript-rebuilt; emitter-appended) ---
"""Pipeline reference for scband-yololoss-28862180229415 (READ-ONLY COPY).

The authoritative reference and input builder live on the scoring server;
editing this copy changes nothing except your own understanding.
"""

import jax, jax.numpy as jnp
import numpy as np

S = 13
BB = 2
C = 20
LAMBDA_COORD = 5.0
LAMBDA_NOOBJ = 0.5  # defined in __init__ but unused in forward (kept for faithfulness)
IMG = 416.0
BATCH = 256
NOBJ = 8


def setup_inputs(seed: int = 0) -> dict:
    key = jax.random.key(seed)
    k1, k2, k3, k4 = jax.random.split(key, 4)
    predictions = jax.random.normal(k1, (BATCH, S, S, BB, 5 + C), dtype=jnp.float32)
    # boxes in pixel coords [x1, y1, x2, y2], guaranteed x1<x2, y1<y2, inside 416x416
    xy = jax.random.uniform(k2, (BATCH, NOBJ, 2), minval=0.0, maxval=380.0, dtype=jnp.float32)
    wh = jax.random.uniform(k3, (BATCH, NOBJ, 2), minval=10.0, maxval=36.0, dtype=jnp.float32)
    boxes = jnp.concatenate([xy, xy + wh], axis=-1)
    labels = jax.random.randint(k4, (BATCH, NOBJ), 0, C).astype(jnp.int64)
    return {"predictions": predictions, "boxes": boxes, "labels": labels}


def _build_target(preds, boxes):
    bs = preds.shape[0]
    nobj = boxes.shape[1]
    cell = IMG / S
    x_center = (boxes[..., 0] + boxes[..., 2]) / 2.0
    y_center = (boxes[..., 1] + boxes[..., 3]) / 2.0
    x = jnp.minimum(x_center / cell, S - 1e-6)
    y = jnp.minimum(y_center / cell, S - 1e-6)
    gx = jnp.floor(x)
    gy = jnp.floor(y)
    x_off = x - gx
    y_off = y - gy
    w = (boxes[..., 2] - boxes[..., 0]) / IMG
    h = (boxes[..., 3] - boxes[..., 1]) / IMG
    gxi = gx.astype(jnp.int32).reshape(-1)
    gyi = gy.astype(jnp.int32).reshape(-1)
    bi = jnp.repeat(jnp.arange(bs, dtype=jnp.int32), nobj)
    tgt = jnp.zeros_like(preds)
    tgt = tgt.at[bi, gyi, gxi, 0, 0].set(x_off.reshape(-1))
    tgt = tgt.at[bi, gyi, gxi, 0, 1].set(y_off.reshape(-1))
    tgt = tgt.at[bi, gyi, gxi, 0, 2].set(w.reshape(-1))
    tgt = tgt.at[bi, gyi, gxi, 0, 3].set(h.reshape(-1))
    tgt = tgt.at[bi, gyi, gxi, 0, 4].set(1.0)
    return tgt


def reference(predictions, boxes, labels):
    bs = predictions.shape[0]
    preds = predictions.reshape(bs, S, S, BB, -1)
    tgt = _build_target(preds, boxes)
    # coord_mask: cells/anchors with objectness target == 1
    mask = (tgt[..., 4] == 1.0).astype(preds.dtype)  # [bs, S, S, BB]
    coord_loss = LAMBDA_COORD * jnp.sum(mask[..., None] * (preds[..., :4] - tgt[..., :4]) ** 2)
    conf_loss = jnp.sum((preds[..., 4] - tgt[..., 4]) ** 2)
    # note: original torch code never writes class targets, so target classes stay 0
    class_loss = jnp.sum(mask[..., None] * (preds[..., 5:] - tgt[..., 5:]) ** 2)
    total_loss = coord_loss + conf_loss + class_loss
    return total_loss / bs

if __name__ == "__main__":
    import jax
    _d = setup_inputs()
    print(jax.jit(kernel)(*tuple(_d.values())))

</pallas_src>

<mosaic_0001>
#map = affine_map<(d0, d1) -> (0, 0, 0, 0, 0, 0)>
#map1 = affine_map<(d0, d1) -> (0, 0, 0, 0)>
#map2 = affine_map<(d0, d1) -> (0, 0)>
module attributes {stable_mosaic.version = 14 : i64} {
  func.func @_yolo_sc(%arg0: i32, %arg1: i32, %arg2: memref<13x13x25x2x2x128xf32, #tpu.memory_space<hbm>>, %arg3: memref<8x2x4x128xf32, #tpu.memory_space<hbm>>, %arg4: memref<32x16xf32, #tpu.memory_space<hbm>>, %arg5: memref<25x2x2x128xf32, #tpu.memory_space<vmem>>, %arg6: memref<25x2x2x128xf32, #tpu.memory_space<vmem>>, %arg7: memref<8x2x4x128xf32, #tpu.memory_space<vmem>>, %arg8: memref<8x2x128xi32, #tpu.memory_space<vmem>>, %arg9: memref<8x2x128xf32, #tpu.memory_space<vmem>>, %arg10: memref<8x2x128xf32, #tpu.memory_space<vmem>>, %arg11: memref<8x2x128xf32, #tpu.memory_space<vmem>>, %arg12: memref<8x2x128xf32, #tpu.memory_space<vmem>>, %arg13: memref<16xf32, #tpu.memory_space<vmem>>, %arg14: memref<!tpu.dma_semaphore, #tpu.memory_space<semaphore_mem>>, %arg15: memref<!tpu.dma_semaphore, #tpu.memory_space<semaphore_mem>>) attributes {dimension_semantics = [#tpu.dimension_semantics<core_parallel>, #tpu.dimension_semantics<subcore_parallel>], iteration_bounds = array<i64: 2, 16>, scalar_prefetch = 0 : i64, scratch_operands = 11 : i64, tpu.core_type = #tpu.core_type<sc_vector_subcore>, window_params = [{transform_indices = #map}, {transform_indices = #map1}, {transform_indices = #map2}]} {
    %mul3A = arith.constant 2 : i32
    %mul3A_0 = arith.muli %arg1, %mul3A : i32
    %add3A = arith.addi %mul3A_0, %arg0 : i32
    %add3A_1 = arith.constant 0 : i32
    %add3A_2 = arith.addi %add3A_1, %add3A : i32
    %lt3A = arith.constant 169 : i32
    %lt3A_3 = arith.cmpi slt, %add3A_2, %lt3A : i32
    %convert_element_type3A = arith.extui %lt3A_3 : i1 to i32
    %cond3A = arith.constant 0 : i32
    %cond3A_4 = arith.cmpi ne, %convert_element_type3A, %cond3A : i32
    scf.if %cond3A_4 {
      %jit3A = arith.constant 13 : i32
      %div3A = arith.divsi %add3A_2, %jit3A : i32
      %sign3A = arith.constant 0 : i32
      %sign3A_95 = arith.cmpi sgt, %add3A_2, %sign3A : i32
      %sign3A_96 = arith.extui %sign3A_95 : i1 to i32
      %sign3A_97 = arith.constant 0 : i32
      %sign3A_98 = arith.cmpi slt, %add3A_2, %sign3A_97 : i32
      %sign3A_99 = arith.extui %sign3A_98 : i1 to i32
      %sign3A_100 = arith.subi %sign3A_96, %sign3A_99 : i32
      %sign3A_101 = arith.constant 0 : i32
      %sign3A_102 = arith.cmpi sgt, %jit3A, %sign3A_101 : i32
      %sign3A_103 = arith.extui %sign3A_102 : i1 to i32
      %sign3A_104 = arith.constant 0 : i32
      %sign3A_105 = arith.cmpi slt, %jit3A, %sign3A_104 : i32
      %sign3A_106 = arith.extui %sign3A_105 : i1 to i32
      %sign3A_107 = arith.subi %sign3A_103, %sign3A_106 : i32
      %ne3A = arith.cmpi ne, %sign3A_100, %sign3A_107 : i32
      %rem3A = arith.remsi %add3A_2, %jit3A : i32
      %ne3A_108 = arith.constant 0 : i32
      %ne3A_109 = arith.cmpi ne, %rem3A, %ne3A_108 : i32
      %and3A = arith.andi %ne3A, %ne3A_109 : i1
      %sub3A = arith.constant 1 : i32
      %sub3A_110 = arith.subi %div3A, %sub3A : i32
      %select_n3A = arith.select %and3A, %sub3A_110, %div3A : i32
      %jit3A_111 = arith.constant 13 : i32
      %eq3A = arith.constant 0 : i32
      %eq3A_112 = arith.cmpi eq, %jit3A_111, %eq3A : i32
      %jit3A_113 = arith.constant 1 : i32
      %select_n3A_114 = arith.select %eq3A_112, %jit3A_113, %jit3A_111 : i32
      %rem3A_115 = arith.remsi %add3A_2, %select_n3A_114 : i32
      %ne3A_116 = arith.constant 0 : i32
      %ne3A_117 = arith.cmpi ne, %rem3A_115, %ne3A_116 : i32
      %lt3A_118 = arith.constant 0 : i32
      %lt3A_119 = arith.cmpi slt, %rem3A_115, %lt3A_118 : i32
      %lt3A_120 = arith.constant 0 : i32
      %lt3A_121 = arith.cmpi slt, %select_n3A_114, %lt3A_120 : i32
      %ne3A_122 = arith.xori %lt3A_119, %lt3A_121 : i1
      %and3A_123 = arith.andi %ne3A_122, %ne3A_117 : i1
      %add3A_124 = arith.addi %rem3A_115, %select_n3A_114 : i32
      %select_n3A_125 = arith.select %and3A_123, %add3A_124, %rem3A_115 : i32
      %dma_start3A = arith.constant 0 : i32
      %dma_start3A_126 = arith.constant 0 : i32
      %dma_start3A_127 = arith.constant 0 : i32
      %dma_start3A_128 = arith.constant 0 : i32
      %dma_start3A_129 = tpu.memref_slice %arg2[%select_n3A, %select_n3A_125, %dma_start3A, %dma_start3A_126, %dma_start3A_127, %dma_start3A_128] : memref<13x13x25x2x2x128xf32, #tpu.memory_space<hbm>> -> memref<1x1x25x2x2x128xf32, #tpu.memory_space<hbm>>
      %dma_start3A_130 = tpu.memref_squeeze %dma_start3A_129 : memref<1x1x25x2x2x128xf32, #tpu.memory_space<hbm>> -> memref<25x2x2x128xf32, #tpu.memory_space<hbm>>
      %dma_start3A_131 = arith.constant 0 : i32
      %dma_start3A_132 = arith.constant 0 : i32
      %dma_start3A_133 = arith.constant 0 : i32
      %dma_start3A_134 = arith.constant 0 : i32
      %dma_start3A_135 = tpu.memref_slice %arg2[%select_n3A, %select_n3A_125, %dma_start3A_131, %dma_start3A_132, %dma_start3A_133, %dma_start3A_134] : memref<13x13x25x2x2x128xf32, #tpu.memory_space<hbm>> -> memref<1x1x25x2x2x128xf32, #tpu.memory_space<hbm>>
      %dma_start3A_136 = tpu.memref_squeeze %dma_start3A_135 : memref<1x1x25x2x2x128xf32, #tpu.memory_space<hbm>> -> memref<25x2x2x128xf32, #tpu.memory_space<hbm>>
      tpu.enqueue_dma source(%dma_start3A_136 : memref<25x2x2x128xf32, #tpu.memory_space<hbm>>) target(%arg5 : memref<25x2x2x128xf32, #tpu.memory_space<vmem>>) target_semaphore(%arg14 : memref<!tpu.dma_semaphore, #tpu.memory_space<semaphore_mem>>)
    } else {
    }
    "tpu.region"() ({
      %run_scoped3A = tpu.sem_alloc : memref<!tpu.dma_semaphore, #tpu.memory_space<semaphore_mem>>
      tpu.enqueue_dma source(%arg3 : memref<8x2x4x128xf32, #tpu.memory_space<hbm>>) target(%arg7 : memref<8x2x4x128xf32, #tpu.memory_space<vmem>>) target_semaphore(%run_scoped3A : memref<!tpu.dma_semaphore, #tpu.memory_space<semaphore_mem>>)
      tpu.wait_dma2 semaphore(%run_scoped3A : memref<!tpu.dma_semaphore, #tpu.memory_space<semaphore_mem>>) src(%arg3 : memref<8x2x4x128xf32, #tpu.memory_space<hbm>>) dst(%arg7 : memref<8x2x4x128xf32, #tpu.memory_space<vmem>>)
      tpu.yield
    }) : () -> ()
    %iota3A = tpu.iota {dimensions = array<i32: 0>} : vector<16xi32>
    %convert_element_type3A_5 = arith.sitofp %iota3A : vector<16xi32> to vector<16xf32>
    %mul3A_6 = arith.constant 0.000000e+00 : f32
    %mul3A_7 = vector.broadcast %mul3A_6 : f32 to vector<16xf32>
    %mul3A_8 = arith.mulf %mul3A_7, %convert_element_type3A_5 : vector<16xf32>
    %swap3A = arith.constant 0 : index
    %swap3A_9 = tpu.vector_load %arg13[%swap3A] {strides = array<i32>} : memref<16xf32, #tpu.memory_space<vmem>>, vector<16xf32>,
    %swap3A_10 = vector.shape_cast %swap3A_9 : vector<16xf32> to vector<16xf32>
    %swap3A_11 = vector.shape_cast %mul3A_8 : vector<16xf32> to vector<16xf32>
    tpu.vector_store %arg13[%swap3A], %swap3A_11 {strides = array<i32>} : memref<16xf32, #tpu.memory_space<vmem>>, vector<16xf32>,
    %scan3A = arith.constant 0 : i32
    %scan3A_12 = arith.constant 0 : i32
    %scan3A_13 = arith.constant 128 : i32
    %scan3A_14 = arith.addi %scan3A_12, %scan3A_13 : i32
    %scan3A_15 = arith.constant 1 : i32
    %scan3A_16 = scf.for %scan3A_95 = %scan3A_12 to %scan3A_14 step %scan3A_15 iter_args(%scan3A_96 = %scan3A) -> (i32)  : i32 {
      %shift_right_arithmetic3A = arith.constant 4 : i32
      %shift_right_arithmetic3A_97 = arith.shrsi %scan3A_95, %shift_right_arithmetic3A : i32
      %shift_right_arithmetic3A_98 = arith.constant 3 : i32
      %shift_right_arithmetic3A_99 = arith.shrsi %scan3A_95, %shift_right_arithmetic3A_98 : i32
      %and3A = arith.constant 1 : i32
      %and3A_100 = arith.andi %shift_right_arithmetic3A_99, %and3A : i32
      %and3A_101 = arith.constant 7 : i32
      %and3A_102 = arith.andi %scan3A_95, %and3A_101 : i32
      %mul3A_103 = arith.constant 16 : i32
      %mul3A_104 = arith.muli %and3A_102, %mul3A_103 : i32
      %get3A = arith.constant 0 : i32
      %get3A_105 = arith.index_cast %shift_right_arithmetic3A_97 : i32 to index
      %get3A_106 = arith.index_cast %and3A_100 : i32 to index
      %get3A_107 = arith.index_cast %get3A : i32 to index
      %get3A_108 = arith.index_cast %mul3A_104 : i32 to index
      %get3A_109 = tpu.vector_load %arg7[%get3A_105, %get3A_106, %get3A_107, %get3A_108] {strides = array<i32>} : memref<8x2x4x128xf32, #tpu.memory_space<vmem>>, vector<1x1x1x16xf32>,
      %get3A_110 = vector.shape_cast %get3A_109 : vector<1x1x1x16xf32> to vector<16xf32>
      %get3A_111 = arith.constant 1 : i32
      %get3A_112 = arith.index_cast %shift_right_arithmetic3A_97 : i32 to index
      %get3A_113 = arith.index_cast %and3A_100 : i32 to index
      %get3A_114 = arith.index_cast %get3A_111 : i32 to index
      %get3A_115 = arith.index_cast %mul3A_104 : i32 to index
      %get3A_116 = tpu.vector_load %arg7[%get3A_112, %get3A_113, %get3A_114, %get3A_115] {strides = array<i32>} : memref<8x2x4x128xf32, #tpu.memory_space<vmem>>, vector<1x1x1x16xf32>,
      %get3A_117 = vector.shape_cast %get3A_116 : vector<1x1x1x16xf32> to vector<16xf32>
      %get3A_118 = arith.constant 2 : i32
      %get3A_119 = arith.index_cast %shift_right_arithmetic3A_97 : i32 to index
      %get3A_120 = arith.index_cast %and3A_100 : i32 to index
      %get3A_121 = arith.index_cast %get3A_118 : i32 to index
      %get3A_122 = arith.index_cast %mul3A_104 : i32 to index
      %get3A_123 = tpu.vector_load %arg7[%get3A_119, %get3A_120, %get3A_121, %get3A_122] {strides = array<i32>} : memref<8x2x4x128xf32, #tpu.memory_space<vmem>>, vector<1x1x1x16xf32>,
      %get3A_124 = vector.shape_cast %get3A_123 : vector<1x1x1x16xf32> to vector<16xf32>
      %get3A_125 = arith.constant 3 : i32
      %get3A_126 = arith.index_cast %shift_right_arithmetic3A_97 : i32 to index
      %get3A_127 = arith.index_cast %and3A_100 : i32 to index
      %get3A_128 = arith.index_cast %get3A_125 : i32 to index
      %get3A_129 = arith.index_cast %mul3A_104 : i32 to index
      %get3A_130 = tpu.vector_load %arg7[%get3A_126, %get3A_127, %get3A_128, %get3A_129] {strides = array<i32>} : memref<8x2x4x128xf32, #tpu.memory_space<vmem>>, vector<1x1x1x16xf32>,
      %get3A_131 = vector.shape_cast %get3A_130 : vector<1x1x1x16xf32> to vector<16xf32>
      %add3A_132 = arith.addf %get3A_110, %get3A_124 : vector<16xf32>
      %div3A = arith.constant 2.000000e+00 : f32
      %div3A_133 = vector.broadcast %div3A : f32 to vector<16xf32>
      %div3A_134 = arith.divf %add3A_132, %div3A_133 : vector<16xf32>
      %div3A_135 = arith.constant 3.200000e+01 : f32
      %div3A_136 = vector.broadcast %div3A_135 : f32 to vector<16xf32>
      %div3A_137 = arith.divf %div3A_134, %div3A_136 : vector<16xf32>
      %min3A = arith.constant 12.999999 : f32
      %min3A_138 = vector.broadcast %min3A : f32 to vector<16xf32>
      %min3A_139 = arith.minimumf %div3A_137, %min3A_138 : vector<16xf32>
      %add3A_140 = arith.addf %get3A_117, %get3A_131 : vector<16xf32>
      %div3A_141 = arith.constant 2.000000e+00 : f32
      %div3A_142 = vector.broadcast %div3A_141 : f32 to vector<16xf32>
      %div3A_143 = arith.divf %add3A_140, %div3A_142 : vector<16xf32>
      %div3A_144 = arith.constant 3.200000e+01 : f32
      %div3A_145 = vector.broadcast %div3A_144 : f32 to vector<16xf32>
      %div3A_146 = arith.divf %div3A_143, %div3A_145 : vector<16xf32>
      %min3A_147 = arith.constant 12.999999 : f32
      %min3A_148 = vector.broadcast %min3A_147 : f32 to vector<16xf32>
      %min3A_149 = arith.minimumf %div3A_146, %min3A_148 : vector<16xf32>
      %convert_element_type3A_150 = arith.fptosi %min3A_139 : vector<16xf32> to vector<16xi32>
      %convert_element_type3A_151 = arith.fptosi %min3A_149 : vector<16xf32> to vector<16xi32>
      %mul3A_152 = arith.constant 13 : i32
      %mul3A_153 = vector.broadcast %mul3A_152 : i32 to vector<16xi32>
      %mul3A_154 = arith.muli %convert_element_type3A_151, %mul3A_153 : vector<16xi32>
      %add3A_155 = arith.addi %mul3A_154, %convert_element_type3A_150 : vector<16xi32>
      %swap3A_156 = arith.index_cast %shift_right_arithmetic3A_97 : i32 to index
      %swap3A_157 = arith.index_cast %and3A_100 : i32 to index
      %swap3A_158 = arith.index_cast %mul3A_104 : i32 to index
      %swap3A_159 = tpu.vector_load %arg8[%swap3A_156, %swap3A_157, %swap3A_158] {strides = array<i32>} : memref<8x2x128xi32, #tpu.memory_space<vmem>>, vector<1x1x16xi32>,
      %swap3A_160 = vector.shape_cast %swap3A_159 : vector<1x1x16xi32> to vector<16xi32>
      %swap3A_161 = vector.shape_cast %add3A_155 : vector<16xi32> to vector<1x1x16xi32>
      tpu.vector_store %arg8[%swap3A_156, %swap3A_157, %swap3A_158], %swap3A_161 {strides = array<i32>} : memref<8x2x128xi32, #tpu.memory_space<vmem>>, vector<1x1x16xi32>,
      %convert_element_type3A_162 = arith.sitofp %convert_element_type3A_150 : vector<16xi32> to vector<16xf32>
      %sub3A = arith.subf %min3A_139, %convert_element_type3A_162 : vector<16xf32>
      %swap3A_163 = arith.index_cast %shift_right_arithmetic3A_97 : i32 to index
      %swap3A_164 = arith.index_cast %and3A_100 : i32 to index
      %swap3A_165 = arith.index_cast %mul3A_104 : i32 to index
      %swap3A_166 = tpu.vector_load %arg9[%swap3A_163, %swap3A_164, %swap3A_165] {strides = array<i32>} : memref<8x2x128xf32, #tpu.memory_space<vmem>>, vector<1x1x16xf32>,
      %swap3A_167 = vector.shape_cast %swap3A_166 : vector<1x1x16xf32> to vector<16xf32>
      %swap3A_168 = vector.shape_cast %sub3A : vector<16xf32> to vector<1x1x16xf32>
      tpu.vector_store %arg9[%swap3A_163, %swap3A_164, %swap3A_165], %swap3A_168 {strides = array<i32>} : memref<8x2x128xf32, #tpu.memory_space<vmem>>, vector<1x1x16xf32>,
      %convert_element_type3A_169 = arith.sitofp %convert_element_type3A_151 : vector<16xi32> to vector<16xf32>
      %sub3A_170 = arith.subf %min3A_149, %convert_element_type3A_169 : vector<16xf32>
      %swap3A_171 = arith.index_cast %shift_right_arithmetic3A_97 : i32 to index
      %swap3A_172 = arith.index_cast %and3A_100 : i32 to index
      %swap3A_173 = arith.index_cast %mul3A_104 : i32 to index
      %swap3A_174 = tpu.vector_load %arg10[%swap3A_171, %swap3A_172, %swap3A_173] {strides = array<i32>} : memref<8x2x128xf32, #tpu.memory_space<vmem>>, vector<1x1x16xf32>,
      %swap3A_175 = vector.shape_cast %swap3A_174 : vector<1x1x16xf32> to vector<16xf32>
      %swap3A_176 = vector.shape_cast %sub3A_170 : vector<16xf32> to vector<1x1x16xf32>
      tpu.vector_store %arg10[%swap3A_171, %swap3A_172, %swap3A_173], %swap3A_176 {strides = array<i32>} : memref<8x2x128xf32, #tpu.memory_space<vmem>>, vector<1x1x16xf32>,
      %sub3A_177 = arith.subf %get3A_124, %get3A_110 : vector<16xf32>
      %div3A_178 = arith.constant 4.160000e+02 : f32
      %div3A_179 = vector.broadcast %div3A_178 : f32 to vector<16xf32>
      %div3A_180 = arith.divf %sub3A_177, %div3A_179 : vector<16xf32>
      %swap3A_181 = arith.index_cast %shift_right_arithmetic3A_97 : i32 to index
      %swap3A_182 = arith.index_cast %and3A_100 : i32 to index
      %swap3A_183 = arith.index_cast %mul3A_104 : i32 to index
      %swap3A_184 = tpu.vector_load %arg11[%swap3A_181, %swap3A_182, %swap3A_183] {strides = array<i32>} : memref<8x2x128xf32, #tpu.memory_space<vmem>>, vector<1x1x16xf32>,
      %swap3A_185 = vector.shape_cast %swap3A_184 : vector<1x1x16xf32> to vector<16xf32>
      %swap3A_186 = vector.shape_cast %div3A_180 : vector<16xf32> to vector<1x1x16xf32>
      tpu.vector_store %arg11[%swap3A_181, %swap3A_182, %swap3A_183], %swap3A_186 {strides = array<i32>} : memref<8x2x128xf32, #tpu.memory_space<vmem>>, vector<1x1x16xf32>,
      %sub3A_187 = arith.subf %get3A_131, %get3A_117 : vector<16xf32>
      %div3A_188 = arith.constant 4.160000e+02 : f32
      %div3A_189 = vector.broadcast %div3A_188 : f32 to vector<16xf32>
      %div3A_190 = arith.divf %sub3A_187, %div3A_189 : vector<16xf32>
      %swap3A_191 = arith.index_cast %shift_right_arithmetic3A_97 : i32 to index
      %swap3A_192 = arith.index_cast %and3A_100 : i32 to index
      %swap3A_193 = arith.index_cast %mul3A_104 : i32 to index
      %swap3A_194 = tpu.vector_load %arg12[%swap3A_191, %swap3A_192, %swap3A_193] {strides = array<i32>} : memref<8x2x128xf32, #tpu.memory_space<vmem>>, vector<1x1x16xf32>,
      %swap3A_195 = vector.shape_cast %swap3A_194 : vector<1x1x16xf32> to vector<16xf32>
      %swap3A_196 = vector.shape_cast %div3A_190 : vector<16xf32> to vector<1x1x16xf32>
      tpu.vector_store %arg12[%swap3A_191, %swap3A_192, %swap3A_193], %swap3A_196 {strides = array<i32>} : memref<8x2x128xf32, #tpu.memory_space<vmem>>, vector<1x1x16xf32>,
      %scan3A_197 = arith.constant 0 : i32
      scf.yield %scan3A_197 : i32
    }
    %scan3A_17 = arith.constant 128 : i32
    %add3A_18 = arith.constant 0 : i32
    %add3A_19 = arith.addi %add3A_18, %add3A : i32
    %add3A_20 = arith.constant 32 : i32
    %add3A_21 = arith.addi %add3A_20, %add3A : i32
    %lt3A_22 = arith.constant 169 : i32
    %lt3A_23 = arith.cmpi slt, %add3A_21, %lt3A_22 : i32
    %convert_element_type3A_24 = arith.extui %lt3A_23 : i1 to i32
    %cond3A_25 = arith.constant 0 : i32
    %cond3A_26 = arith.cmpi ne, %convert_element_type3A_24, %cond3A_25 : i32
    scf.if %cond3A_26 {
      %jit3A = arith.constant 13 : i32
      %div3A = arith.divsi %add3A_21, %jit3A : i32
      %sign3A = arith.constant 0 : i32
      %sign3A_95 = arith.cmpi sgt, %add3A_21, %sign3A : i32
      %sign3A_96 = arith.extui %sign3A_95 : i1 to i32
      %sign3A_97 = arith.constant 0 : i32
      %sign3A_98 = arith.cmpi slt, %add3A_21, %sign3A_97 : i32
      %sign3A_99 = arith.extui %sign3A_98 : i1 to i32
      %sign3A_100 = arith.subi %sign3A_96, %sign3A_99 : i32
      %sign3A_101 = arith.constant 0 : i32
      %sign3A_102 = arith.cmpi sgt, %jit3A, %sign3A_101 : i32
      %sign3A_103 = arith.extui %sign3A_102 : i1 to i32
      %sign3A_104 = arith.constant 0 : i32
      %sign3A_105 = arith.cmpi slt, %jit3A, %sign3A_104 : i32
      %sign3A_106 = arith.extui %sign3A_105 : i1 to i32
      %sign3A_107 = arith.subi %sign3A_103, %sign3A_106 : i32
      %ne3A = arith.cmpi ne, %sign3A_100, %sign3A_107 : i32
      %rem3A = arith.remsi %add3A_21, %jit3A : i32
      %ne3A_108 = arith.constant 0 : i32
      %ne3A_109 = arith.cmpi ne, %rem3A, %ne3A_108 : i32
      %and3A = arith.andi %ne3A, %ne3A_109 : i1
      %sub3A = arith.constant 1 : i32
      %sub3A_110 = arith.subi %div3A, %sub3A : i32
      %select_n3A = arith.select %and3A, %sub3A_110, %div3A : i32
      %jit3A_111 = arith.constant 13 : i32
      %eq3A = arith.constant 0 : i32
      %eq3A_112 = arith.cmpi eq, %jit3A_111, %eq3A : i32
      %jit3A_113 = arith.constant 1 : i32
      %select_n3A_114 = arith.select %eq3A_112, %jit3A_113, %jit3A_111 : i32
      %rem3A_115 = arith.remsi %add3A_21, %select_n3A_114 : i32
      %ne3A_116 = arith.constant 0 : i32
      %ne3A_117 = arith.cmpi ne, %rem3A_115, %ne3A_116 : i32
      %lt3A_118 = arith.constant 0 : i32
      %lt3A_119 = arith.cmpi slt, %rem3A_115, %lt3A_118 : i32
      %lt3A_120 = arith.constant 0 : i32
      %lt3A_121 = arith.cmpi slt, %select_n3A_114, %lt3A_120 : i32
      %ne3A_122 = arith.xori %lt3A_119, %lt3A_121 : i1
      %and3A_123 = arith.andi %ne3A_122, %ne3A_117 : i1
      %add3A_124 = arith.addi %rem3A_115, %select_n3A_114 : i32
      %select_n3A_125 = arith.select %and3A_123, %add3A_124, %rem3A_115 : i32
      %dma_start3A = arith.constant 0 : i32
      %dma_start3A_126 = arith.constant 0 : i32
      %dma_start3A_127 = arith.constant 0 : i32
      %dma_start3A_128 = arith.constant 0 : i32
      %dma_start3A_129 = tpu.memref_slice %arg2[%select_n3A, %select_n3A_125, %dma_start3A, %dma_start3A_126, %dma_start3A_127, %dma_start3A_128] : memref<13x13x25x2x2x128xf32, #tpu.memory_space<hbm>> -> memref<1x1x25x2x2x128xf32, #tpu.memory_space<hbm>>
      %dma_start3A_130 = tpu.memref_squeeze %dma_start3A_129 : memref<1x1x25x2x2x128xf32, #tpu.memory_space<hbm>> -> memref<25x2x2x128xf32, #tpu.memory_space<hbm>>
      %dma_start3A_131 = arith.constant 0 : i32
      %dma_start3A_132 = arith.constant 0 : i32
      %dma_start3A_133 = arith.constant 0 : i32
      %dma_start3A_134 = arith.constant 0 : i32
      %dma_start3A_135 = tpu.memref_slice %arg2[%select_n3A, %select_n3A_125, %dma_start3A_131, %dma_start3A_132, %dma_start3A_133, %dma_start3A_134] : memref<13x13x25x2x2x128xf32, #tpu.memory_space<hbm>> -> memref<1x1x25x2x2x128xf32, #tpu.memory_space<hbm>>
      %dma_start3A_136 = tpu.memref_squeeze %dma_start3A_135 : memref<1x1x25x2x2x128xf32, #tpu.memory_space<hbm>> -> memref<25x2x2x128xf32, #tpu.memory_space<hbm>>
      tpu.enqueue_dma source(%dma_start3A_136 : memref<25x2x2x128xf32, #tpu.memory_space<hbm>>) target(%arg6 : memref<25x2x2x128xf32, #tpu.memory_space<vmem>>) target_semaphore(%arg15 : memref<!tpu.dma_semaphore, #tpu.memory_space<semaphore_mem>>)
    } else {
    }
    %lt3A_27 = arith.constant 169 : i32
    %lt3A_28 = arith.cmpi slt, %add3A_19, %lt3A_27 : i32
    %convert_element_type3A_29 = arith.extui %lt3A_28 : i1 to i32
    %cond3A_30 = arith.constant 0 : i32
    %cond3A_31 = arith.cmpi ne, %convert_element_type3A_29, %cond3A_30 : i32
    scf.if %cond3A_31 {
      %jit3A = arith.constant 13 : i32
      %div3A = arith.divsi %add3A_19, %jit3A : i32
      %sign3A = arith.constant 0 : i32
      %sign3A_95 = arith.cmpi sgt, %add3A_19, %sign3A : i32
      %sign3A_96 = arith.extui %sign3A_95 : i1 to i32
      %sign3A_97 = arith.constant 0 : i32
      %sign3A_98 = arith.cmpi slt, %add3A_19, %sign3A_97 : i32
      %sign3A_99 = arith.extui %sign3A_98 : i1 to i32
      %sign3A_100 = arith.subi %sign3A_96, %sign3A_99 : i32
      %sign3A_101 = arith.constant 0 : i32
      %sign3A_102 = arith.cmpi sgt, %jit3A, %sign3A_101 : i32
      %sign3A_103 = arith.extui %sign3A_102 : i1 to i32
      %sign3A_104 = arith.constant 0 : i32
      %sign3A_105 = arith.cmpi slt, %jit3A, %sign3A_104 : i32
      %sign3A_106 = arith.extui %sign3A_105 : i1 to i32
      %sign3A_107 = arith.subi %sign3A_103, %sign3A_106 : i32
      %ne3A = arith.cmpi ne, %sign3A_100, %sign3A_107 : i32
      %rem3A = arith.remsi %add3A_19, %jit3A : i32
      %ne3A_108 = arith.constant 0 : i32
      %ne3A_109 = arith.cmpi ne, %rem3A, %ne3A_108 : i32
      %and3A = arith.andi %ne3A, %ne3A_109 : i1
      %sub3A = arith.constant 1 : i32
      %sub3A_110 = arith.subi %div3A, %sub3A : i32
      %select_n3A = arith.select %and3A, %sub3A_110, %div3A : i32
      %jit3A_111 = arith.constant 13 : i32
      %eq3A = arith.constant 0 : i32
      %eq3A_112 = arith.cmpi eq, %jit3A_111, %eq3A : i32
      %jit3A_113 = arith.constant 1 : i32
      %select_n3A_114 = arith.select %eq3A_112, %jit3A_113, %jit3A_111 : i32
      %rem3A_115 = arith.remsi %add3A_19, %select_n3A_114 : i32
      %ne3A_116 = arith.constant 0 : i32
      %ne3A_117 = arith.cmpi ne, %rem3A_115, %ne3A_116 : i32
      %lt3A_118 = arith.constant 0 : i32
      %lt3A_119 = arith.cmpi slt, %rem3A_115, %lt3A_118 : i32
      %lt3A_120 = arith.constant 0 : i32
      %lt3A_121 = arith.cmpi slt, %select_n3A_114, %lt3A_120 : i32
      %ne3A_122 = arith.xori %lt3A_119, %lt3A_121 : i1
      %and3A_123 = arith.andi %ne3A_122, %ne3A_117 : i1
      %add3A_124 = arith.addi %rem3A_115, %select_n3A_114 : i32
      %select_n3A_125 = arith.select %and3A_123, %add3A_124, %rem3A_115 : i32
      %dma_wait3A = arith.constant 0 : i32
      %dma_wait3A_126 = arith.constant 0 : i32
      %dma_wait3A_127 = arith.constant 0 : i32
      %dma_wait3A_128 = arith.constant 0 : i32
      %dma_wait3A_129 = tpu.memref_slice %arg2[%select_n3A, %select_n3A_125, %dma_wait3A, %dma_wait3A_126, %dma_wait3A_127, %dma_wait3A_128] : memref<13x13x25x2x2x128xf32, #tpu.memory_space<hbm>> -> memref<1x1x25x2x2x128xf32, #tpu.memory_space<hbm>>
      %dma_wait3A_130 = tpu.memref_squeeze %dma_wait3A_129 : memref<1x1x25x2x2x128xf32, #tpu.memory_space<hbm>> -> memref<25x2x2x128xf32, #tpu.memory_space<hbm>>
      %dma_wait3A_131 = arith.constant 0 : i32
      %dma_wait3A_132 = arith.constant 0 : i32
      %dma_wait3A_133 = arith.constant 0 : i32
      %dma_wait3A_134 = arith.constant 0 : i32
      %dma_wait3A_135 = tpu.memref_slice %arg2[%select_n3A, %select_n3A_125, %dma_wait3A_131, %dma_wait3A_132, %dma_wait3A_133, %dma_wait3A_134] : memref<13x13x25x2x2x128xf32, #tpu.memory_space<hbm>> -> memref<1x1x25x2x2x128xf32, #tpu.memory_space<hbm>>
      %dma_wait3A_136 = tpu.memref_squeeze %dma_wait3A_135 : memref<1x1x25x2x2x128xf32, #tpu.memory_space<hbm>> -> memref<25x2x2x128xf32, #tpu.memory_space<hbm>>
      tpu.wait_dma2 semaphore(%arg14 : memref<!tpu.dma_semaphore, #tpu.memory_space<semaphore_mem>>) src(%dma_wait3A_136 : memref<25x2x2x128xf32, #tpu.memory_space<hbm>>) dst(%arg5 : memref<25x2x2x128xf32, #tpu.memory_space<vmem>>)
      %scan3A_137 = arith.constant 0 : i32
      %scan3A_138 = arith.constant 16 : i32
      %scan3A_139 = arith.addi %scan3A_137, %scan3A_138 : i32
      %scan3A_140 = arith.constant 1 : i32
      %scan3A_141 = scf.for %scan3A_150 = %scan3A_137 to %scan3A_139 step %scan3A_140 iter_args(%scan3A_151 = %mul3A_8) -> (vector<16xf32>)  : i32 {
        %shift_right_arithmetic3A = arith.constant 3 : i32
        %shift_right_arithmetic3A_152 = arith.shrsi %scan3A_150, %shift_right_arithmetic3A : i32
        %and3A_153 = arith.constant 7 : i32
        %and3A_154 = arith.andi %scan3A_150, %and3A_153 : i32
        %mul3A_155 = arith.constant 16 : i32
        %mul3A_156 = arith.muli %and3A_154, %mul3A_155 : i32
        %get3A_157 = arith.constant 4 : i32
        %get3A_158 = arith.constant 0 : i32
        %get3A_159 = arith.index_cast %get3A_157 : i32 to index
        %get3A_160 = arith.index_cast %shift_right_arithmetic3A_152 : i32 to index
        %get3A_161 = arith.index_cast %get3A_158 : i32 to index
        %get3A_162 = arith.index_cast %mul3A_156 : i32 to index
        %get3A_163 = tpu.vector_load %arg5[%get3A_159, %get3A_160, %get3A_161, %get3A_162] {strides = array<i32>} : memref<25x2x2x128xf32, #tpu.memory_space<vmem>>, vector<1x1x1x16xf32>,
        %get3A_164 = vector.shape_cast %get3A_163 : vector<1x1x1x16xf32> to vector<16xf32>
        %get3A_165 = arith.constant 4 : i32
        %get3A_166 = arith.constant 1 : i32
        %get3A_167 = arith.index_cast %get3A_165 : i32 to index
        %get3A_168 = arith.index_cast %shift_right_arithmetic3A_152 : i32 to index
        %get3A_169 = arith.index_cast %get3A_166 : i32 to index
        %get3A_170 = arith.index_cast %mul3A_156 : i32 to index
        %get3A_171 = tpu.vector_load %arg5[%get3A_167, %get3A_168, %get3A_169, %get3A_170] {strides = array<i32>} : memref<25x2x2x128xf32, #tpu.memory_space<vmem>>, vector<1x1x1x16xf32>,
        %get3A_172 = vector.shape_cast %get3A_171 : vector<1x1x1x16xf32> to vector<16xf32>
        %mul3A_173 = arith.mulf %get3A_164, %get3A_164 : vector<16xf32>
        %add3A_174 = arith.addf %scan3A_151, %mul3A_173 : vector<16xf32>
        %mul3A_175 = arith.mulf %get3A_172, %get3A_172 : vector<16xf32>
        %add3A_176 = arith.addf %add3A_174, %mul3A_175 : vector<16xf32>
        %lt3A_177 = arith.constant 0 : i32
        %lt3A_178 = vector.broadcast %lt3A_177 : i32 to vector<16xi32>
        %lt3A_179 = arith.cmpi slt, %iota3A, %lt3A_178 : vector<16xi32>
        %get3A_180 = arith.constant 0 : i32
        %get3A_181 = arith.index_cast %get3A_180 : i32 to index
        %get3A_182 = arith.index_cast %shift_right_arithmetic3A_152 : i32 to index
        %get3A_183 = arith.index_cast %mul3A_156 : i32 to index
        %get3A_184 = tpu.vector_load %arg8[%get3A_181, %get3A_182, %get3A_183] {strides = array<i32>} : memref<8x2x128xi32, #tpu.memory_space<vmem>>, vector<1x1x16xi32>,
        %get3A_185 = vector.shape_cast %get3A_184 : vector<1x1x16xi32> to vector<16xi32>
        %eq3A_186 = vector.broadcast %add3A_19 : i32 to vector<16xi32>
        %eq3A_187 = arith.cmpi eq, %get3A_185, %eq3A_186 : vector<16xi32>
        %or3A = arith.ori %lt3A_179, %eq3A_187 : vector<16xi1>
        %get3A_188 = arith.constant 0 : i32
        %get3A_189 = arith.index_cast %get3A_188 : i32 to index
        %get3A_190 = arith.index_cast %shift_right_arithmetic3A_152 : i32 to index
        %get3A_191 = arith.index_cast %mul3A_156 : i32 to index
        %get3A_192 = tpu.vector_load %arg9[%get3A_189, %get3A_190, %get3A_191] {strides = array<i32>} : memref<8x2x128xf32, #tpu.memory_space<vmem>>, vector<1x1x16xf32>,
        %get3A_193 = vector.shape_cast %get3A_192 : vector<1x1x16xf32> to vector<16xf32>
        %select_n3A_194 = arith.select %eq3A_187, %get3A_193, %mul3A_8 : vector<16xi1>, vector<16xf32>
        %get3A_195 = arith.constant 0 : i32
        %get3A_196 = arith.index_cast %get3A_195 : i32 to index
        %get3A_197 = arith.index_cast %shift_right_arithmetic3A_152 : i32 to index
        %get3A_198 = arith.index_cast %mul3A_156 : i32 to index
        %get3A_199 = tpu.vector_load %arg10[%get3A_196, %get3A_197, %get3A_198] {strides = array<i32>} : memref<8x2x128xf32, #tpu.memory_space<vmem>>, vector<1x1x16xf32>,
        %get3A_200 = vector.shape_cast %get3A_199 : vector<1x1x16xf32> to vector<16xf32>
        %select_n3A_201 = arith.select %eq3A_187, %get3A_200, %mul3A_8 : vector<16xi1>, vector<16xf32>
        %get3A_202 = arith.constant 0 : i32
        %get3A_203 = arith.index_cast %get3A_202 : i32 to index
        %get3A_204 = arith.index_cast %shift_right_arithmetic3A_152 : i32 to index
        %get3A_205 = arith.index_cast %mul3A_156 : i32 to index
        %get3A_206 = tpu.vector_load %arg11[%get3A_203, %get3A_204, %get3A_205] {strides = array<i32>} : memref<8x2x128xf32, #tpu.memory_space<vmem>>, vector<1x1x16xf32>,
        %get3A_207 = vector.shape_cast %get3A_206 : vector<1x1x16xf32> to vector<16xf32>
        %select_n3A_208 = arith.select %eq3A_187, %get3A_207, %mul3A_8 : vector<16xi1>, vector<16xf32>
        %get3A_209 = arith.constant 0 : i32
        %get3A_210 = arith.index_cast %get3A_209 : i32 to index
        %get3A_211 = arith.index_cast %shift_right_arithmetic3A_152 : i32 to index
        %get3A_212 = arith.index_cast %mul3A_156 : i32 to index
        %get3A_213 = tpu.vector_load %arg12[%get3A_210, %get3A_211, %get3A_212] {strides = array<i32>} : memref<8x2x128xf32, #tpu.memory_space<vmem>>, vector<1x1x16xf32>,
        %get3A_214 = vector.shape_cast %get3A_213 : vector<1x1x16xf32> to vector<16xf32>
        %select_n3A_215 = arith.select %eq3A_187, %get3A_214, %mul3A_8 : vector<16xi1>, vector<16xf32>
        %get3A_216 = arith.constant 1 : i32
        %get3A_217 = arith.index_cast %get3A_216 : i32 to index
        %get3A_218 = arith.index_cast %shift_right_arithmetic3A_152 : i32 to index
        %get3A_219 = arith.index_cast %mul3A_156 : i32 to index
        %get3A_220 = tpu.vector_load %arg8[%get3A_217, %get3A_218, %get3A_219] {strides = array<i32>} : memref<8x2x128xi32, #tpu.memory_space<vmem>>, vector<1x1x16xi32>,
        %get3A_221 = vector.shape_cast %get3A_220 : vector<1x1x16xi32> to vector<16xi32>
        %eq3A_222 = vector.broadcast %add3A_19 : i32 to vector<16xi32>
        %eq3A_223 = arith.cmpi eq, %get3A_221, %eq3A_222 : vector<16xi32>
        %or3A_224 = arith.ori %or3A, %eq3A_223 : vector<16xi1>
        %get3A_225 = arith.constant 1 : i32
        %get3A_226 = arith.index_cast %get3A_225 : i32 to index
        %get3A_227 = arith.index_cast %shift_right_arithmetic3A_152 : i32 to index
        %get3A_228 = arith.index_cast %mul3A_156 : i32 to index
        %get3A_229 = tpu.vector_load %arg9[%get3A_226, %get3A_227, %get3A_228] {strides = array<i32>} : memref<8x2x128xf32, #tpu.memory_space<vmem>>, vector<1x1x16xf32>,
        %get3A_230 = vector.shape_cast %get3A_229 : vector<1x1x16xf32> to vector<16xf32>
        %select_n3A_231 = arith.select %eq3A_223, %get3A_230, %select_n3A_194 : vector<16xi1>, vector<16xf32>
        %get3A_232 = arith.constant 1 : i32
        %get3A_233 = arith.index_cast %get3A_232 : i32 to index
        %get3A_234 = arith.index_cast %shift_right_arithmetic3A_152 : i32 to index
        %get3A_235 = arith.index_cast %mul3A_156 : i32 to index
        %get3A_236 = tpu.vector_load %arg10[%get3A_233, %get3A_234, %get3A_235] {strides = array<i32>} : memref<8x2x128xf32, #tpu.memory_space<vmem>>, vector<1x1x16xf32>,
        %get3A_237 = vector.shape_cast %get3A_236 : vector<1x1x16xf32> to vector<16xf32>
        %select_n3A_238 = arith.select %eq3A_223, %get3A_237, %select_n3A_201 : vector<16xi1>, vector<16xf32>
        %get3A_239 = arith.constant 1 : i32
        %get3A_240 = arith.index_cast %get3A_239 : i32 to index
        %get3A_241 = arith.index_cast %shift_right_arithmetic3A_152 : i32 to index
        %get3A_242 = arith.index_cast %mul3A_156 : i32 to index
        %get3A_243 = tpu.vector_load %arg11[%get3A_240, %get3A_241, %get3A_242] {strides = array<i32>} : memref<8x2x128xf32, #tpu.memory_space<vmem>>, vector<1x1x16xf32>,
        %get3A_244 = vector.shape_cast %get3A_243 : vector<1x1x16xf32> to vector<16xf32>
        %select_n3A_245 = arith.select %eq3A_223, %get3A_244, %select_n3A_208 : vector<16xi1>, vector<16xf32>
        %get3A_246 = arith.constant 1 : i32
        %get3A_247 = arith.index_cast %get3A_246 : i32 to index
        %get3A_248 = arith.index_cast %shift_right_arithmetic3A_152 : i32 to index
        %get3A_249 = arith.index_cast %mul3A_156 : i32 to index
        %get3A_250 = tpu.vector_load %arg12[%get3A_247, %get3A_248, %get3A_249] {strides = array<i32>} : memref<8x2x128xf32, #tpu.memory_space<vmem>>, vector<1x1x16xf32>,
        %get3A_251 = vector.shape_cast %get3A_250 : vector<1x1x16xf32> to vector<16xf32>
        %select_n3A_252 = arith.select %eq3A_223, %get3A_251, %select_n3A_215 : vector<16xi1>, vector<16xf32>
        %get3A_253 = arith.constant 2 : i32
        %get3A_254 = arith.index_cast %get3A_253 : i32 to index
        %get3A_255 = arith.index_cast %shift_right_arithmetic3A_152 : i32 to index
        %get3A_256 = arith.index_cast %mul3A_156 : i32 to index
        %get3A_257 = tpu.vector_load %arg8[%get3A_254, %get3A_255, %get3A_256] {strides = array<i32>} : memref<8x2x128xi32, #tpu.memory_space<vmem>>, vector<1x1x16xi32>,
        %get3A_258 = vector.shape_cast %get3A_257 : vector<1x1x16xi32> to vector<16xi32>
        %eq3A_259 = vector.broadcast %add3A_19 : i32 to vector<16xi32>
        %eq3A_260 = arith.cmpi eq, %get3A_258, %eq3A_259 : vector<16xi32>
        %or3A_261 = arith.ori %or3A_224, %eq3A_260 : vector<16xi1>
        %get3A_262 = arith.constant 2 : i32
        %get3A_263 = arith.index_cast %get3A_262 : i32 to index
        %get3A_264 = arith.index_cast %shift_right_arithmetic3A_152 : i32 to index
        %get3A_265 = arith.index_cast %mul3A_156 : i32 to index
        %get3A_266 = tpu.vector_load %arg9[%get3A_263, %get3A_264, %get3A_265] {strides = array<i32>} : memref<8x2x128xf32, #tpu.memory_space<vmem>>, vector<1x1x16xf32>,
        %get3A_267 = vector.shape_cast %get3A_266 : vector<1x1x16xf32> to vector<16xf32>
        %select_n3A_268 = arith.select %eq3A_260, %get3A_267, %select_n3A_231 : vector<16xi1>, vector<16xf32>
        %get3A_269 = arith.constant 2 : i32
        %get3A_270 = arith.index_cast %get3A_269 : i32 to index
        %get3A_271 = arith.index_cast %shift_right_arithmetic3A_152 : i32 to index
        %get3A_272 = arith.index_cast %mul3A_156 : i32 to index
        %get3A_273 = tpu.vector_load %arg10[%get3A_270, %get3A_271, %get3A_272] {strides = array<i32>} : memref<8x2x128xf32, #tpu.memory_space<vmem>>, vector<1x1x16xf32>,
        %get3A_274 = vector.shape_cast %get3A_273 : vector<1x1x16xf32> to vector<16xf32>
        %select_n3A_275 = arith.select %eq3A_260, %get3A_274, %select_n3A_238 : vector<16xi1>, vector<16xf32>
        %get3A_276 = arith.constant 2 : i32
        %get3A_277 = arith.index_cast %get3A_276 : i32 to index
        %get3A_278 = arith.index_cast %shift_right_arithmetic3A_152 : i32 to index
        %get3A_279 = arith.index_cast %mul3A_156 : i32 to index
        %get3A_280 = tpu.vector_load %arg11[%get3A_277, %get3A_278, %get3A_279] {strides = array<i32>} : memref<8x2x128xf32, #tpu.memory_space<vmem>>, vector<1x1x16xf32>,
        %get3A_281 = vector.shape_cast %get3A_280 : vector<1x1x16xf32> to vector<16xf32>
        %select_n3A_282 = arith.select %eq3A_260, %get3A_281, %select_n3A_245 : vector<16xi1>, vector<16xf32>
        %get3A_283 = arith.constant 2 : i32
        %get3A_284 = arith.index_cast %get3A_283 : i32 to index
        %get3A_285 = arith.index_cast %shift_right_arithmetic3A_152 : i32 to index
        %get3A_286 = arith.index_cast %mul3A_156 : i32 to index
        %get3A_287 = tpu.vector_load %arg12[%get3A_284, %get3A_285, %get3A_286] {strides = array<i32>} : memref<8x2x128xf32, #tpu.memory_space<vmem>>, vector<1x1x16xf32>,
        %get3A_288 = vector.shape_cast %get3A_287 : vector<1x1x16xf32> to vector<16xf32>
        %select_n3A_289 = arith.select %eq3A_260, %get3A_288, %select_n3A_252 : vector<16xi1>, vector<16xf32>
        %get3A_290 = arith.constant 3 : i32
        %get3A_291 = arith.index_cast %get3A_290 : i32 to index
        %get3A_292 = arith.index_cast %shift_right_arithmetic3A_152 : i32 to index
        %get3A_293 = arith.index_cast %mul3A_156 : i32 to index
        %get3A_294 = tpu.vector_load %arg8[%get3A_291, %get3A_292, %get3A_293] {strides = array<i32>} : memref<8x2x128xi32, #tpu.memory_space<vmem>>, vector<1x1x16xi32>,
        %get3A_295 = vector.shape_cast %get3A_294 : vector<1x1x16xi32> to vector<16xi32>
        %eq3A_296 = vector.broadcast %add3A_19 : i32 to vector<16xi32>
        %eq3A_297 = arith.cmpi eq, %get3A_295, %eq3A_296 : vector<16xi32>
        %or3A_298 = arith.ori %or3A_261, %eq3A_297 : vector<16xi1>
        %get3A_299 = arith.constant 3 : i32
        %get3A_300 = arith.index_cast %get3A_299 : i32 to index
        %get3A_301 = arith.index_cast %shift_right_arithmetic3A_152 : i32 to index
        %get3A_302 = arith.index_cast %mul3A_156 : i32 to index
        %get3A_303 = tpu.vector_load %arg9[%get3A_300, %get3A_301, %get3A_302] {strides = array<i32>} : memref<8x2x128xf32, #tpu.memory_space<vmem>>, vector<1x1x16xf32>,
        %get3A_304 = vector.shape_cast %get3A_303 : vector<1x1x16xf32> to vector<16xf32>
        %select_n3A_305 = arith.select %eq3A_297, %get3A_304, %select_n3A_268 : vector<16xi1>, vector<16xf32>
        %get3A_306 = arith.constant 3 : i32
        %get3A_307 = arith.index_cast %get3A_306 : i32 to index
        %get3A_308 = arith.index_cast %shift_right_arithmetic3A_152 : i32 to index
        %get3A_309 = arith.index_cast %mul3A_156 : i32 to index
        %get3A_310 = tpu.vector_load %arg10[%get3A_307, %get3A_308, %get3A_309] {strides = array<i32>} : memref<8x2x128xf32, #tpu.memory_space<vmem>>, vector<1x1x16xf32>,
        %get3A_311 = vector.shape_cast %get3A_310 : vector<1x1x16xf32> to vector<16xf32>
        %select_n3A_312 = arith.select %eq3A_297, %get3A_311, %select_n3A_275 : vector<16xi1>, vector<16xf32>
        %get3A_313 = arith.constant 3 : i32
        %get3A_314 = arith.index_cast %get3A_313 : i32 to index
        %get3A_315 = arith.index_cast %shift_right_arithmetic3A_152 : i32 to index
        %get3A_316 = arith.index_cast %mul3A_156 : i32 to index
        %get3A_317 = tpu.vector_load %arg11[%get3A_314, %get3A_315, %get3A_316] {strides = array<i32>} : memref<8x2x128xf32, #tpu.memory_space<vmem>>, vector<1x1x16xf32>,
        %get3A_318 = vector.shape_cast %get3A_317 : vector<1x1x16xf32> to vector<16xf32>
        %select_n3A_319 = arith.select %eq3A_297, %get3A_318, %select_n3A_282 : vector<16xi1>, vector<16xf32>
        %get3A_320 = arith.constant 3 : i32
        %get3A_321 = arith.index_cast %get3A_320 : i32 to index
        %get3A_322 = arith.index_cast %shift_right_arithmetic3A_152 : i32 to index
        %get3A_323 = arith.index_cast %mul3A_156 : i32 to index
        %get3A_324 = tpu.vector_load %arg12[%get3A_321, %get3A_322, %get3A_323] {strides = array<i32>} : memref<8x2x128xf32, #tpu.memory_space<vmem>>, vector<1x1x16xf32>,
        %get3A_325 = vector.shape_cast %get3A_324 : vector<1x1x16xf32> to vector<16xf32>
        %select_n3A_326 = arith.select %eq3A_297, %get3A_325, %select_n3A_289 : vector<16xi1>, vector<16xf32>
        %get3A_327 = arith.constant 4 : i32
        %get3A_328 = arith.index_cast %get3A_327 : i32 to index
        %get3A_329 = arith.index_cast %shift_right_arithmetic3A_152 : i32 to index
        %get3A_330 = arith.index_cast %mul3A_156 : i32 to index
        %get3A_331 = tpu.vector_load %arg8[%get3A_328, %get3A_329, %get3A_330] {strides = array<i32>} : memref<8x2x128xi32, #tpu.memory_space<vmem>>, vector<1x1x16xi32>,
        %get3A_332 = vector.shape_cast %get3A_331 : vector<1x1x16xi32> to vector<16xi32>
        %eq3A_333 = vector.broadcast %add3A_19 : i32 to vector<16xi32>
        %eq3A_334 = arith.cmpi eq, %get3A_332, %eq3A_333 : vector<16xi32>
        %or3A_335 = arith.ori %or3A_298, %eq3A_334 : vector<16xi1>
        %get3A_336 = arith.constant 4 : i32
        %get3A_337 = arith.index_cast %get3A_336 : i32 to index
        %get3A_338 = arith.index_cast %shift_right_arithmetic3A_152 : i32 to index
        %get3A_339 = arith.index_cast %mul3A_156 : i32 to index
        %get3A_340 = tpu.vector_load %arg9[%get3A_337, %get3A_338, %get3A_339] {strides = array<i32>} : memref<8x2x128xf32, #tpu.memory_space<vmem>>, vector<1x1x16xf32>,
        %get3A_341 = vector.shape_cast %get3A_340 : vector<1x1x16xf32> to vector<16xf32>
        %select_n3A_342 = arith.select %eq3A_334, %get3A_341, %select_n3A_305 : vector<16xi1>, vector<16xf32>
        %get3A_343 = arith.constant 4 : i32
        %get3A_344 = arith.index_cast %get3A_343 : i32 to index
        %get3A_345 = arith.index_cast %shift_right_arithmetic3A_152 : i32 to index
        %get3A_346 = arith.index_cast %mul3A_156 : i32 to index
        %get3A_347 = tpu.vector_load %arg10[%get3A_344, %get3A_345, %get3A_346] {strides = array<i32>} : memref<8x2x128xf32, #tpu.memory_space<vmem>>, vector<1x1x16xf32>,
        %get3A_348 = vector.shape_cast %get3A_347 : vector<1x1x16xf32> to vector<16xf32>
        %select_n3A_349 = arith.select %eq3A_334, %get3A_348, %select_n3A_312 : vector<16xi1>, vector<16xf32>
        %get3A_350 = arith.constant 4 : i32
        %get3A_351 = arith.index_cast %get3A_350 : i32 to index
        %get3A_352 = arith.index_cast %shift_right_arithmetic3A_152 : i32 to index
        %get3A_353 = arith.index_cast %mul3A_156 : i32 to index
        %get3A_354 = tpu.vector_load %arg11[%get3A_351, %get3A_352, %get3A_353] {strides = array<i32>} : memref<8x2x128xf32, #tpu.memory_space<vmem>>, vector<1x1x16xf32>,
        %get3A_355 = vector.shape_cast %get3A_354 : vector<1x1x16xf32> to vector<16xf32>
        %select_n3A_356 = arith.select %eq3A_334, %get3A_355, %select_n3A_319 : vector<16xi1>, vector<16xf32>
        %get3A_357 = arith.constant 4 : i32
        %get3A_358 = arith.index_cast %get3A_357 : i32 to index
        %get3A_359 = arith.index_cast %shift_right_arithmetic3A_152 : i32 to index
        %get3A_360 = arith.index_cast %mul3A_156 : i32 to index
        %get3A_361 = tpu.vector_load %arg12[%get3A_358, %get3A_359, %get3A_360] {strides = array<i32>} : memref<8x2x128xf32, #tpu.memory_space<vmem>>, vector<1x1x16xf32>,
        %get3A_362 = vector.shape_cast %get3A_361 : vector<1x1x16xf32> to vector<16xf32>
        %select_n3A_363 = arith.select %eq3A_334, %get3A_362, %select_n3A_326 : vector<16xi1>, vector<16xf32>
        %get3A_364 = arith.constant 5 : i32
        %get3A_365 = arith.index_cast %get3A_364 : i32 to index
        %get3A_366 = arith.index_cast %shift_right_arithmetic3A_152 : i32 to index
        %get3A_367 = arith.index_cast %mul3A_156 : i32 to index
        %get3A_368 = tpu.vector_load %arg8[%get3A_365, %get3A_366, %get3A_367] {strides = array<i32>} : memref<8x2x128xi32, #tpu.memory_space<vmem>>, vector<1x1x16xi32>,
        %get3A_369 = vector.shape_cast %get3A_368 : vector<1x1x16xi32> to vector<16xi32>
        %eq3A_370 = vector.broadcast %add3A_19 : i32 to vector<16xi32>
        %eq3A_371 = arith.cmpi eq, %get3A_369, %eq3A_370 : vector<16xi32>
        %or3A_372 = arith.ori %or3A_335, %eq3A_371 : vector<16xi1>
        %get3A_373 = arith.constant 5 : i32
        %get3A_374 = arith.index_cast %get3A_373 : i32 to index
        %get3A_375 = arith.index_cast %shift_right_arithmetic3A_152 : i32 to index
        %get3A_376 = arith.index_cast %mul3A_156 : i32 to index
        %get3A_377 = tpu.vector_load %arg9[%get3A_374, %get3A_375, %get3A_376] {strides = array<i32>} : memref<8x2x128xf32, #tpu.memory_space<vmem>>, vector<1x1x16xf32>,
        %get3A_378 = vector.shape_cast %get3A_377 : vector<1x1x16xf32> to vector<16xf32>
        %select_n3A_379 = arith.select %eq3A_371, %get3A_378, %select_n3A_342 : vector<16xi1>, vector<16xf32>
        %get3A_380 = arith.constant 5 : i32
        %get3A_381 = arith.index_cast %get3A_380 : i32 to index
        %get3A_382 = arith.index_cast %shift_right_arithmetic3A_152 : i32 to index
        %get3A_383 = arith.index_cast %mul3A_156 : i32 to index
        %get3A_384 = tpu.vector_load %arg10[%get3A_381, %get3A_382, %get3A_383] {strides = array<i32>} : memref<8x2x128xf32, #tpu.memory_space<vmem>>, vector<1x1x16xf32>,
        %get3A_385 = vector.shape_cast %get3A_384 : vector<1x1x16xf32> to vector<16xf32>
        %select_n3A_386 = arith.select %eq3A_371, %get3A_385, %select_n3A_349 : vector<16xi1>, vector<16xf32>
        %get3A_387 = arith.constant 5 : i32
        %get3A_388 = arith.index_cast %get3A_387 : i32 to index
        %get3A_389 = arith.index_cast %shift_right_arithmetic3A_152 : i32 to index
        %get3A_390 = arith.index_cast %mul3A_156 : i32 to index
        %get3A_391 = tpu.vector_load %arg11[%get3A_388, %get3A_389, %get3A_390] {strides = array<i32>} : memref<8x2x128xf32, #tpu.memory_space<vmem>>, vector<1x1x16xf32>,
        %get3A_392 = vector.shape_cast %get3A_391 : vector<1x1x16xf32> to vector<16xf32>
        %select_n3A_393 = arith.select %eq3A_371, %get3A_392, %select_n3A_356 : vector<16xi1>, vector<16xf32>
        %get3A_394 = arith.constant 5 : i32
        %get3A_395 = arith.index_cast %get3A_394 : i32 to index
        %get3A_396 = arith.index_cast %shift_right_arithmetic3A_152 : i32 to index
        %get3A_397 = arith.index_cast %mul3A_156 : i32 to index
        %get3A_398 = tpu.vector_load %arg12[%get3A_395, %get3A_396, %get3A_397] {strides = array<i32>} : memref<8x2x128xf32, #tpu.memory_space<vmem>>, vector<1x1x16xf32>,
        %get3A_399 = vector.shape_cast %get3A_398 : vector<1x1x16xf32> to vector<16xf32>
        %select_n3A_400 = arith.select %eq3A_371, %get3A_399, %select_n3A_363 : vector<16xi1>, vector<16xf32>
        %get3A_401 = arith.constant 6 : i32
        %get3A_402 = arith.index_cast %get3A_401 : i32 to index
        %get3A_403 = arith.index_cast %shift_right_arithmetic3A_152 : i32 to index
        %get3A_404 = arith.index_cast %mul3A_156 : i32 to index
        %get3A_405 = tpu.vector_load %arg8[%get3A_402, %get3A_403, %get3A_404] {strides = array<i32>} : memref<8x2x128xi32, #tpu.memory_space<vmem>>, vector<1x1x16xi32>,
        %get3A_406 = vector.shape_cast %get3A_405 : vector<1x1x16xi32> to vector<16xi32>
        %eq3A_407 = vector.broadcast %add3A_19 : i32 to vector<16xi32>
        %eq3A_408 = arith.cmpi eq, %get3A_406, %eq3A_407 : vector<16xi32>
        %or3A_409 = arith.ori %or3A_372, %eq3A_408 : vector<16xi1>
        %get3A_410 = arith.constant 6 : i32
        %get3A_411 = arith.index_cast %get3A_410 : i32 to index
        %get3A_412 = arith.index_cast %shift_right_arithmetic3A_152 : i32 to index
        %get3A_413 = arith.index_cast %mul3A_156 : i32 to index
        %get3A_414 = tpu.vector_load %arg9[%get3A_411, %get3A_412, %get3A_413] {strides = array<i32>} : memref<8x2x128xf32, #tpu.memory_space<vmem>>, vector<1x1x16xf32>,
        %get3A_415 = vector.shape_cast %get3A_414 : vector<1x1x16xf32> to vector<16xf32>
        %select_n3A_416 = arith.select %eq3A_408, %get3A_415, %select_n3A_379 : vector<16xi1>, vector<16xf32>
        %get3A_417 = arith.constant 6 : i32
        %get3A_418 = arith.index_cast %get3A_417 : i32 to index
        %get3A_419 = arith.index_cast %shift_right_arithmetic3A_152 : i32 to index
        %get3A_420 = arith.index_cast %mul3A_156 : i32 to index
        %get3A_421 = tpu.vector_load %arg10[%get3A_418, %get3A_419, %get3A_420] {strides = array<i32>} : memref<8x2x128xf32, #tpu.memory_space<vmem>>, vector<1x1x16xf32>,
        %get3A_422 = vector.shape_cast %get3A_421 : vector<1x1x16xf32> to vector<16xf32>
        %select_n3A_423 = arith.select %eq3A_408, %get3A_422, %select_n3A_386 : vector<16xi1>, vector<16xf32>
        %get3A_424 = arith.constant 6 : i32
        %get3A_425 = arith.index_cast %get3A_424 : i32 to index
        %get3A_426 = arith.index_cast %shift_right_arithmetic3A_152 : i32 to index
        %get3A_427 = arith.index_cast %mul3A_156 : i32 to index
        %get3A_428 = tpu.vector_load %arg11[%get3A_425, %get3A_426, %get3A_427] {strides = array<i32>} : memref<8x2x128xf32, #tpu.memory_space<vmem>>, vector<1x1x16xf32>,
        %get3A_429 = vector.shape_cast %get3A_428 : vector<1x1x16xf32> to vector<16xf32>
        %select_n3A_430 = arith.select %eq3A_408, %get3A_429, %select_n3A_393 : vector<16xi1>, vector<16xf32>
        %get3A_431 = arith.constant 6 : i32
        %get3A_432 = arith.index_cast %get3A_431 : i32 to index
        %get3A_433 = arith.index_cast %shift_right_arithmetic3A_152 : i32 to index
        %get3A_434 = arith.index_cast %mul3A_156 : i32 to index
        %get3A_435 = tpu.vector_load %arg12[%get3A_432, %get3A_433, %get3A_434] {strides = array<i32>} : memref<8x2x128xf32, #tpu.memory_space<vmem>>, vector<1x1x16xf32>,
        %get3A_436 = vector.shape_cast %get3A_435 : vector<1x1x16xf32> to vector<16xf32>
        %select_n3A_437 = arith.select %eq3A_408, %get3A_436, %select_n3A_400 : vector<16xi1>, vector<16xf32>
        %get3A_438 = arith.constant 7 : i32
        %get3A_439 = arith.index_cast %get3A_438 : i32 to index
        %get3A_440 = arith.index_cast %shift_right_arithmetic3A_152 : i32 to index
        %get3A_441 = arith.index_cast %mul3A_156 : i32 to index
        %get3A_442 = tpu.vector_load %arg8[%get3A_439, %get3A_440, %get3A_441] {strides = array<i32>} : memref<8x2x128xi32, #tpu.memory_space<vmem>>, vector<1x1x16xi32>,
        %get3A_443 = vector.shape_cast %get3A_442 : vector<1x1x16xi32> to vector<16xi32>
        %eq3A_444 = vector.broadcast %add3A_19 : i32 to vector<16xi32>
        %eq3A_445 = arith.cmpi eq, %get3A_443, %eq3A_444 : vector<16xi32>
        %or3A_446 = arith.ori %or3A_409, %eq3A_445 : vector<16xi1>
        %get3A_447 = arith.constant 7 : i32
        %get3A_448 = arith.index_cast %get3A_447 : i32 to index
        %get3A_449 = arith.index_cast %shift_right_arithmetic3A_152 : i32 to index
        %get3A_450 = arith.index_cast %mul3A_156 : i32 to index
        %get3A_451 = tpu.vector_load %arg9[%get3A_448, %get3A_449, %get3A_450] {strides = array<i32>} : memref<8x2x128xf32, #tpu.memory_space<vmem>>, vector<1x1x16xf32>,
        %get3A_452 = vector.shape_cast %get3A_451 : vector<1x1x16xf32> to vector<16xf32>
        %select_n3A_453 = arith.select %eq3A_445, %get3A_452, %select_n3A_416 : vector<16xi1>, vector<16xf32>
        %get3A_454 = arith.constant 7 : i32
        %get3A_455 = arith.index_cast %get3A_454 : i32 to index
        %get3A_456 = arith.index_cast %shift_right_arithmetic3A_152 : i32 to index
        %get3A_457 = arith.index_cast %mul3A_156 : i32 to index
        %get3A_458 = tpu.vector_load %arg10[%get3A_455, %get3A_456, %get3A_457] {strides = array<i32>} : memref<8x2x128xf32, #tpu.memory_space<vmem>>, vector<1x1x16xf32>,
        %get3A_459 = vector.shape_cast %get3A_458 : vector<1x1x16xf32> to vector<16xf32>
        %select_n3A_460 = arith.select %eq3A_445, %get3A_459, %select_n3A_423 : vector<16xi1>, vector<16xf32>
        %get3A_461 = arith.constant 7 : i32
        %get3A_462 = arith.index_cast %get3A_461 : i32 to index
        %get3A_463 = arith.index_cast %shift_right_arithmetic3A_152 : i32 to index
        %get3A_464 = arith.index_cast %mul3A_156 : i32 to index
        %get3A_465 = tpu.vector_load %arg11[%get3A_462, %get3A_463, %get3A_464] {strides = array<i32>} : memref<8x2x128xf32, #tpu.memory_space<vmem>>, vector<1x1x16xf32>,
        %get3A_466 = vector.shape_cast %get3A_465 : vector<1x1x16xf32> to vector<16xf32>
        %select_n3A_467 = arith.select %eq3A_445, %get3A_466, %select_n3A_430 : vector<16xi1>, vector<16xf32>
        %get3A_468 = arith.constant 7 : i32
        %get3A_469 = arith.index_cast %get3A_468 : i32 to index
        %get3A_470 = arith.index_cast %shift_right_arithmetic3A_152 : i32 to index
        %get3A_471 = arith.index_cast %mul3A_156 : i32 to index
        %get3A_472 = tpu.vector_load %arg12[%get3A_469, %get3A_470, %get3A_471] {strides = array<i32>} : memref<8x2x128xf32, #tpu.memory_space<vmem>>, vector<1x1x16xf32>,
        %get3A_473 = vector.shape_cast %get3A_472 : vector<1x1x16xf32> to vector<16xf32>
        %select_n3A_474 = arith.select %eq3A_445, %get3A_473, %select_n3A_437 : vector<16xi1>, vector<16xf32>
        %get3A_475 = arith.constant 0 : i32
        %get3A_476 = arith.constant 0 : i32
        %get3A_477 = arith.index_cast %get3A_475 : i32 to index
        %get3A_478 = arith.index_cast %shift_right_arithmetic3A_152 : i32 to index
        %get3A_479 = arith.index_cast %get3A_476 : i32 to index
        %get3A_480 = arith.index_cast %mul3A_156 : i32 to index
        %get3A_481 = tpu.vector_load %arg5[%get3A_477, %get3A_478, %get3A_479, %get3A_480] {strides = array<i32>} : memref<25x2x2x128xf32, #tpu.memory_space<vmem>>, vector<1x1x1x16xf32>,
        %get3A_482 = vector.shape_cast %get3A_481 : vector<1x1x1x16xf32> to vector<16xf32>
        %sub3A_483 = arith.subf %get3A_482, %select_n3A_453 : vector<16xf32>
        %mul3A_484 = arith.mulf %sub3A_483, %sub3A_483 : vector<16xf32>
        %add3A_485 = arith.addf %mul3A_8, %mul3A_484 : vector<16xf32>
        %get3A_486 = arith.constant 1 : i32
        %get3A_487 = arith.constant 0 : i32
        %get3A_488 = arith.index_cast %get3A_486 : i32 to index
        %get3A_489 = arith.index_cast %shift_right_arithmetic3A_152 : i32 to index
        %get3A_490 = arith.index_cast %get3A_487 : i32 to index
        %get3A_491 = arith.index_cast %mul3A_156 : i32 to index
        %get3A_492 = tpu.vector_load %arg5[%get3A_488, %get3A_489, %get3A_490, %get3A_491] {strides = array<i32>} : memref<25x2x2x128xf32, #tpu.memory_space<vmem>>, vector<1x1x1x16xf32>,
        %get3A_493 = vector.shape_cast %get3A_492 : vector<1x1x1x16xf32> to vector<16xf32>
        %sub3A_494 = arith.subf %get3A_493, %select_n3A_460 : vector<16xf32>
        %mul3A_495 = arith.mulf %sub3A_494, %sub3A_494 : vector<16xf32>
        %add3A_496 = arith.addf %add3A_485, %mul3A_495 : vector<16xf32>
        %get3A_497 = arith.constant 2 : i32
        %get3A_498 = arith.constant 0 : i32
        %get3A_499 = arith.index_cast %get3A_497 : i32 to index
        %get3A_500 = arith.index_cast %shift_right_arithmetic3A_152 : i32 to index
        %get3A_501 = arith.index_cast %get3A_498 : i32 to index
        %get3A_502 = arith.index_cast %mul3A_156 : i32 to index
        %get3A_503 = tpu.vector_load %arg5[%get3A_499, %get3A_500, %get3A_501, %get3A_502] {strides = array<i32>} : memref<25x2x2x128xf32, #tpu.memory_space<vmem>>, vector<1x1x1x16xf32>,
        %get3A_504 = vector.shape_cast %get3A_503 : vector<1x1x1x16xf32> to vector<16xf32>
        %sub3A_505 = arith.subf %get3A_504, %select_n3A_467 : vector<16xf32>
        %mul3A_506 = arith.mulf %sub3A_505, %sub3A_505 : vector<16xf32>
        %add3A_507 = arith.addf %add3A_496, %mul3A_506 : vector<16xf32>
        %get3A_508 = arith.constant 3 : i32
        %get3A_509 = arith.constant 0 : i32
        %get3A_510 = arith.index_cast %get3A_508 : i32 to index
        %get3A_511 = arith.index_cast %shift_right_arithmetic3A_152 : i32 to index
        %get3A_512 = arith.index_cast %get3A_509 : i32 to index
        %get3A_513 = arith.index_cast %mul3A_156 : i32 to index
        %get3A_514 = tpu.vector_load %arg5[%get3A_510, %get3A_511, %get3A_512, %get3A_513] {strides = array<i32>} : memref<25x2x2x128xf32, #tpu.memory_space<vmem>>, vector<1x1x1x16xf32>,
        %get3A_515 = vector.shape_cast %get3A_514 : vector<1x1x1x16xf32> to vector<16xf32>
        %sub3A_516 = arith.subf %get3A_515, %select_n3A_474 : vector<16xf32>
        %mul3A_517 = arith.mulf %sub3A_516, %sub3A_516 : vector<16xf32>
        %add3A_518 = arith.addf %add3A_507, %mul3A_517 : vector<16xf32>
        %get3A_519 = arith.constant 4 : i32
        %get3A_520 = arith.constant 0 : i32
        %get3A_521 = arith.index_cast %get3A_519 : i32 to index
        %get3A_522 = arith.index_cast %shift_right_arithmetic3A_152 : i32 to index
        %get3A_523 = arith.index_cast %get3A_520 : i32 to index
        %get3A_524 = arith.index_cast %mul3A_156 : i32 to index
        %get3A_525 = tpu.vector_load %arg5[%get3A_521, %get3A_522, %get3A_523, %get3A_524] {strides = array<i32>} : memref<25x2x2x128xf32, #tpu.memory_space<vmem>>, vector<1x1x1x16xf32>,
        %get3A_526 = vector.shape_cast %get3A_525 : vector<1x1x1x16xf32> to vector<16xf32>
        %mul3A_527 = arith.constant 2.000000e+00 : f32
        %mul3A_528 = vector.broadcast %mul3A_527 : f32 to vector<16xf32>
        %mul3A_529 = arith.mulf %mul3A_528, %get3A_526 : vector<16xf32>
        %sub3A_530 = arith.constant 1.000000e+00 : f32
        %sub3A_531 = vector.broadcast %sub3A_530 : f32 to vector<16xf32>
        %sub3A_532 = arith.subf %sub3A_531, %mul3A_529 : vector<16xf32>
        %get3A_533 = arith.constant 5 : i32
        %get3A_534 = arith.constant 0 : i32
        %get3A_535 = arith.index_cast %get3A_533 : i32 to index
        %get3A_536 = arith.index_cast %shift_right_arithmetic3A_152 : i32 to index
        %get3A_537 = arith.index_cast %get3A_534 : i32 to index
        %get3A_538 = arith.index_cast %mul3A_156 : i32 to index
        %get3A_539 = tpu.vector_load %arg5[%get3A_535, %get3A_536, %get3A_537, %get3A_538] {strides = array<i32>} : memref<25x2x2x128xf32, #tpu.memory_space<vmem>>, vector<1x1x1x16xf32>,
        %get3A_540 = vector.shape_cast %get3A_539 : vector<1x1x1x16xf32> to vector<16xf32>
        %mul3A_541 = arith.mulf %get3A_540, %get3A_540 : vector<16xf32>
        %add3A_542 = arith.addf %mul3A_8, %mul3A_541 : vector<16xf32>
        %get3A_543 = arith.constant 6 : i32
        %get3A_544 = arith.constant 0 : i32
        %get3A_545 = arith.index_cast %get3A_543 : i32 to index
        %get3A_546 = arith.index_cast %shift_right_arithmetic3A_152 : i32 to index
        %get3A_547 = arith.index_cast %get3A_544 : i32 to index
        %get3A_548 = arith.index_cast %mul3A_156 : i32 to index
        %get3A_549 = tpu.vector_load %arg5[%get3A_545, %get3A_546, %get3A_547, %get3A_548] {strides = array<i32>} : memref<25x2x2x128xf32, #tpu.memory_space<vmem>>, vector<1x1x1x16xf32>,
        %get3A_550 = vector.shape_cast %get3A_549 : vector<1x1x1x16xf32> to vector<16xf32>
        %mul3A_551 = arith.mulf %get3A_550, %get3A_550 : vector<16xf32>
        %add3A_552 = arith.addf %add3A_542, %mul3A_551 : vector<16xf32>
        %get3A_553 = arith.constant 7 : i32
        %get3A_554 = arith.constant 0 : i32
        %get3A_555 = arith.index_cast %get3A_553 : i32 to index
        %get3A_556 = arith.index_cast %shift_right_arithmetic3A_152 : i32 to index
        %get3A_557 = arith.index_cast %get3A_554 : i32 to index
        %get3A_558 = arith.index_cast %mul3A_156 : i32 to index
        %get3A_559 = tpu.vector_load %arg5[%get3A_555, %get3A_556, %get3A_557, %get3A_558] {strides = array<i32>} : memref<25x2x2x128xf32, #tpu.memory_space<vmem>>, vector<1x1x1x16xf32>,
        %get3A_560 = vector.shape_cast %get3A_559 : vector<1x1x1x16xf32> to vector<16xf32>
        %mul3A_561 = arith.mulf %get3A_560, %get3A_560 : vector<16xf32>
        %add3A_562 = arith.addf %add3A_552, %mul3A_561 : vector<16xf32>
        %get3A_563 = arith.constant 8 : i32
        %get3A_564 = arith.constant 0 : i32
        %get3A_565 = arith.index_cast %get3A_563 : i32 to index
        %get3A_566 = arith.index_cast %shift_right_arithmetic3A_152 : i32 to index
        %get3A_567 = arith.index_cast %get3A_564 : i32 to index
        %get3A_568 = arith.index_cast %mul3A_156 : i32 to index
        %get3A_569 = tpu.vector_load %arg5[%get3A_565, %get3A_566, %get3A_567, %get3A_568] {strides = array<i32>} : memref<25x2x2x128xf32, #tpu.memory_space<vmem>>, vector<1x1x1x16xf32>,
        %get3A_570 = vector.shape_cast %get3A_569 : vector<1x1x1x16xf32> to vector<16xf32>
        %mul3A_571 = arith.mulf %get3A_570, %get3A_570 : vector<16xf32>
        %add3A_572 = arith.addf %add3A_562, %mul3A_571 : vector<16xf32>
        %get3A_573 = arith.constant 9 : i32
        %get3A_574 = arith.constant 0 : i32
        %get3A_575 = arith.index_cast %get3A_573 : i32 to index
        %get3A_576 = arith.index_cast %shift_right_arithmetic3A_152 : i32 to index
        %get3A_577 = arith.index_cast %get3A_574 : i32 to index
        %get3A_578 = arith.index_cast %mul3A_156 : i32 to index
        %get3A_579 = tpu.vector_load %arg5[%get3A_575, %get3A_576, %get3A_577, %get3A_578] {strides = array<i32>} : memref<25x2x2x128xf32, #tpu.memory_space<vmem>>, vector<1x1x1x16xf32>,
        %get3A_580 = vector.shape_cast %get3A_579 : vector<1x1x1x16xf32> to vector<16xf32>
        %mul3A_581 = arith.mulf %get3A_580, %get3A_580 : vector<16xf32>
        %add3A_582 = arith.addf %add3A_572, %mul3A_581 : vector<16xf32>
        %get3A_583 = arith.constant 10 : i32
        %get3A_584 = arith.constant 0 : i32
        %get3A_585 = arith.index_cast %get3A_583 : i32 to index
        %get3A_586 = arith.index_cast %shift_right_arithmetic3A_152 : i32 to index
        %get3A_587 = arith.index_cast %get3A_584 : i32 to index
        %get3A_588 = arith.index_cast %mul3A_156 : i32 to index
        %get3A_589 = tpu.vector_load %arg5[%get3A_585, %get3A_586, %get3A_587, %get3A_588] {strides = array<i32>} : memref<25x2x2x128xf32, #tpu.memory_space<vmem>>, vector<1x1x1x16xf32>,
        %get3A_590 = vector.shape_cast %get3A_589 : vector<1x1x1x16xf32> to vector<16xf32>
        %mul3A_591 = arith.mulf %get3A_590, %get3A_590 : vector<16xf32>
        %add3A_592 = arith.addf %add3A_582, %mul3A_591 : vector<16xf32>
        %get3A_593 = arith.constant 11 : i32
        %get3A_594 = arith.constant 0 : i32
        %get3A_595 = arith.index_cast %get3A_593 : i32 to index
        %get3A_596 = arith.index_cast %shift_right_arithmetic3A_152 : i32 to index
        %get3A_597 = arith.index_cast %get3A_594 : i32 to index
        %get3A_598 = arith.index_cast %mul3A_156 : i32 to index
        %get3A_599 = tpu.vector_load %arg5[%get3A_595, %get3A_596, %get3A_597, %get3A_598] {strides = array<i32>} : memref<25x2x2x128xf32, #tpu.memory_space<vmem>>, vector<1x1x1x16xf32>,
        %get3A_600 = vector.shape_cast %get3A_599 : vector<1x1x1x16xf32> to vector<16xf32>
        %mul3A_601 = arith.mulf %get3A_600, %get3A_600 : vector<16xf32>
        %add3A_602 = arith.addf %add3A_592, %mul3A_601 : vector<16xf32>
        %get3A_603 = arith.constant 12 : i32
        %get3A_604 = arith.constant 0 : i32
        %get3A_605 = arith.index_cast %get3A_603 : i32 to index
        %get3A_606 = arith.index_cast %shift_right_arithmetic3A_152 : i32 to index
        %get3A_607 = arith.index_cast %get3A_604 : i32 to index
        %get3A_608 = arith.index_cast %mul3A_156 : i32 to index
        %get3A_609 = tpu.vector_load %arg5[%get3A_605, %get3A_606, %get3A_607, %get3A_608] {strides = array<i32>} : memref<25x2x2x128xf32, #tpu.memory_space<vmem>>, vector<1x1x1x16xf32>,
        %get3A_610 = vector.shape_cast %get3A_609 : vector<1x1x1x16xf32> to vector<16xf32>
        %mul3A_611 = arith.mulf %get3A_610, %get3A_610 : vector<16xf32>
        %add3A_612 = arith.addf %add3A_602, %mul3A_611 : vector<16xf32>
        %get3A_613 = arith.constant 13 : i32
        %get3A_614 = arith.constant 0 : i32
        %get3A_615 = arith.index_cast %get3A_613 : i32 to index
        %get3A_616 = arith.index_cast %shift_right_arithmetic3A_152 : i32 to index
        %get3A_617 = arith.index_cast %get3A_614 : i32 to index
        %get3A_618 = arith.index_cast %mul3A_156 : i32 to index
        %get3A_619 = tpu.vector_load %arg5[%get3A_615, %get3A_616, %get3A_617, %get3A_618] {strides = array<i32>} : memref<25x2x2x128xf32, #tpu.memory_space<vmem>>, vector<1x1x1x16xf32>,
        %get3A_620 = vector.shape_cast %get3A_619 : vector<1x1x1x16xf32> to vector<16xf32>
        %mul3A_621 = arith.mulf %get3A_620, %get3A_620 : vector<16xf32>
        %add3A_622 = arith.addf %add3A_612, %mul3A_621 : vector<16xf32>
        %get3A_623 = arith.constant 14 : i32
        %get3A_624 = arith.constant 0 : i32
        %get3A_625 = arith.index_cast %get3A_623 : i32 to index
        %get3A_626 = arith.index_cast %shift_right_arithmetic3A_152 : i32 to index
        %get3A_627 = arith.index_cast %get3A_624 : i32 to index
        %get3A_628 = arith.index_cast %mul3A_156 : i32 to index
        %get3A_629 = tpu.vector_load %arg5[%get3A_625, %get3A_626, %get3A_627, %get3A_628] {strides = array<i32>} : memref<25x2x2x128xf32, #tpu.memory_space<vmem>>, vector<1x1x1x16xf32>,
        %get3A_630 = vector.shape_cast %get3A_629 : vector<1x1x1x16xf32> to vector<16xf32>
        %mul3A_631 = arith.mulf %get3A_630, %get3A_630 : vector<16xf32>
        %add3A_632 = arith.addf %add3A_622, %mul3A_631 : vector<16xf32>
        %get3A_633 = arith.constant 15 : i32
        %get3A_634 = arith.constant 0 : i32
        %get3A_635 = arith.index_cast %get3A_633 : i32 to index
        %get3A_636 = arith.index_cast %shift_right_arithmetic3A_152 : i32 to index
        %get3A_637 = arith.index_cast %get3A_634 : i32 to index
        %get3A_638 = arith.index_cast %mul3A_156 : i32 to index
        %get3A_639 = tpu.vector_load %arg5[%get3A_635, %get3A_636, %get3A_637, %get3A_638] {strides = array<i32>} : memref<25x2x2x128xf32, #tpu.memory_space<vmem>>, vector<1x1x1x16xf32>,
        %get3A_640 = vector.shape_cast %get3A_639 : vector<1x1x1x16xf32> to vector<16xf32>
        %mul3A_641 = arith.mulf %get3A_640, %get3A_640 : vector<16xf32>
        %add3A_642 = arith.addf %add3A_632, %mul3A_641 : vector<16xf32>
        %get3A_643 = arith.constant 16 : i32
        %get3A_644 = arith.constant 0 : i32
        %get3A_645 = arith.index_cast %get3A_643 : i32 to index
        %get3A_646 = arith.index_cast %shift_right_arithmetic3A_152 : i32 to index
        %get3A_647 = arith.index_cast %get3A_644 : i32 to index
        %get3A_648 = arith.index_cast %mul3A_156 : i32 to index
        %get3A_649 = tpu.vector_load %arg5[%get3A_645, %get3A_646, %get3A_647, %get3A_648] {strides = array<i32>} : memref<25x2x2x128xf32, #tpu.memory_space<vmem>>, vector<1x1x1x16xf32>,
        %get3A_650 = vector.shape_cast %get3A_649 : vector<1x1x1x16xf32> to vector<16xf32>
        %mul3A_651 = arith.mulf %get3A_650, %get3A_650 : vector<16xf32>
        %add3A_652 = arith.addf %add3A_642, %mul3A_651 : vector<16xf32>
        %get3A_653 = arith.constant 17 : i32
        %get3A_654 = arith.constant 0 : i32
        %get3A_655 = arith.index_cast %get3A_653 : i32 to index
        %get3A_656 = arith.index_cast %shift_right_arithmetic3A_152 : i32 to index
        %get3A_657 = arith.index_cast %get3A_654 : i32 to index
        %get3A_658 = arith.index_cast %mul3A_156 : i32 to index
        %get3A_659 = tpu.vector_load %arg5[%get3A_655, %get3A_656, %get3A_657, %get3A_658] {strides = array<i32>} : memref<25x2x2x128xf32, #tpu.memory_space<vmem>>, vector<1x1x1x16xf32>,
        %get3A_660 = vector.shape_cast %get3A_659 : vector<1x1x1x16xf32> to vector<16xf32>
        %mul3A_661 = arith.mulf %get3A_660, %get3A_660 : vector<16xf32>
        %add3A_662 = arith.addf %add3A_652, %mul3A_661 : vector<16xf32>
        %get3A_663 = arith.constant 18 : i32
        %get3A_664 = arith.constant 0 : i32
        %get3A_665 = arith.index_cast %get3A_663 : i32 to index
        %get3A_666 = arith.index_cast %shift_right_arithmetic3A_152 : i32 to index
        %get3A_667 = arith.index_cast %get3A_664 : i32 to index
        %get3A_668 = arith.index_cast %mul3A_156 : i32 to index
        %get3A_669 = tpu.vector_load %arg5[%get3A_665, %get3A_666, %get3A_667, %get3A_668] {strides = array<i32>} : memref<25x2x2x128xf32, #tpu.memory_space<vmem>>, vector<1x1x1x16xf32>,
        %get3A_670 = vector.shape_cast %get3A_669 : vector<1x1x1x16xf32> to vector<16xf32>
        %mul3A_671 = arith.mulf %get3A_670, %get3A_670 : vector<16xf32>
        %add3A_672 = arith.addf %add3A_662, %mul3A_671 : vector<16xf32>
        %get3A_673 = arith.constant 19 : i32
        %get3A_674 = arith.constant 0 : i32
        %get3A_675 = arith.index_cast %get3A_673 : i32 to index
        %get3A_676 = arith.index_cast %shift_right_arithmetic3A_152 : i32 to index
        %get3A_677 = arith.index_cast %get3A_674 : i32 to index
        %get3A_678 = arith.index_cast %mul3A_156 : i32 to index
        %get3A_679 = tpu.vector_load %arg5[%get3A_675, %get3A_676, %get3A_677, %get3A_678] {strides = array<i32>} : memref<25x2x2x128xf32, #tpu.memory_space<vmem>>, vector<1x1x1x16xf32>,
        %get3A_680 = vector.shape_cast %get3A_679 : vector<1x1x1x16xf32> to vector<16xf32>
        %mul3A_681 = arith.mulf %get3A_680, %get3A_680 : vector<16xf32>
        %add3A_682 = arith.addf %add3A_672, %mul3A_681 : vector<16xf32>
        %get3A_683 = arith.constant 20 : i32
        %get3A_684 = arith.constant 0 : i32
        %get3A_685 = arith.index_cast %get3A_683 : i32 to index
        %get3A_686 = arith.index_cast %shift_right_arithmetic3A_152 : i32 to index
        %get3A_687 = arith.index_cast %get3A_684 : i32 to index
        %get3A_688 = arith.index_cast %mul3A_156 : i32 to index
        %get3A_689 = tpu.vector_load %arg5[%get3A_685, %get3A_686, %get3A_687, %get3A_688] {strides = array<i32>} : memref<25x2x2x128xf32, #tpu.memory_space<vmem>>, vector<1x1x1x16xf32>,
        %get3A_690 = vector.shape_cast %get3A_689 : vector<1x1x1x16xf32> to vector<16xf32>
        %mul3A_691 = arith.mulf %get3A_690, %get3A_690 : vector<16xf32>
        %add3A_692 = arith.addf %add3A_682, %mul3A_691 : vector<16xf32>
        %get3A_693 = arith.constant 21 : i32
        %get3A_694 = arith.constant 0 : i32
        %get3A_695 = arith.index_cast %get3A_693 : i32 to index
        %get3A_696 = arith.index_cast %shift_right_arithmetic3A_152 : i32 to index
        %get3A_697 = arith.index_cast %get3A_694 : i32 to index
        %get3A_698 = arith.index_cast %mul3A_156 : i32 to index
        %get3A_699 = tpu.vector_load %arg5[%get3A_695, %get3A_696, %get3A_697, %get3A_698] {strides = array<i32>} : memref<25x2x2x128xf32, #tpu.memory_space<vmem>>, vector<1x1x1x16xf32>,
        %get3A_700 = vector.shape_cast %get3A_699 : vector<1x1x1x16xf32> to vector<16xf32>
        %mul3A_701 = arith.mulf %get3A_700, %get3A_700 : vector<16xf32>
        %add3A_702 = arith.addf %add3A_692, %mul3A_701 : vector<16xf32>
        %get3A_703 = arith.constant 22 : i32
        %get3A_704 = arith.constant 0 : i32
        %get3A_705 = arith.index_cast %get3A_703 : i32 to index
        %get3A_706 = arith.index_cast %shift_right_arithmetic3A_152 : i32 to index
        %get3A_707 = arith.index_cast %get3A_704 : i32 to index
        %get3A_708 = arith.index_cast %mul3A_156 : i32 to index
        %get3A_709 = tpu.vector_load %arg5[%get3A_705, %get3A_706, %get3A_707, %get3A_708] {strides = array<i32>} : memref<25x2x2x128xf32, #tpu.memory_space<vmem>>, vector<1x1x1x16xf32>,
        %get3A_710 = vector.shape_cast %get3A_709 : vector<1x1x1x16xf32> to vector<16xf32>
        %mul3A_711 = arith.mulf %get3A_710, %get3A_710 : vector<16xf32>
        %add3A_712 = arith.addf %add3A_702, %mul3A_711 : vector<16xf32>
        %get3A_713 = arith.constant 23 : i32
        %get3A_714 = arith.constant 0 : i32
        %get3A_715 = arith.index_cast %get3A_713 : i32 to index
        %get3A_716 = arith.index_cast %shift_right_arithmetic3A_152 : i32 to index
        %get3A_717 = arith.index_cast %get3A_714 : i32 to index
        %get3A_718 = arith.index_cast %mul3A_156 : i32 to index
        %get3A_719 = tpu.vector_load %arg5[%get3A_715, %get3A_716, %get3A_717, %get3A_718] {strides = array<i32>} : memref<25x2x2x128xf32, #tpu.memory_space<vmem>>, vector<1x1x1x16xf32>,
        %get3A_720 = vector.shape_cast %get3A_719 : vector<1x1x1x16xf32> to vector<16xf32>
        %mul3A_721 = arith.mulf %get3A_720, %get3A_720 : vector<16xf32>
        %add3A_722 = arith.addf %add3A_712, %mul3A_721 : vector<16xf32>
        %get3A_723 = arith.constant 24 : i32
        %get3A_724 = arith.constant 0 : i32
        %get3A_725 = arith.index_cast %get3A_723 : i32 to index
        %get3A_726 = arith.index_cast %shift_right_arithmetic3A_152 : i32 to index
        %get3A_727 = arith.index_cast %get3A_724 : i32 to index
        %get3A_728 = arith.index_cast %mul3A_156 : i32 to index
        %get3A_729 = tpu.vector_load %arg5[%get3A_725, %get3A_726, %get3A_727, %get3A_728] {strides = array<i32>} : memref<25x2x2x128xf32, #tpu.memory_space<vmem>>, vector<1x1x1x16xf32>,
        %get3A_730 = vector.shape_cast %get3A_729 : vector<1x1x1x16xf32> to vector<16xf32>
        %mul3A_731 = arith.mulf %get3A_730, %get3A_730 : vector<16xf32>
        %add3A_732 = arith.addf %add3A_722, %mul3A_731 : vector<16xf32>
        %mul3A_733 = arith.constant 5.000000e+00 : f32
        %mul3A_734 = vector.broadcast %mul3A_733 : f32 to vector<16xf32>
        %mul3A_735 = arith.mulf %mul3A_734, %add3A_518 : vector<16xf32>
        %add3A_736 = arith.addf %mul3A_735, %sub3A_532 : vector<16xf32>
        %add3A_737 = arith.addf %add3A_736, %add3A_732 : vector<16xf32>
        %jit3A_738 = arith.constant 0.000000e+00 : f32
        %broadcast_in_dim3A = vector.broadcast %jit3A_738 : f32 to vector<16xf32>
        %select_n3A_739 = arith.select %or3A_446, %add3A_737, %broadcast_in_dim3A : vector<16xi1>, vector<16xf32>
        %add3A_740 = arith.addf %add3A_176, %select_n3A_739 : vector<16xf32>
        scf.yield %add3A_740 : vector<16xf32>
      }
      %scan3A_142 = arith.constant 16 : i32
      %get3A = arith.constant 0 : index
      %get3A_143 = tpu.vector_load %arg13[%get3A] {strides = array<i32>} : memref<16xf32, #tpu.memory_space<vmem>>, vector<16xf32>,
      %get3A_144 = vector.shape_cast %get3A_143 : vector<16xf32> to vector<16xf32>
      %add3A_145 = arith.addf %get3A_144, %scan3A_141 : vector<16xf32>
      %swap3A_146 = arith.constant 0 : index
      %swap3A_147 = tpu.vector_load %arg13[%swap3A_146] {strides = array<i32>} : memref<16xf32, #tpu.memory_space<vmem>>, vector<16xf32>,
      %swap3A_148 = vector.shape_cast %swap3A_147 : vector<16xf32> to vector<16xf32>
      %swap3A_149 = vector.shape_cast %add3A_145 : vector<16xf32> to vector<16xf32>
      tpu.vector_store %arg13[%swap3A_146], %swap3A_149 {strides = array<i32>} : memref<16xf32, #tpu.memory_space<vmem>>, vector<16xf32>,
    } else {
    }
    %add3A_32 = arith.constant 32 : i32
    %add3A_33 = arith.addi %add3A_32, %add3A : i32
    %add3A_34 = arith.constant 64 : i32
    %add3A_35 = arith.addi %add3A_34, %add3A : i32
    %lt3A_36 = arith.constant 169 : i32
    %lt3A_37 = arith.cmpi slt, %add3A_35, %lt3A_36 : i32
    %convert_element_type3A_38 = arith.extui %lt3A_37 : i1 to i32
    %cond3A_39 = arith.constant 0 : i32
    %cond3A_40 = arith.cmpi ne, %convert_element_type3A_38, %cond3A_39 : i32
    scf.if %cond3A_40 {
      %jit3A = arith.constant 13 : i32
      %div3A = arith.divsi %add3A_35, %jit3A : i32
      %sign3A = arith.constant 0 : i32
      %sign3A_95 = arith.cmpi sgt, %add3A_35, %sign3A : i32
      %sign3A_96 = arith.extui %sign3A_95 : i1 to i32
      %sign3A_97 = arith.constant 0 : i32
      %sign3A_98 = arith.cmpi slt, %add3A_35, %sign3A_97 : i32
      %sign3A_99 = arith.extui %sign3A_98 : i1 to i32
      %sign3A_100 = arith.subi %sign3A_96, %sign3A_99 : i32
      %sign3A_101 = arith.constant 0 : i32
      %sign3A_102 = arith.cmpi sgt, %jit3A, %sign3A_101 : i32
      %sign3A_103 = arith.extui %sign3A_102 : i1 to i32
      %sign3A_104 = arith.constant 0 : i32
      %sign3A_105 = arith.cmpi slt, %jit3A, %sign3A_104 : i32
      %sign3A_106 = arith.extui %sign3A_105 : i1 to i32
      %sign3A_107 = arith.subi %sign3A_103, %sign3A_106 : i32
      %ne3A = arith.cmpi ne, %sign3A_100, %sign3A_107 : i32
      %rem3A = arith.remsi %add3A_35, %jit3A : i32
      %ne3A_108 = arith.constant 0 : i32
      %ne3A_109 = arith.cmpi ne, %rem3A, %ne3A_108 : i32
      %and3A = arith.andi %ne3A, %ne3A_109 : i1
      %sub3A = arith.constant 1 : i32
      %sub3A_110 = arith.subi %div3A, %sub3A : i32
      %select_n3A = arith.select %and3A, %sub3A_110, %div3A : i32
      %jit3A_111 = arith.constant 13 : i32
      %eq3A = arith.constant 0 : i32
      %eq3A_112 = arith.cmpi eq, %jit3A_111, %eq3A : i32
      %jit3A_113 = arith.constant 1 : i32
      %select_n3A_114 = arith.select %eq3A_112, %jit3A_113, %jit3A_111 : i32
      %rem3A_115 = arith.remsi %add3A_35, %select_n3A_114 : i32
      %ne3A_116 = arith.constant 0 : i32
      %ne3A_117 = arith.cmpi ne, %rem3A_115, %ne3A_116 : i32
      %lt3A_118 = arith.constant 0 : i32
      %lt3A_119 = arith.cmpi slt, %rem3A_115, %lt3A_118 : i32
      %lt3A_120 = arith.constant 0 : i32
      %lt3A_121 = arith.cmpi slt, %select_n3A_114, %lt3A_120 : i32
      %ne3A_122 = arith.xori %lt3A_119, %lt3A_121 : i1
      %and3A_123 = arith.andi %ne3A_122, %ne3A_117 : i1
      %add3A_124 = arith.addi %rem3A_115, %select_n3A_114 : i32
      %select_n3A_125 = arith.select %and3A_123, %add3A_124, %rem3A_115 : i32
      %dma_start3A = arith.constant 0 : i32
      %dma_start3A_126 = arith.constant 0 : i32
      %dma_start3A_127 = arith.constant 0 : i32
      %dma_start3A_128 = arith.constant 0 : i32
      %dma_start3A_129 = tpu.memref_slice %arg2[%select_n3A, %select_n3A_125, %dma_start3A, %dma_start3A_126, %dma_start3A_127, %dma_start3A_128] : memref<13x13x25x2x2x128xf32, #tpu.memory_space<hbm>> -> memref<1x1x25x2x2x128xf32, #tpu.memory_space<hbm>>
      %dma_start3A_130 = tpu.memref_squeeze %dma_start3A_129 : memref<1x1x25x2x2x128xf32, #tpu.memory_space<hbm>> -> memref<25x2x2x128xf32, #tpu.memory_space<hbm>>
      %dma_start3A_131 = arith.constant 0 : i32
      %dma_start3A_132 = arith.constant 0 : i32
      %dma_start3A_133 = arith.constant 0 : i32
      %dma_start3A_134 = arith.constant 0 : i32
      %dma_start3A_135 = tpu.memref_slice %arg2[%select_n3A, %select_n3A_125, %dma_start3A_131, %dma_start3A_132, %dma_start3A_133, %dma_start3A_134] : memref<13x13x25x2x2x128xf32, #tpu.memory_space<hbm>> -> memref<1x1x25x2x2x128xf32, #tpu.memory_space<hbm>>
      %dma_start3A_136 = tpu.memref_squeeze %dma_start3A_135 : memref<1x1x25x2x2x128xf32, #tpu.memory_space<hbm>> -> memref<25x2x2x128xf32, #tpu.memory_space<hbm>>
      tpu.enqueue_dma source(%dma_start3A_136 : memref<25x2x2x128xf32, #tpu.memory_space<hbm>>) target(%arg5 : memref<25x2x2x128xf32, #tpu.memory_space<vmem>>) target_semaphore(%arg14 : memref<!tpu.dma_semaphore, #tpu.memory_space<semaphore_mem>>)
    } else {
    }
    %lt3A_41 = arith.constant 169 : i32
    %lt3A_42 = arith.cmpi slt, %add3A_33, %lt3A_41 : i32
    %convert_element_type3A_43 = arith.extui %lt3A_42 : i1 to i32
    %cond3A_44 = arith.constant 0 : i32
    %cond3A_45 = arith.cmpi ne, %convert_element_type3A_43, %cond3A_44 : i32
    scf.if %cond3A_45 {
      %jit3A = arith.constant 13 : i32
      %div3A = arith.divsi %add3A_33, %jit3A : i32
      %sign3A = arith.constant 0 : i32
      %sign3A_95 = arith.cmpi sgt, %add3A_33, %sign3A : i32
      %sign3A_96 = arith.extui %sign3A_95 : i1 to i32
      %sign3A_97 = arith.constant 0 : i32
      %sign3A_98 = arith.cmpi slt, %add3A_33, %sign3A_97 : i32
      %sign3A_99 = arith.extui %sign3A_98 : i1 to i32
      %sign3A_100 = arith.subi %sign3A_96, %sign3A_99 : i32
      %sign3A_101 = arith.constant 0 : i32
      %sign3A_102 = arith.cmpi sgt, %jit3A, %sign3A_101 : i32
      %sign3A_103 = arith.extui %sign3A_102 : i1 to i32
      %sign3A_104 = arith.constant 0 : i32
      %sign3A_105 = arith.cmpi slt, %jit3A, %sign3A_104 : i32
      %sign3A_106 = arith.extui %sign3A_105 : i1 to i32
      %sign3A_107 = arith.subi %sign3A_103, %sign3A_106 : i32
      %ne3A = arith.cmpi ne, %sign3A_100, %sign3A_107 : i32
      %rem3A = arith.remsi %add3A_33, %jit3A : i32
      %ne3A_108 = arith.constant 0 : i32
      %ne3A_109 = arith.cmpi ne, %rem3A, %ne3A_108 : i32
      %and3A = arith.andi %ne3A, %ne3A_109 : i1
      %sub3A = arith.constant 1 : i32
      %sub3A_110 = arith.subi %div3A, %sub3A : i32
      %select_n3A = arith.select %and3A, %sub3A_110, %div3A : i32
      %jit3A_111 = arith.constant 13 : i32
      %eq3A = arith.constant 0 : i32
      %eq3A_112 = arith.cmpi eq, %jit3A_111, %eq3A : i32
      %jit3A_113 = arith.constant 1 : i32
      %select_n3A_114 = arith.select %eq3A_112, %jit3A_113, %jit3A_111 : i32
      %rem3A_115 = arith.remsi %add3A_33, %select_n3A_114 : i32
      %ne3A_116 = arith.constant 0 : i32
      %ne3A_117 = arith.cmpi ne, %rem3A_115, %ne3A_116 : i32
      %lt3A_118 = arith.constant 0 : i32
      %lt3A_119 = arith.cmpi slt, %rem3A_115, %lt3A_118 : i32
      %lt3A_120 = arith.constant 0 : i32
      %lt3A_121 = arith.cmpi slt, %select_n3A_114, %lt3A_120 : i32
      %ne3A_122 = arith.xori %lt3A_119, %lt3A_121 : i1
      %and3A_123 = arith.andi %ne3A_122, %ne3A_117 : i1
      %add3A_124 = arith.addi %rem3A_115, %select_n3A_114 : i32
      %select_n3A_125 = arith.select %and3A_123, %add3A_124, %rem3A_115 : i32
      %dma_wait3A = arith.constant 0 : i32
      %dma_wait3A_126 = arith.constant 0 : i32
      %dma_wait3A_127 = arith.constant 0 : i32
      %dma_wait3A_128 = arith.constant 0 : i32
      %dma_wait3A_129 = tpu.memref_slice %arg2[%select_n3A, %select_n3A_125, %dma_wait3A, %dma_wait3A_126, %dma_wait3A_127, %dma_wait3A_128] : memref<13x13x25x2x2x128xf32, #tpu.memory_space<hbm>> -> memref<1x1x25x2x2x128xf32, #tpu.memory_space<hbm>>
      %dma_wait3A_130 = tpu.memref_squeeze %dma_wait3A_129 : memref<1x1x25x2x2x128xf32, #tpu.memory_space<hbm>> -> memref<25x2x2x128xf32, #tpu.memory_space<hbm>>
      %dma_wait3A_131 = arith.constant 0 : i32
      %dma_wait3A_132 = arith.constant 0 : i32
      %dma_wait3A_133 = arith.constant 0 : i32
      %dma_wait3A_134 = arith.constant 0 : i32
      %dma_wait3A_135 = tpu.memref_slice %arg2[%select_n3A, %select_n3A_125, %dma_wait3A_131, %dma_wait3A_132, %dma_wait3A_133, %dma_wait3A_134] : memref<13x13x25x2x2x128xf32, #tpu.memory_space<hbm>> -> memref<1x1x25x2x2x128xf32, #tpu.memory_space<hbm>>
      %dma_wait3A_136 = tpu.memref_squeeze %dma_wait3A_135 : memref<1x1x25x2x2x128xf32, #tpu.memory_space<hbm>> -> memref<25x2x2x128xf32, #tpu.memory_space<hbm>>
      tpu.wait_dma2 semaphore(%arg15 : memref<!tpu.dma_semaphore, #tpu.memory_space<semaphore_mem>>) src(%dma_wait3A_136 : memref<25x2x2x128xf32, #tpu.memory_space<hbm>>) dst(%arg6 : memref<25x2x2x128xf32, #tpu.memory_space<vmem>>)
      %scan3A_137 = arith.constant 0 : i32
      %scan3A_138 = arith.constant 16 : i32
      %scan3A_139 = arith.addi %scan3A_137, %scan3A_138 : i32
      %scan3A_140 = arith.constant 1 : i32
      %scan3A_141 = scf.for %scan3A_150 = %scan3A_137 to %scan3A_139 step %scan3A_140 iter_args(%scan3A_151 = %mul3A_8) -> (vector<16xf32>)  : i32 {
        %shift_right_arithmetic3A = arith.constant 3 : i32
        %shift_right_arithmetic3A_152 = arith.shrsi %scan3A_150, %shift_right_arithmetic3A : i32
        %and3A_153 = arith.constant 7 : i32
        %and3A_154 = arith.andi %scan3A_150, %and3A_153 : i32
        %mul3A_155 = arith.constant 16 : i32
        %mul3A_156 = arith.muli %and3A_154, %mul3A_155 : i32
        %get3A_157 = arith.constant 4 : i32
        %get3A_158 = arith.constant 0 : i32
        %get3A_159 = arith.index_cast %get3A_157 : i32 to index
        %get3A_160 = arith.index_cast %shift_right_arithmetic3A_152 : i32 to index
        %get3A_161 = arith.index_cast %get3A_158 : i32 to index
        %get3A_162 = arith.index_cast %mul3A_156 : i32 to index
        %get3A_163 = tpu.vector_load %arg6[%get3A_159, %get3A_160, %get3A_161, %get3A_162] {strides = array<i32>} : memref<25x2x2x128xf32, #tpu.memory_space<vmem>>, vector<1x1x1x16xf32>,
        %get3A_164 = vector.shape_cast %get3A_163 : vector<1x1x1x16xf32> to vector<16xf32>
        %get3A_165 = arith.constant 4 : i32
        %get3A_166 = arith.constant 1 : i32
        %get3A_167 = arith.index_cast %get3A_165 : i32 to index
        %get3A_168 = arith.index_cast %shift_right_arithmetic3A_152 : i32 to index
        %get3A_169 = arith.index_cast %get3A_166 : i32 to index
        %get3A_170 = arith.index_cast %mul3A_156 : i32 to index
        %get3A_171 = tpu.vector_load %arg6[%get3A_167, %get3A_168, %get3A_169, %get3A_170] {strides = array<i32>} : memref<25x2x2x128xf32, #tpu.memory_space<vmem>>, vector<1x1x1x16xf32>,
        %get3A_172 = vector.shape_cast %get3A_171 : vector<1x1x1x16xf32> to vector<16xf32>
        %mul3A_173 = arith.mulf %get3A_164, %get3A_164 : vector<16xf32>
        %add3A_174 = arith.addf %scan3A_151, %mul3A_173 : vector<16xf32>
        %mul3A_175 = arith.mulf %get3A_172, %get3A_172 : vector<16xf32>
        %add3A_176 = arith.addf %add3A_174, %mul3A_175 : vector<16xf32>
        %lt3A_177 = arith.constant 0 : i32
        %lt3A_178 = vector.broadcast %lt3A_177 : i32 to vector<16xi32>
        %lt3A_179 = arith.cmpi slt, %iota3A, %lt3A_178 : vector<16xi32>
        %get3A_180 = arith.constant 0 : i32
        %get3A_181 = arith.index_cast %get3A_180 : i32 to index
        %get3A_182 = arith.index_cast %shift_right_arithmetic3A_152 : i32 to index
        %get3A_183 = arith.index_cast %mul3A_156 : i32 to index
        %get3A_184 = tpu.vector_load %arg8[%get3A_181, %get3A_182, %get3A_183] {strides = array<i32>} : memref<8x2x128xi32, #tpu.memory_space<vmem>>, vector<1x1x16xi32>,
        %get3A_185 = vector.shape_cast %get3A_184 : vector<1x1x16xi32> to vector<16xi32>
        %eq3A_186 = vector.broadcast %add3A_33 : i32 to vector<16xi32>
        %eq3A_187 = arith.cmpi eq, %get3A_185, %eq3A_186 : vector<16xi32>
        %or3A = arith.ori %lt3A_179, %eq3A_187 : vector<16xi1>
        %get3A_188 = arith.constant 0 : i32
        %get3A_189 = arith.index_cast %get3A_188 : i32 to index
        %get3A_190 = arith.index_cast %shift_right_arithmetic3A_152 : i32 to index
        %get3A_191 = arith.index_cast %mul3A_156 : i32 to index
        %get3A_192 = tpu.vector_load %arg9[%get3A_189, %get3A_190, %get3A_191] {strides = array<i32>} : memref<8x2x128xf32, #tpu.memory_space<vmem>>, vector<1x1x16xf32>,
        %get3A_193 = vector.shape_cast %get3A_192 : vector<1x1x16xf32> to vector<16xf32>
        %select_n3A_194 = arith.select %eq3A_187, %get3A_193, %mul3A_8 : vector<16xi1>, vector<16xf32>
        %get3A_195 = arith.constant 0 : i32
        %get3A_196 = arith.index_cast %get3A_195 : i32 to index
        %get3A_197 = arith.index_cast %shift_right_arithmetic3A_152 : i32 to index
        %get3A_198 = arith.index_cast %mul3A_156 : i32 to index
        %get3A_199 = tpu.vector_load %arg10[%get3A_196, %get3A_197, %get3A_198] {strides = array<i32>} : memref<8x2x128xf32, #tpu.memory_space<vmem>>, vector<1x1x16xf32>,
        %get3A_200 = vector.shape_cast %get3A_199 : vector<1x1x16xf32> to vector<16xf32>
        %select_n3A_201 = arith.select %eq3A_187, %get3A_200, %mul3A_8 : vector<16xi1>, vector<16xf32>
        %get3A_202 = arith.constant 0 : i32
        %get3A_203 = arith.index_cast %get3A_202 : i32 to index
        %get3A_204 = arith.index_cast %shift_right_arithmetic3A_152 : i32 to index
        %get3A_205 = arith.index_cast %mul3A_156 : i32 to index
        %get3A_206 = tpu.vector_load %arg11[%get3A_203, %get3A_204, %get3A_205] {strides = array<i32>} : memref<8x2x128xf32, #tpu.memory_space<vmem>>, vector<1x1x16xf32>,
        %get3A_207 = vector.shape_cast %get3A_206 : vector<1x1x16xf32> to vector<16xf32>
        %select_n3A_208 = arith.select %eq3A_187, %get3A_207, %mul3A_8 : vector<16xi1>, vector<16xf32>
        %get3A_209 = arith.constant 0 : i32
        %get3A_210 = arith.index_cast %get3A_209 : i32 to index
        %get3A_211 = arith.index_cast %shift_right_arithmetic3A_152 : i32 to index
        %get3A_212 = arith.index_cast %mul3A_156 : i32 to index
        %get3A_213 = tpu.vector_load %arg12[%get3A_210, %get3A_211, %get3A_212] {strides = array<i32>} : memref<8x2x128xf32, #tpu.memory_space<vmem>>, vector<1x1x16xf32>,
        %get3A_214 = vector.shape_cast %get3A_213 : vector<1x1x16xf32> to vector<16xf32>
        %select_n3A_215 = arith.select %eq3A_187, %get3A_214, %mul3A_8 : vector<16xi1>, vector<16xf32>
        %get3A_216 = arith.constant 1 : i32
        %get3A_217 = arith.index_cast %get3A_216 : i32 to index
        %get3A_218 = arith.index_cast %shift_right_arithmetic3A_152 : i32 to index
        %get3A_219 = arith.index_cast %mul3A_156 : i32 to index
        %get3A_220 = tpu.vector_load %arg8[%get3A_217, %get3A_218, %get3A_219] {strides = array<i32>} : memref<8x2x128xi32, #tpu.memory_space<vmem>>, vector<1x1x16xi32>,
        %get3A_221 = vector.shape_cast %get3A_220 : vector<1x1x16xi32> to vector<16xi32>
        %eq3A_222 = vector.broadcast %add3A_33 : i32 to vector<16xi32>
        %eq3A_223 = arith.cmpi eq, %get3A_221, %eq3A_222 : vector<16xi32>
        %or3A_224 = arith.ori %or3A, %eq3A_223 : vector<16xi1>
        %get3A_225 = arith.constant 1 : i32
        %get3A_226 = arith.index_cast %get3A_225 : i32 to index
        %get3A_227 = arith.index_cast %shift_right_arithmetic3A_152 : i32 to index
        %get3A_228 = arith.index_cast %mul3A_156 : i32 to index
        %get3A_229 = tpu.vector_load %arg9[%get3A_226, %get3A_227, %get3A_228] {strides = array<i32>} : memref<8x2x128xf32, #tpu.memory_space<vmem>>, vector<1x1x16xf32>,
        %get3A_230 = vector.shape_cast %get3A_229 : vector<1x1x16xf32> to vector<16xf32>
        %select_n3A_231 = arith.select %eq3A_223, %get3A_230, %select_n3A_194 : vector<16xi1>, vector<16xf32>
        %get3A_232 = arith.constant 1 : i32
        %get3A_233 = arith.index_cast %get3A_232 : i32 to index
        %get3A_234 = arith.index_cast %shift_right_arithmetic3A_152 : i32 to index
        %get3A_235 = arith.index_cast %mul3A_156 : i32 to index
        %get3A_236 = tpu.vector_load %arg10[%get3A_233, %get3A_234, %get3A_235] {strides = array<i32>} : memref<8x2x128xf32, #tpu.memory_space<vmem>>, vector<1x1x16xf32>,
        %get3A_237 = vector.shape_cast %get3A_236 : vector<1x1x16xf32> to vector<16xf32>
        %select_n3A_238 = arith.select %eq3A_223, %get3A_237, %select_n3A_201 : vector<16xi1>, vector<16xf32>
        %get3A_239 = arith.constant 1 : i32
        %get3A_240 = arith.index_cast %get3A_239 : i32 to index
        %get3A_241 = arith.index_cast %shift_right_arithmetic3A_152 : i32 to index
        %get3A_242 = arith.index_cast %mul3A_156 : i32 to index
        %get3A_243 = tpu.vector_load %arg11[%get3A_240, %get3A_241, %get3A_242] {strides = array<i32>} : memref<8x2x128xf32, #tpu.memory_space<vmem>>, vector<1x1x16xf32>,
        %get3A_244 = vector.shape_cast %get3A_243 : vector<1x1x16xf32> to vector<16xf32>
        %select_n3A_245 = arith.select %eq3A_223, %get3A_244, %select_n3A_208 : vector<16xi1>, vector<16xf32>
        %get3A_246 = arith.constant 1 : i32
        %get3A_247 = arith.index_cast %get3A_246 : i32 to index
        %get3A_248 = arith.index_cast %shift_right_arithmetic3A_152 : i32 to index
        %get3A_249 = arith.index_cast %mul3A_156 : i32 to index
        %get3A_250 = tpu.vector_load %arg12[%get3A_247, %get3A_248, %get3A_249] {strides = array<i32>} : memref<8x2x128xf32, #tpu.memory_space<vmem>>, vector<1x1x16xf32>,
        %get3A_251 = vector.shape_cast %get3A_250 : vector<1x1x16xf32> to vector<16xf32>
        %select_n3A_252 = arith.select %eq3A_223, %get3A_251, %select_n3A_215 : vector<16xi1>, vector<16xf32>
        %get3A_253 = arith.constant 2 : i32
        %get3A_254 = arith.index_cast %get3A_253 : i32 to index
        %get3A_255 = arith.index_cast %shift_right_arithmetic3A_152 : i32 to index
        %get3A_256 = arith.index_cast %mul3A_156 : i32 to index
        %get3A_257 = tpu.vector_load %arg8[%get3A_254, %get3A_255, %get3A_256] {strides = array<i32>} : memref<8x2x128xi32, #tpu.memory_space<vmem>>, vector<1x1x16xi32>,
        %get3A_258 = vector.shape_cast %get3A_257 : vector<1x1x16xi32> to vector<16xi32>
        %eq3A_259 = vector.broadcast %add3A_33 : i32 to vector<16xi32>
        %eq3A_260 = arith.cmpi eq, %get3A_258, %eq3A_259 : vector<16xi32>
        %or3A_261 = arith.ori %or3A_224, %eq3A_260 : vector<16xi1>
        %get3A_262 = arith.constant 2 : i32
        %get3A_263 = arith.index_cast %get3A_262 : i32 to index
        %get3A_264 = arith.index_cast %shift_right_arithmetic3A_152 : i32 to index
        %get3A_265 = arith.index_cast %mul3A_156 : i32 to index
        %get3A_266 = tpu.vector_load %arg9[%get3A_263, %get3A_264, %get3A_265] {strides = array<i32>} : memref<8x2x128xf32, #tpu.memory_space<vmem>>, vector<1x1x16xf32>,
        %get3A_267 = vector.shape_cast %get3A_266 : vector<1x1x16xf32> to vector<16xf32>
        %select_n3A_268 = arith.select %eq3A_260, %get3A_267, %select_n3A_231 : vector<16xi1>, vector<16xf32>
        %get3A_269 = arith.constant 2 : i32
        %get3A_270 = arith.index_cast %get3A_269 : i32 to index
        %get3A_271 = arith.index_cast %shift_right_arithmetic3A_152 : i32 to index
        %get3A_272 = arith.index_cast %mul3A_156 : i32 to index
        %get3A_273 = tpu.vector_load %arg10[%get3A_270, %get3A_271, %get3A_272] {strides = array<i32>} : memref<8x2x128xf32, #tpu.memory_space<vmem>>, vector<1x1x16xf32>,
        %get3A_274 = vector.shape_cast %get3A_273 : vector<1x1x16xf32> to vector<16xf32>
        %select_n3A_275 = arith.select %eq3A_260, %get3A_274, %select_n3A_238 : vector<16xi1>, vector<16xf32>
        %get3A_276 = arith.constant 2 : i32
        %get3A_277 = arith.index_cast %get3A_276 : i32 to index
        %get3A_278 = arith.index_cast %shift_right_arithmetic3A_152 : i32 to index
        %get3A_279 = arith.index_cast %mul3A_156 : i32 to index
        %get3A_280 = tpu.vector_load %arg11[%get3A_277, %get3A_278, %get3A_279] {strides = array<i32>} : memref<8x2x128xf32, #tpu.memory_space<vmem>>, vector<1x1x16xf32>,
        %get3A_281 = vector.shape_cast %get3A_280 : vector<1x1x16xf32> to vector<16xf32>
        %select_n3A_282 = arith.select %eq3A_260, %get3A_281, %select_n3A_245 : vector<16xi1>, vector<16xf32>
        %get3A_283 = arith.constant 2 : i32
        %get3A_284 = arith.index_cast %get3A_283 : i32 to index
        %get3A_285 = arith.index_cast %shift_right_arithmetic3A_152 : i32 to index
        %get3A_286 = arith.index_cast %mul3A_156 : i32 to index
        %get3A_287 = tpu.vector_load %arg12[%get3A_284, %get3A_285, %get3A_286] {strides = array<i32>} : memref<8x2x128xf32, #tpu.memory_space<vmem>>, vector<1x1x16xf32>,
        %get3A_288 = vector.shape_cast %get3A_287 : vector<1x1x16xf32> to vector<16xf32>
        %select_n3A_289 = arith.select %eq3A_260, %get3A_288, %select_n3A_252 : vector<16xi1>, vector<16xf32>
        %get3A_290 = arith.constant 3 : i32
        %get3A_291 = arith.index_cast %get3A_290 : i32 to index
        %get3A_292 = arith.index_cast %shift_right_arithmetic3A_152 : i32 to index
        %get3A_293 = arith.index_cast %mul3A_156 : i32 to index
        %get3A_294 = tpu.vector_load %arg8[%get3A_291, %get3A_292, %get3A_293] {strides = array<i32>} : memref<8x2x128xi32, #tpu.memory_space<vmem>>, vector<1x1x16xi32>,
        %get3A_295 = vector.shape_cast %get3A_294 : vector<1x1x16xi32> to vector<16xi32>
        %eq3A_296 = vector.broadcast %add3A_33 : i32 to vector<16xi32>
        %eq3A_297 = arith.cmpi eq, %get3A_295, %eq3A_296 : vector<16xi32>
        %or3A_298 = arith.ori %or3A_261, %eq3A_297 : vector<16xi1>
        %get3A_299 = arith.constant 3 : i32
        %get3A_300 = arith.index_cast %get3A_299 : i32 to index
        %get3A_301 = arith.index_cast %shift_right_arithmetic3A_152 : i32 to index
        %get3A_302 = arith.index_cast %mul3A_156 : i32 to index
        %get3A_303 = tpu.vector_load %arg9[%get3A_300, %get3A_301, %get3A_302] {strides = array<i32>} : memref<8x2x128xf32, #tpu.memory_space<vmem>>, vector<1x1x16xf32>,
        %get3A_304 = vector.shape_cast %get3A_303 : vector<1x1x16xf32> to vector<16xf32>
        %select_n3A_305 = arith.select %eq3A_297, %get3A_304, %select_n3A_268 : vector<16xi1>, vector<16xf32>
        %get3A_306 = arith.constant 3 : i32
        %get3A_307 = arith.index_cast %get3A_306 : i32 to index
        %get3A_308 = arith.index_cast %shift_right_arithmetic3A_152 : i32 to index
        %get3A_309 = arith.index_cast %mul3A_156 : i32 to index
        %get3A_310 = tpu.vector_load %arg10[%get3A_307, %get3A_308, %get3A_309] {strides = array<i32>} : memref<8x2x128xf32, #tpu.memory_space<vmem>>, vector<1x1x16xf32>,
        %get3A_311 = vector.shape_cast %get3A_310 : vector<1x1x16xf32> to vector<16xf32>
        %select_n3A_312 = arith.select %eq3A_297, %get3A_311, %select_n3A_275 : vector<16xi1>, vector<16xf32>
        %get3A_313 = arith.constant 3 : i32
        %get3A_314 = arith.index_cast %get3A_313 : i32 to index
        %get3A_315 = arith.index_cast %shift_right_arithmetic3A_152 : i32 to index
        %get3A_316 = arith.index_cast %mul3A_156 : i32 to index
        %get3A_317 = tpu.vector_load %arg11[%get3A_314, %get3A_315, %get3A_316] {strides = array<i32>} : memref<8x2x128xf32, #tpu.memory_space<vmem>>, vector<1x1x16xf32>,
        %get3A_318 = vector.shape_cast %get3A_317 : vector<1x1x16xf32> to vector<16xf32>
        %select_n3A_319 = arith.select %eq3A_297, %get3A_318, %select_n3A_282 : vector<16xi1>, vector<16xf32>
        %get3A_320 = arith.constant 3 : i32
        %get3A_321 = arith.index_cast %get3A_320 : i32 to index
        %get3A_322 = arith.index_cast %shift_right_arithmetic3A_152 : i32 to index
        %get3A_323 = arith.index_cast %mul3A_156 : i32 to index
        %get3A_324 = tpu.vector_load %arg12[%get3A_321, %get3A_322, %get3A_323] {strides = array<i32>} : memref<8x2x128xf32, #tpu.memory_space<vmem>>, vector<1x1x16xf32>,
        %get3A_325 = vector.shape_cast %get3A_324 : vector<1x1x16xf32> to vector<16xf32>
        %select_n3A_326 = arith.select %eq3A_297, %get3A_325, %select_n3A_289 : vector<16xi1>, vector<16xf32>
        %get3A_327 = arith.constant 4 : i32
        %get3A_328 = arith.index_cast %get3A_327 : i32 to index
        %get3A_329 = arith.index_cast %shift_right_arithmetic3A_152 : i32 to index
        %get3A_330 = arith.index_cast %mul3A_156 : i32 to index
        %get3A_331 = tpu.vector_load %arg8[%get3A_328, %get3A_329, %get3A_330] {strides = array<i32>} : memref<8x2x128xi32, #tpu.memory_space<vmem>>, vector<1x1x16xi32>,
        %get3A_332 = vector.shape_cast %get3A_331 : vector<1x1x16xi32> to vector<16xi32>
        %eq3A_333 = vector.broadcast %add3A_33 : i32 to vector<16xi32>
        %eq3A_334 = arith.cmpi eq, %get3A_332, %eq3A_333 : vector<16xi32>
        %or3A_335 = arith.ori %or3A_298, %eq3A_334 : vector<16xi1>
        %get3A_336 = arith.constant 4 : i32
        %get3A_337 = arith.index_cast %get3A_336 : i32 to index
        %get3A_338 = arith.index_cast %shift_right_arithmetic3A_152 : i32 to index
        %get3A_339 = arith.index_cast %mul3A_156 : i32 to index
        %get3A_340 = tpu.vector_load %arg9[%get3A_337, %get3A_338, %get3A_339] {strides = array<i32>} : memref<8x2x128xf32, #tpu.memory_space<vmem>>, vector<1x1x16xf32>,
        %get3A_341 = vector.shape_cast %get3A_340 : vector<1x1x16xf32> to vector<16xf32>
        %select_n3A_342 = arith.select %eq3A_334, %get3A_341, %select_n3A_305 : vector<16xi1>, vector<16xf32>
        %get3A_343 = arith.constant 4 : i32
        %get3A_344 = arith.index_cast %get3A_343 : i32 to index
        %get3A_345 = arith.index_cast %shift_right_arithmetic3A_152 : i32 to index
        %get3A_346 = arith.index_cast %mul3A_156 : i32 to index
        %get3A_347 = tpu.vector_load %arg10[%get3A_344, %get3A_345, %get3A_346] {strides = array<i32>} : memref<8x2x128xf32, #tpu.memory_space<vmem>>, vector<1x1x16xf32>,
        %get3A_348 = vector.shape_cast %get3A_347 : vector<1x1x16xf32> to vector<16xf32>
        %select_n3A_349 = arith.select %eq3A_334, %get3A_348, %select_n3A_312 : vector<16xi1>, vector<16xf32>
        %get3A_350 = arith.constant 4 : i32
        %get3A_351 = arith.index_cast %get3A_350 : i32 to index
        %get3A_352 = arith.index_cast %shift_right_arithmetic3A_152 : i32 to index
        %get3A_353 = arith.index_cast %mul3A_156 : i32 to index
        %get3A_354 = tpu.vector_load %arg11[%get3A_351, %get3A_352, %get3A_353] {strides = array<i32>} : memref<8x2x128xf32, #tpu.memory_space<vmem>>, vector<1x1x16xf32>,
        %get3A_355 = vector.shape_cast %get3A_354 : vector<1x1x16xf32> to vector<16xf32>
        %select_n3A_356 = arith.select %eq3A_334, %get3A_355, %select_n3A_319 : vector<16xi1>, vector<16xf32>
        %get3A_357 = arith.constant 4 : i32
        %get3A_358 = arith.index_cast %get3A_357 : i32 to index
        %get3A_359 = arith.index_cast %shift_right_arithmetic3A_152 : i32 to index
        %get3A_360 = arith.index_cast %mul3A_156 : i32 to index
        %get3A_361 = tpu.vector_load %arg12[%get3A_358, %get3A_359, %get3A_360] {strides = array<i32>} : memref<8x2x128xf32, #tpu.memory_space<vmem>>, vector<1x1x16xf32>,
        %get3A_362 = vector.shape_cast %get3A_361 : vector<1x1x16xf32> to vector<16xf32>
        %select_n3A_363 = arith.select %eq3A_334, %get3A_362, %select_n3A_326 : vector<16xi1>, vector<16xf32>
        %get3A_364 = arith.constant 5 : i32
        %get3A_365 = arith.index_cast %get3A_364 : i32 to index
        %get3A_366 = arith.index_cast %shift_right_arithmetic3A_152 : i32 to index
        %get3A_367 = arith.index_cast %mul3A_156 : i32 to index
        %get3A_368 = tpu.vector_load %arg8[%get3A_365, %get3A_366, %get3A_367] {strides = array<i32>} : memref<8x2x128xi32, #tpu.memory_space<vmem>>, vector<1x1x16xi32>,
        %get3A_369 = vector.shape_cast %get3A_368 : vector<1x1x16xi32> to vector<16xi32>
        %eq3A_370 = vector.broadcast %add3A_33 : i32 to vector<16xi32>
        %eq3A_371 = arith.cmpi eq, %get3A_369, %eq3A_370 : vector<16xi32>
        %or3A_372 = arith.ori %or3A_335, %eq3A_371 : vector<16xi1>
        %get3A_373 = arith.constant 5 : i32
        %get3A_374 = arith.index_cast %get3A_373 : i32 to index
        %get3A_375 = arith.index_cast %shift_right_arithmetic3A_152 : i32 to index
        %get3A_376 = arith.index_cast %mul3A_156 : i32 to index
        %get3A_377 = tpu.vector_load %arg9[%get3A_374, %get3A_375, %get3A_376] {strides = array<i32>} : memref<8x2x128xf32, #tpu.memory_space<vmem>>, vector<1x1x16xf32>,
        %get3A_378 = vector.shape_cast %get3A_377 : vector<1x1x16xf32> to vector<16xf32>
        %select_n3A_379 = arith.select %eq3A_371, %get3A_378, %select_n3A_342 : vector<16xi1>, vector<16xf32>
        %get3A_380 = arith.constant 5 : i32
        %get3A_381 = arith.index_cast %get3A_380 : i32 to index
        %get3A_382 = arith.index_cast %shift_right_arithmetic3A_152 : i32 to index
        %get3A_383 = arith.index_cast %mul3A_156 : i32 to index
        %get3A_384 = tpu.vector_load %arg10[%get3A_381, %get3A_382, %get3A_383] {strides = array<i32>} : memref<8x2x128xf32, #tpu.memory_space<vmem>>, vector<1x1x16xf32>,
        %get3A_385 = vector.shape_cast %get3A_384 : vector<1x1x16xf32> to vector<16xf32>
        %select_n3A_386 = arith.select %eq3A_371, %get3A_385, %select_n3A_349 : vector<16xi1>, vector<16xf32>
        %get3A_387 = arith.constant 5 : i32
        %get3A_388 = arith.index_cast %get3A_387 : i32 to index
        %get3A_389 = arith.index_cast %shift_right_arithmetic3A_152 : i32 to index
        %get3A_390 = arith.index_cast %mul3A_156 : i32 to index
        %get3A_391 = tpu.vector_load %arg11[%get3A_388, %get3A_389, %get3A_390] {strides = array<i32>} : memref<8x2x128xf32, #tpu.memory_space<vmem>>, vector<1x1x16xf32>,
        %get3A_392 = vector.shape_cast %get3A_391 : vector<1x1x16xf32> to vector<16xf32>
        %select_n3A_393 = arith.select %eq3A_371, %get3A_392, %select_n3A_356 : vector<16xi1>, vector<16xf32>
        %get3A_394 = arith.constant 5 : i32
        %get3A_395 = arith.index_cast %get3A_394 : i32 to index
        %get3A_396 = arith.index_cast %shift_right_arithmetic3A_152 : i32 to index
        %get3A_397 = arith.index_cast %mul3A_156 : i32 to index
        %get3A_398 = tpu.vector_load %arg12[%get3A_395, %get3A_396, %get3A_397] {strides = array<i32>} : memref<8x2x128xf32, #tpu.memory_space<vmem>>, vector<1x1x16xf32>,
        %get3A_399 = vector.shape_cast %get3A_398 : vector<1x1x16xf32> to vector<16xf32>
        %select_n3A_400 = arith.select %eq3A_371, %get3A_399, %select_n3A_363 : vector<16xi1>, vector<16xf32>
        %get3A_401 = arith.constant 6 : i32
        %get3A_402 = arith.index_cast %get3A_401 : i32 to index
        %get3A_403 = arith.index_cast %shift_right_arithmetic3A_152 : i32 to index
        %get3A_404 = arith.index_cast %mul3A_156 : i32 to index
        %get3A_405 = tpu.vector_load %arg8[%get3A_402, %get3A_403, %get3A_404] {strides = array<i32>} : memref<8x2x128xi32, #tpu.memory_space<vmem>>, vector<1x1x16xi32>,
        %get3A_406 = vector.shape_cast %get3A_405 : vector<1x1x16xi32> to vector<16xi32>
        %eq3A_407 = vector.broadcast %add3A_33 : i32 to vector<16xi32>
        %eq3A_408 = arith.cmpi eq, %get3A_406, %eq3A_407 : vector<16xi32>
        %or3A_409 = arith.ori %or3A_372, %eq3A_408 : vector<16xi1>
        %get3A_410 = arith.constant 6 : i32
        %get3A_411 = arith.index_cast %get3A_410 : i32 to index
        %get3A_412 = arith.index_cast %shift_right_arithmetic3A_152 : i32 to index
        %get3A_413 = arith.index_cast %mul3A_156 : i32 to index
        %get3A_414 = tpu.vector_load %arg9[%get3A_411, %get3A_412, %get3A_413] {strides = array<i32>} : memref<8x2x128xf32, #tpu.memory_space<vmem>>, vector<1x1x16xf32>,
        %get3A_415 = vector.shape_cast %get3A_414 : vector<1x1x16xf32> to vector<16xf32>
        %select_n3A_416 = arith.select %eq3A_408, %get3A_415, %select_n3A_379 : vector<16xi1>, vector<16xf32>
        %get3A_417 = arith.constant 6 : i32
        %get3A_418 = arith.index_cast %get3A_417 : i32 to index
        %get3A_419 = arith.index_cast %shift_right_arithmetic3A_152 : i32 to index
        %get3A_420 = arith.index_cast %mul3A_156 : i32 to index
        %get3A_421 = tpu.vector_load %arg10[%get3A_418, %get3A_419, %get3A_420] {strides = array<i32>} : memref<8x2x128xf32, #tpu.memory_space<vmem>>, vector<1x1x16xf32>,
        %get3A_422 = vector.shape_cast %get3A_421 : vector<1x1x16xf32> to vector<16xf32>
        %select_n3A_423 = arith.select %eq3A_408, %get3A_422, %select_n3A_386 : vector<16xi1>, vector<16xf32>
        %get3A_424 = arith.constant 6 : i32
        %get3A_425 = arith.index_cast %get3A_424 : i32 to index
        %get3A_426 = arith.index_cast %shift_right_arithmetic3A_152 : i32 to index
        %get3A_427 = arith.index_cast %mul3A_156 : i32 to index
        %get3A_428 = tpu.vector_load %arg11[%get3A_425, %get3A_426, %get3A_427] {strides = array<i32>} : memref<8x2x128xf32, #tpu.memory_space<vmem>>, vector<1x1x16xf32>,
        %get3A_429 = vector.shape_cast %get3A_428 : vector<1x1x16xf32> to vector<16xf32>
        %select_n3A_430 = arith.select %eq3A_408, %get3A_429, %select_n3A_393 : vector<16xi1>, vector<16xf32>
        %get3A_431 = arith.constant 6 : i32
        %get3A_432 = arith.index_cast %get3A_431 : i32 to index
        %get3A_433 = arith.index_cast %shift_right_arithmetic3A_152 : i32 to index
        %get3A_434 = arith.index_cast %mul3A_156 : i32 to index
        %get3A_435 = tpu.vector_load %arg12[%get3A_432, %get3A_433, %get3A_434] {strides = array<i32>} : memref<8x2x128xf32, #tpu.memory_space<vmem>>, vector<1x1x16xf32>,
        %get3A_436 = vector.shape_cast %get3A_435 : vector<1x1x16xf32> to vector<16xf32>
        %select_n3A_437 = arith.select %eq3A_408, %get3A_436, %select_n3A_400 : vector<16xi1>, vector<16xf32>
        %get3A_438 = arith.constant 7 : i32
        %get3A_439 = arith.index_cast %get3A_438 : i32 to index
        %get3A_440 = arith.index_cast %shift_right_arithmetic3A_152 : i32 to index
        %get3A_441 = arith.index_cast %mul3A_156 : i32 to index
        %get3A_442 = tpu.vector_load %arg8[%get3A_439, %get3A_440, %get3A_441] {strides = array<i32>} : memref<8x2x128xi32, #tpu.memory_space<vmem>>, vector<1x1x16xi32>,
        %get3A_443 = vector.shape_cast %get3A_442 : vector<1x1x16xi32> to vector<16xi32>
        %eq3A_444 = vector.broadcast %add3A_33 : i32 to vector<16xi32>
        %eq3A_445 = arith.cmpi eq, %get3A_443, %eq3A_444 : vector<16xi32>
        %or3A_446 = arith.ori %or3A_409, %eq3A_445 : vector<16xi1>
        %get3A_447 = arith.constant 7 : i32
        %get3A_448 = arith.index_cast %get3A_447 : i32 to index
        %get3A_449 = arith.index_cast %shift_right_arithmetic3A_152 : i32 to index
        %get3A_450 = arith.index_cast %mul3A_156 : i32 to index
        %get3A_451 = tpu.vector_load %arg9[%get3A_448, %get3A_449, %get3A_450] {strides = array<i32>} : memref<8x2x128xf32, #tpu.memory_space<vmem>>, vector<1x1x16xf32>,
        %get3A_452 = vector.shape_cast %get3A_451 : vector<1x1x16xf32> to vector<16xf32>
        %select_n3A_453 = arith.select %eq3A_445, %get3A_452, %select_n3A_416 : vector<16xi1>, vector<16xf32>
        %get3A_454 = arith.constant 7 : i32
        %get3A_455 = arith.index_cast %get3A_454 : i32 to index
        %get3A_456 = arith.index_cast %shift_right_arithmetic3A_152 : i32 to index
        %get3A_457 = arith.index_cast %mul3A_156 : i32 to index
        %get3A_458 = tpu.vector_load %arg10[%get3A_455, %get3A_456, %get3A_457] {strides = array<i32>} : memref<8x2x128xf32, #tpu.memory_space<vmem>>, vector<1x1x16xf32>,
        %get3A_459 = vector.shape_cast %get3A_458 : vector<1x1x16xf32> to vector<16xf32>
        %select_n3A_460 = arith.select %eq3A_445, %get3A_459, %select_n3A_423 : vector<16xi1>, vector<16xf32>
        %get3A_461 = arith.constant 7 : i32
        %get3A_462 = arith.index_cast %get3A_461 : i32 to index
        %get3A_463 = arith.index_cast %shift_right_arithmetic3A_152 : i32 to index
        %get3A_464 = arith.index_cast %mul3A_156 : i32 to index
        %get3A_465 = tpu.vector_load %arg11[%get3A_462, %get3A_463, %get3A_464] {strides = array<i32>} : memref<8x2x128xf32, #tpu.memory_space<vmem>>, vector<1x1x16xf32>,
        %get3A_466 = vector.shape_cast %get3A_465 : vector<1x1x16xf32> to vector<16xf32>
        %select_n3A_467 = arith.select %eq3A_445, %get3A_466, %select_n3A_430 : vector<16xi1>, vector<16xf32>
        %get3A_468 = arith.constant 7 : i32
        %get3A_469 = arith.index_cast %get3A_468 : i32 to index
        %get3A_470 = arith.index_cast %shift_right_arithmetic3A_152 : i32 to index
        %get3A_471 = arith.index_cast %mul3A_156 : i32 to index
        %get3A_472 = tpu.vector_load %arg12[%get3A_469, %get3A_470, %get3A_471] {strides = array<i32>} : memref<8x2x128xf32, #tpu.memory_space<vmem>>, vector<1x1x16xf32>,
        %get3A_473 = vector.shape_cast %get3A_472 : vector<1x1x16xf32> to vector<16xf32>
        %select_n3A_474 = arith.select %eq3A_445, %get3A_473, %select_n3A_437 : vector<16xi1>, vector<16xf32>
        %get3A_475 = arith.constant 0 : i32
        %get3A_476 = arith.constant 0 : i32
        %get3A_477 = arith.index_cast %get3A_475 : i32 to index
        %get3A_478 = arith.index_cast %shift_right_arithmetic3A_152 : i32 to index
        %get3A_479 = arith.index_cast %get3A_476 : i32 to index
        %get3A_480 = arith.index_cast %mul3A_156 : i32 to index
        %get3A_481 = tpu.vector_load %arg6[%get3A_477, %get3A_478, %get3A_479, %get3A_480] {strides = array<i32>} : memref<25x2x2x128xf32, #tpu.memory_space<vmem>>, vector<1x1x1x16xf32>,
        %get3A_482 = vector.shape_cast %get3A_481 : vector<1x1x1x16xf32> to vector<16xf32>
        %sub3A_483 = arith.subf %get3A_482, %select_n3A_453 : vector<16xf32>
        %mul3A_484 = arith.mulf %sub3A_483, %sub3A_483 : vector<16xf32>
        %add3A_485 = arith.addf %mul3A_8, %mul3A_484 : vector<16xf32>
        %get3A_486 = arith.constant 1 : i32
        %get3A_487 = arith.constant 0 : i32
        %get3A_488 = arith.index_cast %get3A_486 : i32 to index
        %get3A_489 = arith.index_cast %shift_right_arithmetic3A_152 : i32 to index
        %get3A_490 = arith.index_cast %get3A_487 : i32 to index
        %get3A_491 = arith.index_cast %mul3A_156 : i32 to index
        %get3A_492 = tpu.vector_load %arg6[%get3A_488, %get3A_489, %get3A_490, %get3A_491] {strides = array<i32>} : memref<25x2x2x128xf32, #tpu.memory_space<vmem>>, vector<1x1x1x16xf32>,
        %get3A_493 = vector.shape_cast %get3A_492 : vector<1x1x1x16xf32> to vector<16xf32>
        %sub3A_494 = arith.subf %get3A_493, %select_n3A_460 : vector<16xf32>
        %mul3A_495 = arith.mulf %sub3A_494, %sub3A_494 : vector<16xf32>
        %add3A_496 = arith.addf %add3A_485, %mul3A_495 : vector<16xf32>
        %get3A_497 = arith.constant 2 : i32
        %get3A_498 = arith.constant 0 : i32
        %get3A_499 = arith.index_cast %get3A_497 : i32 to index
        %get3A_500 = arith.index_cast %shift_right_arithmetic3A_152 : i32 to index
        %get3A_501 = arith.index_cast %get3A_498 : i32 to index
        %get3A_502 = arith.index_cast %mul3A_156 : i32 to index
        %get3A_503 = tpu.vector_load %arg6[%get3A_499, %get3A_500, %get3A_501, %get3A_502] {strides = array<i32>} : memref<25x2x2x128xf32, #tpu.memory_space<vmem>>, vector<1x1x1x16xf32>,
        %get3A_504 = vector.shape_cast %get3A_503 : vector<1x1x1x16xf32> to vector<16xf32>
        %sub3A_505 = arith.subf %get3A_504, %select_n3A_467 : vector<16xf32>
        %mul3A_506 = arith.mulf %sub3A_505, %sub3A_505 : vector<16xf32>
        %add3A_507 = arith.addf %add3A_496, %mul3A_506 : vector<16xf32>
        %get3A_508 = arith.constant 3 : i32
        %get3A_509 = arith.constant 0 : i32
        %get3A_510 = arith.index_cast %get3A_508 : i32 to index
        %get3A_511 = arith.index_cast %shift_right_arithmetic3A_152 : i32 to index
        %get3A_512 = arith.index_cast %get3A_509 : i32 to index
        %get3A_513 = arith.index_cast %mul3A_156 : i32 to index
        %get3A_514 = tpu.vector_load %arg6[%get3A_510, %get3A_511, %get3A_512, %get3A_513] {strides = array<i32>} : memref<25x2x2x128xf32, #tpu.memory_space<vmem>>, vector<1x1x1x16xf32>,
        %get3A_515 = vector.shape_cast %get3A_514 : vector<1x1x1x16xf32> to vector<16xf32>
        %sub3A_516 = arith.subf %get3A_515, %select_n3A_474 : vector<16xf32>
        %mul3A_517 = arith.mulf %sub3A_516, %sub3A_516 : vector<16xf32>
        %add3A_518 = arith.addf %add3A_507, %mul3A_517 : vector<16xf32>
        %get3A_519 = arith.constant 4 : i32
        %get3A_520 = arith.constant 0 : i32
        %get3A_521 = arith.index_cast %get3A_519 : i32 to index
        %get3A_522 = arith.index_cast %shift_right_arithmetic3A_152 : i32 to index
        %get3A_523 = arith.index_cast %get3A_520 : i32 to index
        %get3A_524 = arith.index_cast %mul3A_156 : i32 to index
        %get3A_525 = tpu.vector_load %arg6[%get3A_521, %get3A_522, %get3A_523, %get3A_524] {strides = array<i32>} : memref<25x2x2x128xf32, #tpu.memory_space<vmem>>, vector<1x1x1x16xf32>,
        %get3A_526 = vector.shape_cast %get3A_525 : vector<1x1x1x16xf32> to vector<16xf32>
        %mul3A_527 = arith.constant 2.000000e+00 : f32
        %mul3A_528 = vector.broadcast %mul3A_527 : f32 to vector<16xf32>
        %mul3A_529 = arith.mulf %mul3A_528, %get3A_526 : vector<16xf32>
        %sub3A_530 = arith.constant 1.000000e+00 : f32
        %sub3A_531 = vector.broadcast %sub3A_530 : f32 to vector<16xf32>
        %sub3A_532 = arith.subf %sub3A_531, %mul3A_529 : vector<16xf32>
        %get3A_533 = arith.constant 5 : i32
        %get3A_534 = arith.constant 0 : i32
        %get3A_535 = arith.index_cast %get3A_533 : i32 to index
        %get3A_536 = arith.index_cast %shift_right_arithmetic3A_152 : i32 to index
        %get3A_537 = arith.index_cast %get3A_534 : i32 to index
        %get3A_538 = arith.index_cast %mul3A_156 : i32 to index
        %get3A_539 = tpu.vector_load %arg6[%get3A_535, %get3A_536, %get3A_537, %get3A_538] {strides = array<i32>} : memref<25x2x2x128xf32, #tpu.memory_space<vmem>>, vector<1x1x1x16xf32>,
        %get3A_540 = vector.shape_cast %get3A_539 : vector<1x1x1x16xf32> to vector<16xf32>
        %mul3A_541 = arith.mulf %get3A_540, %get3A_540 : vector<16xf32>
        %add3A_542 = arith.addf %mul3A_8, %mul3A_541 : vector<16xf32>
        %get3A_543 = arith.constant 6 : i32
        %get3A_544 = arith.constant 0 : i32
        %get3A_545 = arith.index_cast %get3A_543 : i32 to index
        %get3A_546 = arith.index_cast %shift_right_arithmetic3A_152 : i32 to index
        %get3A_547 = arith.index_cast %get3A_544 : i32 to index
        %get3A_548 = arith.index_cast %mul3A_156 : i32 to index
        %get3A_549 = tpu.vector_load %arg6[%get3A_545, %get3A_546, %get3A_547, %get3A_548] {strides = array<i32>} : memref<25x2x2x128xf32, #tpu.memory_space<vmem>>, vector<1x1x1x16xf32>,
        %get3A_550 = vector.shape_cast %get3A_549 : vector<1x1x1x16xf32> to vector<16xf32>
        %mul3A_551 = arith.mulf %get3A_550, %get3A_550 : vector<16xf32>
        %add3A_552 = arith.addf %add3A_542, %mul3A_551 : vector<16xf32>
        %get3A_553 = arith.constant 7 : i32
        %get3A_554 = arith.constant 0 : i32
        %get3A_555 = arith.index_cast %get3A_553 : i32 to index
        %get3A_556 = arith.index_cast %shift_right_arithmetic3A_152 : i32 to index
        %get3A_557 = arith.index_cast %get3A_554 : i32 to index
        %get3A_558 = arith.index_cast %mul3A_156 : i32 to index
        %get3A_559 = tpu.vector_load %arg6[%get3A_555, %get3A_556, %get3A_557, %get3A_558] {strides = array<i32>} : memref<25x2x2x128xf32, #tpu.memory_space<vmem>>, vector<1x1x1x16xf32>,
        %get3A_560 = vector.shape_cast %get3A_559 : vector<1x1x1x16xf32> to vector<16xf32>
        %mul3A_561 = arith.mulf %get3A_560, %get3A_560 : vector<16xf32>
        %add3A_562 = arith.addf %add3A_552, %mul3A_561 : vector<16xf32>
        %get3A_563 = arith.constant 8 : i32
        %get3A_564 = arith.constant 0 : i32
        %get3A_565 = arith.index_cast %get3A_563 : i32 to index
        %get3A_566 = arith.index_cast %shift_right_arithmetic3A_152 : i32 to index
        %get3A_567 = arith.index_cast %get3A_564 : i32 to index
        %get3A_568 = arith.index_cast %mul3A_156 : i32 to index
        %get3A_569 = tpu.vector_load %arg6[%get3A_565, %get3A_566, %get3A_567, %get3A_568] {strides = array<i32>} : memref<25x2x2x128xf32, #tpu.memory_space<vmem>>, vector<1x1x1x16xf32>,
        %get3A_570 = vector.shape_cast %get3A_569 : vector<1x1x1x16xf32> to vector<16xf32>
        %mul3A_571 = arith.mulf %get3A_570, %get3A_570 : vector<16xf32>
        %add3A_572 = arith.addf %add3A_562, %mul3A_571 : vector<16xf32>
        %get3A_573 = arith.constant 9 : i32
        %get3A_574 = arith.constant 0 : i32
        %get3A_575 = arith.index_cast %get3A_573 : i32 to index
        %get3A_576 = arith.index_cast %shift_right_arithmetic3A_152 : i32 to index
        %get3A_577 = arith.index_cast %get3A_574 : i32 to index
        %get3A_578 = arith.index_cast %mul3A_156 : i32 to index
        %get3A_579 = tpu.vector_load %arg6[%get3A_575, %get3A_576, %get3A_577, %get3A_578] {strides = array<i32>} : memref<25x2x2x128xf32, #tpu.memory_space<vmem>>, vector<1x1x1x16xf32>,
        %get3A_580 = vector.shape_cast %get3A_579 : vector<1x1x1x16xf32> to vector<16xf32>
        %mul3A_581 = arith.mulf %get3A_580, %get3A_580 : vector<16xf32>
        %add3A_582 = arith.addf %add3A_572, %mul3A_581 : vector<16xf32>
        %get3A_583 = arith.constant 10 : i32
        %get3A_584 = arith.constant 0 : i32
        %get3A_585 = arith.index_cast %get3A_583 : i32 to index
        %get3A_586 = arith.index_cast %shift_right_arithmetic3A_152 : i32 to index
        %get3A_587 = arith.index_cast %get3A_584 : i32 to index
        %get3A_588 = arith.index_cast %mul3A_156 : i32 to index
        %get3A_589 = tpu.vector_load %arg6[%get3A_585, %get3A_586, %get3A_587, %get3A_588] {strides = array<i32>} : memref<25x2x2x128xf32, #tpu.memory_space<vmem>>, vector<1x1x1x16xf32>,
        %get3A_590 = vector.shape_cast %get3A_589 : vector<1x1x1x16xf32> to vector<16xf32>
        %mul3A_591 = arith.mulf %get3A_590, %get3A_590 : vector<16xf32>
        %add3A_592 = arith.addf %add3A_582, %mul3A_591 : vector<16xf32>
        %get3A_593 = arith.constant 11 : i32
        %get3A_594 = arith.constant 0 : i32
        %get3A_595 = arith.index_cast %get3A_593 : i32 to index
        %get3A_596 = arith.index_cast %shift_right_arithmetic3A_152 : i32 to index
        %get3A_597 = arith.index_cast %get3A_594 : i32 to index
        %get3A_598 = arith.index_cast %mul3A_156 : i32 to index
        %get3A_599 = tpu.vector_load %arg6[%get3A_595, %get3A_596, %get3A_597, %get3A_598] {strides = array<i32>} : memref<25x2x2x128xf32, #tpu.memory_space<vmem>>, vector<1x1x1x16xf32>,
        %get3A_600 = vector.shape_cast %get3A_599 : vector<1x1x1x16xf32> to vector<16xf32>
        %mul3A_601 = arith.mulf %get3A_600, %get3A_600 : vector<16xf32>
        %add3A_602 = arith.addf %add3A_592, %mul3A_601 : vector<16xf32>
        %get3A_603 = arith.constant 12 : i32
        %get3A_604 = arith.constant 0 : i32
        %get3A_605 = arith.index_cast %get3A_603 : i32 to index
        %get3A_606 = arith.index_cast %shift_right_arithmetic3A_152 : i32 to index
        %get3A_607 = arith.index_cast %get3A_604 : i32 to index
        %get3A_608 = arith.index_cast %mul3A_156 : i32 to index
        %get3A_609 = tpu.vector_load %arg6[%get3A_605, %get3A_606, %get3A_607, %get3A_608] {strides = array<i32>} : memref<25x2x2x128xf32, #tpu.memory_space<vmem>>, vector<1x1x1x16xf32>,
        %get3A_610 = vector.shape_cast %get3A_609 : vector<1x1x1x16xf32> to vector<16xf32>
        %mul3A_611 = arith.mulf %get3A_610, %get3A_610 : vector<16xf32>
        %add3A_612 = arith.addf %add3A_602, %mul3A_611 : vector<16xf32>
        %get3A_613 = arith.constant 13 : i32
        %get3A_614 = arith.constant 0 : i32
        %get3A_615 = arith.index_cast %get3A_613 : i32 to index
        %get3A_616 = arith.index_cast %shift_right_arithmetic3A_152 : i32 to index
        %get3A_617 = arith.index_cast %get3A_614 : i32 to index
        %get3A_618 = arith.index_cast %mul3A_156 : i32 to index
        %get3A_619 = tpu.vector_load %arg6[%get3A_615, %get3A_616, %get3A_617, %get3A_618] {strides = array<i32>} : memref<25x2x2x128xf32, #tpu.memory_space<vmem>>, vector<1x1x1x16xf32>,
        %get3A_620 = vector.shape_cast %get3A_619 : vector<1x1x1x16xf32> to vector<16xf32>
        %mul3A_621 = arith.mulf %get3A_620, %get3A_620 : vector<16xf32>
        %add3A_622 = arith.addf %add3A_612, %mul3A_621 : vector<16xf32>
        %get3A_623 = arith.constant 14 : i32
        %get3A_624 = arith.constant 0 : i32
        %get3A_625 = arith.index_cast %get3A_623 : i32 to index
        %get3A_626 = arith.index_cast %shift_right_arithmetic3A_152 : i32 to index
        %get3A_627 = arith.index_cast %get3A_624 : i32 to index
        %get3A_628 = arith.index_cast %mul3A_156 : i32 to index
        %get3A_629 = tpu.vector_load %arg6[%get3A_625, %get3A_626, %get3A_627, %get3A_628] {strides = array<i32>} : memref<25x2x2x128xf32, #tpu.memory_space<vmem>>, vector<1x1x1x16xf32>,
        %get3A_630 = vector.shape_cast %get3A_629 : vector<1x1x1x16xf32> to vector<16xf32>
        %mul3A_631 = arith.mulf %get3A_630, %get3A_630 : vector<16xf32>
        %add3A_632 = arith.addf %add3A_622, %mul3A_631 : vector<16xf32>
        %get3A_633 = arith.constant 15 : i32
        %get3A_634 = arith.constant 0 : i32
        %get3A_635 = arith.index_cast %get3A_633 : i32 to index
        %get3A_636 = arith.index_cast %shift_right_arithmetic3A_152 : i32 to index
        %get3A_637 = arith.index_cast %get3A_634 : i32 to index
        %get3A_638 = arith.index_cast %mul3A_156 : i32 to index
        %get3A_639 = tpu.vector_load %arg6[%get3A_635, %get3A_636, %get3A_637, %get3A_638] {strides = array<i32>} : memref<25x2x2x128xf32, #tpu.memory_space<vmem>>, vector<1x1x1x16xf32>,
        %get3A_640 = vector.shape_cast %get3A_639 : vector<1x1x1x16xf32> to vector<16xf32>
        %mul3A_641 = arith.mulf %get3A_640, %get3A_640 : vector<16xf32>
        %add3A_642 = arith.addf %add3A_632, %mul3A_641 : vector<16xf32>
        %get3A_643 = arith.constant 16 : i32
        %get3A_644 = arith.constant 0 : i32
        %get3A_645 = arith.index_cast %get3A_643 : i32 to index
        %get3A_646 = arith.index_cast %shift_right_arithmetic3A_152 : i32 to index
        %get3A_647 = arith.index_cast %get3A_644 : i32 to index
        %get3A_648 = arith.index_cast %mul3A_156 : i32 to index
        %get3A_649 = tpu.vector_load %arg6[%get3A_645, %get3A_646, %get3A_647, %get3A_648] {strides = array<i32>} : memref<25x2x2x128xf32, #tpu.memory_space<vmem>>, vector<1x1x1x16xf32>,
        %get3A_650 = vector.shape_cast %get3A_649 : vector<1x1x1x16xf32> to vector<16xf32>
        %mul3A_651 = arith.mulf %get3A_650, %get3A_650 : vector<16xf32>
        %add3A_652 = arith.addf %add3A_642, %mul3A_651 : vector<16xf32>
        %get3A_653 = arith.constant 17 : i32
        %get3A_654 = arith.constant 0 : i32
        %get3A_655 = arith.index_cast %get3A_653 : i32 to index
        %get3A_656 = arith.index_cast %shift_right_arithmetic3A_152 : i32 to index
        %get3A_657 = arith.index_cast %get3A_654 : i32 to index
        %get3A_658 = arith.index_cast %mul3A_156 : i32 to index
        %get3A_659 = tpu.vector_load %arg6[%get3A_655, %get3A_656, %get3A_657, %get3A_658] {strides = array<i32>} : memref<25x2x2x128xf32, #tpu.memory_space<vmem>>, vector<1x1x1x16xf32>,
        %get3A_660 = vector.shape_cast %get3A_659 : vector<1x1x1x16xf32> to vector<16xf32>
        %mul3A_661 = arith.mulf %get3A_660, %get3A_660 : vector<16xf32>
        %add3A_662 = arith.addf %add3A_652, %mul3A_661 : vector<16xf32>
        %get3A_663 = arith.constant 18 : i32
        %get3A_664 = arith.constant 0 : i32
        %get3A_665 = arith.index_cast %get3A_663 : i32 to index
        %get3A_666 = arith.index_cast %shift_right_arithmetic3A_152 : i32 to index
        %get3A_667 = arith.index_cast %get3A_664 : i32 to index
        %get3A_668 = arith.index_cast %mul3A_156 : i32 to index
        %get3A_669 = tpu.vector_load %arg6[%get3A_665, %get3A_666, %get3A_667, %get3A_668] {strides = array<i32>} : memref<25x2x2x128xf32, #tpu.memory_space<vmem>>, vector<1x1x1x16xf32>,
        %get3A_670 = vector.shape_cast %get3A_669 : vector<1x1x1x16xf32> to vector<16xf32>
        %mul3A_671 = arith.mulf %get3A_670, %get3A_670 : vector<16xf32>
        %add3A_672 = arith.addf %add3A_662, %mul3A_671 : vector<16xf32>
        %get3A_673 = arith.constant 19 : i32
        %get3A_674 = arith.constant 0 : i32
        %get3A_675 = arith.index_cast %get3A_673 : i32 to index
        %get3A_676 = arith.index_cast %shift_right_arithmetic3A_152 : i32 to index
        %get3A_677 = arith.index_cast %get3A_674 : i32 to index
        %get3A_678 = arith.index_cast %mul3A_156 : i32 to index
        %get3A_679 = tpu.vector_load %arg6[%get3A_675, %get3A_676, %get3A_677, %get3A_678] {strides = array<i32>} : memref<25x2x2x128xf32, #tpu.memory_space<vmem>>, vector<1x1x1x16xf32>,
        %get3A_680 = vector.shape_cast %get3A_679 : vector<1x1x1x16xf32> to vector<16xf32>
        %mul3A_681 = arith.mulf %get3A_680, %get3A_680 : vector<16xf32>
        %add3A_682 = arith.addf %add3A_672, %mul3A_681 : vector<16xf32>
        %get3A_683 = arith.constant 20 : i32
        %get3A_684 = arith.constant 0 : i32
        %get3A_685 = arith.index_cast %get3A_683 : i32 to index
        %get3A_686 = arith.index_cast %shift_right_arithmetic3A_152 : i32 to index
        %get3A_687 = arith.index_cast %get3A_684 : i32 to index
        %get3A_688 = arith.index_cast %mul3A_156 : i32 to index
        %get3A_689 = tpu.vector_load %arg6[%get3A_685, %get3A_686, %get3A_687, %get3A_688] {strides = array<i32>} : memref<25x2x2x128xf32, #tpu.memory_space<vmem>>, vector<1x1x1x16xf32>,
        %get3A_690 = vector.shape_cast %get3A_689 : vector<1x1x1x16xf32> to vector<16xf32>
        %mul3A_691 = arith.mulf %get3A_690, %get3A_690 : vector<16xf32>
        %add3A_692 = arith.addf %add3A_682, %mul3A_691 : vector<16xf32>
        %get3A_693 = arith.constant 21 : i32
        %get3A_694 = arith.constant 0 : i32
        %get3A_695 = arith.index_cast %get3A_693 : i32 to index
        %get3A_696 = arith.index_cast %shift_right_arithmetic3A_152 : i32 to index
        %get3A_697 = arith.index_cast %get3A_694 : i32 to index
        %get3A_698 = arith.index_cast %mul3A_156 : i32 to index
        %get3A_699 = tpu.vector_load %arg6[%get3A_695, %get3A_696, %get3A_697, %get3A_698] {strides = array<i32>} : memref<25x2x2x128xf32, #tpu.memory_space<vmem>>, vector<1x1x1x16xf32>,
        %get3A_700 = vector.shape_cast %get3A_699 : vector<1x1x1x16xf32> to vector<16xf32>
        %mul3A_701 = arith.mulf %get3A_700, %get3A_700 : vector<16xf32>
        %add3A_702 = arith.addf %add3A_692, %mul3A_701 : vector<16xf32>
        %get3A_703 = arith.constant 22 : i32
        %get3A_704 = arith.constant 0 : i32
        %get3A_705 = arith.index_cast %get3A_703 : i32 to index
        %get3A_706 = arith.index_cast %shift_right_arithmetic3A_152 : i32 to index
        %get3A_707 = arith.index_cast %get3A_704 : i32 to index
        %get3A_708 = arith.index_cast %mul3A_156 : i32 to index
        %get3A_709 = tpu.vector_load %arg6[%get3A_705, %get3A_706, %get3A_707, %get3A_708] {strides = array<i32>} : memref<25x2x2x128xf32, #tpu.memory_space<vmem>>, vector<1x1x1x16xf32>,
        %get3A_710 = vector.shape_cast %get3A_709 : vector<1x1x1x16xf32> to vector<16xf32>
        %mul3A_711 = arith.mulf %get3A_710, %get3A_710 : vector<16xf32>
        %add3A_712 = arith.addf %add3A_702, %mul3A_711 : vector<16xf32>
        %get3A_713 = arith.constant 23 : i32
        %get3A_714 = arith.constant 0 : i32
        %get3A_715 = arith.index_cast %get3A_713 : i32 to index
        %get3A_716 = arith.index_cast %shift_right_arithmetic3A_152 : i32 to index
        %get3A_717 = arith.index_cast %get3A_714 : i32 to index
        %get3A_718 = arith.index_cast %mul3A_156 : i32 to index
        %get3A_719 = tpu.vector_load %arg6[%get3A_715, %get3A_716, %get3A_717, %get3A_718] {strides = array<i32>} : memref<25x2x2x128xf32, #tpu.memory_space<vmem>>, vector<1x1x1x16xf32>,
        %get3A_720 = vector.shape_cast %get3A_719 : vector<1x1x1x16xf32> to vector<16xf32>
        %mul3A_721 = arith.mulf %get3A_720, %get3A_720 : vector<16xf32>
        %add3A_722 = arith.addf %add3A_712, %mul3A_721 : vector<16xf32>
        %get3A_723 = arith.constant 24 : i32
        %get3A_724 = arith.constant 0 : i32
        %get3A_725 = arith.index_cast %get3A_723 : i32 to index
        %get3A_726 = arith.index_cast %shift_right_arithmetic3A_152 : i32 to index
        %get3A_727 = arith.index_cast %get3A_724 : i32 to index
        %get3A_728 = arith.index_cast %mul3A_156 : i32 to index
        %get3A_729 = tpu.vector_load %arg6[%get3A_725, %get3A_726, %get3A_727, %get3A_728] {strides = array<i32>} : memref<25x2x2x128xf32, #tpu.memory_space<vmem>>, vector<1x1x1x16xf32>,
        %get3A_730 = vector.shape_cast %get3A_729 : vector<1x1x1x16xf32> to vector<16xf32>
        %mul3A_731 = arith.mulf %get3A_730, %get3A_730 : vector<16xf32>
        %add3A_732 = arith.addf %add3A_722, %mul3A_731 : vector<16xf32>
        %mul3A_733 = arith.constant 5.000000e+00 : f32
        %mul3A_734 = vector.broadcast %mul3A_733 : f32 to vector<16xf32>
        %mul3A_735 = arith.mulf %mul3A_734, %add3A_518 : vector<16xf32>
        %add3A_736 = arith.addf %mul3A_735, %sub3A_532 : vector<16xf32>
        %add3A_737 = arith.addf %add3A_736, %add3A_732 : vector<16xf32>
        %jit3A_738 = arith.constant 0.000000e+00 : f32
        %broadcast_in_dim3A = vector.broadcast %jit3A_738 : f32 to vector<16xf32>
        %select_n3A_739 = arith.select %or3A_446, %add3A_737, %broadcast_in_dim3A : vector<16xi1>, vector<16xf32>
        %add3A_740 = arith.addf %add3A_176, %select_n3A_739 : vector<16xf32>
        scf.yield %add3A_740 : vector<16xf32>
      }
      %scan3A_142 = arith.constant 16 : i32
      %get3A = arith.constant 0 : index
      %get3A_143 = tpu.vector_load %arg13[%get3A] {strides = array<i32>} : memref<16xf32, #tpu.memory_space<vmem>>, vector<16xf32>,
      %get3A_144 = vector.shape_cast %get3A_143 : vector<16xf32> to vector<16xf32>
      %add3A_145 = arith.addf %get3A_144, %scan3A_141 : vector<16xf32>
      %swap3A_146 = arith.constant 0 : index
      %swap3A_147 = tpu.vector_load %arg13[%swap3A_146] {strides = array<i32>} : memref<16xf32, #tpu.memory_space<vmem>>, vector<16xf32>,
      %swap3A_148 = vector.shape_cast %swap3A_147 : vector<16xf32> to vector<16xf32>
      %swap3A_149 = vector.shape_cast %add3A_145 : vector<16xf32> to vector<16xf32>
      tpu.vector_store %arg13[%swap3A_146], %swap3A_149 {strides = array<i32>} : memref<16xf32, #tpu.memory_space<vmem>>, vector<16xf32>,
    } else {
    }
    %add3A_46 = arith.constant 64 : i32
    %add3A_47 = arith.addi %add3A_46, %add3A : i32
    %add3A_48 = arith.constant 96 : i32
    %add3A_49 = arith.addi %add3A_48, %add3A : i32
    %lt3A_50 = arith.constant 169 : i32
    %lt3A_51 = arith.cmpi slt, %add3A_49, %lt3A_50 : i32
    %convert_element_type3A_52 = arith.extui %lt3A_51 : i1 to i32
    %cond3A_53 = arith.constant 0 : i32
    %cond3A_54 = arith.cmpi ne, %convert_element_type3A_52, %cond3A_53 : i32
    scf.if %cond3A_54 {
      %jit3A = arith.constant 13 : i32
      %div3A = arith.divsi %add3A_49, %jit3A : i32
      %sign3A = arith.constant 0 : i32
      %sign3A_95 = arith.cmpi sgt, %add3A_49, %sign3A : i32
      %sign3A_96 = arith.extui %sign3A_95 : i1 to i32
      %sign3A_97 = arith.constant 0 : i32
      %sign3A_98 = arith.cmpi slt, %add3A_49, %sign3A_97 : i32
      %sign3A_99 = arith.extui %sign3A_98 : i1 to i32
      %sign3A_100 = arith.subi %sign3A_96, %sign3A_99 : i32
      %sign3A_101 = arith.constant 0 : i32
      %sign3A_102 = arith.cmpi sgt, %jit3A, %sign3A_101 : i32
      %sign3A_103 = arith.extui %sign3A_102 : i1 to i32
      %sign3A_104 = arith.constant 0 : i32
      %sign3A_105 = arith.cmpi slt, %jit3A, %sign3A_104 : i32
      %sign3A_106 = arith.extui %sign3A_105 : i1 to i32
      %sign3A_107 = arith.subi %sign3A_103, %sign3A_106 : i32
      %ne3A = arith.cmpi ne, %sign3A_100, %sign3A_107 : i32
      %rem3A = arith.remsi %add3A_49, %jit3A : i32
      %ne3A_108 = arith.constant 0 : i32
      %ne3A_109 = arith.cmpi ne, %rem3A, %ne3A_108 : i32
      %and3A = arith.andi %ne3A, %ne3A_109 : i1
      %sub3A = arith.constant 1 : i32
      %sub3A_110 = arith.subi %div3A, %sub3A : i32
      %select_n3A = arith.select %and3A, %sub3A_110, %div3A : i32
      %jit3A_111 = arith.constant 13 : i32
      %eq3A = arith.constant 0 : i32
      %eq3A_112 = arith.cmpi eq, %jit3A_111, %eq3A : i32
      %jit3A_113 = arith.constant 1 : i32
      %select_n3A_114 = arith.select %eq3A_112, %jit3A_113, %jit3A_111 : i32
      %rem3A_115 = arith.remsi %add3A_49, %select_n3A_114 : i32
      %ne3A_116 = arith.constant 0 : i32
      %ne3A_117 = arith.cmpi ne, %rem3A_115, %ne3A_116 : i32
      %lt3A_118 = arith.constant 0 : i32
      %lt3A_119 = arith.cmpi slt, %rem3A_115, %lt3A_118 : i32
      %lt3A_120 = arith.constant 0 : i32
      %lt3A_121 = arith.cmpi slt, %select_n3A_114, %lt3A_120 : i32
      %ne3A_122 = arith.xori %lt3A_119, %lt3A_121 : i1
      %and3A_123 = arith.andi %ne3A_122, %ne3A_117 : i1
      %add3A_124 = arith.addi %rem3A_115, %select_n3A_114 : i32
      %select_n3A_125 = arith.select %and3A_123, %add3A_124, %rem3A_115 : i32
      %dma_start3A = arith.constant 0 : i32
      %dma_start3A_126 = arith.constant 0 : i32
      %dma_start3A_127 = arith.constant 0 : i32
      %dma_start3A_128 = arith.constant 0 : i32
      %dma_start3A_129 = tpu.memref_slice %arg2[%select_n3A, %select_n3A_125, %dma_start3A, %dma_start3A_126, %dma_start3A_127, %dma_start3A_128] : memref<13x13x25x2x2x128xf32, #tpu.memory_space<hbm>> -> memref<1x1x25x2x2x128xf32, #tpu.memory_space<hbm>>
      %dma_start3A_130 = tpu.memref_squeeze %dma_start3A_129 : memref<1x1x25x2x2x128xf32, #tpu.memory_space<hbm>> -> memref<25x2x2x128xf32, #tpu.memory_space<hbm>>
      %dma_start3A_131 = arith.constant 0 : i32
      %dma_start3A_132 = arith.constant 0 : i32
      %dma_start3A_133 = arith.constant 0 : i32
      %dma_start3A_134 = arith.constant 0 : i32
      %dma_start3A_135 = tpu.memref_slice %arg2[%select_n3A, %select_n3A_125, %dma_start3A_131, %dma_start3A_132, %dma_start3A_133, %dma_start3A_134] : memref<13x13x25x2x2x128xf32, #tpu.memory_space<hbm>> -> memref<1x1x25x2x2x128xf32, #tpu.memory_space<hbm>>
      %dma_start3A_136 = tpu.memref_squeeze %dma_start3A_135 : memref<1x1x25x2x2x128xf32, #tpu.memory_space<hbm>> -> memref<25x2x2x128xf32, #tpu.memory_space<hbm>>
      tpu.enqueue_dma source(%dma_start3A_136 : memref<25x2x2x128xf32, #tpu.memory_space<hbm>>) target(%arg6 : memref<25x2x2x128xf32, #tpu.memory_space<vmem>>) target_semaphore(%arg15 : memref<!tpu.dma_semaphore, #tpu.memory_space<semaphore_mem>>)
    } else {
    }
    %lt3A_55 = arith.constant 169 : i32
    %lt3A_56 = arith.cmpi slt, %add3A_47, %lt3A_55 : i32
    %convert_element_type3A_57 = arith.extui %lt3A_56 : i1 to i32
    %cond3A_58 = arith.constant 0 : i32
    %cond3A_59 = arith.cmpi ne, %convert_element_type3A_57, %cond3A_58 : i32
    scf.if %cond3A_59 {
      %jit3A = arith.constant 13 : i32
      %div3A = arith.divsi %add3A_47, %jit3A : i32
      %sign3A = arith.constant 0 : i32
      %sign3A_95 = arith.cmpi sgt, %add3A_47, %sign3A : i32
      %sign3A_96 = arith.extui %sign3A_95 : i1 to i32
      %sign3A_97 = arith.constant 0 : i32
      %sign3A_98 = arith.cmpi slt, %add3A_47, %sign3A_97 : i32
      %sign3A_99 = arith.extui %sign3A_98 : i1 to i32
      %sign3A_100 = arith.subi %sign3A_96, %sign3A_99 : i32
      %sign3A_101 = arith.constant 0 : i32
      %sign3A_102 = arith.cmpi sgt, %jit3A, %sign3A_101 : i32
      %sign3A_103 = arith.extui %sign3A_102 : i1 to i32
      %sign3A_104 = arith.constant 0 : i32
      %sign3A_105 = arith.cmpi slt, %jit3A, %sign3A_104 : i32
      %sign3A_106 = arith.extui %sign3A_105 : i1 to i32
      %sign3A_107 = arith.subi %sign3A_103, %sign3A_106 : i32
      %ne3A = arith.cmpi ne, %sign3A_100, %sign3A_107 : i32
      %rem3A = arith.remsi %add3A_47, %jit3A : i32
      %ne3A_108 = arith.constant 0 : i32
      %ne3A_109 = arith.cmpi ne, %rem3A, %ne3A_108 : i32
      %and3A = arith.andi %ne3A, %ne3A_109 : i1
      %sub3A = arith.constant 1 : i32
      %sub3A_110 = arith.subi %div3A, %sub3A : i32
      %select_n3A = arith.select %and3A, %sub3A_110, %div3A : i32
      %jit3A_111 = arith.constant 13 : i32
      %eq3A = arith.constant 0 : i32
      %eq3A_112 = arith.cmpi eq, %jit3A_111, %eq3A : i32
      %jit3A_113 = arith.constant 1 : i32
      %select_n3A_114 = arith.select %eq3A_112, %jit3A_113, %jit3A_111 : i32
      %rem3A_115 = arith.remsi %add3A_47, %select_n3A_114 : i32
      %ne3A_116 = arith.constant 0 : i32
      %ne3A_117 = arith.cmpi ne, %rem3A_115, %ne3A_116 : i32
      %lt3A_118 = arith.constant 0 : i32
      %lt3A_119 = arith.cmpi slt, %rem3A_115, %lt3A_118 : i32
      %lt3A_120 = arith.constant 0 : i32
      %lt3A_121 = arith.cmpi slt, %select_n3A_114, %lt3A_120 : i32
      %ne3A_122 = arith.xori %lt3A_119, %lt3A_121 : i1
      %and3A_123 = arith.andi %ne3A_122, %ne3A_117 : i1
      %add3A_124 = arith.addi %rem3A_115, %select_n3A_114 : i32
      %select_n3A_125 = arith.select %and3A_123, %add3A_124, %rem3A_115 : i32
      %dma_wait3A = arith.constant 0 : i32
      %dma_wait3A_126 = arith.constant 0 : i32
      %dma_wait3A_127 = arith.constant 0 : i32
      %dma_wait3A_128 = arith.constant 0 : i32
      %dma_wait3A_129 = tpu.memref_slice %arg2[%select_n3A, %select_n3A_125, %dma_wait3A, %dma_wait3A_126, %dma_wait3A_127, %dma_wait3A_128] : memref<13x13x25x2x2x128xf32, #tpu.memory_space<hbm>> -> memref<1x1x25x2x2x128xf32, #tpu.memory_space<hbm>>
      %dma_wait3A_130 = tpu.memref_squeeze %dma_wait3A_129 : memref<1x1x25x2x2x128xf32, #tpu.memory_space<hbm>> -> memref<25x2x2x128xf32, #tpu.memory_space<hbm>>
      %dma_wait3A_131 = arith.constant 0 : i32
      %dma_wait3A_132 = arith.constant 0 : i32
      %dma_wait3A_133 = arith.constant 0 : i32
      %dma_wait3A_134 = arith.constant 0 : i32
      %dma_wait3A_135 = tpu.memref_slice %arg2[%select_n3A, %select_n3A_125, %dma_wait3A_131, %dma_wait3A_132, %dma_wait3A_133, %dma_wait3A_134] : memref<13x13x25x2x2x128xf32, #tpu.memory_space<hbm>> -> memref<1x1x25x2x2x128xf32, #tpu.memory_space<hbm>>
      %dma_wait3A_136 = tpu.memref_squeeze %dma_wait3A_135 : memref<1x1x25x2x2x128xf32, #tpu.memory_space<hbm>> -> memref<25x2x2x128xf32, #tpu.memory_space<hbm>>
      tpu.wait_dma2 semaphore(%arg14 : memref<!tpu.dma_semaphore, #tpu.memory_space<semaphore_mem>>) src(%dma_wait3A_136 : memref<25x2x2x128xf32, #tpu.memory_space<hbm>>) dst(%arg5 : memref<25x2x2x128xf32, #tpu.memory_space<vmem>>)
      %scan3A_137 = arith.constant 0 : i32
      %scan3A_138 = arith.constant 16 : i32
      %scan3A_139 = arith.addi %scan3A_137, %scan3A_138 : i32
      %scan3A_140 = arith.constant 1 : i32
      %scan3A_141 = scf.for %scan3A_150 = %scan3A_137 to %scan3A_139 step %scan3A_140 iter_args(%scan3A_151 = %mul3A_8) -> (vector<16xf32>)  : i32 {
        %shift_right_arithmetic3A = arith.constant 3 : i32
        %shift_right_arithmetic3A_152 = arith.shrsi %scan3A_150, %shift_right_arithmetic3A : i32
        %and3A_153 = arith.constant 7 : i32
        %and3A_154 = arith.andi %scan3A_150, %and3A_153 : i32
        %mul3A_155 = arith.constant 16 : i32
        %mul3A_156 = arith.muli %and3A_154, %mul3A_155 : i32
        %get3A_157 = arith.constant 4 : i32
        %get3A_158 = arith.constant 0 : i32
        %get3A_159 = arith.index_cast %get3A_157 : i32 to index
        %get3A_160 = arith.index_cast %shift_right_arithmetic3A_152 : i32 to index
        %get3A_161 = arith.index_cast %get3A_158 : i32 to index
        %get3A_162 = arith.index_cast %mul3A_156 : i32 to index
        %get3A_163 = tpu.vector_load %arg5[%get3A_159, %get3A_160, %get3A_161, %get3A_162] {strides = array<i32>} : memref<25x2x2x128xf32, #tpu.memory_space<vmem>>, vector<1x1x1x16xf32>,
        %get3A_164 = vector.shape_cast %get3A_163 : vector<1x1x1x16xf32> to vector<16xf32>
        %get3A_165 = arith.constant 4 : i32
        %get3A_166 = arith.constant 1 : i32
        %get3A_167 = arith.index_cast %get3A_165 : i32 to index
        %get3A_168 = arith.index_cast %shift_right_arithmetic3A_152 : i32 to index
        %get3A_169 = arith.index_cast %get3A_166 : i32 to index
        %get3A_170 = arith.index_cast %mul3A_156 : i32 to index
        %get3A_171 = tpu.vector_load %arg5[%get3A_167, %get3A_168, %get3A_169, %get3A_170] {strides = array<i32>} : memref<25x2x2x128xf32, #tpu.memory_space<vmem>>, vector<1x1x1x16xf32>,
        %get3A_172 = vector.shape_cast %get3A_171 : vector<1x1x1x16xf32> to vector<16xf32>
        %mul3A_173 = arith.mulf %get3A_164, %get3A_164 : vector<16xf32>
        %add3A_174 = arith.addf %scan3A_151, %mul3A_173 : vector<16xf32>
        %mul3A_175 = arith.mulf %get3A_172, %get3A_172 : vector<16xf32>
        %add3A_176 = arith.addf %add3A_174, %mul3A_175 : vector<16xf32>
        %lt3A_177 = arith.constant 0 : i32
        %lt3A_178 = vector.broadcast %lt3A_177 : i32 to vector<16xi32>
        %lt3A_179 = arith.cmpi slt, %iota3A, %lt3A_178 : vector<16xi32>
        %get3A_180 = arith.constant 0 : i32
        %get3A_181 = arith.index_cast %get3A_180 : i32 to index
        %get3A_182 = arith.index_cast %shift_right_arithmetic3A_152 : i32 to index
        %get3A_183 = arith.index_cast %mul3A_156 : i32 to index
        %get3A_184 = tpu.vector_load %arg8[%get3A_181, %get3A_182, %get3A_183] {strides = array<i32>} : memref<8x2x128xi32, #tpu.memory_space<vmem>>, vector<1x1x16xi32>,
        %get3A_185 = vector.shape_cast %get3A_184 : vector<1x1x16xi32> to vector<16xi32>
        %eq3A_186 = vector.broadcast %add3A_47 : i32 to vector<16xi32>
        %eq3A_187 = arith.cmpi eq, %get3A_185, %eq3A_186 : vector<16xi32>
        %or3A = arith.ori %lt3A_179, %eq3A_187 : vector<16xi1>
        %get3A_188 = arith.constant 0 : i32
        %get3A_189 = arith.index_cast %get3A_188 : i32 to index
        %get3A_190 = arith.index_cast %shift_right_arithmetic3A_152 : i32 to index
        %get3A_191 = arith.index_cast %mul3A_156 : i32 to index
        %get3A_192 = tpu.vector_load %arg9[%get3A_189, %get3A_190, %get3A_191] {strides = array<i32>} : memref<8x2x128xf32, #tpu.memory_space<vmem>>, vector<1x1x16xf32>,
        %get3A_193 = vector.shape_cast %get3A_192 : vector<1x1x16xf32> to vector<16xf32>
        %select_n3A_194 = arith.select %eq3A_187, %get3A_193, %mul3A_8 : vector<16xi1>, vector<16xf32>
        %get3A_195 = arith.constant 0 : i32
        %get3A_196 = arith.index_cast %get3A_195 : i32 to index
        %get3A_197 = arith.index_cast %shift_right_arithmetic3A_152 : i32 to index
        %get3A_198 = arith.index_cast %mul3A_156 : i32 to index
        %get3A_199 = tpu.vector_load %arg10[%get3A_196, %get3A_197, %get3A_198] {strides = array<i32>} : memref<8x2x128xf32, #tpu.memory_space<vmem>>, vector<1x1x16xf32>,
        %get3A_200 = vector.shape_cast %get3A_199 : vector<1x1x16xf32> to vector<16xf32>
        %select_n3A_201 = arith.select %eq3A_187, %get3A_200, %mul3A_8 : vector<16xi1>, vector<16xf32>
        %get3A_202 = arith.constant 0 : i32
        %get3A_203 = arith.index_cast %get3A_202 : i32 to index
        %get3A_204 = arith.index_cast %shift_right_arithmetic3A_152 : i32 to index
        %get3A_205 = arith.index_cast %mul3A_156 : i32 to index
        %get3A_206 = tpu.vector_load %arg11[%get3A_203, %get3A_204, %get3A_205] {strides = array<i32>} : memref<8x2x128xf32, #tpu.memory_space<vmem>>, vector<1x1x16xf32>,
        %get3A_207 = vector.shape_cast %get3A_206 : vector<1x1x16xf32> to vector<16xf32>
        %select_n3A_208 = arith.select %eq3A_187, %get3A_207, %mul3A_8 : vector<16xi1>, vector<16xf32>
        %get3A_209 = arith.constant 0 : i32
        %get3A_210 = arith.index_cast %get3A_209 : i32 to index
        %get3A_211 = arith.index_cast %shift_right_arithmetic3A_152 : i32 to index
        %get3A_212 = arith.index_cast %mul3A_156 : i32 to index
        %get3A_213 = tpu.vector_load %arg12[%get3A_210, %get3A_211, %get3A_212] {strides = array<i32>} : memref<8x2x128xf32, #tpu.memory_space<vmem>>, vector<1x1x16xf32>,
        %get3A_214 = vector.shape_cast %get3A_213 : vector<1x1x16xf32> to vector<16xf32>
        %select_n3A_215 = arith.select %eq3A_187, %get3A_214, %mul3A_8 : vector<16xi1>, vector<16xf32>
        %get3A_216 = arith.constant 1 : i32
        %get3A_217 = arith.index_cast %get3A_216 : i32 to index
        %get3A_218 = arith.index_cast %shift_right_arithmetic3A_152 : i32 to index
        %get3A_219 = arith.index_cast %mul3A_156 : i32 to index
        %get3A_220 = tpu.vector_load %arg8[%get3A_217, %get3A_218, %get3A_219] {strides = array<i32>} : memref<8x2x128xi32, #tpu.memory_space<vmem>>, vector<1x1x16xi32>,
        %get3A_221 = vector.shape_cast %get3A_220 : vector<1x1x16xi32> to vector<16xi32>
        %eq3A_222 = vector.broadcast %add3A_47 : i32 to vector<16xi32>
        %eq3A_223 = arith.cmpi eq, %get3A_221, %eq3A_222 : vector<16xi32>
        %or3A_224 = arith.ori %or3A, %eq3A_223 : vector<16xi1>
        %get3A_225 = arith.constant 1 : i32
        %get3A_226 = arith.index_cast %get3A_225 : i32 to index
        %get3A_227 = arith.index_cast %shift_right_arithmetic3A_152 : i32 to index
        %get3A_228 = arith.index_cast %mul3A_156 : i32 to index
        %get3A_229 = tpu.vector_load %arg9[%get3A_226, %get3A_227, %get3A_228] {strides = array<i32>} : memref<8x2x128xf32, #tpu.memory_space<vmem>>, vector<1x1x16xf32>,
        %get3A_230 = vector.shape_cast %get3A_229 : vector<1x1x16xf32> to vector<16xf32>
        %select_n3A_231 = arith.select %eq3A_223, %get3A_230, %select_n3A_194 : vector<16xi1>, vector<16xf32>
        %get3A_232 = arith.constant 1 : i32
        %get3A_233 = arith.index_cast %get3A_232 : i32 to index
        %get3A_234 = arith.index_cast %shift_right_arithmetic3A_152 : i32 to index
        %get3A_235 = arith.index_cast %mul3A_156 : i32 to index
        %get3A_236 = tpu.vector_load %arg10[%get3A_233, %get3A_234, %get3A_235] {strides = array<i32>} : memref<8x2x128xf32, #tpu.memory_space<vmem>>, vector<1x1x16xf32>,
        %get3A_237 = vector.shape_cast %get3A_236 : vector<1x1x16xf32> to vector<16xf32>
        %select_n3A_238 = arith.select %eq3A_223, %get3A_237, %select_n3A_201 : vector<16xi1>, vector<16xf32>
        %get3A_239 = arith.constant 1 : i32
        %get3A_240 = arith.index_cast %get3A_239 : i32 to index
        %get3A_241 = arith.index_cast %shift_right_arithmetic3A_152 : i32 to index
        %get3A_242 = arith.index_cast %mul3A_156 : i32 to index
        %get3A_243 = tpu.vector_load %arg11[%get3A_240, %get3A_241, %get3A_242] {strides = array<i32>} : memref<8x2x128xf32, #tpu.memory_space<vmem>>, vector<1x1x16xf32>,
        %get3A_244 = vector.shape_cast %get3A_243 : vector<1x1x16xf32> to vector<16xf32>
        %select_n3A_245 = arith.select %eq3A_223, %get3A_244, %select_n3A_208 : vector<16xi1>, vector<16xf32>
        %get3A_246 = arith.constant 1 : i32
        %get3A_247 = arith.index_cast %get3A_246 : i32 to index
        %get3A_248 = arith.index_cast %shift_right_arithmetic3A_152 : i32 to index
        %get3A_249 = arith.index_cast %mul3A_156 : i32 to index
        %get3A_250 = tpu.vector_load %arg12[%get3A_247, %get3A_248, %get3A_249] {strides = array<i32>} : memref<8x2x128xf32, #tpu.memory_space<vmem>>, vector<1x1x16xf32>,
        %get3A_251 = vector.shape_cast %get3A_250 : vector<1x1x16xf32> to vector<16xf32>
        %select_n3A_252 = arith.select %eq3A_223, %get3A_251, %select_n3A_215 : vector<16xi1>, vector<16xf32>
        %get3A_253 = arith.constant 2 : i32
        %get3A_254 = arith.index_cast %get3A_253 : i32 to index
        %get3A_255 = arith.index_cast %shift_right_arithmetic3A_152 : i32 to index
        %get3A_256 = arith.index_cast %mul3A_156 : i32 to index
        %get3A_257 = tpu.vector_load %arg8[%get3A_254, %get3A_255, %get3A_256] {strides = array<i32>} : memref<8x2x128xi32, #tpu.memory_space<vmem>>, vector<1x1x16xi32>,
        %get3A_258 = vector.shape_cast %get3A_257 : vector<1x1x16xi32> to vector<16xi32>
        %eq3A_259 = vector.broadcast %add3A_47 : i32 to vector<16xi32>
        %eq3A_260 = arith.cmpi eq, %get3A_258, %eq3A_259 : vector<16xi32>
        %or3A_261 = arith.ori %or3A_224, %eq3A_260 : vector<16xi1>
        %get3A_262 = arith.constant 2 : i32
        %get3A_263 = arith.index_cast %get3A_262 : i32 to index
        %get3A_264 = arith.index_cast %shift_right_arithmetic3A_152 : i32 to index
        %get3A_265 = arith.index_cast %mul3A_156 : i32 to index
        %get3A_266 = tpu.vector_load %arg9[%get3A_263, %get3A_264, %get3A_265] {strides = array<i32>} : memref<8x2x128xf32, #tpu.memory_space<vmem>>, vector<1x1x16xf32>,
        %get3A_267 = vector.shape_cast %get3A_266 : vector<1x1x16xf32> to vector<16xf32>
        %select_n3A_268 = arith.select %eq3A_260, %get3A_267, %select_n3A_231 : vector<16xi1>, vector<16xf32>
        %get3A_269 = arith.constant 2 : i32
        %get3A_270 = arith.index_cast %get3A_269 : i32 to index
        %get3A_271 = arith.index_cast %shift_right_arithmetic3A_152 : i32 to index
        %get3A_272 = arith.index_cast %mul3A_156 : i32 to index
        %get3A_273 = tpu.vector_load %arg10[%get3A_270, %get3A_271, %get3A_272] {strides = array<i32>} : memref<8x2x128xf32, #tpu.memory_space<vmem>>, vector<1x1x16xf32>,
        %get3A_274 = vector.shape_cast %get3A_273 : vector<1x1x16xf32> to vector<16xf32>
        %select_n3A_275 = arith.select %eq3A_260, %get3A_274, %select_n3A_238 : vector<16xi1>, vector<16xf32>
        %get3A_276 = arith.constant 2 : i32
        %get3A_277 = arith.index_cast %get3A_276 : i32 to index
        %get3A_278 = arith.index_cast %shift_right_arithmetic3A_152 : i32 to index
        %get3A_279 = arith.index_cast %mul3A_156 : i32 to index
        %get3A_280 = tpu.vector_load %arg11[%get3A_277, %get3A_278, %get3A_279] {strides = array<i32>} : memref<8x2x128xf32, #tpu.memory_space<vmem>>, vector<1x1x16xf32>,
        %get3A_281 = vector.shape_cast %get3A_280 : vector<1x1x16xf32> to vector<16xf32>
        %select_n3A_282 = arith.select %eq3A_260, %get3A_281, %select_n3A_245 : vector<16xi1>, vector<16xf32>
        %get3A_283 = arith.constant 2 : i32
        %get3A_284 = arith.index_cast %get3A_283 : i32 to index
        %get3A_285 = arith.index_cast %shift_right_arithmetic3A_152 : i32 to index
        %get3A_286 = arith.index_cast %mul3A_156 : i32 to index
        %get3A_287 = tpu.vector_load %arg12[%get3A_284, %get3A_285, %get3A_286] {strides = array<i32>} : memref<8x2x128xf32, #tpu.memory_space<vmem>>, vector<1x1x16xf32>,
        %get3A_288 = vector.shape_cast %get3A_287 : vector<1x1x16xf32> to vector<16xf32>
        %select_n3A_289 = arith.select %eq3A_260, %get3A_288, %select_n3A_252 : vector<16xi1>, vector<16xf32>
        %get3A_290 = arith.constant 3 : i32
        %get3A_291 = arith.index_cast %get3A_290 : i32 to index
        %get3A_292 = arith.index_cast %shift_right_arithmetic3A_152 : i32 to index
        %get3A_293 = arith.index_cast %mul3A_156 : i32 to index
        %get3A_294 = tpu.vector_load %arg8[%get3A_291, %get3A_292, %get3A_293] {strides = array<i32>} : memref<8x2x128xi32, #tpu.memory_space<vmem>>, vector<1x1x16xi32>,
        %get3A_295 = vector.shape_cast %get3A_294 : vector<1x1x16xi32> to vector<16xi32>
        %eq3A_296 = vector.broadcast %add3A_47 : i32 to vector<16xi32>
        %eq3A_297 = arith.cmpi eq, %get3A_295, %eq3A_296 : vector<16xi32>
        %or3A_298 = arith.ori %or3A_261, %eq3A_297 : vector<16xi1>
        %get3A_299 = arith.constant 3 : i32
        %get3A_300 = arith.index_cast %get3A_299 : i32 to index
        %get3A_301 = arith.index_cast %shift_right_arithmetic3A_152 : i32 to index
        %get3A_302 = arith.index_cast %mul3A_156 : i32 to index
        %get3A_303 = tpu.vector_load %arg9[%get3A_300, %get3A_301, %get3A_302] {strides = array<i32>} : memref<8x2x128xf32, #tpu.memory_space<vmem>>, vector<1x1x16xf32>,
        %get3A_304 = vector.shape_cast %get3A_303 : vector<1x1x16xf32> to vector<16xf32>
        %select_n3A_305 = arith.select %eq3A_297, %get3A_304, %select_n3A_268 : vector<16xi1>, vector<16xf32>
        %get3A_306 = arith.constant 3 : i32
        %get3A_307 = arith.index_cast %get3A_306 : i32 to index
        %get3A_308 = arith.index_cast %shift_right_arithmetic3A_152 : i32 to index
        %get3A_309 = arith.index_cast %mul3A_156 : i32 to index
        %get3A_310 = tpu.vector_load %arg10[%get3A_307, %get3A_308, %get3A_309] {strides = array<i32>} : memref<8x2x128xf32, #tpu.memory_space<vmem>>, vector<1x1x16xf32>,
        %get3A_311 = vector.shape_cast %get3A_310 : vector<1x1x16xf32> to vector<16xf32>
        %select_n3A_312 = arith.select %eq3A_297, %get3A_311, %select_n3A_275 : vector<16xi1>, vector<16xf32>
        %get3A_313 = arith.constant 3 : i32
        %get3A_314 = arith.index_cast %get3A_313 : i32 to index
        %get3A_315 = arith.index_cast %shift_right_arithmetic3A_152 : i32 to index
        %get3A_316 = arith.index_cast %mul3A_156 : i32 to index
        %get3A_317 = tpu.vector_load %arg11[%get3A_314, %get3A_315, %get3A_316] {strides = array<i32>} : memref<8x2x128xf32, #tpu.memory_space<vmem>>, vector<1x1x16xf32>,
        %get3A_318 = vector.shape_cast %get3A_317 : vector<1x1x16xf32> to vector<16xf32>
        %select_n3A_319 = arith.select %eq3A_297, %get3A_318, %select_n3A_282 : vector<16xi1>, vector<16xf32>
        %get3A_320 = arith.constant 3 : i32
        %get3A_321 = arith.index_cast %get3A_320 : i32 to index
        %get3A_322 = arith.index_cast %shift_right_arithmetic3A_152 : i32 to index
        %get3A_323 = arith.index_cast %mul3A_156 : i32 to index
        %get3A_324 = tpu.vector_load %arg12[%get3A_321, %get3A_322, %get3A_323] {strides = array<i32>} : memref<8x2x128xf32, #tpu.memory_space<vmem>>, vector<1x1x16xf32>,
        %get3A_325 = vector.shape_cast %get3A_324 : vector<1x1x16xf32> to vector<16xf32>
        %select_n3A_326 = arith.select %eq3A_297, %get3A_325, %select_n3A_289 : vector<16xi1>, vector<16xf32>
        %get3A_327 = arith.constant 4 : i32
        %get3A_328 = arith.index_cast %get3A_327 : i32 to index
        %get3A_329 = arith.index_cast %shift_right_arithmetic3A_152 : i32 to index
        %get3A_330 = arith.index_cast %mul3A_156 : i32 to index
        %get3A_331 = tpu.vector_load %arg8[%get3A_328, %get3A_329, %get3A_330] {strides = array<i32>} : memref<8x2x128xi32, #tpu.memory_space<vmem>>, vector<1x1x16xi32>,
        %get3A_332 = vector.shape_cast %get3A_331 : vector<1x1x16xi32> to vector<16xi32>
        %eq3A_333 = vector.broadcast %add3A_47 : i32 to vector<16xi32>
        %eq3A_334 = arith.cmpi eq, %get3A_332, %eq3A_333 : vector<16xi32>
        %or3A_335 = arith.ori %or3A_298, %eq3A_334 : vector<16xi1>
        %get3A_336 = arith.constant 4 : i32
        %get3A_337 = arith.index_cast %get3A_336 : i32 to index
        %get3A_338 = arith.index_cast %shift_right_arithmetic3A_152 : i32 to index
        %get3A_339 = arith.index_cast %mul3A_156 : i32 to index
        %get3A_340 = tpu.vector_load %arg9[%get3A_337, %get3A_338, %get3A_339] {strides = array<i32>} : memref<8x2x128xf32, #tpu.memory_space<vmem>>, vector<1x1x16xf32>,
        %get3A_341 = vector.shape_cast %get3A_340 : vector<1x1x16xf32> to vector<16xf32>
        %select_n3A_342 = arith.select %eq3A_334, %get3A_341, %select_n3A_305 : vector<16xi1>, vector<16xf32>
        %get3A_343 = arith.constant 4 : i32
        %get3A_344 = arith.index_cast %get3A_343 : i32 to index
        %get3A_345 = arith.index_cast %shift_right_arithmetic3A_152 : i32 to index
        %get3A_346 = arith.index_cast %mul3A_156 : i32 to index
        %get3A_347 = tpu.vector_load %arg10[%get3A_344, %get3A_345, %get3A_346] {strides = array<i32>} : memref<8x2x128xf32, #tpu.memory_space<vmem>>, vector<1x1x16xf32>,
        %get3A_348 = vector.shape_cast %get3A_347 : vector<1x1x16xf32> to vector<16xf32>
        %select_n3A_349 = arith.select %eq3A_334, %get3A_348, %select_n3A_312 : vector<16xi1>, vector<16xf32>
        %get3A_350 = arith.constant 4 : i32
        %get3A_351 = arith.index_cast %get3A_350 : i32 to index
        %get3A_352 = arith.index_cast %shift_right_arithmetic3A_152 : i32 to index
        %get3A_353 = arith.index_cast %mul3A_156 : i32 to index
        %get3A_354 = tpu.vector_load %arg11[%get3A_351, %get3A_352, %get3A_353] {strides = array<i32>} : memref<8x2x128xf32, #tpu.memory_space<vmem>>, vector<1x1x16xf32>,
        %get3A_355 = vector.shape_cast %get3A_354 : vector<1x1x16xf32> to vector<16xf32>
        %select_n3A_356 = arith.select %eq3A_334, %get3A_355, %select_n3A_319 : vector<16xi1>, vector<16xf32>
        %get3A_357 = arith.constant 4 : i32
        %get3A_358 = arith.index_cast %get3A_357 : i32 to index
        %get3A_359 = arith.index_cast %shift_right_arithmetic3A_152 : i32 to index
        %get3A_360 = arith.index_cast %mul3A_156 : i32 to index
        %get3A_361 = tpu.vector_load %arg12[%get3A_358, %get3A_359, %get3A_360] {strides = array<i32>} : memref<8x2x128xf32, #tpu.memory_space<vmem>>, vector<1x1x16xf32>,
        %get3A_362 = vector.shape_cast %get3A_361 : vector<1x1x16xf32> to vector<16xf32>
        %select_n3A_363 = arith.select %eq3A_334, %get3A_362, %select_n3A_326 : vector<16xi1>, vector<16xf32>
        %get3A_364 = arith.constant 5 : i32
        %get3A_365 = arith.index_cast %get3A_364 : i32 to index
        %get3A_366 = arith.index_cast %shift_right_arithmetic3A_152 : i32 to index
        %get3A_367 = arith.index_cast %mul3A_156 : i32 to index
        %get3A_368 = tpu.vector_load %arg8[%get3A_365, %get3A_366, %get3A_367] {strides = array<i32>} : memref<8x2x128xi32, #tpu.memory_space<vmem>>, vector<1x1x16xi32>,
        %get3A_369 = vector.shape_cast %get3A_368 : vector<1x1x16xi32> to vector<16xi32>
        %eq3A_370 = vector.broadcast %add3A_47 : i32 to vector<16xi32>
        %eq3A_371 = arith.cmpi eq, %get3A_369, %eq3A_370 : vector<16xi32>
        %or3A_372 = arith.ori %or3A_335, %eq3A_371 : vector<16xi1>
        %get3A_373 = arith.constant 5 : i32
        %get3A_374 = arith.index_cast %get3A_373 : i32 to index
        %get3A_375 = arith.index_cast %shift_right_arithmetic3A_152 : i32 to index
        %get3A_376 = arith.index_cast %mul3A_156 : i32 to index
        %get3A_377 = tpu.vector_load %arg9[%get3A_374, %get3A_375, %get3A_376] {strides = array<i32>} : memref<8x2x128xf32, #tpu.memory_space<vmem>>, vector<1x1x16xf32>,
        %get3A_378 = vector.shape_cast %get3A_377 : vector<1x1x16xf32> to vector<16xf32>
        %select_n3A_379 = arith.select %eq3A_371, %get3A_378, %select_n3A_342 : vector<16xi1>, vector<16xf32>
        %get3A_380 = arith.constant 5 : i32
        %get3A_381 = arith.index_cast %get3A_380 : i32 to index
        %get3A_382 = arith.index_cast %shift_right_arithmetic3A_152 : i32 to index
        %get3A_383 = arith.index_cast %mul3A_156 : i32 to index
        %get3A_384 = tpu.vector_load %arg10[%get3A_381, %get3A_382, %get3A_383] {strides = array<i32>} : memref<8x2x128xf32, #tpu.memory_space<vmem>>, vector<1x1x16xf32>,
        %get3A_385 = vector.shape_cast %get3A_384 : vector<1x1x16xf32> to vector<16xf32>
        %select_n3A_386 = arith.select %eq3A_371, %get3A_385, %select_n3A_349 : vector<16xi1>, vector<16xf32>
        %get3A_387 = arith.constant 5 : i32
        %get3A_388 = arith.index_cast %get3A_387 : i32 to index
        %get3A_389 = arith.index_cast %shift_right_arithmetic3A_152 : i32 to index
        %get3A_390 = arith.index_cast %mul3A_156 : i32 to index
        %get3A_391 = tpu.vector_load %arg11[%get3A_388, %get3A_389, %get3A_390] {strides = array<i32>} : memref<8x2x128xf32, #tpu.memory_space<vmem>>, vector<1x1x16xf32>,
        %get3A_392 = vector.shape_cast %get3A_391 : vector<1x1x16xf32> to vector<16xf32>
        %select_n3A_393 = arith.select %eq3A_371, %get3A_392, %select_n3A_356 : vector<16xi1>, vector<16xf32>
        %get3A_394 = arith.constant 5 : i32
        %get3A_395 = arith.index_cast %get3A_394 : i32 to index
        %get3A_396 = arith.index_cast %shift_right_arithmetic3A_152 : i32 to index
        %get3A_397 = arith.index_cast %mul3A_156 : i32 to index
        %get3A_398 = tpu.vector_load %arg12[%get3A_395, %get3A_396, %get3A_397] {strides = array<i32>} : memref<8x2x128xf32, #tpu.memory_space<vmem>>, vector<1x1x16xf32>,
        %get3A_399 = vector.shape_cast %get3A_398 : vector<1x1x16xf32> to vector<16xf32>
        %select_n3A_400 = arith.select %eq3A_371, %get3A_399, %select_n3A_363 : vector<16xi1>, vector<16xf32>
        %get3A_401 = arith.constant 6 : i32
        %get3A_402 = arith.index_cast %get3A_401 : i32 to index
        %get3A_403 = arith.index_cast %shift_right_arithmetic3A_152 : i32 to index
        %get3A_404 = arith.index_cast %mul3A_156 : i32 to index
        %get3A_405 = tpu.vector_load %arg8[%get3A_402, %get3A_403, %get3A_404] {strides = array<i32>} : memref<8x2x128xi32, #tpu.memory_space<vmem>>, vector<1x1x16xi32>,
        %get3A_406 = vector.shape_cast %get3A_405 : vector<1x1x16xi32> to vector<16xi32>
        %eq3A_407 = vector.broadcast %add3A_47 : i32 to vector<16xi32>
        %eq3A_408 = arith.cmpi eq, %get3A_406, %eq3A_407 : vector<16xi32>
        %or3A_409 = arith.ori %or3A_372, %eq3A_408 : vector<16xi1>
        %get3A_410 = arith.constant 6 : i32
        %get3A_411 = arith.index_cast %get3A_410 : i32 to index
        %get3A_412 = arith.index_cast %shift_right_arithmetic3A_152 : i32 to index
        %get3A_413 = arith.index_cast %mul3A_156 : i32 to index
        %get3A_414 = tpu.vector_load %arg9[%get3A_411, %get3A_412, %get3A_413] {strides = array<i32>} : memref<8x2x128xf32, #tpu.memory_space<vmem>>, vector<1x1x16xf32>,
        %get3A_415 = vector.shape_cast %get3A_414 : vector<1x1x16xf32> to vector<16xf32>
        %select_n3A_416 = arith.select %eq3A_408, %get3A_415, %select_n3A_379 : vector<16xi1>, vector<16xf32>
        %get3A_417 = arith.constant 6 : i32
        %get3A_418 = arith.index_cast %get3A_417 : i32 to index
        %get3A_419 = arith.index_cast %shift_right_arithmetic3A_152 : i32 to index
        %get3A_420 = arith.index_cast %mul3A_156 : i32 to index
        %get3A_421 = tpu.vector_load %arg10[%get3A_418, %get3A_419, %get3A_420] {strides = array<i32>} : memref<8x2x128xf32, #tpu.memory_space<vmem>>, vector<1x1x16xf32>,
        %get3A_422 = vector.shape_cast %get3A_421 : vector<1x1x16xf32> to vector<16xf32>
        %select_n3A_423 = arith.select %eq3A_408, %get3A_422, %select_n3A_386 : vector<16xi1>, vector<16xf32>
        %get3A_424 = arith.constant 6 : i32
        %get3A_425 = arith.index_cast %get3A_424 : i32 to index
        %get3A_426 = arith.index_cast %shift_right_arithmetic3A_152 : i32 to index
        %get3A_427 = arith.index_cast %mul3A_156 : i32 to index
        %get3A_428 = tpu.vector_load %arg11[%get3A_425, %get3A_426, %get3A_427] {strides = array<i32>} : memref<8x2x128xf32, #tpu.memory_space<vmem>>, vector<1x1x16xf32>,
        %get3A_429 = vector.shape_cast %get3A_428 : vector<1x1x16xf32> to vector<16xf32>
        %select_n3A_430 = arith.select %eq3A_408, %get3A_429, %select_n3A_393 : vector<16xi1>, vector<16xf32>
        %get3A_431 = arith.constant 6 : i32
        %get3A_432 = arith.index_cast %get3A_431 : i32 to index
        %get3A_433 = arith.index_cast %shift_right_arithmetic3A_152 : i32 to index
        %get3A_434 = arith.index_cast %mul3A_156 : i32 to index
        %get3A_435 = tpu.vector_load %arg12[%get3A_432, %get3A_433, %get3A_434] {strides = array<i32>} : memref<8x2x128xf32, #tpu.memory_space<vmem>>, vector<1x1x16xf32>,
        %get3A_436 = vector.shape_cast %get3A_435 : vector<1x1x16xf32> to vector<16xf32>
        %select_n3A_437 = arith.select %eq3A_408, %get3A_436, %select_n3A_400 : vector<16xi1>, vector<16xf32>
        %get3A_438 = arith.constant 7 : i32
        %get3A_439 = arith.index_cast %get3A_438 : i32 to index
        %get3A_440 = arith.index_cast %shift_right_arithmetic3A_152 : i32 to index
        %get3A_441 = arith.index_cast %mul3A_156 : i32 to index
        %get3A_442 = tpu.vector_load %arg8[%get3A_439, %get3A_440, %get3A_441] {strides = array<i32>} : memref<8x2x128xi32, #tpu.memory_space<vmem>>, vector<1x1x16xi32>,
        %get3A_443 = vector.shape_cast %get3A_442 : vector<1x1x16xi32> to vector<16xi32>
        %eq3A_444 = vector.broadcast %add3A_47 : i32 to vector<16xi32>
        %eq3A_445 = arith.cmpi eq, %get3A_443, %eq3A_444 : vector<16xi32>
        %or3A_446 = arith.ori %or3A_409, %eq3A_445 : vector<16xi1>
        %get3A_447 = arith.constant 7 : i32
        %get3A_448 = arith.index_cast %get3A_447 : i32 to index
        %get3A_449 = arith.index_cast %shift_right_arithmetic3A_152 : i32 to index
        %get3A_450 = arith.index_cast %mul3A_156 : i32 to index
        %get3A_451 = tpu.vector_load %arg9[%get3A_448, %get3A_449, %get3A_450] {strides = array<i32>} : memref<8x2x128xf32, #tpu.memory_space<vmem>>, vector<1x1x16xf32>,
        %get3A_452 = vector.shape_cast %get3A_451 : vector<1x1x16xf32> to vector<16xf32>
        %select_n3A_453 = arith.select %eq3A_445, %get3A_452, %select_n3A_416 : vector<16xi1>, vector<16xf32>
        %get3A_454 = arith.constant 7 : i32
        %get3A_455 = arith.index_cast %get3A_454 : i32 to index
        %get3A_456 = arith.index_cast %shift_right_arithmetic3A_152 : i32 to index
        %get3A_457 = arith.index_cast %mul3A_156 : i32 to index
        %get3A_458 = tpu.vector_load %arg10[%get3A_455, %get3A_456, %get3A_457] {strides = array<i32>} : memref<8x2x128xf32, #tpu.memory_space<vmem>>, vector<1x1x16xf32>,
        %get3A_459 = vector.shape_cast %get3A_458 : vector<1x1x16xf32> to vector<16xf32>
        %select_n3A_460 = arith.select %eq3A_445, %get3A_459, %select_n3A_423 : vector<16xi1>, vector<16xf32>
        %get3A_461 = arith.constant 7 : i32
        %get3A_462 = arith.index_cast %get3A_461 : i32 to index
        %get3A_463 = arith.index_cast %shift_right_arithmetic3A_152 : i32 to index
        %get3A_464 = arith.index_cast %mul3A_156 : i32 to index
        %get3A_465 = tpu.vector_load %arg11[%get3A_462, %get3A_463, %get3A_464] {strides = array<i32>} : memref<8x2x128xf32, #tpu.memory_space<vmem>>, vector<1x1x16xf32>,
        %get3A_466 = vector.shape_cast %get3A_465 : vector<1x1x16xf32> to vector<16xf32>
        %select_n3A_467 = arith.select %eq3A_445, %get3A_466, %select_n3A_430 : vector<16xi1>, vector<16xf32>
        %get3A_468 = arith.constant 7 : i32
        %get3A_469 = arith.index_cast %get3A_468 : i32 to index
        %get3A_470 = arith.index_cast %shift_right_arithmetic3A_152 : i32 to index
        %get3A_471 = arith.index_cast %mul3A_156 : i32 to index
        %get3A_472 = tpu.vector_load %arg12[%get3A_469, %get3A_470, %get3A_471] {strides = array<i32>} : memref<8x2x128xf32, #tpu.memory_space<vmem>>, vector<1x1x16xf32>,
        %get3A_473 = vector.shape_cast %get3A_472 : vector<1x1x16xf32> to vector<16xf32>
        %select_n3A_474 = arith.select %eq3A_445, %get3A_473, %select_n3A_437 : vector<16xi1>, vector<16xf32>
        %get3A_475 = arith.constant 0 : i32
        %get3A_476 = arith.constant 0 : i32
        %get3A_477 = arith.index_cast %get3A_475 : i32 to index
        %get3A_478 = arith.index_cast %shift_right_arithmetic3A_152 : i32 to index
        %get3A_479 = arith.index_cast %get3A_476 : i32 to index
        %get3A_480 = arith.index_cast %mul3A_156 : i32 to index
        %get3A_481 = tpu.vector_load %arg5[%get3A_477, %get3A_478, %get3A_479, %get3A_480] {strides = array<i32>} : memref<25x2x2x128xf32, #tpu.memory_space<vmem>>, vector<1x1x1x16xf32>,
        %get3A_482 = vector.shape_cast %get3A_481 : vector<1x1x1x16xf32> to vector<16xf32>
        %sub3A_483 = arith.subf %get3A_482, %select_n3A_453 : vector<16xf32>
        %mul3A_484 = arith.mulf %sub3A_483, %sub3A_483 : vector<16xf32>
        %add3A_485 = arith.addf %mul3A_8, %mul3A_484 : vector<16xf32>
        %get3A_486 = arith.constant 1 : i32
        %get3A_487 = arith.constant 0 : i32
        %get3A_488 = arith.index_cast %get3A_486 : i32 to index
        %get3A_489 = arith.index_cast %shift_right_arithmetic3A_152 : i32 to index
        %get3A_490 = arith.index_cast %get3A_487 : i32 to index
        %get3A_491 = arith.index_cast %mul3A_156 : i32 to index
        %get3A_492 = tpu.vector_load %arg5[%get3A_488, %get3A_489, %get3A_490, %get3A_491] {strides = array<i32>} : memref<25x2x2x128xf32, #tpu.memory_space<vmem>>, vector<1x1x1x16xf32>,
        %get3A_493 = vector.shape_cast %get3A_492 : vector<1x1x1x16xf32> to vector<16xf32>
        %sub3A_494 = arith.subf %get3A_493, %select_n3A_460 : vector<16xf32>
        %mul3A_495 = arith.mulf %sub3A_494, %sub3A_494 : vector<16xf32>
        %add3A_496 = arith.addf %add3A_485, %mul3A_495 : vector<16xf32>
        %get3A_497 = arith.constant 2 : i32
        %get3A_498 = arith.constant 0 : i32
        %get3A_499 = arith.index_cast %get3A_497 : i32 to index
        %get3A_500 = arith.index_cast %shift_right_arithmetic3A_152 : i32 to index
        %get3A_501 = arith.index_cast %get3A_498 : i32 to index
        %get3A_502 = arith.index_cast %mul3A_156 : i32 to index
        %get3A_503 = tpu.vector_load %arg5[%get3A_499, %get3A_500, %get3A_501, %get3A_502] {strides = array<i32>} : memref<25x2x2x128xf32, #tpu.memory_space<vmem>>, vector<1x1x1x16xf32>,
        %get3A_504 = vector.shape_cast %get3A_503 : vector<1x1x1x16xf32> to vector<16xf32>
        %sub3A_505 = arith.subf %get3A_504, %select_n3A_467 : vector<16xf32>
        %mul3A_506 = arith.mulf %sub3A_505, %sub3A_505 : vector<16xf32>
        %add3A_507 = arith.addf %add3A_496, %mul3A_506 : vector<16xf32>
        %get3A_508 = arith.constant 3 : i32
        %get3A_509 = arith.constant 0 : i32
        %get3A_510 = arith.index_cast %get3A_508 : i32 to index
        %get3A_511 = arith.index_cast %shift_right_arithmetic3A_152 : i32 to index
        %get3A_512 = arith.index_cast %get3A_509 : i32 to index
        %get3A_513 = arith.index_cast %mul3A_156 : i32 to index
        %get3A_514 = tpu.vector_load %arg5[%get3A_510, %get3A_511, %get3A_512, %get3A_513] {strides = array<i32>} : memref<25x2x2x128xf32, #tpu.memory_space<vmem>>, vector<1x1x1x16xf32>,
        %get3A_515 = vector.shape_cast %get3A_514 : vector<1x1x1x16xf32> to vector<16xf32>
        %sub3A_516 = arith.subf %get3A_515, %select_n3A_474 : vector<16xf32>
        %mul3A_517 = arith.mulf %sub3A_516, %sub3A_516 : vector<16xf32>
        %add3A_518 = arith.addf %add3A_507, %mul3A_517 : vector<16xf32>
        %get3A_519 = arith.constant 4 : i32
        %get3A_520 = arith.constant 0 : i32
        %get3A_521 = arith.index_cast %get3A_519 : i32 to index
        %get3A_522 = arith.index_cast %shift_right_arithmetic3A_152 : i32 to index
        %get3A_523 = arith.index_cast %get3A_520 : i32 to index
        %get3A_524 = arith.index_cast %mul3A_156 : i32 to index
        %get3A_525 = tpu.vector_load %arg5[%get3A_521, %get3A_522, %get3A_523, %get3A_524] {strides = array<i32>} : memref<25x2x2x128xf32, #tpu.memory_space<vmem>>, vector<1x1x1x16xf32>,
        %get3A_526 = vector.shape_cast %get3A_525 : vector<1x1x1x16xf32> to vector<16xf32>
        %mul3A_527 = arith.constant 2.000000e+00 : f32
        %mul3A_528 = vector.broadcast %mul3A_527 : f32 to vector<16xf32>
        %mul3A_529 = arith.mulf %mul3A_528, %get3A_526 : vector<16xf32>
        %sub3A_530 = arith.constant 1.000000e+00 : f32
        %sub3A_531 = vector.broadcast %sub3A_530 : f32 to vector<16xf32>
        %sub3A_532 = arith.subf %sub3A_531, %mul3A_529 : vector<16xf32>
        %get3A_533 = arith.constant 5 : i32
        %get3A_534 = arith.constant 0 : i32
        %get3A_535 = arith.index_cast %get3A_533 : i32 to index
        %get3A_536 = arith.index_cast %shift_right_arithmetic3A_152 : i32 to index
        %get3A_537 = arith.index_cast %get3A_534 : i32 to index
        %get3A_538 = arith.index_cast %mul3A_156 : i32 to index
        %get3A_539 = tpu.vector_load %arg5[%get3A_535, %get3A_536, %get3A_537, %get3A_538] {strides = array<i32>} : memref<25x2x2x128xf32, #tpu.memory_space<vmem>>, vector<1x1x1x16xf32>,
        %get3A_540 = vector.shape_cast %get3A_539 : vector<1x1x1x16xf32> to vector<16xf32>
        %mul3A_541 = arith.mulf %get3A_540, %get3A_540 : vector<16xf32>
        %add3A_542 = arith.addf %mul3A_8, %mul3A_541 : vector<16xf32>
        %get3A_543 = arith.constant 6 : i32
        %get3A_544 = arith.constant 0 : i32
        %get3A_545 = arith.index_cast %get3A_543 : i32 to index
        %get3A_546 = arith.index_cast %shift_right_arithmetic3A_152 : i32 to index
        %get3A_547 = arith.index_cast %get3A_544 : i32 to index
        %get3A_548 = arith.index_cast %mul3A_156 : i32 to index
        %get3A_549 = tpu.vector_load %arg5[%get3A_545, %get3A_546, %get3A_547, %get3A_548] {strides = array<i32>} : memref<25x2x2x128xf32, #tpu.memory_space<vmem>>, vector<1x1x1x16xf32>,
        %get3A_550 = vector.shape_cast %get3A_549 : vector<1x1x1x16xf32> to vector<16xf32>
        %mul3A_551 = arith.mulf %get3A_550, %get3A_550 : vector<16xf32>
        %add3A_552 = arith.addf %add3A_542, %mul3A_551 : vector<16xf32>
        %get3A_553 = arith.constant 7 : i32
        %get3A_554 = arith.constant 0 : i32
        %get3A_555 = arith.index_cast %get3A_553 : i32 to index
        %get3A_556 = arith.index_cast %shift_right_arithmetic3A_152 : i32 to index
        %get3A_557 = arith.index_cast %get3A_554 : i32 to index
        %get3A_558 = arith.index_cast %mul3A_156 : i32 to index
        %get3A_559 = tpu.vector_load %arg5[%get3A_555, %get3A_556, %get3A_557, %get3A_558] {strides = array<i32>} : memref<25x2x2x128xf32, #tpu.memory_space<vmem>>, vector<1x1x1x16xf32>,
        %get3A_560 = vector.shape_cast %get3A_559 : vector<1x1x1x16xf32> to vector<16xf32>
        %mul3A_561 = arith.mulf %get3A_560, %get3A_560 : vector<16xf32>
        %add3A_562 = arith.addf %add3A_552, %mul3A_561 : vector<16xf32>
        %get3A_563 = arith.constant 8 : i32
        %get3A_564 = arith.constant 0 : i32
        %get3A_565 = arith.index_cast %get3A_563 : i32 to index
        %get3A_566 = arith.index_cast %shift_right_arithmetic3A_152 : i32 to index
        %get3A_567 = arith.index_cast %get3A_564 : i32 to index
        %get3A_568 = arith.index_cast %mul3A_156 : i32 to index
        %get3A_569 = tpu.vector_load %arg5[%get3A_565, %get3A_566, %get3A_567, %get3A_568] {strides = array<i32>} : memref<25x2x2x128xf32, #tpu.memory_space<vmem>>, vector<1x1x1x16xf32>,
        %get3A_570 = vector.shape_cast %get3A_569 : vector<1x1x1x16xf32> to vector<16xf32>
        %mul3A_571 = arith.mulf %get3A_570, %get3A_570 : vector<16xf32>
        %add3A_572 = arith.addf %add3A_562, %mul3A_571 : vector<16xf32>
        %get3A_573 = arith.constant 9 : i32
        %get3A_574 = arith.constant 0 : i32
        %get3A_575 = arith.index_cast %get3A_573 : i32 to index
        %get3A_576 = arith.index_cast %shift_right_arithmetic3A_152 : i32 to index
        %get3A_577 = arith.index_cast %get3A_574 : i32 to index
        %get3A_578 = arith.index_cast %mul3A_156 : i32 to index
        %get3A_579 = tpu.vector_load %arg5[%get3A_575, %get3A_576, %get3A_577, %get3A_578] {strides = array<i32>} : memref<25x2x2x128xf32, #tpu.memory_space<vmem>>, vector<1x1x1x16xf32>,
        %get3A_580 = vector.shape_cast %get3A_579 : vector<1x1x1x16xf32> to vector<16xf32>
        %mul3A_581 = arith.mulf %get3A_580, %get3A_580 : vector<16xf32>
        %add3A_582 = arith.addf %add3A_572, %mul3A_581 : vector<16xf32>
        %get3A_583 = arith.constant 10 : i32
        %get3A_584 = arith.constant 0 : i32
        %get3A_585 = arith.index_cast %get3A_583 : i32 to index
        %get3A_586 = arith.index_cast %shift_right_arithmetic3A_152 : i32 to index
        %get3A_587 = arith.index_cast %get3A_584 : i32 to index
        %get3A_588 = arith.index_cast %mul3A_156 : i32 to index
        %get3A_589 = tpu.vector_load %arg5[%get3A_585, %get3A_586, %get3A_587, %get3A_588] {strides = array<i32>} : memref<25x2x2x128xf32, #tpu.memory_space<vmem>>, vector<1x1x1x16xf32>,
        %get3A_590 = vector.shape_cast %get3A_589 : vector<1x1x1x16xf32> to vector<16xf32>
        %mul3A_591 = arith.mulf %get3A_590, %get3A_590 : vector<16xf32>
        %add3A_592 = arith.addf %add3A_582, %mul3A_591 : vector<16xf32>
        %get3A_593 = arith.constant 11 : i32
        %get3A_594 = arith.constant 0 : i32
        %get3A_595 = arith.index_cast %get3A_593 : i32 to index
        %get3A_596 = arith.index_cast %shift_right_arithmetic3A_152 : i32 to index
        %get3A_597 = arith.index_cast %get3A_594 : i32 to index
        %get3A_598 = arith.index_cast %mul3A_156 : i32 to index
        %get3A_599 = tpu.vector_load %arg5[%get3A_595, %get3A_596, %get3A_597, %get3A_598] {strides = array<i32>} : memref<25x2x2x128xf32, #tpu.memory_space<vmem>>, vector<1x1x1x16xf32>,
        %get3A_600 = vector.shape_cast %get3A_599 : vector<1x1x1x16xf32> to vector<16xf32>
        %mul3A_601 = arith.mulf %get3A_600, %get3A_600 : vector<16xf32>
        %add3A_602 = arith.addf %add3A_592, %mul3A_601 : vector<16xf32>
        %get3A_603 = arith.constant 12 : i32
        %get3A_604 = arith.constant 0 : i32
        %get3A_605 = arith.index_cast %get3A_603 : i32 to index
        %get3A_606 = arith.index_cast %shift_right_arithmetic3A_152 : i32 to index
        %get3A_607 = arith.index_cast %get3A_604 : i32 to index
        %get3A_608 = arith.index_cast %mul3A_156 : i32 to index
        %get3A_609 = tpu.vector_load %arg5[%get3A_605, %get3A_606, %get3A_607, %get3A_608] {strides = array<i32>} : memref<25x2x2x128xf32, #tpu.memory_space<vmem>>, vector<1x1x1x16xf32>,
        %get3A_610 = vector.shape_cast %get3A_609 : vector<1x1x1x16xf32> to vector<16xf32>
        %mul3A_611 = arith.mulf %get3A_610, %get3A_610 : vector<16xf32>
        %add3A_612 = arith.addf %add3A_602, %mul3A_611 : vector<16xf32>
        %get3A_613 = arith.constant 13 : i32
        %get3A_614 = arith.constant 0 : i32
        %get3A_615 = arith.index_cast %get3A_613 : i32 to index
        %get3A_616 = arith.index_cast %shift_right_arithmetic3A_152 : i32 to index
        %get3A_617 = arith.index_cast %get3A_614 : i32 to index
        %get3A_618 = arith.index_cast %mul3A_156 : i32 to index
        %get3A_619 = tpu.vector_load %arg5[%get3A_615, %get3A_616, %get3A_617, %get3A_618] {strides = array<i32>} : memref<25x2x2x128xf32, #tpu.memory_space<vmem>>, vector<1x1x1x16xf32>,
        %get3A_620 = vector.shape_cast %get3A_619 : vector<1x1x1x16xf32> to vector<16xf32>
        %mul3A_621 = arith.mulf %get3A_620, %get3A_620 : vector<16xf32>
        %add3A_622 = arith.addf %add3A_612, %mul3A_621 : vector<16xf32>
        %get3A_623 = arith.constant 14 : i32
        %get3A_624 = arith.constant 0 : i32
        %get3A_625 = arith.index_cast %get3A_623 : i32 to index
        %get3A_626 = arith.index_cast %shift_right_arithmetic3A_152 : i32 to index
        %get3A_627 = arith.index_cast %get3A_624 : i32 to index
        %get3A_628 = arith.index_cast %mul3A_156 : i32 to index
        %get3A_629 = tpu.vector_load %arg5[%get3A_625, %get3A_626, %get3A_627, %get3A_628] {strides = array<i32>} : memref<25x2x2x128xf32, #tpu.memory_space<vmem>>, vector<1x1x1x16xf32>,
        %get3A_630 = vector.shape_cast %get3A_629 : vector<1x1x1x16xf32> to vector<16xf32>
        %mul3A_631 = arith.mulf %get3A_630, %get3A_630 : vector<16xf32>
        %add3A_632 = arith.addf %add3A_622, %mul3A_631 : vector<16xf32>
        %get3A_633 = arith.constant 15 : i32
        %get3A_634 = arith.constant 0 : i32
        %get3A_635 = arith.index_cast %get3A_633 : i32 to index
        %get3A_636 = arith.index_cast %shift_right_arithmetic3A_152 : i32 to index
        %get3A_637 = arith.index_cast %get3A_634 : i32 to index
        %get3A_638 = arith.index_cast %mul3A_156 : i32 to index
        %get3A_639 = tpu.vector_load %arg5[%get3A_635, %get3A_636, %get3A_637, %get3A_638] {strides = array<i32>} : memref<25x2x2x128xf32, #tpu.memory_space<vmem>>, vector<1x1x1x16xf32>,
        %get3A_640 = vector.shape_cast %get3A_639 : vector<1x1x1x16xf32> to vector<16xf32>
        %mul3A_641 = arith.mulf %get3A_640, %get3A_640 : vector<16xf32>
        %add3A_642 = arith.addf %add3A_632, %mul3A_641 : vector<16xf32>
        %get3A_643 = arith.constant 16 : i32
        %get3A_644 = arith.constant 0 : i32
        %get3A_645 = arith.index_cast %get3A_643 : i32 to index
        %get3A_646 = arith.index_cast %shift_right_arithmetic3A_152 : i32 to index
        %get3A_647 = arith.index_cast %get3A_644 : i32 to index
        %get3A_648 = arith.index_cast %mul3A_156 : i32 to index
        %get3A_649 = tpu.vector_load %arg5[%get3A_645, %get3A_646, %get3A_647, %get3A_648] {strides = array<i32>} : memref<25x2x2x128xf32, #tpu.memory_space<vmem>>, vector<1x1x1x16xf32>,
        %get3A_650 = vector.shape_cast %get3A_649 : vector<1x1x1x16xf32> to vector<16xf32>
        %mul3A_651 = arith.mulf %get3A_650, %get3A_650 : vector<16xf32>
        %add3A_652 = arith.addf %add3A_642, %mul3A_651 : vector<16xf32>
        %get3A_653 = arith.constant 17 : i32
        %get3A_654 = arith.constant 0 : i32
        %get3A_655 = arith.index_cast %get3A_653 : i32 to index
        %get3A_656 = arith.index_cast %shift_right_arithmetic3A_152 : i32 to index
        %get3A_657 = arith.index_cast %get3A_654 : i32 to index
        %get3A_658 = arith.index_cast %mul3A_156 : i32 to index
        %get3A_659 = tpu.vector_load %arg5[%get3A_655, %get3A_656, %get3A_657, %get3A_658] {strides = array<i32>} : memref<25x2x2x128xf32, #tpu.memory_space<vmem>>, vector<1x1x1x16xf32>,
        %get3A_660 = vector.shape_cast %get3A_659 : vector<1x1x1x16xf32> to vector<16xf32>
        %mul3A_661 = arith.mulf %get3A_660, %get3A_660 : vector<16xf32>
        %add3A_662 = arith.addf %add3A_652, %mul3A_661 : vector<16xf32>
        %get3A_663 = arith.constant 18 : i32
        %get3A_664 = arith.constant 0 : i32
        %get3A_665 = arith.index_cast %get3A_663 : i32 to index
        %get3A_666 = arith.index_cast %shift_right_arithmetic3A_152 : i32 to index
        %get3A_667 = arith.index_cast %get3A_664 : i32 to index
        %get3A_668 = arith.index_cast %mul3A_156 : i32 to index
        %get3A_669 = tpu.vector_load %arg5[%get3A_665, %get3A_666, %get3A_667, %get3A_668] {strides = array<i32>} : memref<25x2x2x128xf32, #tpu.memory_space<vmem>>, vector<1x1x1x16xf32>,
        %get3A_670 = vector.shape_cast %get3A_669 : vector<1x1x1x16xf32> to vector<16xf32>
        %mul3A_671 = arith.mulf %get3A_670, %get3A_670 : vector<16xf32>
        %add3A_672 = arith.addf %add3A_662, %mul3A_671 : vector<16xf32>
        %get3A_673 = arith.constant 19 : i32
        %get3A_674 = arith.constant 0 : i32
        %get3A_675 = arith.index_cast %get3A_673 : i32 to index
        %get3A_676 = arith.index_cast %shift_right_arithmetic3A_152 : i32 to index
        %get3A_677 = arith.index_cast %get3A_674 : i32 to index
        %get3A_678 = arith.index_cast %mul3A_156 : i32 to index
        %get3A_679 = tpu.vector_load %arg5[%get3A_675, %get3A_676, %get3A_677, %get3A_678] {strides = array<i32>} : memref<25x2x2x128xf32, #tpu.memory_space<vmem>>, vector<1x1x1x16xf32>,
        %get3A_680 = vector.shape_cast %get3A_679 : vector<1x1x1x16xf32> to vector<16xf32>
        %mul3A_681 = arith.mulf %get3A_680, %get3A_680 : vector<16xf32>
        %add3A_682 = arith.addf %add3A_672, %mul3A_681 : vector<16xf32>
        %get3A_683 = arith.constant 20 : i32
        %get3A_684 = arith.constant 0 : i32
        %get3A_685 = arith.index_cast %get3A_683 : i32 to index
        %get3A_686 = arith.index_cast %shift_right_arithmetic3A_152 : i32 to index
        %get3A_687 = arith.index_cast %get3A_684 : i32 to index
        %get3A_688 = arith.index_cast %mul3A_156 : i32 to index
        %get3A_689 = tpu.vector_load %arg5[%get3A_685, %get3A_686, %get3A_687, %get3A_688] {strides = array<i32>} : memref<25x2x2x128xf32, #tpu.memory_space<vmem>>, vector<1x1x1x16xf32>,
        %get3A_690 = vector.shape_cast %get3A_689 : vector<1x1x1x16xf32> to vector<16xf32>
        %mul3A_691 = arith.mulf %get3A_690, %get3A_690 : vector<16xf32>
        %add3A_692 = arith.addf %add3A_682, %mul3A_691 : vector<16xf32>
        %get3A_693 = arith.constant 21 : i32
        %get3A_694 = arith.constant 0 : i32
        %get3A_695 = arith.index_cast %get3A_693 : i32 to index
        %get3A_696 = arith.index_cast %shift_right_arithmetic3A_152 : i32 to index
        %get3A_697 = arith.index_cast %get3A_694 : i32 to index
        %get3A_698 = arith.index_cast %mul3A_156 : i32 to index
        %get3A_699 = tpu.vector_load %arg5[%get3A_695, %get3A_696, %get3A_697, %get3A_698] {strides = array<i32>} : memref<25x2x2x128xf32, #tpu.memory_space<vmem>>, vector<1x1x1x16xf32>,
        %get3A_700 = vector.shape_cast %get3A_699 : vector<1x1x1x16xf32> to vector<16xf32>
        %mul3A_701 = arith.mulf %get3A_700, %get3A_700 : vector<16xf32>
        %add3A_702 = arith.addf %add3A_692, %mul3A_701 : vector<16xf32>
        %get3A_703 = arith.constant 22 : i32
        %get3A_704 = arith.constant 0 : i32
        %get3A_705 = arith.index_cast %get3A_703 : i32 to index
        %get3A_706 = arith.index_cast %shift_right_arithmetic3A_152 : i32 to index
        %get3A_707 = arith.index_cast %get3A_704 : i32 to index
        %get3A_708 = arith.index_cast %mul3A_156 : i32 to index
        %get3A_709 = tpu.vector_load %arg5[%get3A_705, %get3A_706, %get3A_707, %get3A_708] {strides = array<i32>} : memref<25x2x2x128xf32, #tpu.memory_space<vmem>>, vector<1x1x1x16xf32>,
        %get3A_710 = vector.shape_cast %get3A_709 : vector<1x1x1x16xf32> to vector<16xf32>
        %mul3A_711 = arith.mulf %get3A_710, %get3A_710 : vector<16xf32>
        %add3A_712 = arith.addf %add3A_702, %mul3A_711 : vector<16xf32>
        %get3A_713 = arith.constant 23 : i32
        %get3A_714 = arith.constant 0 : i32
        %get3A_715 = arith.index_cast %get3A_713 : i32 to index
        %get3A_716 = arith.index_cast %shift_right_arithmetic3A_152 : i32 to index
        %get3A_717 = arith.index_cast %get3A_714 : i32 to index
        %get3A_718 = arith.index_cast %mul3A_156 : i32 to index
        %get3A_719 = tpu.vector_load %arg5[%get3A_715, %get3A_716, %get3A_717, %get3A_718] {strides = array<i32>} : memref<25x2x2x128xf32, #tpu.memory_space<vmem>>, vector<1x1x1x16xf32>,
        %get3A_720 = vector.shape_cast %get3A_719 : vector<1x1x1x16xf32> to vector<16xf32>
        %mul3A_721 = arith.mulf %get3A_720, %get3A_720 : vector<16xf32>
        %add3A_722 = arith.addf %add3A_712, %mul3A_721 : vector<16xf32>
        %get3A_723 = arith.constant 24 : i32
        %get3A_724 = arith.constant 0 : i32
        %get3A_725 = arith.index_cast %get3A_723 : i32 to index
        %get3A_726 = arith.index_cast %shift_right_arithmetic3A_152 : i32 to index
        %get3A_727 = arith.index_cast %get3A_724 : i32 to index
        %get3A_728 = arith.index_cast %mul3A_156 : i32 to index
        %get3A_729 = tpu.vector_load %arg5[%get3A_725, %get3A_726, %get3A_727, %get3A_728] {strides = array<i32>} : memref<25x2x2x128xf32, #tpu.memory_space<vmem>>, vector<1x1x1x16xf32>,
        %get3A_730 = vector.shape_cast %get3A_729 : vector<1x1x1x16xf32> to vector<16xf32>
        %mul3A_731 = arith.mulf %get3A_730, %get3A_730 : vector<16xf32>
        %add3A_732 = arith.addf %add3A_722, %mul3A_731 : vector<16xf32>
        %mul3A_733 = arith.constant 5.000000e+00 : f32
        %mul3A_734 = vector.broadcast %mul3A_733 : f32 to vector<16xf32>
        %mul3A_735 = arith.mulf %mul3A_734, %add3A_518 : vector<16xf32>
        %add3A_736 = arith.addf %mul3A_735, %sub3A_532 : vector<16xf32>
        %add3A_737 = arith.addf %add3A_736, %add3A_732 : vector<16xf32>
        %jit3A_738 = arith.constant 0.000000e+00 : f32
        %broadcast_in_dim3A = vector.broadcast %jit3A_738 : f32 to vector<16xf32>
        %select_n3A_739 = arith.select %or3A_446, %add3A_737, %broadcast_in_dim3A : vector<16xi1>, vector<16xf32>
        %add3A_740 = arith.addf %add3A_176, %select_n3A_739 : vector<16xf32>
        scf.yield %add3A_740 : vector<16xf32>
      }
      %scan3A_142 = arith.constant 16 : i32
      %get3A = arith.constant 0 : index
      %get3A_143 = tpu.vector_load %arg13[%get3A] {strides = array<i32>} : memref<16xf32, #tpu.memory_space<vmem>>, vector<16xf32>,
      %get3A_144 = vector.shape_cast %get3A_143 : vector<16xf32> to vector<16xf32>
      %add3A_145 = arith.addf %get3A_144, %scan3A_141 : vector<16xf32>
      %swap3A_146 = arith.constant 0 : index
      %swap3A_147 = tpu.vector_load %arg13[%swap3A_146] {strides = array<i32>} : memref<16xf32, #tpu.memory_space<vmem>>, vector<16xf32>,
      %swap3A_148 = vector.shape_cast %swap3A_147 : vector<16xf32> to vector<16xf32>
      %swap3A_149 = vector.shape_cast %add3A_145 : vector<16xf32> to vector<16xf32>
      tpu.vector_store %arg13[%swap3A_146], %swap3A_149 {strides = array<i32>} : memref<16xf32, #tpu.memory_space<vmem>>, vector<16xf32>,
    } else {
    }
    %add3A_60 = arith.constant 96 : i32
    %add3A_61 = arith.addi %add3A_60, %add3A : i32
    %add3A_62 = arith.constant 128 : i32
    %add3A_63 = arith.addi %add3A_62, %add3A : i32
    %lt3A_64 = arith.constant 169 : i32
    %lt3A_65 = arith.cmpi slt, %add3A_63, %lt3A_64 : i32
    %convert_element_type3A_66 = arith.extui %lt3A_65 : i1 to i32
    %cond3A_67 = arith.constant 0 : i32
    %cond3A_68 = arith.cmpi ne, %convert_element_type3A_66, %cond3A_67 : i32
    scf.if %cond3A_68 {
      %jit3A = arith.constant 13 : i32
      %div3A = arith.divsi %add3A_63, %jit3A : i32
      %sign3A = arith.constant 0 : i32
      %sign3A_95 = arith.cmpi sgt, %add3A_63, %sign3A : i32
      %sign3A_96 = arith.extui %sign3A_95 : i1 to i32
      %sign3A_97 = arith.constant 0 : i32
      %sign3A_98 = arith.cmpi slt, %add3A_63, %sign3A_97 : i32
      %sign3A_99 = arith.extui %sign3A_98 : i1 to i32
      %sign3A_100 = arith.subi %sign3A_96, %sign3A_99 : i32
      %sign3A_101 = arith.constant 0 : i32
      %sign3A_102 = arith.cmpi sgt, %jit3A, %sign3A_101 : i32
      %sign3A_103 = arith.extui %sign3A_102 : i1 to i32
      %sign3A_104 = arith.constant 0 : i32
      %sign3A_105 = arith.cmpi slt, %jit3A, %sign3A_104 : i32
      %sign3A_106 = arith.extui %sign3A_105 : i1 to i32
      %sign3A_107 = arith.subi %sign3A_103, %sign3A_106 : i32
      %ne3A = arith.cmpi ne, %sign3A_100, %sign3A_107 : i32
      %rem3A = arith.remsi %add3A_63, %jit3A : i32
      %ne3A_108 = arith.constant 0 : i32
      %ne3A_109 = arith.cmpi ne, %rem3A, %ne3A_108 : i32
      %and3A = arith.andi %ne3A, %ne3A_109 : i1
      %sub3A = arith.constant 1 : i32
      %sub3A_110 = arith.subi %div3A, %sub3A : i32
      %select_n3A = arith.select %and3A, %sub3A_110, %div3A : i32
      %jit3A_111 = arith.constant 13 : i32
      %eq3A = arith.constant 0 : i32
      %eq3A_112 = arith.cmpi eq, %jit3A_111, %eq3A : i32
      %jit3A_113 = arith.constant 1 : i32
      %select_n3A_114 = arith.select %eq3A_112, %jit3A_113, %jit3A_111 : i32
      %rem3A_115 = arith.remsi %add3A_63, %select_n3A_114 : i32
      %ne3A_116 = arith.constant 0 : i32
      %ne3A_117 = arith.cmpi ne, %rem3A_115, %ne3A_116 : i32
      %lt3A_118 = arith.constant 0 : i32
      %lt3A_119 = arith.cmpi slt, %rem3A_115, %lt3A_118 : i32
      %lt3A_120 = arith.constant 0 : i32
      %lt3A_121 = arith.cmpi slt, %select_n3A_114, %lt3A_120 : i32
      %ne3A_122 = arith.xori %lt3A_119, %lt3A_121 : i1
      %and3A_123 = arith.andi %ne3A_122, %ne3A_117 : i1
      %add3A_124 = arith.addi %rem3A_115, %select_n3A_114 : i32
      %select_n3A_125 = arith.select %and3A_123, %add3A_124, %rem3A_115 : i32
      %dma_start3A = arith.constant 0 : i32
      %dma_start3A_126 = arith.constant 0 : i32
      %dma_start3A_127 = arith.constant 0 : i32
      %dma_start3A_128 = arith.constant 0 : i32
      %dma_start3A_129 = tpu.memref_slice %arg2[%select_n3A, %select_n3A_125, %dma_start3A, %dma_start3A_126, %dma_start3A_127, %dma_start3A_128] : memref<13x13x25x2x2x128xf32, #tpu.memory_space<hbm>> -> memref<1x1x25x2x2x128xf32, #tpu.memory_space<hbm>>
      %dma_start3A_130 = tpu.memref_squeeze %dma_start3A_129 : memref<1x1x25x2x2x128xf32, #tpu.memory_space<hbm>> -> memref<25x2x2x128xf32, #tpu.memory_space<hbm>>
      %dma_start3A_131 = arith.constant 0 : i32
      %dma_start3A_132 = arith.constant 0 : i32
      %dma_start3A_133 = arith.constant 0 : i32
      %dma_start3A_134 = arith.constant 0 : i32
      %dma_start3A_135 = tpu.memref_slice %arg2[%select_n3A, %select_n3A_125, %dma_start3A_131, %dma_start3A_132, %dma_start3A_133, %dma_start3A_134] : memref<13x13x25x2x2x128xf32, #tpu.memory_space<hbm>> -> memref<1x1x25x2x2x128xf32, #tpu.memory_space<hbm>>
      %dma_start3A_136 = tpu.memref_squeeze %dma_start3A_135 : memref<1x1x25x2x2x128xf32, #tpu.memory_space<hbm>> -> memref<25x2x2x128xf32, #tpu.memory_space<hbm>>
      tpu.enqueue_dma source(%dma_start3A_136 : memref<25x2x2x128xf32, #tpu.memory_space<hbm>>) target(%arg5 : memref<25x2x2x128xf32, #tpu.memory_space<vmem>>) target_semaphore(%arg14 : memref<!tpu.dma_semaphore, #tpu.memory_space<semaphore_mem>>)
    } else {
    }
    %lt3A_69 = arith.constant 169 : i32
    %lt3A_70 = arith.cmpi slt, %add3A_61, %lt3A_69 : i32
    %convert_element_type3A_71 = arith.extui %lt3A_70 : i1 to i32
    %cond3A_72 = arith.constant 0 : i32
    %cond3A_73 = arith.cmpi ne, %convert_element_type3A_71, %cond3A_72 : i32
    scf.if %cond3A_73 {
      %jit3A = arith.constant 13 : i32
      %div3A = arith.divsi %add3A_61, %jit3A : i32
      %sign3A = arith.constant 0 : i32
      %sign3A_95 = arith.cmpi sgt, %add3A_61, %sign3A : i32
      %sign3A_96 = arith.extui %sign3A_95 : i1 to i32
      %sign3A_97 = arith.constant 0 : i32
      %sign3A_98 = arith.cmpi slt, %add3A_61, %sign3A_97 : i32
      %sign3A_99 = arith.extui %sign3A_98 : i1 to i32
      %sign3A_100 = arith.subi %sign3A_96, %sign3A_99 : i32
      %sign3A_101 = arith.constant 0 : i32
      %sign3A_102 = arith.cmpi sgt, %jit3A, %sign3A_101 : i32
      %sign3A_103 = arith.extui %sign3A_102 : i1 to i32
      %sign3A_104 = arith.constant 0 : i32
      %sign3A_105 = arith.cmpi slt, %jit3A, %sign3A_104 : i32
      %sign3A_106 = arith.extui %sign3A_105 : i1 to i32
      %sign3A_107 = arith.subi %sign3A_103, %sign3A_106 : i32
      %ne3A = arith.cmpi ne, %sign3A_100, %sign3A_107 : i32
      %rem3A = arith.remsi %add3A_61, %jit3A : i32
      %ne3A_108 = arith.constant 0 : i32
      %ne3A_109 = arith.cmpi ne, %rem3A, %ne3A_108 : i32
      %and3A = arith.andi %ne3A, %ne3A_109 : i1
      %sub3A = arith.constant 1 : i32
      %sub3A_110 = arith.subi %div3A, %sub3A : i32
      %select_n3A = arith.select %and3A, %sub3A_110, %div3A : i32
      %jit3A_111 = arith.constant 13 : i32
      %eq3A = arith.constant 0 : i32
      %eq3A_112 = arith.cmpi eq, %jit3A_111, %eq3A : i32
      %jit3A_113 = arith.constant 1 : i32
      %select_n3A_114 = arith.select %eq3A_112, %jit3A_113, %jit3A_111 : i32
      %rem3A_115 = arith.remsi %add3A_61, %select_n3A_114 : i32
      %ne3A_116 = arith.constant 0 : i32
      %ne3A_117 = arith.cmpi ne, %rem3A_115, %ne3A_116 : i32
      %lt3A_118 = arith.constant 0 : i32
      %lt3A_119 = arith.cmpi slt, %rem3A_115, %lt3A_118 : i32
      %lt3A_120 = arith.constant 0 : i32
      %lt3A_121 = arith.cmpi slt, %select_n3A_114, %lt3A_120 : i32
      %ne3A_122 = arith.xori %lt3A_119, %lt3A_121 : i1
      %and3A_123 = arith.andi %ne3A_122, %ne3A_117 : i1
      %add3A_124 = arith.addi %rem3A_115, %select_n3A_114 : i32
      %select_n3A_125 = arith.select %and3A_123, %add3A_124, %rem3A_115 : i32
      %dma_wait3A = arith.constant 0 : i32
      %dma_wait3A_126 = arith.constant 0 : i32
      %dma_wait3A_127 = arith.constant 0 : i32
      %dma_wait3A_128 = arith.constant 0 : i32
      %dma_wait3A_129 = tpu.memref_slice %arg2[%select_n3A, %select_n3A_125, %dma_wait3A, %dma_wait3A_126, %dma_wait3A_127, %dma_wait3A_128] : memref<13x13x25x2x2x128xf32, #tpu.memory_space<hbm>> -> memref<1x1x25x2x2x128xf32, #tpu.memory_space<hbm>>
      %dma_wait3A_130 = tpu.memref_squeeze %dma_wait3A_129 : memref<1x1x25x2x2x128xf32, #tpu.memory_space<hbm>> -> memref<25x2x2x128xf32, #tpu.memory_space<hbm>>
      %dma_wait3A_131 = arith.constant 0 : i32
      %dma_wait3A_132 = arith.constant 0 : i32
      %dma_wait3A_133 = arith.constant 0 : i32
      %dma_wait3A_134 = arith.constant 0 : i32
      %dma_wait3A_135 = tpu.memref_slice %arg2[%select_n3A, %select_n3A_125, %dma_wait3A_131, %dma_wait3A_132, %dma_wait3A_133, %dma_wait3A_134] : memref<13x13x25x2x2x128xf32, #tpu.memory_space<hbm>> -> memref<1x1x25x2x2x128xf32, #tpu.memory_space<hbm>>
      %dma_wait3A_136 = tpu.memref_squeeze %dma_wait3A_135 : memref<1x1x25x2x2x128xf32, #tpu.memory_space<hbm>> -> memref<25x2x2x128xf32, #tpu.memory_space<hbm>>
      tpu.wait_dma2 semaphore(%arg15 : memref<!tpu.dma_semaphore, #tpu.memory_space<semaphore_mem>>) src(%dma_wait3A_136 : memref<25x2x2x128xf32, #tpu.memory_space<hbm>>) dst(%arg6 : memref<25x2x2x128xf32, #tpu.memory_space<vmem>>)
      %scan3A_137 = arith.constant 0 : i32
      %scan3A_138 = arith.constant 16 : i32
      %scan3A_139 = arith.addi %scan3A_137, %scan3A_138 : i32
      %scan3A_140 = arith.constant 1 : i32
      %scan3A_141 = scf.for %scan3A_150 = %scan3A_137 to %scan3A_139 step %scan3A_140 iter_args(%scan3A_151 = %mul3A_8) -> (vector<16xf32>)  : i32 {
        %shift_right_arithmetic3A = arith.constant 3 : i32
        %shift_right_arithmetic3A_152 = arith.shrsi %scan3A_150, %shift_right_arithmetic3A : i32
        %and3A_153 = arith.constant 7 : i32
        %and3A_154 = arith.andi %scan3A_150, %and3A_153 : i32
        %mul3A_155 = arith.constant 16 : i32
        %mul3A_156 = arith.muli %and3A_154, %mul3A_155 : i32
        %get3A_157 = arith.constant 4 : i32
        %get3A_158 = arith.constant 0 : i32
        %get3A_159 = arith.index_cast %get3A_157 : i32 to index
        %get3A_160 = arith.index_cast %shift_right_arithmetic3A_152 : i32 to index
        %get3A_161 = arith.index_cast %get3A_158 : i32 to index
        %get3A_162 = arith.index_cast %mul3A_156 : i32 to index
        %get3A_163 = tpu.vector_load %arg6[%get3A_159, %get3A_160, %get3A_161, %get3A_162] {strides = array<i32>} : memref<25x2x2x128xf32, #tpu.memory_space<vmem>>, vector<1x1x1x16xf32>,
        %get3A_164 = vector.shape_cast %get3A_163 : vector<1x1x1x16xf32> to vector<16xf32>
        %get3A_165 = arith.constant 4 : i32
        %get3A_166 = arith.constant 1 : i32
        %get3A_167 = arith.index_cast %get3A_165 : i32 to index
        %get3A_168 = arith.index_cast %shift_right_arithmetic3A_152 : i32 to index
        %get3A_169 = arith.index_cast %get3A_166 : i32 to index
        %get3A_170 = arith.index_cast %mul3A_156 : i32 to index
        %get3A_171 = tpu.vector_load %arg6[%get3A_167, %get3A_168, %get3A_169, %get3A_170] {strides = array<i32>} : memref<25x2x2x128xf32, #tpu.memory_space<vmem>>, vector<1x1x1x16xf32>,
        %get3A_172 = vector.shape_cast %get3A_171 : vector<1x1x1x16xf32> to vector<16xf32>
        %mul3A_173 = arith.mulf %get3A_164, %get3A_164 : vector<16xf32>
        %add3A_174 = arith.addf %scan3A_151, %mul3A_173 : vector<16xf32>
        %mul3A_175 = arith.mulf %get3A_172, %get3A_172 : vector<16xf32>
        %add3A_176 = arith.addf %add3A_174, %mul3A_175 : vector<16xf32>
        %lt3A_177 = arith.constant 0 : i32
        %lt3A_178 = vector.broadcast %lt3A_177 : i32 to vector<16xi32>
        %lt3A_179 = arith.cmpi slt, %iota3A, %lt3A_178 : vector<16xi32>
        %get3A_180 = arith.constant 0 : i32
        %get3A_181 = arith.index_cast %get3A_180 : i32 to index
        %get3A_182 = arith.index_cast %shift_right_arithmetic3A_152 : i32 to index
        %get3A_183 = arith.index_cast %mul3A_156 : i32 to index
        %get3A_184 = tpu.vector_load %arg8[%get3A_181, %get3A_182, %get3A_183] {strides = array<i32>} : memref<8x2x128xi32, #tpu.memory_space<vmem>>, vector<1x1x16xi32>,
        %get3A_185 = vector.shape_cast %get3A_184 : vector<1x1x16xi32> to vector<16xi32>
        %eq3A_186 = vector.broadcast %add3A_61 : i32 to vector<16xi32>
        %eq3A_187 = arith.cmpi eq, %get3A_185, %eq3A_186 : vector<16xi32>
        %or3A = arith.ori %lt3A_179, %eq3A_187 : vector<16xi1>
        %get3A_188 = arith.constant 0 : i32
        %get3A_189 = arith.index_cast %get3A_188 : i32 to index
        %get3A_190 = arith.index_cast %shift_right_arithmetic3A_152 : i32 to index
        %get3A_191 = arith.index_cast %mul3A_156 : i32 to index
        %get3A_192 = tpu.vector_load %arg9[%get3A_189, %get3A_190, %get3A_191] {strides = array<i32>} : memref<8x2x128xf32, #tpu.memory_space<vmem>>, vector<1x1x16xf32>,
        %get3A_193 = vector.shape_cast %get3A_192 : vector<1x1x16xf32> to vector<16xf32>
        %select_n3A_194 = arith.select %eq3A_187, %get3A_193, %mul3A_8 : vector<16xi1>, vector<16xf32>
        %get3A_195 = arith.constant 0 : i32
        %get3A_196 = arith.index_cast %get3A_195 : i32 to index
        %get3A_197 = arith.index_cast %shift_right_arithmetic3A_152 : i32 to index
        %get3A_198 = arith.index_cast %mul3A_156 : i32 to index
        %get3A_199 = tpu.vector_load %arg10[%get3A_196, %get3A_197, %get3A_198] {strides = array<i32>} : memref<8x2x128xf32, #tpu.memory_space<vmem>>, vector<1x1x16xf32>,
        %get3A_200 = vector.shape_cast %get3A_199 : vector<1x1x16xf32> to vector<16xf32>
        %select_n3A_201 = arith.select %eq3A_187, %get3A_200, %mul3A_8 : vector<16xi1>, vector<16xf32>
        %get3A_202 = arith.constant 0 : i32
        %get3A_203 = arith.index_cast %get3A_202 : i32 to index
        %get3A_204 = arith.index_cast %shift_right_arithmetic3A_152 : i32 to index
        %get3A_205 = arith.index_cast %mul3A_156 : i32 to index
        %get3A_206 = tpu.vector_load %arg11[%get3A_203, %get3A_204, %get3A_205] {strides = array<i32>} : memref<8x2x128xf32, #tpu.memory_space<vmem>>, vector<1x1x16xf32>,
        %get3A_207 = vector.shape_cast %get3A_206 : vector<1x1x16xf32> to vector<16xf32>
        %select_n3A_208 = arith.select %eq3A_187, %get3A_207, %mul3A_8 : vector<16xi1>, vector<16xf32>
        %get3A_209 = arith.constant 0 : i32
        %get3A_210 = arith.index_cast %get3A_209 : i32 to index
        %get3A_211 = arith.index_cast %shift_right_arithmetic3A_152 : i32 to index
        %get3A_212 = arith.index_cast %mul3A_156 : i32 to index
        %get3A_213 = tpu.vector_load %arg12[%get3A_210, %get3A_211, %get3A_212] {strides = array<i32>} : memref<8x2x128xf32, #tpu.memory_space<vmem>>, vector<1x1x16xf32>,
        %get3A_214 = vector.shape_cast %get3A_213 : vector<1x1x16xf32> to vector<16xf32>
        %select_n3A_215 = arith.select %eq3A_187, %get3A_214, %mul3A_8 : vector<16xi1>, vector<16xf32>
        %get3A_216 = arith.constant 1 : i32
        %get3A_217 = arith.index_cast %get3A_216 : i32 to index
        %get3A_218 = arith.index_cast %shift_right_arithmetic3A_152 : i32 to index
        %get3A_219 = arith.index_cast %mul3A_156 : i32 to index
        %get3A_220 = tpu.vector_load %arg8[%get3A_217, %get3A_218, %get3A_219] {strides = array<i32>} : memref<8x2x128xi32, #tpu.memory_space<vmem>>, vector<1x1x16xi32>,
        %get3A_221 = vector.shape_cast %get3A_220 : vector<1x1x16xi32> to vector<16xi32>
        %eq3A_222 = vector.broadcast %add3A_61 : i32 to vector<16xi32>
        %eq3A_223 = arith.cmpi eq, %get3A_221, %eq3A_222 : vector<16xi32>
        %or3A_224 = arith.ori %or3A, %eq3A_223 : vector<16xi1>
        %get3A_225 = arith.constant 1 : i32
        %get3A_226 = arith.index_cast %get3A_225 : i32 to index
        %get3A_227 = arith.index_cast %shift_right_arithmetic3A_152 : i32 to index
        %get3A_228 = arith.index_cast %mul3A_156 : i32 to index
        %get3A_229 = tpu.vector_load %arg9[%get3A_226, %get3A_227, %get3A_228] {strides = array<i32>} : memref<8x2x128xf32, #tpu.memory_space<vmem>>, vector<1x1x16xf32>,
        %get3A_230 = vector.shape_cast %get3A_229 : vector<1x1x16xf32> to vector<16xf32>
        %select_n3A_231 = arith.select %eq3A_223, %get3A_230, %select_n3A_194 : vector<16xi1>, vector<16xf32>
        %get3A_232 = arith.constant 1 : i32
        %get3A_233 = arith.index_cast %get3A_232 : i32 to index
        %get3A_234 = arith.index_cast %shift_right_arithmetic3A_152 : i32 to index
        %get3A_235 = arith.index_cast %mul3A_156 : i32 to index
        %get3A_236 = tpu.vector_load %arg10[%get3A_233, %get3A_234, %get3A_235] {strides = array<i32>} : memref<8x2x128xf32, #tpu.memory_space<vmem>>, vector<1x1x16xf32>,
        %get3A_237 = vector.shape_cast %get3A_236 : vector<1x1x16xf32> to vector<16xf32>
        %select_n3A_238 = arith.select %eq3A_223, %get3A_237, %select_n3A_201 : vector<16xi1>, vector<16xf32>
        %get3A_239 = arith.constant 1 : i32
        %get3A_240 = arith.index_cast %get3A_239 : i32 to index
        %get3A_241 = arith.index_cast %shift_right_arithmetic3A_152 : i32 to index
        %get3A_242 = arith.index_cast %mul3A_156 : i32 to index
        %get3A_243 = tpu.vector_load %arg11[%get3A_240, %get3A_241, %get3A_242] {strides = array<i32>} : memref<8x2x128xf32, #tpu.memory_space<vmem>>, vector<1x1x16xf32>,
        %get3A_244 = vector.shape_cast %get3A_243 : vector<1x1x16xf32> to vector<16xf32>
        %select_n3A_245 = arith.select %eq3A_223, %get3A_244, %select_n3A_208 : vector<16xi1>, vector<16xf32>
        %get3A_246 = arith.constant 1 : i32
        %get3A_247 = arith.index_cast %get3A_246 : i32 to index
        %get3A_248 = arith.index_cast %shift_right_arithmetic3A_152 : i32 to index
        %get3A_249 = arith.index_cast %mul3A_156 : i32 to index
        %get3A_250 = tpu.vector_load %arg12[%get3A_247, %get3A_248, %get3A_249] {strides = array<i32>} : memref<8x2x128xf32, #tpu.memory_space<vmem>>, vector<1x1x16xf32>,
        %get3A_251 = vector.shape_cast %get3A_250 : vector<1x1x16xf32> to vector<16xf32>
        %select_n3A_252 = arith.select %eq3A_223, %get3A_251, %select_n3A_215 : vector<16xi1>, vector<16xf32>
        %get3A_253 = arith.constant 2 : i32
        %get3A_254 = arith.index_cast %get3A_253 : i32 to index
        %get3A_255 = arith.index_cast %shift_right_arithmetic3A_152 : i32 to index
        %get3A_256 = arith.index_cast %mul3A_156 : i32 to index
        %get3A_257 = tpu.vector_load %arg8[%get3A_254, %get3A_255, %get3A_256] {strides = array<i32>} : memref<8x2x128xi32, #tpu.memory_space<vmem>>, vector<1x1x16xi32>,
        %get3A_258 = vector.shape_cast %get3A_257 : vector<1x1x16xi32> to vector<16xi32>
        %eq3A_259 = vector.broadcast %add3A_61 : i32 to vector<16xi32>
        %eq3A_260 = arith.cmpi eq, %get3A_258, %eq3A_259 : vector<16xi32>
        %or3A_261 = arith.ori %or3A_224, %eq3A_260 : vector<16xi1>
        %get3A_262 = arith.constant 2 : i32
        %get3A_263 = arith.index_cast %get3A_262 : i32 to index
        %get3A_264 = arith.index_cast %shift_right_arithmetic3A_152 : i32 to index
        %get3A_265 = arith.index_cast %mul3A_156 : i32 to index
        %get3A_266 = tpu.vector_load %arg9[%get3A_263, %get3A_264, %get3A_265] {strides = array<i32>} : memref<8x2x128xf32, #tpu.memory_space<vmem>>, vector<1x1x16xf32>,
        %get3A_267 = vector.shape_cast %get3A_266 : vector<1x1x16xf32> to vector<16xf32>
        %select_n3A_268 = arith.select %eq3A_260, %get3A_267, %select_n3A_231 : vector<16xi1>, vector<16xf32>
        %get3A_269 = arith.constant 2 : i32
        %get3A_270 = arith.index_cast %get3A_269 : i32 to index
        %get3A_271 = arith.index_cast %shift_right_arithmetic3A_152 : i32 to index
        %get3A_272 = arith.index_cast %mul3A_156 : i32 to index
        %get3A_273 = tpu.vector_load %arg10[%get3A_270, %get3A_271, %get3A_272] {strides = array<i32>} : memref<8x2x128xf32, #tpu.memory_space<vmem>>, vector<1x1x16xf32>,
        %get3A_274 = vector.shape_cast %get3A_273 : vector<1x1x16xf32> to vector<16xf32>
        %select_n3A_275 = arith.select %eq3A_260, %get3A_274, %select_n3A_238 : vector<16xi1>, vector<16xf32>
        %get3A_276 = arith.constant 2 : i32
        %get3A_277 = arith.index_cast %get3A_276 : i32 to index
        %get3A_278 = arith.index_cast %shift_right_arithmetic3A_152 : i32 to index
        %get3A_279 = arith.index_cast %mul3A_156 : i32 to index
        %get3A_280 = tpu.vector_load %arg11[%get3A_277, %get3A_278, %get3A_279] {strides = array<i32>} : memref<8x2x128xf32, #tpu.memory_space<vmem>>, vector<1x1x16xf32>,
        %get3A_281 = vector.shape_cast %get3A_280 : vector<1x1x16xf32> to vector<16xf32>
        %select_n3A_282 = arith.select %eq3A_260, %get3A_281, %select_n3A_245 : vector<16xi1>, vector<16xf32>
        %get3A_283 = arith.constant 2 : i32
        %get3A_284 = arith.index_cast %get3A_283 : i32 to index
        %get3A_285 = arith.index_cast %shift_right_arithmetic3A_152 : i32 to index
        %get3A_286 = arith.index_cast %mul3A_156 : i32 to index
        %get3A_287 = tpu.vector_load %arg12[%get3A_284, %get3A_285, %get3A_286] {strides = array<i32>} : memref<8x2x128xf32, #tpu.memory_space<vmem>>, vector<1x1x16xf32>,
        %get3A_288 = vector.shape_cast %get3A_287 : vector<1x1x16xf32> to vector<16xf32>
        %select_n3A_289 = arith.select %eq3A_260, %get3A_288, %select_n3A_252 : vector<16xi1>, vector<16xf32>
        %get3A_290 = arith.constant 3 : i32
        %get3A_291 = arith.index_cast %get3A_290 : i32 to index
        %get3A_292 = arith.index_cast %shift_right_arithmetic3A_152 : i32 to index
        %get3A_293 = arith.index_cast %mul3A_156 : i32 to index
        %get3A_294 = tpu.vector_load %arg8[%get3A_291, %get3A_292, %get3A_293] {strides = array<i32>} : memref<8x2x128xi32, #tpu.memory_space<vmem>>, vector<1x1x16xi32>,
        %get3A_295 = vector.shape_cast %get3A_294 : vector<1x1x16xi32> to vector<16xi32>
        %eq3A_296 = vector.broadcast %add3A_61 : i32 to vector<16xi32>
        %eq3A_297 = arith.cmpi eq, %get3A_295, %eq3A_296 : vector<16xi32>
        %or3A_298 = arith.ori %or3A_261, %eq3A_297 : vector<16xi1>
        %get3A_299 = arith.constant 3 : i32
        %get3A_300 = arith.index_cast %get3A_299 : i32 to index
        %get3A_301 = arith.index_cast %shift_right_arithmetic3A_152 : i32 to index
        %get3A_302 = arith.index_cast %mul3A_156 : i32 to index
        %get3A_303 = tpu.vector_load %arg9[%get3A_300, %get3A_301, %get3A_302] {strides = array<i32>} : memref<8x2x128xf32, #tpu.memory_space<vmem>>, vector<1x1x16xf32>,
        %get3A_304 = vector.shape_cast %get3A_303 : vector<1x1x16xf32> to vector<16xf32>
        %select_n3A_305 = arith.select %eq3A_297, %get3A_304, %select_n3A_268 : vector<16xi1>, vector<16xf32>
        %get3A_306 = arith.constant 3 : i32
        %get3A_307 = arith.index_cast %get3A_306 : i32 to index
        %get3A_308 = arith.index_cast %shift_right_arithmetic3A_152 : i32 to index
        %get3A_309 = arith.index_cast %mul3A_156 : i32 to index
        %get3A_310 = tpu.vector_load %arg10[%get3A_307, %get3A_308, %get3A_309] {strides = array<i32>} : memref<8x2x128xf32, #tpu.memory_space<vmem>>, vector<1x1x16xf32>,
        %get3A_311 = vector.shape_cast %get3A_310 : vector<1x1x16xf32> to vector<16xf32>
        %select_n3A_312 = arith.select %eq3A_297, %get3A_311, %select_n3A_275 : vector<16xi1>, vector<16xf32>
        %get3A_313 = arith.constant 3 : i32
        %get3A_314 = arith.index_cast %get3A_313 : i32 to index
        %get3A_315 = arith.index_cast %shift_right_arithmetic3A_152 : i32 to index
        %get3A_316 = arith.index_cast %mul3A_156 : i32 to index
        %get3A_317 = tpu.vector_load %arg11[%get3A_314, %get3A_315, %get3A_316] {strides = array<i32>} : memref<8x2x128xf32, #tpu.memory_space<vmem>>, vector<1x1x16xf32>,
        %get3A_318 = vector.shape_cast %get3A_317 : vector<1x1x16xf32> to vector<16xf32>
        %select_n3A_319 = arith.select %eq3A_297, %get3A_318, %select_n3A_282 : vector<16xi1>, vector<16xf32>
        %get3A_320 = arith.constant 3 : i32
        %get3A_321 = arith.index_cast %get3A_320 : i32 to index
        %get3A_322 = arith.index_cast %shift_right_arithmetic3A_152 : i32 to index
        %get3A_323 = arith.index_cast %mul3A_156 : i32 to index
        %get3A_324 = tpu.vector_load %arg12[%get3A_321, %get3A_322, %get3A_323] {strides = array<i32>} : memref<8x2x128xf32, #tpu.memory_space<vmem>>, vector<1x1x16xf32>,
        %get3A_325 = vector.shape_cast %get3A_324 : vector<1x1x16xf32> to vector<16xf32>
        %select_n3A_326 = arith.select %eq3A_297, %get3A_325, %select_n3A_289 : vector<16xi1>, vector<16xf32>
        %get3A_327 = arith.constant 4 : i32
        %get3A_328 = arith.index_cast %get3A_327 : i32 to index
        %get3A_329 = arith.index_cast %shift_right_arithmetic3A_152 : i32 to index
        %get3A_330 = arith.index_cast %mul3A_156 : i32 to index
        %get3A_331 = tpu.vector_load %arg8[%get3A_328, %get3A_329, %get3A_330] {strides = array<i32>} : memref<8x2x128xi32, #tpu.memory_space<vmem>>, vector<1x1x16xi32>,
        %get3A_332 = vector.shape_cast %get3A_331 : vector<1x1x16xi32> to vector<16xi32>
        %eq3A_333 = vector.broadcast %add3A_61 : i32 to vector<16xi32>
        %eq3A_334 = arith.cmpi eq, %get3A_332, %eq3A_333 : vector<16xi32>
        %or3A_335 = arith.ori %or3A_298, %eq3A_334 : vector<16xi1>
        %get3A_336 = arith.constant 4 : i32
        %get3A_337 = arith.index_cast %get3A_336 : i32 to index
        %get3A_338 = arith.index_cast %shift_right_arithmetic3A_152 : i32 to index
        %get3A_339 = arith.index_cast %mul3A_156 : i32 to index
        %get3A_340 = tpu.vector_load %arg9[%get3A_337, %get3A_338, %get3A_339] {strides = array<i32>} : memref<8x2x128xf32, #tpu.memory_space<vmem>>, vector<1x1x16xf32>,
        %get3A_341 = vector.shape_cast %get3A_340 : vector<1x1x16xf32> to vector<16xf32>
        %select_n3A_342 = arith.select %eq3A_334, %get3A_341, %select_n3A_305 : vector<16xi1>, vector<16xf32>
        %get3A_343 = arith.constant 4 : i32
        %get3A_344 = arith.index_cast %get3A_343 : i32 to index
        %get3A_345 = arith.index_cast %shift_right_arithmetic3A_152 : i32 to index
        %get3A_346 = arith.index_cast %mul3A_156 : i32 to index
        %get3A_347 = tpu.vector_load %arg10[%get3A_344, %get3A_345, %get3A_346] {strides = array<i32>} : memref<8x2x128xf32, #tpu.memory_space<vmem>>, vector<1x1x16xf32>,
        %get3A_348 = vector.shape_cast %get3A_347 : vector<1x1x16xf32> to vector<16xf32>
        %select_n3A_349 = arith.select %eq3A_334, %get3A_348, %select_n3A_312 : vector<16xi1>, vector<16xf32>
        %get3A_350 = arith.constant 4 : i32
        %get3A_351 = arith.index_cast %get3A_350 : i32 to index
        %get3A_352 = arith.index_cast %shift_right_arithmetic3A_152 : i32 to index
        %get3A_353 = arith.index_cast %mul3A_156 : i32 to index
        %get3A_354 = tpu.vector_load %arg11[%get3A_351, %get3A_352, %get3A_353] {strides = array<i32>} : memref<8x2x128xf32, #tpu.memory_space<vmem>>, vector<1x1x16xf32>,
        %get3A_355 = vector.shape_cast %get3A_354 : vector<1x1x16xf32> to vector<16xf32>
        %select_n3A_356 = arith.select %eq3A_334, %get3A_355, %select_n3A_319 : vector<16xi1>, vector<16xf32>
        %get3A_357 = arith.constant 4 : i32
        %get3A_358 = arith.index_cast %get3A_357 : i32 to index
        %get3A_359 = arith.index_cast %shift_right_arithmetic3A_152 : i32 to index
        %get3A_360 = arith.index_cast %mul3A_156 : i32 to index
        %get3A_361 = tpu.vector_load %arg12[%get3A_358, %get3A_359, %get3A_360] {strides = array<i32>} : memref<8x2x128xf32, #tpu.memory_space<vmem>>, vector<1x1x16xf32>,
        %get3A_362 = vector.shape_cast %get3A_361 : vector<1x1x16xf32> to vector<16xf32>
        %select_n3A_363 = arith.select %eq3A_334, %get3A_362, %select_n3A_326 : vector<16xi1>, vector<16xf32>
        %get3A_364 = arith.constant 5 : i32
        %get3A_365 = arith.index_cast %get3A_364 : i32 to index
        %get3A_366 = arith.index_cast %shift_right_arithmetic3A_152 : i32 to index
        %get3A_367 = arith.index_cast %mul3A_156 : i32 to index
        %get3A_368 = tpu.vector_load %arg8[%get3A_365, %get3A_366, %get3A_367] {strides = array<i32>} : memref<8x2x128xi32, #tpu.memory_space<vmem>>, vector<1x1x16xi32>,
        %get3A_369 = vector.shape_cast %get3A_368 : vector<1x1x16xi32> to vector<16xi32>
        %eq3A_370 = vector.broadcast %add3A_61 : i32 to vector<16xi32>
        %eq3A_371 = arith.cmpi eq, %get3A_369, %eq3A_370 : vector<16xi32>
        %or3A_372 = arith.ori %or3A_335, %eq3A_371 : vector<16xi1>
        %get3A_373 = arith.constant 5 : i32
        %get3A_374 = arith.index_cast %get3A_373 : i32 to index
        %get3A_375 = arith.index_cast %shift_right_arithmetic3A_152 : i32 to index
        %get3A_376 = arith.index_cast %mul3A_156 : i32 to index
        %get3A_377 = tpu.vector_load %arg9[%get3A_374, %get3A_375, %get3A_376] {strides = array<i32>} : memref<8x2x128xf32, #tpu.memory_space<vmem>>, vector<1x1x16xf32>,
        %get3A_378 = vector.shape_cast %get3A_377 : vector<1x1x16xf32> to vector<16xf32>
        %select_n3A_379 = arith.select %eq3A_371, %get3A_378, %select_n3A_342 : vector<16xi1>, vector<16xf32>
        %get3A_380 = arith.constant 5 : i32
        %get3A_381 = arith.index_cast %get3A_380 : i32 to index
        %get3A_382 = arith.index_cast %shift_right_arithmetic3A_152 : i32 to index
        %get3A_383 = arith.index_cast %mul3A_156 : i32 to index
        %get3A_384 = tpu.vector_load %arg10[%get3A_381, %get3A_382, %get3A_383] {strides = array<i32>} : memref<8x2x128xf32, #tpu.memory_space<vmem>>, vector<1x1x16xf32>,
        %get3A_385 = vector.shape_cast %get3A_384 : vector<1x1x16xf32> to vector<16xf32>
        %select_n3A_386 = arith.select %eq3A_371, %get3A_385, %select_n3A_349 : vector<16xi1>, vector<16xf32>
        %get3A_387 = arith.constant 5 : i32
        %get3A_388 = arith.index_cast %get3A_387 : i32 to index
        %get3A_389 = arith.index_cast %shift_right_arithmetic3A_152 : i32 to index
        %get3A_390 = arith.index_cast %mul3A_156 : i32 to index
        %get3A_391 = tpu.vector_load %arg11[%get3A_388, %get3A_389, %get3A_390] {strides = array<i32>} : memref<8x2x128xf32, #tpu.memory_space<vmem>>, vector<1x1x16xf32>,
        %get3A_392 = vector.shape_cast %get3A_391 : vector<1x1x16xf32> to vector<16xf32>
        %select_n3A_393 = arith.select %eq3A_371, %get3A_392, %select_n3A_356 : vector<16xi1>, vector<16xf32>
        %get3A_394 = arith.constant 5 : i32
        %get3A_395 = arith.index_cast %get3A_394 : i32 to index
        %get3A_396 = arith.index_cast %shift_right_arithmetic3A_152 : i32 to index
        %get3A_397 = arith.index_cast %mul3A_156 : i32 to index
        %get3A_398 = tpu.vector_load %arg12[%get3A_395, %get3A_396, %get3A_397] {strides = array<i32>} : memref<8x2x128xf32, #tpu.memory_space<vmem>>, vector<1x1x16xf32>,
        %get3A_399 = vector.shape_cast %get3A_398 : vector<1x1x16xf32> to vector<16xf32>
        %select_n3A_400 = arith.select %eq3A_371, %get3A_399, %select_n3A_363 : vector<16xi1>, vector<16xf32>
        %get3A_401 = arith.constant 6 : i32
        %get3A_402 = arith.index_cast %get3A_401 : i32 to index
        %get3A_403 = arith.index_cast %shift_right_arithmetic3A_152 : i32 to index
        %get3A_404 = arith.index_cast %mul3A_156 : i32 to index
        %get3A_405 = tpu.vector_load %arg8[%get3A_402, %get3A_403, %get3A_404] {strides = array<i32>} : memref<8x2x128xi32, #tpu.memory_space<vmem>>, vector<1x1x16xi32>,
        %get3A_406 = vector.shape_cast %get3A_405 : vector<1x1x16xi32> to vector<16xi32>
        %eq3A_407 = vector.broadcast %add3A_61 : i32 to vector<16xi32>
        %eq3A_408 = arith.cmpi eq, %get3A_406, %eq3A_407 : vector<16xi32>
        %or3A_409 = arith.ori %or3A_372, %eq3A_408 : vector<16xi1>
        %get3A_410 = arith.constant 6 : i32
        %get3A_411 = arith.index_cast %get3A_410 : i32 to index
        %get3A_412 = arith.index_cast %shift_right_arithmetic3A_152 : i32 to index
        %get3A_413 = arith.index_cast %mul3A_156 : i32 to index
        %get3A_414 = tpu.vector_load %arg9[%get3A_411, %get3A_412, %get3A_413] {strides = array<i32>} : memref<8x2x128xf32, #tpu.memory_space<vmem>>, vector<1x1x16xf32>,
        %get3A_415 = vector.shape_cast %get3A_414 : vector<1x1x16xf32> to vector<16xf32>
        %select_n3A_416 = arith.select %eq3A_408, %get3A_415, %select_n3A_379 : vector<16xi1>, vector<16xf32>
        %get3A_417 = arith.constant 6 : i32
        %get3A_418 = arith.index_cast %get3A_417 : i32 to index
        %get3A_419 = arith.index_cast %shift_right_arithmetic3A_152 : i32 to index
        %get3A_420 = arith.index_cast %mul3A_156 : i32 to index
        %get3A_421 = tpu.vector_load %arg10[%get3A_418, %get3A_419, %get3A_420] {strides = array<i32>} : memref<8x2x128xf32, #tpu.memory_space<vmem>>, vector<1x1x16xf32>,
        %get3A_422 = vector.shape_cast %get3A_421 : vector<1x1x16xf32> to vector<16xf32>
        %select_n3A_423 = arith.select %eq3A_408, %get3A_422, %select_n3A_386 : vector<16xi1>, vector<16xf32>
        %get3A_424 = arith.constant 6 : i32
        %get3A_425 = arith.index_cast %get3A_424 : i32 to index
        %get3A_426 = arith.index_cast %shift_right_arithmetic3A_152 : i32 to index
        %get3A_427 = arith.index_cast %mul3A_156 : i32 to index
        %get3A_428 = tpu.vector_load %arg11[%get3A_425, %get3A_426, %get3A_427] {strides = array<i32>} : memref<8x2x128xf32, #tpu.memory_space<vmem>>, vector<1x1x16xf32>,
        %get3A_429 = vector.shape_cast %get3A_428 : vector<1x1x16xf32> to vector<16xf32>
        %select_n3A_430 = arith.select %eq3A_408, %get3A_429, %select_n3A_393 : vector<16xi1>, vector<16xf32>
        %get3A_431 = arith.constant 6 : i32
        %get3A_432 = arith.index_cast %get3A_431 : i32 to index
        %get3A_433 = arith.index_cast %shift_right_arithmetic3A_152 : i32 to index
        %get3A_434 = arith.index_cast %mul3A_156 : i32 to index
        %get3A_435 = tpu.vector_load %arg12[%get3A_432, %get3A_433, %get3A_434] {strides = array<i32>} : memref<8x2x128xf32, #tpu.memory_space<vmem>>, vector<1x1x16xf32>,
        %get3A_436 = vector.shape_cast %get3A_435 : vector<1x1x16xf32> to vector<16xf32>
        %select_n3A_437 = arith.select %eq3A_408, %get3A_436, %select_n3A_400 : vector<16xi1>, vector<16xf32>
        %get3A_438 = arith.constant 7 : i32
        %get3A_439 = arith.index_cast %get3A_438 : i32 to index
        %get3A_440 = arith.index_cast %shift_right_arithmetic3A_152 : i32 to index
        %get3A_441 = arith.index_cast %mul3A_156 : i32 to index
        %get3A_442 = tpu.vector_load %arg8[%get3A_439, %get3A_440, %get3A_441] {strides = array<i32>} : memref<8x2x128xi32, #tpu.memory_space<vmem>>, vector<1x1x16xi32>,
        %get3A_443 = vector.shape_cast %get3A_442 : vector<1x1x16xi32> to vector<16xi32>
        %eq3A_444 = vector.broadcast %add3A_61 : i32 to vector<16xi32>
        %eq3A_445 = arith.cmpi eq, %get3A_443, %eq3A_444 : vector<16xi32>
        %or3A_446 = arith.ori %or3A_409, %eq3A_445 : vector<16xi1>
        %get3A_447 = arith.constant 7 : i32
        %get3A_448 = arith.index_cast %get3A_447 : i32 to index
        %get3A_449 = arith.index_cast %shift_right_arithmetic3A_152 : i32 to index
        %get3A_450 = arith.index_cast %mul3A_156 : i32 to index
        %get3A_451 = tpu.vector_load %arg9[%get3A_448, %get3A_449, %get3A_450] {strides = array<i32>} : memref<8x2x128xf32, #tpu.memory_space<vmem>>, vector<1x1x16xf32>,
        %get3A_452 = vector.shape_cast %get3A_451 : vector<1x1x16xf32> to vector<16xf32>
        %select_n3A_453 = arith.select %eq3A_445, %get3A_452, %select_n3A_416 : vector<16xi1>, vector<16xf32>
        %get3A_454 = arith.constant 7 : i32
        %get3A_455 = arith.index_cast %get3A_454 : i32 to index
        %get3A_456 = arith.index_cast %shift_right_arithmetic3A_152 : i32 to index
        %get3A_457 = arith.index_cast %mul3A_156 : i32 to index
        %get3A_458 = tpu.vector_load %arg10[%get3A_455, %get3A_456, %get3A_457] {strides = array<i32>} : memref<8x2x128xf32, #tpu.memory_space<vmem>>, vector<1x1x16xf32>,
        %get3A_459 = vector.shape_cast %get3A_458 : vector<1x1x16xf32> to vector<16xf32>
        %select_n3A_460 = arith.select %eq3A_445, %get3A_459, %select_n3A_423 : vector<16xi1>, vector<16xf32>
        %get3A_461 = arith.constant 7 : i32
        %get3A_462 = arith.index_cast %get3A_461 : i32 to index
        %get3A_463 = arith.index_cast %shift_right_arithmetic3A_152 : i32 to index
        %get3A_464 = arith.index_cast %mul3A_156 : i32 to index
        %get3A_465 = tpu.vector_load %arg11[%get3A_462, %get3A_463, %get3A_464] {strides = array<i32>} : memref<8x2x128xf32, #tpu.memory_space<vmem>>, vector<1x1x16xf32>,
        %get3A_466 = vector.shape_cast %get3A_465 : vector<1x1x16xf32> to vector<16xf32>
        %select_n3A_467 = arith.select %eq3A_445, %get3A_466, %select_n3A_430 : vector<16xi1>, vector<16xf32>
        %get3A_468 = arith.constant 7 : i32
        %get3A_469 = arith.index_cast %get3A_468 : i32 to index
        %get3A_470 = arith.index_cast %shift_right_arithmetic3A_152 : i32 to index
        %get3A_471 = arith.index_cast %mul3A_156 : i32 to index
        %get3A_472 = tpu.vector_load %arg12[%get3A_469, %get3A_470, %get3A_471] {strides = array<i32>} : memref<8x2x128xf32, #tpu.memory_space<vmem>>, vector<1x1x16xf32>,
        %get3A_473 = vector.shape_cast %get3A_472 : vector<1x1x16xf32> to vector<16xf32>
        %select_n3A_474 = arith.select %eq3A_445, %get3A_473, %select_n3A_437 : vector<16xi1>, vector<16xf32>
        %get3A_475 = arith.constant 0 : i32
        %get3A_476 = arith.constant 0 : i32
        %get3A_477 = arith.index_cast %get3A_475 : i32 to index
        %get3A_478 = arith.index_cast %shift_right_arithmetic3A_152 : i32 to index
        %get3A_479 = arith.index_cast %get3A_476 : i32 to index
        %get3A_480 = arith.index_cast %mul3A_156 : i32 to index
        %get3A_481 = tpu.vector_load %arg6[%get3A_477, %get3A_478, %get3A_479, %get3A_480] {strides = array<i32>} : memref<25x2x2x128xf32, #tpu.memory_space<vmem>>, vector<1x1x1x16xf32>,
        %get3A_482 = vector.shape_cast %get3A_481 : vector<1x1x1x16xf32> to vector<16xf32>
        %sub3A_483 = arith.subf %get3A_482, %select_n3A_453 : vector<16xf32>
        %mul3A_484 = arith.mulf %sub3A_483, %sub3A_483 : vector<16xf32>
        %add3A_485 = arith.addf %mul3A_8, %mul3A_484 : vector<16xf32>
        %get3A_486 = arith.constant 1 : i32
        %get3A_487 = arith.constant 0 : i32
        %get3A_488 = arith.index_cast %get3A_486 : i32 to index
        %get3A_489 = arith.index_cast %shift_right_arithmetic3A_152 : i32 to index
        %get3A_490 = arith.index_cast %get3A_487 : i32 to index
        %get3A_491 = arith.index_cast %mul3A_156 : i32 to index
        %get3A_492 = tpu.vector_load %arg6[%get3A_488, %get3A_489, %get3A_490, %get3A_491] {strides = array<i32>} : memref<25x2x2x128xf32, #tpu.memory_space<vmem>>, vector<1x1x1x16xf32>,
        %get3A_493 = vector.shape_cast %get3A_492 : vector<1x1x1x16xf32> to vector<16xf32>
        %sub3A_494 = arith.subf %get3A_493, %select_n3A_460 : vector<16xf32>
        %mul3A_495 = arith.mulf %sub3A_494, %sub3A_494 : vector<16xf32>
        %add3A_496 = arith.addf %add3A_485, %mul3A_495 : vector<16xf32>
        %get3A_497 = arith.constant 2 : i32
        %get3A_498 = arith.constant 0 : i32
        %get3A_499 = arith.index_cast %get3A_497 : i32 to index
        %get3A_500 = arith.index_cast %shift_right_arithmetic3A_152 : i32 to index
        %get3A_501 = arith.index_cast %get3A_498 : i32 to index
        %get3A_502 = arith.index_cast %mul3A_156 : i32 to index
        %get3A_503 = tpu.vector_load %arg6[%get3A_499, %get3A_500, %get3A_501, %get3A_502] {strides = array<i32>} : memref<25x2x2x128xf32, #tpu.memory_space<vmem>>, vector<1x1x1x16xf32>,
        %get3A_504 = vector.shape_cast %get3A_503 : vector<1x1x1x16xf32> to vector<16xf32>
        %sub3A_505 = arith.subf %get3A_504, %select_n3A_467 : vector<16xf32>
        %mul3A_506 = arith.mulf %sub3A_505, %sub3A_505 : vector<16xf32>
        %add3A_507 = arith.addf %add3A_496, %mul3A_506 : vector<16xf32>
        %get3A_508 = arith.constant 3 : i32
        %get3A_509 = arith.constant 0 : i32
        %get3A_510 = arith.index_cast %get3A_508 : i32 to index
        %get3A_511 = arith.index_cast %shift_right_arithmetic3A_152 : i32 to index
        %get3A_512 = arith.index_cast %get3A_509 : i32 to index
        %get3A_513 = arith.index_cast %mul3A_156 : i32 to index
        %get3A_514 = tpu.vector_load %arg6[%get3A_510, %get3A_511, %get3A_512, %get3A_513] {strides = array<i32>} : memref<25x2x2x128xf32, #tpu.memory_space<vmem>>, vector<1x1x1x16xf32>,
        %get3A_515 = vector.shape_cast %get3A_514 : vector<1x1x1x16xf32> to vector<16xf32>
        %sub3A_516 = arith.subf %get3A_515, %select_n3A_474 : vector<16xf32>
        %mul3A_517 = arith.mulf %sub3A_516, %sub3A_516 : vector<16xf32>
        %add3A_518 = arith.addf %add3A_507, %mul3A_517 : vector<16xf32>
        %get3A_519 = arith.constant 4 : i32
        %get3A_520 = arith.constant 0 : i32
        %get3A_521 = arith.index_cast %get3A_519 : i32 to index
        %get3A_522 = arith.index_cast %shift_right_arithmetic3A_152 : i32 to index
        %get3A_523 = arith.index_cast %get3A_520 : i32 to index
        %get3A_524 = arith.index_cast %mul3A_156 : i32 to index
        %get3A_525 = tpu.vector_load %arg6[%get3A_521, %get3A_522, %get3A_523, %get3A_524] {strides = array<i32>} : memref<25x2x2x128xf32, #tpu.memory_space<vmem>>, vector<1x1x1x16xf32>,
        %get3A_526 = vector.shape_cast %get3A_525 : vector<1x1x1x16xf32> to vector<16xf32>
        %mul3A_527 = arith.constant 2.000000e+00 : f32
        %mul3A_528 = vector.broadcast %mul3A_527 : f32 to vector<16xf32>
        %mul3A_529 = arith.mulf %mul3A_528, %get3A_526 : vector<16xf32>
        %sub3A_530 = arith.constant 1.000000e+00 : f32
        %sub3A_531 = vector.broadcast %sub3A_530 : f32 to vector<16xf32>
        %sub3A_532 = arith.subf %sub3A_531, %mul3A_529 : vector<16xf32>
        %get3A_533 = arith.constant 5 : i32
        %get3A_534 = arith.constant 0 : i32
        %get3A_535 = arith.index_cast %get3A_533 : i32 to index
        %get3A_536 = arith.index_cast %shift_right_arithmetic3A_152 : i32 to index
        %get3A_537 = arith.index_cast %get3A_534 : i32 to index
        %get3A_538 = arith.index_cast %mul3A_156 : i32 to index
        %get3A_539 = tpu.vector_load %arg6[%get3A_535, %get3A_536, %get3A_537, %get3A_538] {strides = array<i32>} : memref<25x2x2x128xf32, #tpu.memory_space<vmem>>, vector<1x1x1x16xf32>,
        %get3A_540 = vector.shape_cast %get3A_539 : vector<1x1x1x16xf32> to vector<16xf32>
        %mul3A_541 = arith.mulf %get3A_540, %get3A_540 : vector<16xf32>
        %add3A_542 = arith.addf %mul3A_8, %mul3A_541 : vector<16xf32>
        %get3A_543 = arith.constant 6 : i32
        %get3A_544 = arith.constant 0 : i32
        %get3A_545 = arith.index_cast %get3A_543 : i32 to index
        %get3A_546 = arith.index_cast %shift_right_arithmetic3A_152 : i32 to index
        %get3A_547 = arith.index_cast %get3A_544 : i32 to index
        %get3A_548 = arith.index_cast %mul3A_156 : i32 to index
        %get3A_549 = tpu.vector_load %arg6[%get3A_545, %get3A_546, %get3A_547, %get3A_548] {strides = array<i32>} : memref<25x2x2x128xf32, #tpu.memory_space<vmem>>, vector<1x1x1x16xf32>,
        %get3A_550 = vector.shape_cast %get3A_549 : vector<1x1x1x16xf32> to vector<16xf32>
        %mul3A_551 = arith.mulf %get3A_550, %get3A_550 : vector<16xf32>
        %add3A_552 = arith.addf %add3A_542, %mul3A_551 : vector<16xf32>
        %get3A_553 = arith.constant 7 : i32
        %get3A_554 = arith.constant 0 : i32
        %get3A_555 = arith.index_cast %get3A_553 : i32 to index
        %get3A_556 = arith.index_cast %shift_right_arithmetic3A_152 : i32 to index
        %get3A_557 = arith.index_cast %get3A_554 : i32 to index
        %get3A_558 = arith.index_cast %mul3A_156 : i32 to index
        %get3A_559 = tpu.vector_load %arg6[%get3A_555, %get3A_556, %get3A_557, %get3A_558] {strides = array<i32>} : memref<25x2x2x128xf32, #tpu.memory_space<vmem>>, vector<1x1x1x16xf32>,
        %get3A_560 = vector.shape_cast %get3A_559 : vector<1x1x1x16xf32> to vector<16xf32>
        %mul3A_561 = arith.mulf %get3A_560, %get3A_560 : vector<16xf32>
        %add3A_562 = arith.addf %add3A_552, %mul3A_561 : vector<16xf32>
        %get3A_563 = arith.constant 8 : i32
        %get3A_564 = arith.constant 0 : i32
        %get3A_565 = arith.index_cast %get3A_563 : i32 to index
        %get3A_566 = arith.index_cast %shift_right_arithmetic3A_152 : i32 to index
        %get3A_567 = arith.index_cast %get3A_564 : i32 to index
        %get3A_568 = arith.index_cast %mul3A_156 : i32 to index
        %get3A_569 = tpu.vector_load %arg6[%get3A_565, %get3A_566, %get3A_567, %get3A_568] {strides = array<i32>} : memref<25x2x2x128xf32, #tpu.memory_space<vmem>>, vector<1x1x1x16xf32>,
        %get3A_570 = vector.shape_cast %get3A_569 : vector<1x1x1x16xf32> to vector<16xf32>
        %mul3A_571 = arith.mulf %get3A_570, %get3A_570 : vector<16xf32>
        %add3A_572 = arith.addf %add3A_562, %mul3A_571 : vector<16xf32>
        %get3A_573 = arith.constant 9 : i32
        %get3A_574 = arith.constant 0 : i32
        %get3A_575 = arith.index_cast %get3A_573 : i32 to index
        %get3A_576 = arith.index_cast %shift_right_arithmetic3A_152 : i32 to index
        %get3A_577 = arith.index_cast %get3A_574 : i32 to index
        %get3A_578 = arith.index_cast %mul3A_156 : i32 to index
        %get3A_579 = tpu.vector_load %arg6[%get3A_575, %get3A_576, %get3A_577, %get3A_578] {strides = array<i32>} : memref<25x2x2x128xf32, #tpu.memory_space<vmem>>, vector<1x1x1x16xf32>,
        %get3A_580 = vector.shape_cast %get3A_579 : vector<1x1x1x16xf32> to vector<16xf32>
        %mul3A_581 = arith.mulf %get3A_580, %get3A_580 : vector<16xf32>
        %add3A_582 = arith.addf %add3A_572, %mul3A_581 : vector<16xf32>
        %get3A_583 = arith.constant 10 : i32
        %get3A_584 = arith.constant 0 : i32
        %get3A_585 = arith.index_cast %get3A_583 : i32 to index
        %get3A_586 = arith.index_cast %shift_right_arithmetic3A_152 : i32 to index
        %get3A_587 = arith.index_cast %get3A_584 : i32 to index
        %get3A_588 = arith.index_cast %mul3A_156 : i32 to index
        %get3A_589 = tpu.vector_load %arg6[%get3A_585, %get3A_586, %get3A_587, %get3A_588] {strides = array<i32>} : memref<25x2x2x128xf32, #tpu.memory_space<vmem>>, vector<1x1x1x16xf32>,
        %get3A_590 = vector.shape_cast %get3A_589 : vector<1x1x1x16xf32> to vector<16xf32>
        %mul3A_591 = arith.mulf %get3A_590, %get3A_590 : vector<16xf32>
        %add3A_592 = arith.addf %add3A_582, %mul3A_591 : vector<16xf32>
        %get3A_593 = arith.constant 11 : i32
        %get3A_594 = arith.constant 0 : i32
        %get3A_595 = arith.index_cast %get3A_593 : i32 to index
        %get3A_596 = arith.index_cast %shift_right_arithmetic3A_152 : i32 to index
        %get3A_597 = arith.index_cast %get3A_594 : i32 to index
        %get3A_598 = arith.index_cast %mul3A_156 : i32 to index
        %get3A_599 = tpu.vector_load %arg6[%get3A_595, %get3A_596, %get3A_597, %get3A_598] {strides = array<i32>} : memref<25x2x2x128xf32, #tpu.memory_space<vmem>>, vector<1x1x1x16xf32>,
        %get3A_600 = vector.shape_cast %get3A_599 : vector<1x1x1x16xf32> to vector<16xf32>
        %mul3A_601 = arith.mulf %get3A_600, %get3A_600 : vector<16xf32>
        %add3A_602 = arith.addf %add3A_592, %mul3A_601 : vector<16xf32>
        %get3A_603 = arith.constant 12 : i32
        %get3A_604 = arith.constant 0 : i32
        %get3A_605 = arith.index_cast %get3A_603 : i32 to index
        %get3A_606 = arith.index_cast %shift_right_arithmetic3A_152 : i32 to index
        %get3A_607 = arith.index_cast %get3A_604 : i32 to index
        %get3A_608 = arith.index_cast %mul3A_156 : i32 to index
        %get3A_609 = tpu.vector_load %arg6[%get3A_605, %get3A_606, %get3A_607, %get3A_608] {strides = array<i32>} : memref<25x2x2x128xf32, #tpu.memory_space<vmem>>, vector<1x1x1x16xf32>,
        %get3A_610 = vector.shape_cast %get3A_609 : vector<1x1x1x16xf32> to vector<16xf32>
        %mul3A_611 = arith.mulf %get3A_610, %get3A_610 : vector<16xf32>
        %add3A_612 = arith.addf %add3A_602, %mul3A_611 : vector<16xf32>
        %get3A_613 = arith.constant 13 : i32
        %get3A_614 = arith.constant 0 : i32
        %get3A_615 = arith.index_cast %get3A_613 : i32 to index
        %get3A_616 = arith.index_cast %shift_right_arithmetic3A_152 : i32 to index
        %get3A_617 = arith.index_cast %get3A_614 : i32 to index
        %get3A_618 = arith.index_cast %mul3A_156 : i32 to index
        %get3A_619 = tpu.vector_load %arg6[%get3A_615, %get3A_616, %get3A_617, %get3A_618] {strides = array<i32>} : memref<25x2x2x128xf32, #tpu.memory_space<vmem>>, vector<1x1x1x16xf32>,
        %get3A_620 = vector.shape_cast %get3A_619 : vector<1x1x1x16xf32> to vector<16xf32>
        %mul3A_621 = arith.mulf %get3A_620, %get3A_620 : vector<16xf32>
        %add3A_622 = arith.addf %add3A_612, %mul3A_621 : vector<16xf32>
        %get3A_623 = arith.constant 14 : i32
        %get3A_624 = arith.constant 0 : i32
        %get3A_625 = arith.index_cast %get3A_623 : i32 to index
        %get3A_626 = arith.index_cast %shift_right_arithmetic3A_152 : i32 to index
        %get3A_627 = arith.index_cast %get3A_624 : i32 to index
        %get3A_628 = arith.index_cast %mul3A_156 : i32 to index
        %get3A_629 = tpu.vector_load %arg6[%get3A_625, %get3A_626, %get3A_627, %get3A_628] {strides = array<i32>} : memref<25x2x2x128xf32, #tpu.memory_space<vmem>>, vector<1x1x1x16xf32>,
        %get3A_630 = vector.shape_cast %get3A_629 : vector<1x1x1x16xf32> to vector<16xf32>
        %mul3A_631 = arith.mulf %get3A_630, %get3A_630 : vector<16xf32>
        %add3A_632 = arith.addf %add3A_622, %mul3A_631 : vector<16xf32>
        %get3A_633 = arith.constant 15 : i32
        %get3A_634 = arith.constant 0 : i32
        %get3A_635 = arith.index_cast %get3A_633 : i32 to index
        %get3A_636 = arith.index_cast %shift_right_arithmetic3A_152 : i32 to index
        %get3A_637 = arith.index_cast %get3A_634 : i32 to index
        %get3A_638 = arith.index_cast %mul3A_156 : i32 to index
        %get3A_639 = tpu.vector_load %arg6[%get3A_635, %get3A_636, %get3A_637, %get3A_638] {strides = array<i32>} : memref<25x2x2x128xf32, #tpu.memory_space<vmem>>, vector<1x1x1x16xf32>,
        %get3A_640 = vector.shape_cast %get3A_639 : vector<1x1x1x16xf32> to vector<16xf32>
        %mul3A_641 = arith.mulf %get3A_640, %get3A_640 : vector<16xf32>
        %add3A_642 = arith.addf %add3A_632, %mul3A_641 : vector<16xf32>
        %get3A_643 = arith.constant 16 : i32
        %get3A_644 = arith.constant 0 : i32
        %get3A_645 = arith.index_cast %get3A_643 : i32 to index
        %get3A_646 = arith.index_cast %shift_right_arithmetic3A_152 : i32 to index
        %get3A_647 = arith.index_cast %get3A_644 : i32 to index
        %get3A_648 = arith.index_cast %mul3A_156 : i32 to index
        %get3A_649 = tpu.vector_load %arg6[%get3A_645, %get3A_646, %get3A_647, %get3A_648] {strides = array<i32>} : memref<25x2x2x128xf32, #tpu.memory_space<vmem>>, vector<1x1x1x16xf32>,
        %get3A_650 = vector.shape_cast %get3A_649 : vector<1x1x1x16xf32> to vector<16xf32>
        %mul3A_651 = arith.mulf %get3A_650, %get3A_650 : vector<16xf32>
        %add3A_652 = arith.addf %add3A_642, %mul3A_651 : vector<16xf32>
        %get3A_653 = arith.constant 17 : i32
        %get3A_654 = arith.constant 0 : i32
        %get3A_655 = arith.index_cast %get3A_653 : i32 to index
        %get3A_656 = arith.index_cast %shift_right_arithmetic3A_152 : i32 to index
        %get3A_657 = arith.index_cast %get3A_654 : i32 to index
        %get3A_658 = arith.index_cast %mul3A_156 : i32 to index
        %get3A_659 = tpu.vector_load %arg6[%get3A_655, %get3A_656, %get3A_657, %get3A_658] {strides = array<i32>} : memref<25x2x2x128xf32, #tpu.memory_space<vmem>>, vector<1x1x1x16xf32>,
        %get3A_660 = vector.shape_cast %get3A_659 : vector<1x1x1x16xf32> to vector<16xf32>
        %mul3A_661 = arith.mulf %get3A_660, %get3A_660 : vector<16xf32>
        %add3A_662 = arith.addf %add3A_652, %mul3A_661 : vector<16xf32>
        %get3A_663 = arith.constant 18 : i32
        %get3A_664 = arith.constant 0 : i32
        %get3A_665 = arith.index_cast %get3A_663 : i32 to index
        %get3A_666 = arith.index_cast %shift_right_arithmetic3A_152 : i32 to index
        %get3A_667 = arith.index_cast %get3A_664 : i32 to index
        %get3A_668 = arith.index_cast %mul3A_156 : i32 to index
        %get3A_669 = tpu.vector_load %arg6[%get3A_665, %get3A_666, %get3A_667, %get3A_668] {strides = array<i32>} : memref<25x2x2x128xf32, #tpu.memory_space<vmem>>, vector<1x1x1x16xf32>,
        %get3A_670 = vector.shape_cast %get3A_669 : vector<1x1x1x16xf32> to vector<16xf32>
        %mul3A_671 = arith.mulf %get3A_670, %get3A_670 : vector<16xf32>
        %add3A_672 = arith.addf %add3A_662, %mul3A_671 : vector<16xf32>
        %get3A_673 = arith.constant 19 : i32
        %get3A_674 = arith.constant 0 : i32
        %get3A_675 = arith.index_cast %get3A_673 : i32 to index
        %get3A_676 = arith.index_cast %shift_right_arithmetic3A_152 : i32 to index
        %get3A_677 = arith.index_cast %get3A_674 : i32 to index
        %get3A_678 = arith.index_cast %mul3A_156 : i32 to index
        %get3A_679 = tpu.vector_load %arg6[%get3A_675, %get3A_676, %get3A_677, %get3A_678] {strides = array<i32>} : memref<25x2x2x128xf32, #tpu.memory_space<vmem>>, vector<1x1x1x16xf32>,
        %get3A_680 = vector.shape_cast %get3A_679 : vector<1x1x1x16xf32> to vector<16xf32>
        %mul3A_681 = arith.mulf %get3A_680, %get3A_680 : vector<16xf32>
        %add3A_682 = arith.addf %add3A_672, %mul3A_681 : vector<16xf32>
        %get3A_683 = arith.constant 20 : i32
        %get3A_684 = arith.constant 0 : i32
        %get3A_685 = arith.index_cast %get3A_683 : i32 to index
        %get3A_686 = arith.index_cast %shift_right_arithmetic3A_152 : i32 to index
        %get3A_687 = arith.index_cast %get3A_684 : i32 to index
        %get3A_688 = arith.index_cast %mul3A_156 : i32 to index
        %get3A_689 = tpu.vector_load %arg6[%get3A_685, %get3A_686, %get3A_687, %get3A_688] {strides = array<i32>} : memref<25x2x2x128xf32, #tpu.memory_space<vmem>>, vector<1x1x1x16xf32>,
        %get3A_690 = vector.shape_cast %get3A_689 : vector<1x1x1x16xf32> to vector<16xf32>
        %mul3A_691 = arith.mulf %get3A_690, %get3A_690 : vector<16xf32>
        %add3A_692 = arith.addf %add3A_682, %mul3A_691 : vector<16xf32>
        %get3A_693 = arith.constant 21 : i32
        %get3A_694 = arith.constant 0 : i32
        %get3A_695 = arith.index_cast %get3A_693 : i32 to index
        %get3A_696 = arith.index_cast %shift_right_arithmetic3A_152 : i32 to index
        %get3A_697 = arith.index_cast %get3A_694 : i32 to index
        %get3A_698 = arith.index_cast %mul3A_156 : i32 to index
        %get3A_699 = tpu.vector_load %arg6[%get3A_695, %get3A_696, %get3A_697, %get3A_698] {strides = array<i32>} : memref<25x2x2x128xf32, #tpu.memory_space<vmem>>, vector<1x1x1x16xf32>,
        %get3A_700 = vector.shape_cast %get3A_699 : vector<1x1x1x16xf32> to vector<16xf32>
        %mul3A_701 = arith.mulf %get3A_700, %get3A_700 : vector<16xf32>
        %add3A_702 = arith.addf %add3A_692, %mul3A_701 : vector<16xf32>
        %get3A_703 = arith.constant 22 : i32
        %get3A_704 = arith.constant 0 : i32
        %get3A_705 = arith.index_cast %get3A_703 : i32 to index
        %get3A_706 = arith.index_cast %shift_right_arithmetic3A_152 : i32 to index
        %get3A_707 = arith.index_cast %get3A_704 : i32 to index
        %get3A_708 = arith.index_cast %mul3A_156 : i32 to index
        %get3A_709 = tpu.vector_load %arg6[%get3A_705, %get3A_706, %get3A_707, %get3A_708] {strides = array<i32>} : memref<25x2x2x128xf32, #tpu.memory_space<vmem>>, vector<1x1x1x16xf32>,
        %get3A_710 = vector.shape_cast %get3A_709 : vector<1x1x1x16xf32> to vector<16xf32>
        %mul3A_711 = arith.mulf %get3A_710, %get3A_710 : vector<16xf32>
        %add3A_712 = arith.addf %add3A_702, %mul3A_711 : vector<16xf32>
        %get3A_713 = arith.constant 23 : i32
        %get3A_714 = arith.constant 0 : i32
        %get3A_715 = arith.index_cast %get3A_713 : i32 to index
        %get3A_716 = arith.index_cast %shift_right_arithmetic3A_152 : i32 to index
        %get3A_717 = arith.index_cast %get3A_714 : i32 to index
        %get3A_718 = arith.index_cast %mul3A_156 : i32 to index
        %get3A_719 = tpu.vector_load %arg6[%get3A_715, %get3A_716, %get3A_717, %get3A_718] {strides = array<i32>} : memref<25x2x2x128xf32, #tpu.memory_space<vmem>>, vector<1x1x1x16xf32>,
        %get3A_720 = vector.shape_cast %get3A_719 : vector<1x1x1x16xf32> to vector<16xf32>
        %mul3A_721 = arith.mulf %get3A_720, %get3A_720 : vector<16xf32>
        %add3A_722 = arith.addf %add3A_712, %mul3A_721 : vector<16xf32>
        %get3A_723 = arith.constant 24 : i32
        %get3A_724 = arith.constant 0 : i32
        %get3A_725 = arith.index_cast %get3A_723 : i32 to index
        %get3A_726 = arith.index_cast %shift_right_arithmetic3A_152 : i32 to index
        %get3A_727 = arith.index_cast %get3A_724 : i32 to index
        %get3A_728 = arith.index_cast %mul3A_156 : i32 to index
        %get3A_729 = tpu.vector_load %arg6[%get3A_725, %get3A_726, %get3A_727, %get3A_728] {strides = array<i32>} : memref<25x2x2x128xf32, #tpu.memory_space<vmem>>, vector<1x1x1x16xf32>,
        %get3A_730 = vector.shape_cast %get3A_729 : vector<1x1x1x16xf32> to vector<16xf32>
        %mul3A_731 = arith.mulf %get3A_730, %get3A_730 : vector<16xf32>
        %add3A_732 = arith.addf %add3A_722, %mul3A_731 : vector<16xf32>
        %mul3A_733 = arith.constant 5.000000e+00 : f32
        %mul3A_734 = vector.broadcast %mul3A_733 : f32 to vector<16xf32>
        %mul3A_735 = arith.mulf %mul3A_734, %add3A_518 : vector<16xf32>
        %add3A_736 = arith.addf %mul3A_735, %sub3A_532 : vector<16xf32>
        %add3A_737 = arith.addf %add3A_736, %add3A_732 : vector<16xf32>
        %jit3A_738 = arith.constant 0.000000e+00 : f32
        %broadcast_in_dim3A = vector.broadcast %jit3A_738 : f32 to vector<16xf32>
        %select_n3A_739 = arith.select %or3A_446, %add3A_737, %broadcast_in_dim3A : vector<16xi1>, vector<16xf32>
        %add3A_740 = arith.addf %add3A_176, %select_n3A_739 : vector<16xf32>
        scf.yield %add3A_740 : vector<16xf32>
      }
      %scan3A_142 = arith.constant 16 : i32
      %get3A = arith.constant 0 : index
      %get3A_143 = tpu.vector_load %arg13[%get3A] {strides = array<i32>} : memref<16xf32, #tpu.memory_space<vmem>>, vector<16xf32>,
      %get3A_144 = vector.shape_cast %get3A_143 : vector<16xf32> to vector<16xf32>
      %add3A_145 = arith.addf %get3A_144, %scan3A_141 : vector<16xf32>
      %swap3A_146 = arith.constant 0 : index
      %swap3A_147 = tpu.vector_load %arg13[%swap3A_146] {strides = array<i32>} : memref<16xf32, #tpu.memory_space<vmem>>, vector<16xf32>,
      %swap3A_148 = vector.shape_cast %swap3A_147 : vector<16xf32> to vector<16xf32>
      %swap3A_149 = vector.shape_cast %add3A_145 : vector<16xf32> to vector<16xf32>
      tpu.vector_store %arg13[%swap3A_146], %swap3A_149 {strides = array<i32>} : memref<16xf32, #tpu.memory_space<vmem>>, vector<16xf32>,
    } else {
    }
    %add3A_74 = arith.constant 128 : i32
    %add3A_75 = arith.addi %add3A_74, %add3A : i32
    %add3A_76 = arith.constant 160 : i32
    %add3A_77 = arith.addi %add3A_76, %add3A : i32
    %lt3A_78 = arith.constant 169 : i32
    %lt3A_79 = arith.cmpi slt, %add3A_77, %lt3A_78 : i32
    %convert_element_type3A_80 = arith.extui %lt3A_79 : i1 to i32
    %cond3A_81 = arith.constant 0 : i32
    %cond3A_82 = arith.cmpi ne, %convert_element_type3A_80, %cond3A_81 : i32
    scf.if %cond3A_82 {
      %jit3A = arith.constant 13 : i32
      %div3A = arith.divsi %add3A_77, %jit3A : i32
      %sign3A = arith.constant 0 : i32
      %sign3A_95 = arith.cmpi sgt, %add3A_77, %sign3A : i32
      %sign3A_96 = arith.extui %sign3A_95 : i1 to i32
      %sign3A_97 = arith.constant 0 : i32
      %sign3A_98 = arith.cmpi slt, %add3A_77, %sign3A_97 : i32
      %sign3A_99 = arith.extui %sign3A_98 : i1 to i32
      %sign3A_100 = arith.subi %sign3A_96, %sign3A_99 : i32
      %sign3A_101 = arith.constant 0 : i32
      %sign3A_102 = arith.cmpi sgt, %jit3A, %sign3A_101 : i32
      %sign3A_103 = arith.extui %sign3A_102 : i1 to i32
      %sign3A_104 = arith.constant 0 : i32
      %sign3A_105 = arith.cmpi slt, %jit3A, %sign3A_104 : i32
      %sign3A_106 = arith.extui %sign3A_105 : i1 to i32
      %sign3A_107 = arith.subi %sign3A_103, %sign3A_106 : i32
      %ne3A = arith.cmpi ne, %sign3A_100, %sign3A_107 : i32
      %rem3A = arith.remsi %add3A_77, %jit3A : i32
      %ne3A_108 = arith.constant 0 : i32
      %ne3A_109 = arith.cmpi ne, %rem3A, %ne3A_108 : i32
      %and3A = arith.andi %ne3A, %ne3A_109 : i1
      %sub3A = arith.constant 1 : i32
      %sub3A_110 = arith.subi %div3A, %sub3A : i32
      %select_n3A = arith.select %and3A, %sub3A_110, %div3A : i32
      %jit3A_111 = arith.constant 13 : i32
      %eq3A = arith.constant 0 : i32
      %eq3A_112 = arith.cmpi eq, %jit3A_111, %eq3A : i32
      %jit3A_113 = arith.constant 1 : i32
      %select_n3A_114 = arith.select %eq3A_112, %jit3A_113, %jit3A_111 : i32
      %rem3A_115 = arith.remsi %add3A_77, %select_n3A_114 : i32
      %ne3A_116 = arith.constant 0 : i32
      %ne3A_117 = arith.cmpi ne, %rem3A_115, %ne3A_116 : i32
      %lt3A_118 = arith.constant 0 : i32
      %lt3A_119 = arith.cmpi slt, %rem3A_115, %lt3A_118 : i32
      %lt3A_120 = arith.constant 0 : i32
      %lt3A_121 = arith.cmpi slt, %select_n3A_114, %lt3A_120 : i32
      %ne3A_122 = arith.xori %lt3A_119, %lt3A_121 : i1
      %and3A_123 = arith.andi %ne3A_122, %ne3A_117 : i1
      %add3A_124 = arith.addi %rem3A_115, %select_n3A_114 : i32
      %select_n3A_125 = arith.select %and3A_123, %add3A_124, %rem3A_115 : i32
      %dma_start3A = arith.constant 0 : i32
      %dma_start3A_126 = arith.constant 0 : i32
      %dma_start3A_127 = arith.constant 0 : i32
      %dma_start3A_128 = arith.constant 0 : i32
      %dma_start3A_129 = tpu.memref_slice %arg2[%select_n3A, %select_n3A_125, %dma_start3A, %dma_start3A_126, %dma_start3A_127, %dma_start3A_128] : memref<13x13x25x2x2x128xf32, #tpu.memory_space<hbm>> -> memref<1x1x25x2x2x128xf32, #tpu.memory_space<hbm>>
      %dma_start3A_130 = tpu.memref_squeeze %dma_start3A_129 : memref<1x1x25x2x2x128xf32, #tpu.memory_space<hbm>> -> memref<25x2x2x128xf32, #tpu.memory_space<hbm>>
      %dma_start3A_131 = arith.constant 0 : i32
      %dma_start3A_132 = arith.constant 0 : i32
      %dma_start3A_133 = arith.constant 0 : i32
      %dma_start3A_134 = arith.constant 0 : i32
      %dma_start3A_135 = tpu.memref_slice %arg2[%select_n3A, %select_n3A_125, %dma_start3A_131, %dma_start3A_132, %dma_start3A_133, %dma_start3A_134] : memref<13x13x25x2x2x128xf32, #tpu.memory_space<hbm>> -> memref<1x1x25x2x2x128xf32, #tpu.memory_space<hbm>>
      %dma_start3A_136 = tpu.memref_squeeze %dma_start3A_135 : memref<1x1x25x2x2x128xf32, #tpu.memory_space<hbm>> -> memref<25x2x2x128xf32, #tpu.memory_space<hbm>>
      tpu.enqueue_dma source(%dma_start3A_136 : memref<25x2x2x128xf32, #tpu.memory_space<hbm>>) target(%arg6 : memref<25x2x2x128xf32, #tpu.memory_space<vmem>>) target_semaphore(%arg15 : memref<!tpu.dma_semaphore, #tpu.memory_space<semaphore_mem>>)
    } else {
    }
    %lt3A_83 = arith.constant 169 : i32
    %lt3A_84 = arith.cmpi slt, %add3A_75, %lt3A_83 : i32
    %convert_element_type3A_85 = arith.extui %lt3A_84 : i1 to i32
    %cond3A_86 = arith.constant 0 : i32
    %cond3A_87 = arith.cmpi ne, %convert_element_type3A_85, %cond3A_86 : i32
    scf.if %cond3A_87 {
      %jit3A = arith.constant 13 : i32
      %div3A = arith.divsi %add3A_75, %jit3A : i32
      %sign3A = arith.constant 0 : i32
      %sign3A_95 = arith.cmpi sgt, %add3A_75, %sign3A : i32
      %sign3A_96 = arith.extui %sign3A_95 : i1 to i32
      %sign3A_97 = arith.constant 0 : i32
      %sign3A_98 = arith.cmpi slt, %add3A_75, %sign3A_97 : i32
      %sign3A_99 = arith.extui %sign3A_98 : i1 to i32
      %sign3A_100 = arith.subi %sign3A_96, %sign3A_99 : i32
      %sign3A_101 = arith.constant 0 : i32
      %sign3A_102 = arith.cmpi sgt, %jit3A, %sign3A_101 : i32
      %sign3A_103 = arith.extui %sign3A_102 : i1 to i32
      %sign3A_104 = arith.constant 0 : i32
      %sign3A_105 = arith.cmpi slt, %jit3A, %sign3A_104 : i32
      %sign3A_106 = arith.extui %sign3A_105 : i1 to i32
      %sign3A_107 = arith.subi %sign3A_103, %sign3A_106 : i32
      %ne3A = arith.cmpi ne, %sign3A_100, %sign3A_107 : i32
      %rem3A = arith.remsi %add3A_75, %jit3A : i32
      %ne3A_108 = arith.constant 0 : i32
      %ne3A_109 = arith.cmpi ne, %rem3A, %ne3A_108 : i32
      %and3A = arith.andi %ne3A, %ne3A_109 : i1
      %sub3A = arith.constant 1 : i32
      %sub3A_110 = arith.subi %div3A, %sub3A : i32
      %select_n3A = arith.select %and3A, %sub3A_110, %div3A : i32
      %jit3A_111 = arith.constant 13 : i32
      %eq3A = arith.constant 0 : i32
      %eq3A_112 = arith.cmpi eq, %jit3A_111, %eq3A : i32
      %jit3A_113 = arith.constant 1 : i32
      %select_n3A_114 = arith.select %eq3A_112, %jit3A_113, %jit3A_111 : i32
      %rem3A_115 = arith.remsi %add3A_75, %select_n3A_114 : i32
      %ne3A_116 = arith.constant 0 : i32
      %ne3A_117 = arith.cmpi ne, %rem3A_115, %ne3A_116 : i32
      %lt3A_118 = arith.constant 0 : i32
      %lt3A_119 = arith.cmpi slt, %rem3A_115, %lt3A_118 : i32
      %lt3A_120 = arith.constant 0 : i32
      %lt3A_121 = arith.cmpi slt, %select_n3A_114, %lt3A_120 : i32
      %ne3A_122 = arith.xori %lt3A_119, %lt3A_121 : i1
      %and3A_123 = arith.andi %ne3A_122, %ne3A_117 : i1
      %add3A_124 = arith.addi %rem3A_115, %select_n3A_114 : i32
      %select_n3A_125 = arith.select %and3A_123, %add3A_124, %rem3A_115 : i32
      %dma_wait3A = arith.constant 0 : i32
      %dma_wait3A_126 = arith.constant 0 : i32
      %dma_wait3A_127 = arith.constant 0 : i32
      %dma_wait3A_128 = arith.constant 0 : i32
      %dma_wait3A_129 = tpu.memref_slice %arg2[%select_n3A, %select_n3A_125, %dma_wait3A, %dma_wait3A_126, %dma_wait3A_127, %dma_wait3A_128] : memref<13x13x25x2x2x128xf32, #tpu.memory_space<hbm>> -> memref<1x1x25x2x2x128xf32, #tpu.memory_space<hbm>>
      %dma_wait3A_130 = tpu.memref_squeeze %dma_wait3A_129 : memref<1x1x25x2x2x128xf32, #tpu.memory_space<hbm>> -> memref<25x2x2x128xf32, #tpu.memory_space<hbm>>
      %dma_wait3A_131 = arith.constant 0 : i32
      %dma_wait3A_132 = arith.constant 0 : i32
      %dma_wait3A_133 = arith.constant 0 : i32
      %dma_wait3A_134 = arith.constant 0 : i32
      %dma_wait3A_135 = tpu.memref_slice %arg2[%select_n3A, %select_n3A_125, %dma_wait3A_131, %dma_wait3A_132, %dma_wait3A_133, %dma_wait3A_134] : memref<13x13x25x2x2x128xf32, #tpu.memory_space<hbm>> -> memref<1x1x25x2x2x128xf32, #tpu.memory_space<hbm>>
      %dma_wait3A_136 = tpu.memref_squeeze %dma_wait3A_135 : memref<1x1x25x2x2x128xf32, #tpu.memory_space<hbm>> -> memref<25x2x2x128xf32, #tpu.memory_space<hbm>>
      tpu.wait_dma2 semaphore(%arg14 : memref<!tpu.dma_semaphore, #tpu.memory_space<semaphore_mem>>) src(%dma_wait3A_136 : memref<25x2x2x128xf32, #tpu.memory_space<hbm>>) dst(%arg5 : memref<25x2x2x128xf32, #tpu.memory_space<vmem>>)
      %scan3A_137 = arith.constant 0 : i32
      %scan3A_138 = arith.constant 16 : i32
      %scan3A_139 = arith.addi %scan3A_137, %scan3A_138 : i32
      %scan3A_140 = arith.constant 1 : i32
      %scan3A_141 = scf.for %scan3A_150 = %scan3A_137 to %scan3A_139 step %scan3A_140 iter_args(%scan3A_151 = %mul3A_8) -> (vector<16xf32>)  : i32 {
        %shift_right_arithmetic3A = arith.constant 3 : i32
        %shift_right_arithmetic3A_152 = arith.shrsi %scan3A_150, %shift_right_arithmetic3A : i32
        %and3A_153 = arith.constant 7 : i32
        %and3A_154 = arith.andi %scan3A_150, %and3A_153 : i32
        %mul3A_155 = arith.constant 16 : i32
        %mul3A_156 = arith.muli %and3A_154, %mul3A_155 : i32
        %get3A_157 = arith.constant 4 : i32
        %get3A_158 = arith.constant 0 : i32
        %get3A_159 = arith.index_cast %get3A_157 : i32 to index
        %get3A_160 = arith.index_cast %shift_right_arithmetic3A_152 : i32 to index
        %get3A_161 = arith.index_cast %get3A_158 : i32 to index
        %get3A_162 = arith.index_cast %mul3A_156 : i32 to index
        %get3A_163 = tpu.vector_load %arg5[%get3A_159, %get3A_160, %get3A_161, %get3A_162] {strides = array<i32>} : memref<25x2x2x128xf32, #tpu.memory_space<vmem>>, vector<1x1x1x16xf32>,
        %get3A_164 = vector.shape_cast %get3A_163 : vector<1x1x1x16xf32> to vector<16xf32>
        %get3A_165 = arith.constant 4 : i32
        %get3A_166 = arith.constant 1 : i32
        %get3A_167 = arith.index_cast %get3A_165 : i32 to index
        %get3A_168 = arith.index_cast %shift_right_arithmetic3A_152 : i32 to index
        %get3A_169 = arith.index_cast %get3A_166 : i32 to index
        %get3A_170 = arith.index_cast %mul3A_156 : i32 to index
        %get3A_171 = tpu.vector_load %arg5[%get3A_167, %get3A_168, %get3A_169, %get3A_170] {strides = array<i32>} : memref<25x2x2x128xf32, #tpu.memory_space<vmem>>, vector<1x1x1x16xf32>,
        %get3A_172 = vector.shape_cast %get3A_171 : vector<1x1x1x16xf32> to vector<16xf32>
        %mul3A_173 = arith.mulf %get3A_164, %get3A_164 : vector<16xf32>
        %add3A_174 = arith.addf %scan3A_151, %mul3A_173 : vector<16xf32>
        %mul3A_175 = arith.mulf %get3A_172, %get3A_172 : vector<16xf32>
        %add3A_176 = arith.addf %add3A_174, %mul3A_175 : vector<16xf32>
        %lt3A_177 = arith.constant 0 : i32
        %lt3A_178 = vector.broadcast %lt3A_177 : i32 to vector<16xi32>
        %lt3A_179 = arith.cmpi slt, %iota3A, %lt3A_178 : vector<16xi32>
        %get3A_180 = arith.constant 0 : i32
        %get3A_181 = arith.index_cast %get3A_180 : i32 to index
        %get3A_182 = arith.index_cast %shift_right_arithmetic3A_152 : i32 to index
        %get3A_183 = arith.index_cast %mul3A_156 : i32 to index
        %get3A_184 = tpu.vector_load %arg8[%get3A_181, %get3A_182, %get3A_183] {strides = array<i32>} : memref<8x2x128xi32, #tpu.memory_space<vmem>>, vector<1x1x16xi32>,
        %get3A_185 = vector.shape_cast %get3A_184 : vector<1x1x16xi32> to vector<16xi32>
        %eq3A_186 = vector.broadcast %add3A_75 : i32 to vector<16xi32>
        %eq3A_187 = arith.cmpi eq, %get3A_185, %eq3A_186 : vector<16xi32>
        %or3A = arith.ori %lt3A_179, %eq3A_187 : vector<16xi1>
        %get3A_188 = arith.constant 0 : i32
        %get3A_189 = arith.index_cast %get3A_188 : i32 to index
        %get3A_190 = arith.index_cast %shift_right_arithmetic3A_152 : i32 to index
        %get3A_191 = arith.index_cast %mul3A_156 : i32 to index
        %get3A_192 = tpu.vector_load %arg9[%get3A_189, %get3A_190, %get3A_191] {strides = array<i32>} : memref<8x2x128xf32, #tpu.memory_space<vmem>>, vector<1x1x16xf32>,
        %get3A_193 = vector.shape_cast %get3A_192 : vector<1x1x16xf32> to vector<16xf32>
        %select_n3A_194 = arith.select %eq3A_187, %get3A_193, %mul3A_8 : vector<16xi1>, vector<16xf32>
        %get3A_195 = arith.constant 0 : i32
        %get3A_196 = arith.index_cast %get3A_195 : i32 to index
        %get3A_197 = arith.index_cast %shift_right_arithmetic3A_152 : i32 to index
        %get3A_198 = arith.index_cast %mul3A_156 : i32 to index
        %get3A_199 = tpu.vector_load %arg10[%get3A_196, %get3A_197, %get3A_198] {strides = array<i32>} : memref<8x2x128xf32, #tpu.memory_space<vmem>>, vector<1x1x16xf32>,
        %get3A_200 = vector.shape_cast %get3A_199 : vector<1x1x16xf32> to vector<16xf32>
        %select_n3A_201 = arith.select %eq3A_187, %get3A_200, %mul3A_8 : vector<16xi1>, vector<16xf32>
        %get3A_202 = arith.constant 0 : i32
        %get3A_203 = arith.index_cast %get3A_202 : i32 to index
        %get3A_204 = arith.index_cast %shift_right_arithmetic3A_152 : i32 to index
        %get3A_205 = arith.index_cast %mul3A_156 : i32 to index
        %get3A_206 = tpu.vector_load %arg11[%get3A_203, %get3A_204, %get3A_205] {strides = array<i32>} : memref<8x2x128xf32, #tpu.memory_space<vmem>>, vector<1x1x16xf32>,
        %get3A_207 = vector.shape_cast %get3A_206 : vector<1x1x16xf32> to vector<16xf32>
        %select_n3A_208 = arith.select %eq3A_187, %get3A_207, %mul3A_8 : vector<16xi1>, vector<16xf32>
        %get3A_209 = arith.constant 0 : i32
        %get3A_210 = arith.index_cast %get3A_209 : i32 to index
        %get3A_211 = arith.index_cast %shift_right_arithmetic3A_152 : i32 to index
        %get3A_212 = arith.index_cast %mul3A_156 : i32 to index
        %get3A_213 = tpu.vector_load %arg12[%get3A_210, %get3A_211, %get3A_212] {strides = array<i32>} : memref<8x2x128xf32, #tpu.memory_space<vmem>>, vector<1x1x16xf32>,
        %get3A_214 = vector.shape_cast %get3A_213 : vector<1x1x16xf32> to vector<16xf32>
        %select_n3A_215 = arith.select %eq3A_187, %get3A_214, %mul3A_8 : vector<16xi1>, vector<16xf32>
        %get3A_216 = arith.constant 1 : i32
        %get3A_217 = arith.index_cast %get3A_216 : i32 to index
        %get3A_218 = arith.index_cast %shift_right_arithmetic3A_152 : i32 to index
        %get3A_219 = arith.index_cast %mul3A_156 : i32 to index
        %get3A_220 = tpu.vector_load %arg8[%get3A_217, %get3A_218, %get3A_219] {strides = array<i32>} : memref<8x2x128xi32, #tpu.memory_space<vmem>>, vector<1x1x16xi32>,
        %get3A_221 = vector.shape_cast %get3A_220 : vector<1x1x16xi32> to vector<16xi32>
        %eq3A_222 = vector.broadcast %add3A_75 : i32 to vector<16xi32>
        %eq3A_223 = arith.cmpi eq, %get3A_221, %eq3A_222 : vector<16xi32>
        %or3A_224 = arith.ori %or3A, %eq3A_223 : vector<16xi1>
        %get3A_225 = arith.constant 1 : i32
        %get3A_226 = arith.index_cast %get3A_225 : i32 to index
        %get3A_227 = arith.index_cast %shift_right_arithmetic3A_152 : i32 to index
        %get3A_228 = arith.index_cast %mul3A_156 : i32 to index
        %get3A_229 = tpu.vector_load %arg9[%get3A_226, %get3A_227, %get3A_228] {strides = array<i32>} : memref<8x2x128xf32, #tpu.memory_space<vmem>>, vector<1x1x16xf32>,
        %get3A_230 = vector.shape_cast %get3A_229 : vector<1x1x16xf32> to vector<16xf32>
        %select_n3A_231 = arith.select %eq3A_223, %get3A_230, %select_n3A_194 : vector<16xi1>, vector<16xf32>
        %get3A_232 = arith.constant 1 : i32
        %get3A_233 = arith.index_cast %get3A_232 : i32 to index
        %get3A_234 = arith.index_cast %shift_right_arithmetic3A_152 : i32 to index
        %get3A_235 = arith.index_cast %mul3A_156 : i32 to index
        %get3A_236 = tpu.vector_load %arg10[%get3A_233, %get3A_234, %get3A_235] {strides = array<i32>} : memref<8x2x128xf32, #tpu.memory_space<vmem>>, vector<1x1x16xf32>,
        %get3A_237 = vector.shape_cast %get3A_236 : vector<1x1x16xf32> to vector<16xf32>
        %select_n3A_238 = arith.select %eq3A_223, %get3A_237, %select_n3A_201 : vector<16xi1>, vector<16xf32>
        %get3A_239 = arith.constant 1 : i32
        %get3A_240 = arith.index_cast %get3A_239 : i32 to index
        %get3A_241 = arith.index_cast %shift_right_arithmetic3A_152 : i32 to index
        %get3A_242 = arith.index_cast %mul3A_156 : i32 to index
        %get3A_243 = tpu.vector_load %arg11[%get3A_240, %get3A_241, %get3A_242] {strides = array<i32>} : memref<8x2x128xf32, #tpu.memory_space<vmem>>, vector<1x1x16xf32>,
        %get3A_244 = vector.shape_cast %get3A_243 : vector<1x1x16xf32> to vector<16xf32>
        %select_n3A_245 = arith.select %eq3A_223, %get3A_244, %select_n3A_208 : vector<16xi1>, vector<16xf32>
        %get3A_246 = arith.constant 1 : i32
        %get3A_247 = arith.index_cast %get3A_246 : i32 to index
        %get3A_248 = arith.index_cast %shift_right_arithmetic3A_152 : i32 to index
        %get3A_249 = arith.index_cast %mul3A_156 : i32 to index
        %get3A_250 = tpu.vector_load %arg12[%get3A_247, %get3A_248, %get3A_249] {strides = array<i32>} : memref<8x2x128xf32, #tpu.memory_space<vmem>>, vector<1x1x16xf32>,
        %get3A_251 = vector.shape_cast %get3A_250 : vector<1x1x16xf32> to vector<16xf32>
        %select_n3A_252 = arith.select %eq3A_223, %get3A_251, %select_n3A_215 : vector<16xi1>, vector<16xf32>
        %get3A_253 = arith.constant 2 : i32
        %get3A_254 = arith.index_cast %get3A_253 : i32 to index
        %get3A_255 = arith.index_cast %shift_right_arithmetic3A_152 : i32 to index
        %get3A_256 = arith.index_cast %mul3A_156 : i32 to index
        %get3A_257 = tpu.vector_load %arg8[%get3A_254, %get3A_255, %get3A_256] {strides = array<i32>} : memref<8x2x128xi32, #tpu.memory_space<vmem>>, vector<1x1x16xi32>,
        %get3A_258 = vector.shape_cast %get3A_257 : vector<1x1x16xi32> to vector<16xi32>
        %eq3A_259 = vector.broadcast %add3A_75 : i32 to vector<16xi32>
        %eq3A_260 = arith.cmpi eq, %get3A_258, %eq3A_259 : vector<16xi32>
        %or3A_261 = arith.ori %or3A_224, %eq3A_260 : vector<16xi1>
        %get3A_262 = arith.constant 2 : i32
        %get3A_263 = arith.index_cast %get3A_262 : i32 to index
        %get3A_264 = arith.index_cast %shift_right_arithmetic3A_152 : i32 to index
        %get3A_265 = arith.index_cast %mul3A_156 : i32 to index
        %get3A_266 = tpu.vector_load %arg9[%get3A_263, %get3A_264, %get3A_265] {strides = array<i32>} : memref<8x2x128xf32, #tpu.memory_space<vmem>>, vector<1x1x16xf32>,
        %get3A_267 = vector.shape_cast %get3A_266 : vector<1x1x16xf32> to vector<16xf32>
        %select_n3A_268 = arith.select %eq3A_260, %get3A_267, %select_n3A_231 : vector<16xi1>, vector<16xf32>
        %get3A_269 = arith.constant 2 : i32
        %get3A_270 = arith.index_cast %get3A_269 : i32 to index
        %get3A_271 = arith.index_cast %shift_right_arithmetic3A_152 : i32 to index
        %get3A_272 = arith.index_cast %mul3A_156 : i32 to index
        %get3A_273 = tpu.vector_load %arg10[%get3A_270, %get3A_271, %get3A_272] {strides = array<i32>} : memref<8x2x128xf32, #tpu.memory_space<vmem>>, vector<1x1x16xf32>,
        %get3A_274 = vector.shape_cast %get3A_273 : vector<1x1x16xf32> to vector<16xf32>
        %select_n3A_275 = arith.select %eq3A_260, %get3A_274, %select_n3A_238 : vector<16xi1>, vector<16xf32>
        %get3A_276 = arith.constant 2 : i32
        %get3A_277 = arith.index_cast %get3A_276 : i32 to index
        %get3A_278 = arith.index_cast %shift_right_arithmetic3A_152 : i32 to index
        %get3A_279 = arith.index_cast %mul3A_156 : i32 to index
        %get3A_280 = tpu.vector_load %arg11[%get3A_277, %get3A_278, %get3A_279] {strides = array<i32>} : memref<8x2x128xf32, #tpu.memory_space<vmem>>, vector<1x1x16xf32>,
        %get3A_281 = vector.shape_cast %get3A_280 : vector<1x1x16xf32> to vector<16xf32>
        %select_n3A_282 = arith.select %eq3A_260, %get3A_281, %select_n3A_245 : vector<16xi1>, vector<16xf32>
        %get3A_283 = arith.constant 2 : i32
        %get3A_284 = arith.index_cast %get3A_283 : i32 to index
        %get3A_285 = arith.index_cast %shift_right_arithmetic3A_152 : i32 to index
        %get3A_286 = arith.index_cast %mul3A_156 : i32 to index
        %get3A_287 = tpu.vector_load %arg12[%get3A_284, %get3A_285, %get3A_286] {strides = array<i32>} : memref<8x2x128xf32, #tpu.memory_space<vmem>>, vector<1x1x16xf32>,
        %get3A_288 = vector.shape_cast %get3A_287 : vector<1x1x16xf32> to vector<16xf32>
        %select_n3A_289 = arith.select %eq3A_260, %get3A_288, %select_n3A_252 : vector<16xi1>, vector<16xf32>
        %get3A_290 = arith.constant 3 : i32
        %get3A_291 = arith.index_cast %get3A_290 : i32 to index
        %get3A_292 = arith.index_cast %shift_right_arithmetic3A_152 : i32 to index
        %get3A_293 = arith.index_cast %mul3A_156 : i32 to index
        %get3A_294 = tpu.vector_load %arg8[%get3A_291, %get3A_292, %get3A_293] {strides = array<i32>} : memref<8x2x128xi32, #tpu.memory_space<vmem>>, vector<1x1x16xi32>,
        %get3A_295 = vector.shape_cast %get3A_294 : vector<1x1x16xi32> to vector<16xi32>
        %eq3A_296 = vector.broadcast %add3A_75 : i32 to vector<16xi32>
        %eq3A_297 = arith.cmpi eq, %get3A_295, %eq3A_296 : vector<16xi32>
        %or3A_298 = arith.ori %or3A_261, %eq3A_297 : vector<16xi1>
        %get3A_299 = arith.constant 3 : i32
        %get3A_300 = arith.index_cast %get3A_299 : i32 to index
        %get3A_301 = arith.index_cast %shift_right_arithmetic3A_152 : i32 to index
        %get3A_302 = arith.index_cast %mul3A_156 : i32 to index
        %get3A_303 = tpu.vector_load %arg9[%get3A_300, %get3A_301, %get3A_302] {strides = array<i32>} : memref<8x2x128xf32, #tpu.memory_space<vmem>>, vector<1x1x16xf32>,
        %get3A_304 = vector.shape_cast %get3A_303 : vector<1x1x16xf32> to vector<16xf32>
        %select_n3A_305 = arith.select %eq3A_297, %get3A_304, %select_n3A_268 : vector<16xi1>, vector<16xf32>
        %get3A_306 = arith.constant 3 : i32
        %get3A_307 = arith.index_cast %get3A_306 : i32 to index
        %get3A_308 = arith.index_cast %shift_right_arithmetic3A_152 : i32 to index
        %get3A_309 = arith.index_cast %mul3A_156 : i32 to index
        %get3A_310 = tpu.vector_load %arg10[%get3A_307, %get3A_308, %get3A_309] {strides = array<i32>} : memref<8x2x128xf32, #tpu.memory_space<vmem>>, vector<1x1x16xf32>,
        %get3A_311 = vector.shape_cast %get3A_310 : vector<1x1x16xf32> to vector<16xf32>
        %select_n3A_312 = arith.select %eq3A_297, %get3A_311, %select_n3A_275 : vector<16xi1>, vector<16xf32>
        %get3A_313 = arith.constant 3 : i32
        %get3A_314 = arith.index_cast %get3A_313 : i32 to index
        %get3A_315 = arith.index_cast %shift_right_arithmetic3A_152 : i32 to index
        %get3A_316 = arith.index_cast %mul3A_156 : i32 to index
        %get3A_317 = tpu.vector_load %arg11[%get3A_314, %get3A_315, %get3A_316] {strides = array<i32>} : memref<8x2x128xf32, #tpu.memory_space<vmem>>, vector<1x1x16xf32>,
        %get3A_318 = vector.shape_cast %get3A_317 : vector<1x1x16xf32> to vector<16xf32>
        %select_n3A_319 = arith.select %eq3A_297, %get3A_318, %select_n3A_282 : vector<16xi1>, vector<16xf32>
        %get3A_320 = arith.constant 3 : i32
        %get3A_321 = arith.index_cast %get3A_320 : i32 to index
        %get3A_322 = arith.index_cast %shift_right_arithmetic3A_152 : i32 to index
        %get3A_323 = arith.index_cast %mul3A_156 : i32 to index
        %get3A_324 = tpu.vector_load %arg12[%get3A_321, %get3A_322, %get3A_323] {strides = array<i32>} : memref<8x2x128xf32, #tpu.memory_space<vmem>>, vector<1x1x16xf32>,
        %get3A_325 = vector.shape_cast %get3A_324 : vector<1x1x16xf32> to vector<16xf32>
        %select_n3A_326 = arith.select %eq3A_297, %get3A_325, %select_n3A_289 : vector<16xi1>, vector<16xf32>
        %get3A_327 = arith.constant 4 : i32
        %get3A_328 = arith.index_cast %get3A_327 : i32 to index
        %get3A_329 = arith.index_cast %shift_right_arithmetic3A_152 : i32 to index
        %get3A_330 = arith.index_cast %mul3A_156 : i32 to index
        %get3A_331 = tpu.vector_load %arg8[%get3A_328, %get3A_329, %get3A_330] {strides = array<i32>} : memref<8x2x128xi32, #tpu.memory_space<vmem>>, vector<1x1x16xi32>,
        %get3A_332 = vector.shape_cast %get3A_331 : vector<1x1x16xi32> to vector<16xi32>
        %eq3A_333 = vector.broadcast %add3A_75 : i32 to vector<16xi32>
        %eq3A_334 = arith.cmpi eq, %get3A_332, %eq3A_333 : vector<16xi32>
        %or3A_335 = arith.ori %or3A_298, %eq3A_334 : vector<16xi1>
        %get3A_336 = arith.constant 4 : i32
        %get3A_337 = arith.index_cast %get3A_336 : i32 to index
        %get3A_338 = arith.index_cast %shift_right_arithmetic3A_152 : i32 to index
        %get3A_339 = arith.index_cast %mul3A_156 : i32 to index
        %get3A_340 = tpu.vector_load %arg9[%get3A_337, %get3A_338, %get3A_339] {strides = array<i32>} : memref<8x2x128xf32, #tpu.memory_space<vmem>>, vector<1x1x16xf32>,
        %get3A_341 = vector.shape_cast %get3A_340 : vector<1x1x16xf32> to vector<16xf32>
        %select_n3A_342 = arith.select %eq3A_334, %get3A_341, %select_n3A_305 : vector<16xi1>, vector<16xf32>
        %get3A_343 = arith.constant 4 : i32
        %get3A_344 = arith.index_cast %get3A_343 : i32 to index
        %get3A_345 = arith.index_cast %shift_right_arithmetic3A_152 : i32 to index
        %get3A_346 = arith.index_cast %mul3A_156 : i32 to index
        %get3A_347 = tpu.vector_load %arg10[%get3A_344, %get3A_345, %get3A_346] {strides = array<i32>} : memref<8x2x128xf32, #tpu.memory_space<vmem>>, vector<1x1x16xf32>,
        %get3A_348 = vector.shape_cast %get3A_347 : vector<1x1x16xf32> to vector<16xf32>
        %select_n3A_349 = arith.select %eq3A_334, %get3A_348, %select_n3A_312 : vector<16xi1>, vector<16xf32>
        %get3A_350 = arith.constant 4 : i32
        %get3A_351 = arith.index_cast %get3A_350 : i32 to index
        %get3A_352 = arith.index_cast %shift_right_arithmetic3A_152 : i32 to index
        %get3A_353 = arith.index_cast %mul3A_156 : i32 to index
        %get3A_354 = tpu.vector_load %arg11[%get3A_351, %get3A_352, %get3A_353] {strides = array<i32>} : memref<8x2x128xf32, #tpu.memory_space<vmem>>, vector<1x1x16xf32>,
        %get3A_355 = vector.shape_cast %get3A_354 : vector<1x1x16xf32> to vector<16xf32>
        %select_n3A_356 = arith.select %eq3A_334, %get3A_355, %select_n3A_319 : vector<16xi1>, vector<16xf32>
        %get3A_357 = arith.constant 4 : i32
        %get3A_358 = arith.index_cast %get3A_357 : i32 to index
        %get3A_359 = arith.index_cast %shift_right_arithmetic3A_152 : i32 to index
        %get3A_360 = arith.index_cast %mul3A_156 : i32 to index
        %get3A_361 = tpu.vector_load %arg12[%get3A_358, %get3A_359, %get3A_360] {strides = array<i32>} : memref<8x2x128xf32, #tpu.memory_space<vmem>>, vector<1x1x16xf32>,
        %get3A_362 = vector.shape_cast %get3A_361 : vector<1x1x16xf32> to vector<16xf32>
        %select_n3A_363 = arith.select %eq3A_334, %get3A_362, %select_n3A_326 : vector<16xi1>, vector<16xf32>
        %get3A_364 = arith.constant 5 : i32
        %get3A_365 = arith.index_cast %get3A_364 : i32 to index
        %get3A_366 = arith.index_cast %shift_right_arithmetic3A_152 : i32 to index
        %get3A_367 = arith.index_cast %mul3A_156 : i32 to index
        %get3A_368 = tpu.vector_load %arg8[%get3A_365, %get3A_366, %get3A_367] {strides = array<i32>} : memref<8x2x128xi32, #tpu.memory_space<vmem>>, vector<1x1x16xi32>,
        %get3A_369 = vector.shape_cast %get3A_368 : vector<1x1x16xi32> to vector<16xi32>
        %eq3A_370 = vector.broadcast %add3A_75 : i32 to vector<16xi32>
        %eq3A_371 = arith.cmpi eq, %get3A_369, %eq3A_370 : vector<16xi32>
        %or3A_372 = arith.ori %or3A_335, %eq3A_371 : vector<16xi1>
        %get3A_373 = arith.constant 5 : i32
        %get3A_374 = arith.index_cast %get3A_373 : i32 to index
        %get3A_375 = arith.index_cast %shift_right_arithmetic3A_152 : i32 to index
        %get3A_376 = arith.index_cast %mul3A_156 : i32 to index
        %get3A_377 = tpu.vector_load %arg9[%get3A_374, %get3A_375, %get3A_376] {strides = array<i32>} : memref<8x2x128xf32, #tpu.memory_space<vmem>>, vector<1x1x16xf32>,
        %get3A_378 = vector.shape_cast %get3A_377 : vector<1x1x16xf32> to vector<16xf32>
        %select_n3A_379 = arith.select %eq3A_371, %get3A_378, %select_n3A_342 : vector<16xi1>, vector<16xf32>
        %get3A_380 = arith.constant 5 : i32
        %get3A_381 = arith.index_cast %get3A_380 : i32 to index
        %get3A_382 = arith.index_cast %shift_right_arithmetic3A_152 : i32 to index
        %get3A_383 = arith.index_cast %mul3A_156 : i32 to index
        %get3A_384 = tpu.vector_load %arg10[%get3A_381, %get3A_382, %get3A_383] {strides = array<i32>} : memref<8x2x128xf32, #tpu.memory_space<vmem>>, vector<1x1x16xf32>,
        %get3A_385 = vector.shape_cast %get3A_384 : vector<1x1x16xf32> to vector<16xf32>
        %select_n3A_386 = arith.select %eq3A_371, %get3A_385, %select_n3A_349 : vector<16xi1>, vector<16xf32>
        %get3A_387 = arith.constant 5 : i32
        %get3A_388 = arith.index_cast %get3A_387 : i32 to index
        %get3A_389 = arith.index_cast %shift_right_arithmetic3A_152 : i32 to index
        %get3A_390 = arith.index_cast %mul3A_156 : i32 to index
        %get3A_391 = tpu.vector_load %arg11[%get3A_388, %get3A_389, %get3A_390] {strides = array<i32>} : memref<8x2x128xf32, #tpu.memory_space<vmem>>, vector<1x1x16xf32>,
        %get3A_392 = vector.shape_cast %get3A_391 : vector<1x1x16xf32> to vector<16xf32>
        %select_n3A_393 = arith.select %eq3A_371, %get3A_392, %select_n3A_356 : vector<16xi1>, vector<16xf32>
        %get3A_394 = arith.constant 5 : i32
        %get3A_395 = arith.index_cast %get3A_394 : i32 to index
        %get3A_396 = arith.index_cast %shift_right_arithmetic3A_152 : i32 to index
        %get3A_397 = arith.index_cast %mul3A_156 : i32 to index
        %get3A_398 = tpu.vector_load %arg12[%get3A_395, %get3A_396, %get3A_397] {strides = array<i32>} : memref<8x2x128xf32, #tpu.memory_space<vmem>>, vector<1x1x16xf32>,
        %get3A_399 = vector.shape_cast %get3A_398 : vector<1x1x16xf32> to vector<16xf32>
        %select_n3A_400 = arith.select %eq3A_371, %get3A_399, %select_n3A_363 : vector<16xi1>, vector<16xf32>
        %get3A_401 = arith.constant 6 : i32
        %get3A_402 = arith.index_cast %get3A_401 : i32 to index
        %get3A_403 = arith.index_cast %shift_right_arithmetic3A_152 : i32 to index
        %get3A_404 = arith.index_cast %mul3A_156 : i32 to index
        %get3A_405 = tpu.vector_load %arg8[%get3A_402, %get3A_403, %get3A_404] {strides = array<i32>} : memref<8x2x128xi32, #tpu.memory_space<vmem>>, vector<1x1x16xi32>,
        %get3A_406 = vector.shape_cast %get3A_405 : vector<1x1x16xi32> to vector<16xi32>
        %eq3A_407 = vector.broadcast %add3A_75 : i32 to vector<16xi32>
        %eq3A_408 = arith.cmpi eq, %get3A_406, %eq3A_407 : vector<16xi32>
        %or3A_409 = arith.ori %or3A_372, %eq3A_408 : vector<16xi1>
        %get3A_410 = arith.constant 6 : i32
        %get3A_411 = arith.index_cast %get3A_410 : i32 to index
        %get3A_412 = arith.index_cast %shift_right_arithmetic3A_152 : i32 to index
        %get3A_413 = arith.index_cast %mul3A_156 : i32 to index
        %get3A_414 = tpu.vector_load %arg9[%get3A_411, %get3A_412, %get3A_413] {strides = array<i32>} : memref<8x2x128xf32, #tpu.memory_space<vmem>>, vector<1x1x16xf32>,
        %get3A_415 = vector.shape_cast %get3A_414 : vector<1x1x16xf32> to vector<16xf32>
        %select_n3A_416 = arith.select %eq3A_408, %get3A_415, %select_n3A_379 : vector<16xi1>, vector<16xf32>
        %get3A_417 = arith.constant 6 : i32
        %get3A_418 = arith.index_cast %get3A_417 : i32 to index
        %get3A_419 = arith.index_cast %shift_right_arithmetic3A_152 : i32 to index
        %get3A_420 = arith.index_cast %mul3A_156 : i32 to index
        %get3A_421 = tpu.vector_load %arg10[%get3A_418, %get3A_419, %get3A_420] {strides = array<i32>} : memref<8x2x128xf32, #tpu.memory_space<vmem>>, vector<1x1x16xf32>,
        %get3A_422 = vector.shape_cast %get3A_421 : vector<1x1x16xf32> to vector<16xf32>
        %select_n3A_423 = arith.select %eq3A_408, %get3A_422, %select_n3A_386 : vector<16xi1>, vector<16xf32>
        %get3A_424 = arith.constant 6 : i32
        %get3A_425 = arith.index_cast %get3A_424 : i32 to index
        %get3A_426 = arith.index_cast %shift_right_arithmetic3A_152 : i32 to index
        %get3A_427 = arith.index_cast %mul3A_156 : i32 to index
        %get3A_428 = tpu.vector_load %arg11[%get3A_425, %get3A_426, %get3A_427] {strides = array<i32>} : memref<8x2x128xf32, #tpu.memory_space<vmem>>, vector<1x1x16xf32>,
        %get3A_429 = vector.shape_cast %get3A_428 : vector<1x1x16xf32> to vector<16xf32>
        %select_n3A_430 = arith.select %eq3A_408, %get3A_429, %select_n3A_393 : vector<16xi1>, vector<16xf32>
        %get3A_431 = arith.constant 6 : i32
        %get3A_432 = arith.index_cast %get3A_431 : i32 to index
        %get3A_433 = arith.index_cast %shift_right_arithmetic3A_152 : i32 to index
        %get3A_434 = arith.index_cast %mul3A_156 : i32 to index
        %get3A_435 = tpu.vector_load %arg12[%get3A_432, %get3A_433, %get3A_434] {strides = array<i32>} : memref<8x2x128xf32, #tpu.memory_space<vmem>>, vector<1x1x16xf32>,
        %get3A_436 = vector.shape_cast %get3A_435 : vector<1x1x16xf32> to vector<16xf32>
        %select_n3A_437 = arith.select %eq3A_408, %get3A_436, %select_n3A_400 : vector<16xi1>, vector<16xf32>
        %get3A_438 = arith.constant 7 : i32
        %get3A_439 = arith.index_cast %get3A_438 : i32 to index
        %get3A_440 = arith.index_cast %shift_right_arithmetic3A_152 : i32 to index
        %get3A_441 = arith.index_cast %mul3A_156 : i32 to index
        %get3A_442 = tpu.vector_load %arg8[%get3A_439, %get3A_440, %get3A_441] {strides = array<i32>} : memref<8x2x128xi32, #tpu.memory_space<vmem>>, vector<1x1x16xi32>,
        %get3A_443 = vector.shape_cast %get3A_442 : vector<1x1x16xi32> to vector<16xi32>
        %eq3A_444 = vector.broadcast %add3A_75 : i32 to vector<16xi32>
        %eq3A_445 = arith.cmpi eq, %get3A_443, %eq3A_444 : vector<16xi32>
        %or3A_446 = arith.ori %or3A_409, %eq3A_445 : vector<16xi1>
        %get3A_447 = arith.constant 7 : i32
        %get3A_448 = arith.index_cast %get3A_447 : i32 to index
        %get3A_449 = arith.index_cast %shift_right_arithmetic3A_152 : i32 to index
        %get3A_450 = arith.index_cast %mul3A_156 : i32 to index
        %get3A_451 = tpu.vector_load %arg9[%get3A_448, %get3A_449, %get3A_450] {strides = array<i32>} : memref<8x2x128xf32, #tpu.memory_space<vmem>>, vector<1x1x16xf32>,
        %get3A_452 = vector.shape_cast %get3A_451 : vector<1x1x16xf32> to vector<16xf32>
        %select_n3A_453 = arith.select %eq3A_445, %get3A_452, %select_n3A_416 : vector<16xi1>, vector<16xf32>
        %get3A_454 = arith.constant 7 : i32
        %get3A_455 = arith.index_cast %get3A_454 : i32 to index
        %get3A_456 = arith.index_cast %shift_right_arithmetic3A_152 : i32 to index
        %get3A_457 = arith.index_cast %mul3A_156 : i32 to index
        %get3A_458 = tpu.vector_load %arg10[%get3A_455, %get3A_456, %get3A_457] {strides = array<i32>} : memref<8x2x128xf32, #tpu.memory_space<vmem>>, vector<1x1x16xf32>,
        %get3A_459 = vector.shape_cast %get3A_458 : vector<1x1x16xf32> to vector<16xf32>
        %select_n3A_460 = arith.select %eq3A_445, %get3A_459, %select_n3A_423 : vector<16xi1>, vector<16xf32>
        %get3A_461 = arith.constant 7 : i32
        %get3A_462 = arith.index_cast %get3A_461 : i32 to index
        %get3A_463 = arith.index_cast %shift_right_arithmetic3A_152 : i32 to index
        %get3A_464 = arith.index_cast %mul3A_156 : i32 to index
        %get3A_465 = tpu.vector_load %arg11[%get3A_462, %get3A_463, %get3A_464] {strides = array<i32>} : memref<8x2x128xf32, #tpu.memory_space<vmem>>, vector<1x1x16xf32>,
        %get3A_466 = vector.shape_cast %get3A_465 : vector<1x1x16xf32> to vector<16xf32>
        %select_n3A_467 = arith.select %eq3A_445, %get3A_466, %select_n3A_430 : vector<16xi1>, vector<16xf32>
        %get3A_468 = arith.constant 7 : i32
        %get3A_469 = arith.index_cast %get3A_468 : i32 to index
        %get3A_470 = arith.index_cast %shift_right_arithmetic3A_152 : i32 to index
        %get3A_471 = arith.index_cast %mul3A_156 : i32 to index
        %get3A_472 = tpu.vector_load %arg12[%get3A_469, %get3A_470, %get3A_471] {strides = array<i32>} : memref<8x2x128xf32, #tpu.memory_space<vmem>>, vector<1x1x16xf32>,
        %get3A_473 = vector.shape_cast %get3A_472 : vector<1x1x16xf32> to vector<16xf32>
        %select_n3A_474 = arith.select %eq3A_445, %get3A_473, %select_n3A_437 : vector<16xi1>, vector<16xf32>
        %get3A_475 = arith.constant 0 : i32
        %get3A_476 = arith.constant 0 : i32
        %get3A_477 = arith.index_cast %get3A_475 : i32 to index
        %get3A_478 = arith.index_cast %shift_right_arithmetic3A_152 : i32 to index
        %get3A_479 = arith.index_cast %get3A_476 : i32 to index
        %get3A_480 = arith.index_cast %mul3A_156 : i32 to index
        %get3A_481 = tpu.vector_load %arg5[%get3A_477, %get3A_478, %get3A_479, %get3A_480] {strides = array<i32>} : memref<25x2x2x128xf32, #tpu.memory_space<vmem>>, vector<1x1x1x16xf32>,
        %get3A_482 = vector.shape_cast %get3A_481 : vector<1x1x1x16xf32> to vector<16xf32>
        %sub3A_483 = arith.subf %get3A_482, %select_n3A_453 : vector<16xf32>
        %mul3A_484 = arith.mulf %sub3A_483, %sub3A_483 : vector<16xf32>
        %add3A_485 = arith.addf %mul3A_8, %mul3A_484 : vector<16xf32>
        %get3A_486 = arith.constant 1 : i32
        %get3A_487 = arith.constant 0 : i32
        %get3A_488 = arith.index_cast %get3A_486 : i32 to index
        %get3A_489 = arith.index_cast %shift_right_arithmetic3A_152 : i32 to index
        %get3A_490 = arith.index_cast %get3A_487 : i32 to index
        %get3A_491 = arith.index_cast %mul3A_156 : i32 to index
        %get3A_492 = tpu.vector_load %arg5[%get3A_488, %get3A_489, %get3A_490, %get3A_491] {strides = array<i32>} : memref<25x2x2x128xf32, #tpu.memory_space<vmem>>, vector<1x1x1x16xf32>,
        %get3A_493 = vector.shape_cast %get3A_492 : vector<1x1x1x16xf32> to vector<16xf32>
        %sub3A_494 = arith.subf %get3A_493, %select_n3A_460 : vector<16xf32>
        %mul3A_495 = arith.mulf %sub3A_494, %sub3A_494 : vector<16xf32>
        %add3A_496 = arith.addf %add3A_485, %mul3A_495 : vector<16xf32>
        %get3A_497 = arith.constant 2 : i32
        %get3A_498 = arith.constant 0 : i32
        %get3A_499 = arith.index_cast %get3A_497 : i32 to index
        %get3A_500 = arith.index_cast %shift_right_arithmetic3A_152 : i32 to index
        %get3A_501 = arith.index_cast %get3A_498 : i32 to index
        %get3A_502 = arith.index_cast %mul3A_156 : i32 to index
        %get3A_503 = tpu.vector_load %arg5[%get3A_499, %get3A_500, %get3A_501, %get3A_502] {strides = array<i32>} : memref<25x2x2x128xf32, #tpu.memory_space<vmem>>, vector<1x1x1x16xf32>,
        %get3A_504 = vector.shape_cast %get3A_503 : vector<1x1x1x16xf32> to vector<16xf32>
        %sub3A_505 = arith.subf %get3A_504, %select_n3A_467 : vector<16xf32>
        %mul3A_506 = arith.mulf %sub3A_505, %sub3A_505 : vector<16xf32>
        %add3A_507 = arith.addf %add3A_496, %mul3A_506 : vector<16xf32>
        %get3A_508 = arith.constant 3 : i32
        %get3A_509 = arith.constant 0 : i32
        %get3A_510 = arith.index_cast %get3A_508 : i32 to index
        %get3A_511 = arith.index_cast %shift_right_arithmetic3A_152 : i32 to index
        %get3A_512 = arith.index_cast %get3A_509 : i32 to index
        %get3A_513 = arith.index_cast %mul3A_156 : i32 to index
        %get3A_514 = tpu.vector_load %arg5[%get3A_510, %get3A_511, %get3A_512, %get3A_513] {strides = array<i32>} : memref<25x2x2x128xf32, #tpu.memory_space<vmem>>, vector<1x1x1x16xf32>,
        %get3A_515 = vector.shape_cast %get3A_514 : vector<1x1x1x16xf32> to vector<16xf32>
        %sub3A_516 = arith.subf %get3A_515, %select_n3A_474 : vector<16xf32>
        %mul3A_517 = arith.mulf %sub3A_516, %sub3A_516 : vector<16xf32>
        %add3A_518 = arith.addf %add3A_507, %mul3A_517 : vector<16xf32>
        %get3A_519 = arith.constant 4 : i32
        %get3A_520 = arith.constant 0 : i32
        %get3A_521 = arith.index_cast %get3A_519 : i32 to index
        %get3A_522 = arith.index_cast %shift_right_arithmetic3A_152 : i32 to index
        %get3A_523 = arith.index_cast %get3A_520 : i32 to index
        %get3A_524 = arith.index_cast %mul3A_156 : i32 to index
        %get3A_525 = tpu.vector_load %arg5[%get3A_521, %get3A_522, %get3A_523, %get3A_524] {strides = array<i32>} : memref<25x2x2x128xf32, #tpu.memory_space<vmem>>, vector<1x1x1x16xf32>,
        %get3A_526 = vector.shape_cast %get3A_525 : vector<1x1x1x16xf32> to vector<16xf32>
        %mul3A_527 = arith.constant 2.000000e+00 : f32
        %mul3A_528 = vector.broadcast %mul3A_527 : f32 to vector<16xf32>
        %mul3A_529 = arith.mulf %mul3A_528, %get3A_526 : vector<16xf32>
        %sub3A_530 = arith.constant 1.000000e+00 : f32
        %sub3A_531 = vector.broadcast %sub3A_530 : f32 to vector<16xf32>
        %sub3A_532 = arith.subf %sub3A_531, %mul3A_529 : vector<16xf32>
        %get3A_533 = arith.constant 5 : i32
        %get3A_534 = arith.constant 0 : i32
        %get3A_535 = arith.index_cast %get3A_533 : i32 to index
        %get3A_536 = arith.index_cast %shift_right_arithmetic3A_152 : i32 to index
        %get3A_537 = arith.index_cast %get3A_534 : i32 to index
        %get3A_538 = arith.index_cast %mul3A_156 : i32 to index
        %get3A_539 = tpu.vector_load %arg5[%get3A_535, %get3A_536, %get3A_537, %get3A_538] {strides = array<i32>} : memref<25x2x2x128xf32, #tpu.memory_space<vmem>>, vector<1x1x1x16xf32>,
        %get3A_540 = vector.shape_cast %get3A_539 : vector<1x1x1x16xf32> to vector<16xf32>
        %mul3A_541 = arith.mulf %get3A_540, %get3A_540 : vector<16xf32>
        %add3A_542 = arith.addf %mul3A_8, %mul3A_541 : vector<16xf32>
        %get3A_543 = arith.constant 6 : i32
        %get3A_544 = arith.constant 0 : i32
        %get3A_545 = arith.index_cast %get3A_543 : i32 to index
        %get3A_546 = arith.index_cast %shift_right_arithmetic3A_152 : i32 to index
        %get3A_547 = arith.index_cast %get3A_544 : i32 to index
        %get3A_548 = arith.index_cast %mul3A_156 : i32 to index
        %get3A_549 = tpu.vector_load %arg5[%get3A_545, %get3A_546, %get3A_547, %get3A_548] {strides = array<i32>} : memref<25x2x2x128xf32, #tpu.memory_space<vmem>>, vector<1x1x1x16xf32>,
        %get3A_550 = vector.shape_cast %get3A_549 : vector<1x1x1x16xf32> to vector<16xf32>
        %mul3A_551 = arith.mulf %get3A_550, %get3A_550 : vector<16xf32>
        %add3A_552 = arith.addf %add3A_542, %mul3A_551 : vector<16xf32>
        %get3A_553 = arith.constant 7 : i32
        %get3A_554 = arith.constant 0 : i32
        %get3A_555 = arith.index_cast %get3A_553 : i32 to index
        %get3A_556 = arith.index_cast %shift_right_arithmetic3A_152 : i32 to index
        %get3A_557 = arith.index_cast %get3A_554 : i32 to index
        %get3A_558 = arith.index_cast %mul3A_156 : i32 to index
        %get3A_559 = tpu.vector_load %arg5[%get3A_555, %get3A_556, %get3A_557, %get3A_558] {strides = array<i32>} : memref<25x2x2x128xf32, #tpu.memory_space<vmem>>, vector<1x1x1x16xf32>,
        %get3A_560 = vector.shape_cast %get3A_559 : vector<1x1x1x16xf32> to vector<16xf32>
        %mul3A_561 = arith.mulf %get3A_560, %get3A_560 : vector<16xf32>
        %add3A_562 = arith.addf %add3A_552, %mul3A_561 : vector<16xf32>
        %get3A_563 = arith.constant 8 : i32
        %get3A_564 = arith.constant 0 : i32
        %get3A_565 = arith.index_cast %get3A_563 : i32 to index
        %get3A_566 = arith.index_cast %shift_right_arithmetic3A_152 : i32 to index
        %get3A_567 = arith.index_cast %get3A_564 : i32 to index
        %get3A_568 = arith.index_cast %mul3A_156 : i32 to index
        %get3A_569 = tpu.vector_load %arg5[%get3A_565, %get3A_566, %get3A_567, %get3A_568] {strides = array<i32>} : memref<25x2x2x128xf32, #tpu.memory_space<vmem>>, vector<1x1x1x16xf32>,
        %get3A_570 = vector.shape_cast %get3A_569 : vector<1x1x1x16xf32> to vector<16xf32>
        %mul3A_571 = arith.mulf %get3A_570, %get3A_570 : vector<16xf32>
        %add3A_572 = arith.addf %add3A_562, %mul3A_571 : vector<16xf32>
        %get3A_573 = arith.constant 9 : i32
        %get3A_574 = arith.constant 0 : i32
        %get3A_575 = arith.index_cast %get3A_573 : i32 to index
        %get3A_576 = arith.index_cast %shift_right_arithmetic3A_152 : i32 to index
        %get3A_577 = arith.index_cast %get3A_574 : i32 to index
        %get3A_578 = arith.index_cast %mul3A_156 : i32 to index
        %get3A_579 = tpu.vector_load %arg5[%get3A_575, %get3A_576, %get3A_577, %get3A_578] {strides = array<i32>} : memref<25x2x2x128xf32, #tpu.memory_space<vmem>>, vector<1x1x1x16xf32>,
        %get3A_580 = vector.shape_cast %get3A_579 : vector<1x1x1x16xf32> to vector<16xf32>
        %mul3A_581 = arith.mulf %get3A_580, %get3A_580 : vector<16xf32>
        %add3A_582 = arith.addf %add3A_572, %mul3A_581 : vector<16xf32>
        %get3A_583 = arith.constant 10 : i32
        %get3A_584 = arith.constant 0 : i32
        %get3A_585 = arith.index_cast %get3A_583 : i32 to index
        %get3A_586 = arith.index_cast %shift_right_arithmetic3A_152 : i32 to index
        %get3A_587 = arith.index_cast %get3A_584 : i32 to index
        %get3A_588 = arith.index_cast %mul3A_156 : i32 to index
        %get3A_589 = tpu.vector_load %arg5[%get3A_585, %get3A_586, %get3A_587, %get3A_588] {strides = array<i32>} : memref<25x2x2x128xf32, #tpu.memory_space<vmem>>, vector<1x1x1x16xf32>,
        %get3A_590 = vector.shape_cast %get3A_589 : vector<1x1x1x16xf32> to vector<16xf32>
        %mul3A_591 = arith.mulf %get3A_590, %get3A_590 : vector<16xf32>
        %add3A_592 = arith.addf %add3A_582, %mul3A_591 : vector<16xf32>
        %get3A_593 = arith.constant 11 : i32
        %get3A_594 = arith.constant 0 : i32
        %get3A_595 = arith.index_cast %get3A_593 : i32 to index
        %get3A_596 = arith.index_cast %shift_right_arithmetic3A_152 : i32 to index
        %get3A_597 = arith.index_cast %get3A_594 : i32 to index
        %get3A_598 = arith.index_cast %mul3A_156 : i32 to index
        %get3A_599 = tpu.vector_load %arg5[%get3A_595, %get3A_596, %get3A_597, %get3A_598] {strides = array<i32>} : memref<25x2x2x128xf32, #tpu.memory_space<vmem>>, vector<1x1x1x16xf32>,
        %get3A_600 = vector.shape_cast %get3A_599 : vector<1x1x1x16xf32> to vector<16xf32>
        %mul3A_601 = arith.mulf %get3A_600, %get3A_600 : vector<16xf32>
        %add3A_602 = arith.addf %add3A_592, %mul3A_601 : vector<16xf32>
        %get3A_603 = arith.constant 12 : i32
        %get3A_604 = arith.constant 0 : i32
        %get3A_605 = arith.index_cast %get3A_603 : i32 to index
        %get3A_606 = arith.index_cast %shift_right_arithmetic3A_152 : i32 to index
        %get3A_607 = arith.index_cast %get3A_604 : i32 to index
        %get3A_608 = arith.index_cast %mul3A_156 : i32 to index
        %get3A_609 = tpu.vector_load %arg5[%get3A_605, %get3A_606, %get3A_607, %get3A_608] {strides = array<i32>} : memref<25x2x2x128xf32, #tpu.memory_space<vmem>>, vector<1x1x1x16xf32>,
        %get3A_610 = vector.shape_cast %get3A_609 : vector<1x1x1x16xf32> to vector<16xf32>
        %mul3A_611 = arith.mulf %get3A_610, %get3A_610 : vector<16xf32>
        %add3A_612 = arith.addf %add3A_602, %mul3A_611 : vector<16xf32>
        %get3A_613 = arith.constant 13 : i32
        %get3A_614 = arith.constant 0 : i32
        %get3A_615 = arith.index_cast %get3A_613 : i32 to index
        %get3A_616 = arith.index_cast %shift_right_arithmetic3A_152 : i32 to index
        %get3A_617 = arith.index_cast %get3A_614 : i32 to index
        %get3A_618 = arith.index_cast %mul3A_156 : i32 to index
        %get3A_619 = tpu.vector_load %arg5[%get3A_615, %get3A_616, %get3A_617, %get3A_618] {strides = array<i32>} : memref<25x2x2x128xf32, #tpu.memory_space<vmem>>, vector<1x1x1x16xf32>,
        %get3A_620 = vector.shape_cast %get3A_619 : vector<1x1x1x16xf32> to vector<16xf32>
        %mul3A_621 = arith.mulf %get3A_620, %get3A_620 : vector<16xf32>
        %add3A_622 = arith.addf %add3A_612, %mul3A_621 : vector<16xf32>
        %get3A_623 = arith.constant 14 : i32
        %get3A_624 = arith.constant 0 : i32
        %get3A_625 = arith.index_cast %get3A_623 : i32 to index
        %get3A_626 = arith.index_cast %shift_right_arithmetic3A_152 : i32 to index
        %get3A_627 = arith.index_cast %get3A_624 : i32 to index
        %get3A_628 = arith.index_cast %mul3A_156 : i32 to index
        %get3A_629 = tpu.vector_load %arg5[%get3A_625, %get3A_626, %get3A_627, %get3A_628] {strides = array<i32>} : memref<25x2x2x128xf32, #tpu.memory_space<vmem>>, vector<1x1x1x16xf32>,
        %get3A_630 = vector.shape_cast %get3A_629 : vector<1x1x1x16xf32> to vector<16xf32>
        %mul3A_631 = arith.mulf %get3A_630, %get3A_630 : vector<16xf32>
        %add3A_632 = arith.addf %add3A_622, %mul3A_631 : vector<16xf32>
        %get3A_633 = arith.constant 15 : i32
        %get3A_634 = arith.constant 0 : i32
        %get3A_635 = arith.index_cast %get3A_633 : i32 to index
        %get3A_636 = arith.index_cast %shift_right_arithmetic3A_152 : i32 to index
        %get3A_637 = arith.index_cast %get3A_634 : i32 to index
        %get3A_638 = arith.index_cast %mul3A_156 : i32 to index
        %get3A_639 = tpu.vector_load %arg5[%get3A_635, %get3A_636, %get3A_637, %get3A_638] {strides = array<i32>} : memref<25x2x2x128xf32, #tpu.memory_space<vmem>>, vector<1x1x1x16xf32>,
        %get3A_640 = vector.shape_cast %get3A_639 : vector<1x1x1x16xf32> to vector<16xf32>
        %mul3A_641 = arith.mulf %get3A_640, %get3A_640 : vector<16xf32>
        %add3A_642 = arith.addf %add3A_632, %mul3A_641 : vector<16xf32>
        %get3A_643 = arith.constant 16 : i32
        %get3A_644 = arith.constant 0 : i32
        %get3A_645 = arith.index_cast %get3A_643 : i32 to index
        %get3A_646 = arith.index_cast %shift_right_arithmetic3A_152 : i32 to index
        %get3A_647 = arith.index_cast %get3A_644 : i32 to index
        %get3A_648 = arith.index_cast %mul3A_156 : i32 to index
        %get3A_649 = tpu.vector_load %arg5[%get3A_645, %get3A_646, %get3A_647, %get3A_648] {strides = array<i32>} : memref<25x2x2x128xf32, #tpu.memory_space<vmem>>, vector<1x1x1x16xf32>,
        %get3A_650 = vector.shape_cast %get3A_649 : vector<1x1x1x16xf32> to vector<16xf32>
        %mul3A_651 = arith.mulf %get3A_650, %get3A_650 : vector<16xf32>
        %add3A_652 = arith.addf %add3A_642, %mul3A_651 : vector<16xf32>
        %get3A_653 = arith.constant 17 : i32
        %get3A_654 = arith.constant 0 : i32
        %get3A_655 = arith.index_cast %get3A_653 : i32 to index
        %get3A_656 = arith.index_cast %shift_right_arithmetic3A_152 : i32 to index
        %get3A_657 = arith.index_cast %get3A_654 : i32 to index
        %get3A_658 = arith.index_cast %mul3A_156 : i32 to index
        %get3A_659 = tpu.vector_load %arg5[%get3A_655, %get3A_656, %get3A_657, %get3A_658] {strides = array<i32>} : memref<25x2x2x128xf32, #tpu.memory_space<vmem>>, vector<1x1x1x16xf32>,
        %get3A_660 = vector.shape_cast %get3A_659 : vector<1x1x1x16xf32> to vector<16xf32>
        %mul3A_661 = arith.mulf %get3A_660, %get3A_660 : vector<16xf32>
        %add3A_662 = arith.addf %add3A_652, %mul3A_661 : vector<16xf32>
        %get3A_663 = arith.constant 18 : i32
        %get3A_664 = arith.constant 0 : i32
        %get3A_665 = arith.index_cast %get3A_663 : i32 to index
        %get3A_666 = arith.index_cast %shift_right_arithmetic3A_152 : i32 to index
        %get3A_667 = arith.index_cast %get3A_664 : i32 to index
        %get3A_668 = arith.index_cast %mul3A_156 : i32 to index
        %get3A_669 = tpu.vector_load %arg5[%get3A_665, %get3A_666, %get3A_667, %get3A_668] {strides = array<i32>} : memref<25x2x2x128xf32, #tpu.memory_space<vmem>>, vector<1x1x1x16xf32>,
        %get3A_670 = vector.shape_cast %get3A_669 : vector<1x1x1x16xf32> to vector<16xf32>
        %mul3A_671 = arith.mulf %get3A_670, %get3A_670 : vector<16xf32>
        %add3A_672 = arith.addf %add3A_662, %mul3A_671 : vector<16xf32>
        %get3A_673 = arith.constant 19 : i32
        %get3A_674 = arith.constant 0 : i32
        %get3A_675 = arith.index_cast %get3A_673 : i32 to index
        %get3A_676 = arith.index_cast %shift_right_arithmetic3A_152 : i32 to index
        %get3A_677 = arith.index_cast %get3A_674 : i32 to index
        %get3A_678 = arith.index_cast %mul3A_156 : i32 to index
        %get3A_679 = tpu.vector_load %arg5[%get3A_675, %get3A_676, %get3A_677, %get3A_678] {strides = array<i32>} : memref<25x2x2x128xf32, #tpu.memory_space<vmem>>, vector<1x1x1x16xf32>,
        %get3A_680 = vector.shape_cast %get3A_679 : vector<1x1x1x16xf32> to vector<16xf32>
        %mul3A_681 = arith.mulf %get3A_680, %get3A_680 : vector<16xf32>
        %add3A_682 = arith.addf %add3A_672, %mul3A_681 : vector<16xf32>
        %get3A_683 = arith.constant 20 : i32
        %get3A_684 = arith.constant 0 : i32
        %get3A_685 = arith.index_cast %get3A_683 : i32 to index
        %get3A_686 = arith.index_cast %shift_right_arithmetic3A_152 : i32 to index
        %get3A_687 = arith.index_cast %get3A_684 : i32 to index
        %get3A_688 = arith.index_cast %mul3A_156 : i32 to index
        %get3A_689 = tpu.vector_load %arg5[%get3A_685, %get3A_686, %get3A_687, %get3A_688] {strides = array<i32>} : memref<25x2x2x128xf32, #tpu.memory_space<vmem>>, vector<1x1x1x16xf32>,
        %get3A_690 = vector.shape_cast %get3A_689 : vector<1x1x1x16xf32> to vector<16xf32>
        %mul3A_691 = arith.mulf %get3A_690, %get3A_690 : vector<16xf32>
        %add3A_692 = arith.addf %add3A_682, %mul3A_691 : vector<16xf32>
        %get3A_693 = arith.constant 21 : i32
        %get3A_694 = arith.constant 0 : i32
        %get3A_695 = arith.index_cast %get3A_693 : i32 to index
        %get3A_696 = arith.index_cast %shift_right_arithmetic3A_152 : i32 to index
        %get3A_697 = arith.index_cast %get3A_694 : i32 to index
        %get3A_698 = arith.index_cast %mul3A_156 : i32 to index
        %get3A_699 = tpu.vector_load %arg5[%get3A_695, %get3A_696, %get3A_697, %get3A_698] {strides = array<i32>} : memref<25x2x2x128xf32, #tpu.memory_space<vmem>>, vector<1x1x1x16xf32>,
        %get3A_700 = vector.shape_cast %get3A_699 : vector<1x1x1x16xf32> to vector<16xf32>
        %mul3A_701 = arith.mulf %get3A_700, %get3A_700 : vector<16xf32>
        %add3A_702 = arith.addf %add3A_692, %mul3A_701 : vector<16xf32>
        %get3A_703 = arith.constant 22 : i32
        %get3A_704 = arith.constant 0 : i32
        %get3A_705 = arith.index_cast %get3A_703 : i32 to index
        %get3A_706 = arith.index_cast %shift_right_arithmetic3A_152 : i32 to index
        %get3A_707 = arith.index_cast %get3A_704 : i32 to index
        %get3A_708 = arith.index_cast %mul3A_156 : i32 to index
        %get3A_709 = tpu.vector_load %arg5[%get3A_705, %get3A_706, %get3A_707, %get3A_708] {strides = array<i32>} : memref<25x2x2x128xf32, #tpu.memory_space<vmem>>, vector<1x1x1x16xf32>,
        %get3A_710 = vector.shape_cast %get3A_709 : vector<1x1x1x16xf32> to vector<16xf32>
        %mul3A_711 = arith.mulf %get3A_710, %get3A_710 : vector<16xf32>
        %add3A_712 = arith.addf %add3A_702, %mul3A_711 : vector<16xf32>
        %get3A_713 = arith.constant 23 : i32
        %get3A_714 = arith.constant 0 : i32
        %get3A_715 = arith.index_cast %get3A_713 : i32 to index
        %get3A_716 = arith.index_cast %shift_right_arithmetic3A_152 : i32 to index
        %get3A_717 = arith.index_cast %get3A_714 : i32 to index
        %get3A_718 = arith.index_cast %mul3A_156 : i32 to index
        %get3A_719 = tpu.vector_load %arg5[%get3A_715, %get3A_716, %get3A_717, %get3A_718] {strides = array<i32>} : memref<25x2x2x128xf32, #tpu.memory_space<vmem>>, vector<1x1x1x16xf32>,
        %get3A_720 = vector.shape_cast %get3A_719 : vector<1x1x1x16xf32> to vector<16xf32>
        %mul3A_721 = arith.mulf %get3A_720, %get3A_720 : vector<16xf32>
        %add3A_722 = arith.addf %add3A_712, %mul3A_721 : vector<16xf32>
        %get3A_723 = arith.constant 24 : i32
        %get3A_724 = arith.constant 0 : i32
        %get3A_725 = arith.index_cast %get3A_723 : i32 to index
        %get3A_726 = arith.index_cast %shift_right_arithmetic3A_152 : i32 to index
        %get3A_727 = arith.index_cast %get3A_724 : i32 to index
        %get3A_728 = arith.index_cast %mul3A_156 : i32 to index
        %get3A_729 = tpu.vector_load %arg5[%get3A_725, %get3A_726, %get3A_727, %get3A_728] {strides = array<i32>} : memref<25x2x2x128xf32, #tpu.memory_space<vmem>>, vector<1x1x1x16xf32>,
        %get3A_730 = vector.shape_cast %get3A_729 : vector<1x1x1x16xf32> to vector<16xf32>
        %mul3A_731 = arith.mulf %get3A_730, %get3A_730 : vector<16xf32>
        %add3A_732 = arith.addf %add3A_722, %mul3A_731 : vector<16xf32>
        %mul3A_733 = arith.constant 5.000000e+00 : f32
        %mul3A_734 = vector.broadcast %mul3A_733 : f32 to vector<16xf32>
        %mul3A_735 = arith.mulf %mul3A_734, %add3A_518 : vector<16xf32>
        %add3A_736 = arith.addf %mul3A_735, %sub3A_532 : vector<16xf32>
        %add3A_737 = arith.addf %add3A_736, %add3A_732 : vector<16xf32>
        %jit3A_738 = arith.constant 0.000000e+00 : f32
        %broadcast_in_dim3A = vector.broadcast %jit3A_738 : f32 to vector<16xf32>
        %select_n3A_739 = arith.select %or3A_446, %add3A_737, %broadcast_in_dim3A : vector<16xi1>, vector<16xf32>
        %add3A_740 = arith.addf %add3A_176, %select_n3A_739 : vector<16xf32>
        scf.yield %add3A_740 : vector<16xf32>
      }
      %scan3A_142 = arith.constant 16 : i32
      %get3A = arith.constant 0 : index
      %get3A_143 = tpu.vector_load %arg13[%get3A] {strides = array<i32>} : memref<16xf32, #tpu.memory_space<vmem>>, vector<16xf32>,
      %get3A_144 = vector.shape_cast %get3A_143 : vector<16xf32> to vector<16xf32>
      %add3A_145 = arith.addf %get3A_144, %scan3A_141 : vector<16xf32>
      %swap3A_146 = arith.constant 0 : index
      %swap3A_147 = tpu.vector_load %arg13[%swap3A_146] {strides = array<i32>} : memref<16xf32, #tpu.memory_space<vmem>>, vector<16xf32>,
      %swap3A_148 = vector.shape_cast %swap3A_147 : vector<16xf32> to vector<16xf32>
      %swap3A_149 = vector.shape_cast %add3A_145 : vector<16xf32> to vector<16xf32>
      tpu.vector_store %arg13[%swap3A_146], %swap3A_149 {strides = array<i32>} : memref<16xf32, #tpu.memory_space<vmem>>, vector<16xf32>,
    } else {
    }
    %add3A_88 = arith.constant 160 : i32
    %add3A_89 = arith.addi %add3A_88, %add3A : i32
    %lt3A_90 = arith.constant 169 : i32
    %lt3A_91 = arith.cmpi slt, %add3A_89, %lt3A_90 : i32
    %convert_element_type3A_92 = arith.extui %lt3A_91 : i1 to i32
    %cond3A_93 = arith.constant 0 : i32
    %cond3A_94 = arith.cmpi ne, %convert_element_type3A_92, %cond3A_93 : i32
    scf.if %cond3A_94 {
      %jit3A = arith.constant 13 : i32
      %div3A = arith.divsi %add3A_89, %jit3A : i32
      %sign3A = arith.constant 0 : i32
      %sign3A_95 = arith.cmpi sgt, %add3A_89, %sign3A : i32
      %sign3A_96 = arith.extui %sign3A_95 : i1 to i32
      %sign3A_97 = arith.constant 0 : i32
      %sign3A_98 = arith.cmpi slt, %add3A_89, %sign3A_97 : i32
      %sign3A_99 = arith.extui %sign3A_98 : i1 to i32
      %sign3A_100 = arith.subi %sign3A_96, %sign3A_99 : i32
      %sign3A_101 = arith.constant 0 : i32
      %sign3A_102 = arith.cmpi sgt, %jit3A, %sign3A_101 : i32
      %sign3A_103 = arith.extui %sign3A_102 : i1 to i32
      %sign3A_104 = arith.constant 0 : i32
      %sign3A_105 = arith.cmpi slt, %jit3A, %sign3A_104 : i32
      %sign3A_106 = arith.extui %sign3A_105 : i1 to i32
      %sign3A_107 = arith.subi %sign3A_103, %sign3A_106 : i32
      %ne3A = arith.cmpi ne, %sign3A_100, %sign3A_107 : i32
      %rem3A = arith.remsi %add3A_89, %jit3A : i32
      %ne3A_108 = arith.constant 0 : i32
      %ne3A_109 = arith.cmpi ne, %rem3A, %ne3A_108 : i32
      %and3A = arith.andi %ne3A, %ne3A_109 : i1
      %sub3A = arith.constant 1 : i32
      %sub3A_110 = arith.subi %div3A, %sub3A : i32
      %select_n3A = arith.select %and3A, %sub3A_110, %div3A : i32
      %jit3A_111 = arith.constant 13 : i32
      %eq3A = arith.constant 0 : i32
      %eq3A_112 = arith.cmpi eq, %jit3A_111, %eq3A : i32
      %jit3A_113 = arith.constant 1 : i32
      %select_n3A_114 = arith.select %eq3A_112, %jit3A_113, %jit3A_111 : i32
      %rem3A_115 = arith.remsi %add3A_89, %select_n3A_114 : i32
      %ne3A_116 = arith.constant 0 : i32
      %ne3A_117 = arith.cmpi ne, %rem3A_115, %ne3A_116 : i32
      %lt3A_118 = arith.constant 0 : i32
      %lt3A_119 = arith.cmpi slt, %rem3A_115, %lt3A_118 : i32
      %lt3A_120 = arith.constant 0 : i32
      %lt3A_121 = arith.cmpi slt, %select_n3A_114, %lt3A_120 : i32
      %ne3A_122 = arith.xori %lt3A_119, %lt3A_121 : i1
      %and3A_123 = arith.andi %ne3A_122, %ne3A_117 : i1
      %add3A_124 = arith.addi %rem3A_115, %select_n3A_114 : i32
      %select_n3A_125 = arith.select %and3A_123, %add3A_124, %rem3A_115 : i32
      %dma_wait3A = arith.constant 0 : i32
      %dma_wait3A_126 = arith.constant 0 : i32
      %dma_wait3A_127 = arith.constant 0 : i32
      %dma_wait3A_128 = arith.constant 0 : i32
      %dma_wait3A_129 = tpu.memref_slice %arg2[%select_n3A, %select_n3A_125, %dma_wait3A, %dma_wait3A_126, %dma_wait3A_127, %dma_wait3A_128] : memref<13x13x25x2x2x128xf32, #tpu.memory_space<hbm>> -> memref<1x1x25x2x2x128xf32, #tpu.memory_space<hbm>>
      %dma_wait3A_130 = tpu.memref_squeeze %dma_wait3A_129 : memref<1x1x25x2x2x128xf32, #tpu.memory_space<hbm>> -> memref<25x2x2x128xf32, #tpu.memory_space<hbm>>
      %dma_wait3A_131 = arith.constant 0 : i32
      %dma_wait3A_132 = arith.constant 0 : i32
      %dma_wait3A_133 = arith.constant 0 : i32
      %dma_wait3A_134 = arith.constant 0 : i32
      %dma_wait3A_135 = tpu.memref_slice %arg2[%select_n3A, %select_n3A_125, %dma_wait3A_131, %dma_wait3A_132, %dma_wait3A_133, %dma_wait3A_134] : memref<13x13x25x2x2x128xf32, #tpu.memory_space<hbm>> -> memref<1x1x25x2x2x128xf32, #tpu.memory_space<hbm>>
      %dma_wait3A_136 = tpu.memref_squeeze %dma_wait3A_135 : memref<1x1x25x2x2x128xf32, #tpu.memory_space<hbm>> -> memref<25x2x2x128xf32, #tpu.memory_space<hbm>>
      tpu.wait_dma2 semaphore(%arg15 : memref<!tpu.dma_semaphore, #tpu.memory_space<semaphore_mem>>) src(%dma_wait3A_136 : memref<25x2x2x128xf32, #tpu.memory_space<hbm>>) dst(%arg6 : memref<25x2x2x128xf32, #tpu.memory_space<vmem>>)
      %scan3A_137 = arith.constant 0 : i32
      %scan3A_138 = arith.constant 16 : i32
      %scan3A_139 = arith.addi %scan3A_137, %scan3A_138 : i32
      %scan3A_140 = arith.constant 1 : i32
      %scan3A_141 = scf.for %scan3A_150 = %scan3A_137 to %scan3A_139 step %scan3A_140 iter_args(%scan3A_151 = %mul3A_8) -> (vector<16xf32>)  : i32 {
        %shift_right_arithmetic3A = arith.constant 3 : i32
        %shift_right_arithmetic3A_152 = arith.shrsi %scan3A_150, %shift_right_arithmetic3A : i32
        %and3A_153 = arith.constant 7 : i32
        %and3A_154 = arith.andi %scan3A_150, %and3A_153 : i32
        %mul3A_155 = arith.constant 16 : i32
        %mul3A_156 = arith.muli %and3A_154, %mul3A_155 : i32
        %get3A_157 = arith.constant 4 : i32
        %get3A_158 = arith.constant 0 : i32
        %get3A_159 = arith.index_cast %get3A_157 : i32 to index
        %get3A_160 = arith.index_cast %shift_right_arithmetic3A_152 : i32 to index
        %get3A_161 = arith.index_cast %get3A_158 : i32 to index
        %get3A_162 = arith.index_cast %mul3A_156 : i32 to index
        %get3A_163 = tpu.vector_load %arg6[%get3A_159, %get3A_160, %get3A_161, %get3A_162] {strides = array<i32>} : memref<25x2x2x128xf32, #tpu.memory_space<vmem>>, vector<1x1x1x16xf32>,
        %get3A_164 = vector.shape_cast %get3A_163 : vector<1x1x1x16xf32> to vector<16xf32>
        %get3A_165 = arith.constant 4 : i32
        %get3A_166 = arith.constant 1 : i32
        %get3A_167 = arith.index_cast %get3A_165 : i32 to index
        %get3A_168 = arith.index_cast %shift_right_arithmetic3A_152 : i32 to index
        %get3A_169 = arith.index_cast %get3A_166 : i32 to index
        %get3A_170 = arith.index_cast %mul3A_156 : i32 to index
        %get3A_171 = tpu.vector_load %arg6[%get3A_167, %get3A_168, %get3A_169, %get3A_170] {strides = array<i32>} : memref<25x2x2x128xf32, #tpu.memory_space<vmem>>, vector<1x1x1x16xf32>,
        %get3A_172 = vector.shape_cast %get3A_171 : vector<1x1x1x16xf32> to vector<16xf32>
        %mul3A_173 = arith.mulf %get3A_164, %get3A_164 : vector<16xf32>
        %add3A_174 = arith.addf %scan3A_151, %mul3A_173 : vector<16xf32>
        %mul3A_175 = arith.mulf %get3A_172, %get3A_172 : vector<16xf32>
        %add3A_176 = arith.addf %add3A_174, %mul3A_175 : vector<16xf32>
        %lt3A_177 = arith.constant 0 : i32
        %lt3A_178 = vector.broadcast %lt3A_177 : i32 to vector<16xi32>
        %lt3A_179 = arith.cmpi slt, %iota3A, %lt3A_178 : vector<16xi32>
        %get3A_180 = arith.constant 0 : i32
        %get3A_181 = arith.index_cast %get3A_180 : i32 to index
        %get3A_182 = arith.index_cast %shift_right_arithmetic3A_152 : i32 to index
        %get3A_183 = arith.index_cast %mul3A_156 : i32 to index
        %get3A_184 = tpu.vector_load %arg8[%get3A_181, %get3A_182, %get3A_183] {strides = array<i32>} : memref<8x2x128xi32, #tpu.memory_space<vmem>>, vector<1x1x16xi32>,
        %get3A_185 = vector.shape_cast %get3A_184 : vector<1x1x16xi32> to vector<16xi32>
        %eq3A_186 = vector.broadcast %add3A_89 : i32 to vector<16xi32>
        %eq3A_187 = arith.cmpi eq, %get3A_185, %eq3A_186 : vector<16xi32>
        %or3A = arith.ori %lt3A_179, %eq3A_187 : vector<16xi1>
        %get3A_188 = arith.constant 0 : i32
        %get3A_189 = arith.index_cast %get3A_188 : i32 to index
        %get3A_190 = arith.index_cast %shift_right_arithmetic3A_152 : i32 to index
        %get3A_191 = arith.index_cast %mul3A_156 : i32 to index
        %get3A_192 = tpu.vector_load %arg9[%get3A_189, %get3A_190, %get3A_191] {strides = array<i32>} : memref<8x2x128xf32, #tpu.memory_space<vmem>>, vector<1x1x16xf32>,
        %get3A_193 = vector.shape_cast %get3A_192 : vector<1x1x16xf32> to vector<16xf32>
        %select_n3A_194 = arith.select %eq3A_187, %get3A_193, %mul3A_8 : vector<16xi1>, vector<16xf32>
        %get3A_195 = arith.constant 0 : i32
        %get3A_196 = arith.index_cast %get3A_195 : i32 to index
        %get3A_197 = arith.index_cast %shift_right_arithmetic3A_152 : i32 to index
        %get3A_198 = arith.index_cast %mul3A_156 : i32 to index
        %get3A_199 = tpu.vector_load %arg10[%get3A_196, %get3A_197, %get3A_198] {strides = array<i32>} : memref<8x2x128xf32, #tpu.memory_space<vmem>>, vector<1x1x16xf32>,
        %get3A_200 = vector.shape_cast %get3A_199 : vector<1x1x16xf32> to vector<16xf32>
        %select_n3A_201 = arith.select %eq3A_187, %get3A_200, %mul3A_8 : vector<16xi1>, vector<16xf32>
        %get3A_202 = arith.constant 0 : i32
        %get3A_203 = arith.index_cast %get3A_202 : i32 to index
        %get3A_204 = arith.index_cast %shift_right_arithmetic3A_152 : i32 to index
        %get3A_205 = arith.index_cast %mul3A_156 : i32 to index
        %get3A_206 = tpu.vector_load %arg11[%get3A_203, %get3A_204, %get3A_205] {strides = array<i32>} : memref<8x2x128xf32, #tpu.memory_space<vmem>>, vector<1x1x16xf32>,
        %get3A_207 = vector.shape_cast %get3A_206 : vector<1x1x16xf32> to vector<16xf32>
        %select_n3A_208 = arith.select %eq3A_187, %get3A_207, %mul3A_8 : vector<16xi1>, vector<16xf32>
        %get3A_209 = arith.constant 0 : i32
        %get3A_210 = arith.index_cast %get3A_209 : i32 to index
        %get3A_211 = arith.index_cast %shift_right_arithmetic3A_152 : i32 to index
        %get3A_212 = arith.index_cast %mul3A_156 : i32 to index
        %get3A_213 = tpu.vector_load %arg12[%get3A_210, %get3A_211, %get3A_212] {strides = array<i32>} : memref<8x2x128xf32, #tpu.memory_space<vmem>>, vector<1x1x16xf32>,
        %get3A_214 = vector.shape_cast %get3A_213 : vector<1x1x16xf32> to vector<16xf32>
        %select_n3A_215 = arith.select %eq3A_187, %get3A_214, %mul3A_8 : vector<16xi1>, vector<16xf32>
        %get3A_216 = arith.constant 1 : i32
        %get3A_217 = arith.index_cast %get3A_216 : i32 to index
        %get3A_218 = arith.index_cast %shift_right_arithmetic3A_152 : i32 to index
        %get3A_219 = arith.index_cast %mul3A_156 : i32 to index
        %get3A_220 = tpu.vector_load %arg8[%get3A_217, %get3A_218, %get3A_219] {strides = array<i32>} : memref<8x2x128xi32, #tpu.memory_space<vmem>>, vector<1x1x16xi32>,
        %get3A_221 = vector.shape_cast %get3A_220 : vector<1x1x16xi32> to vector<16xi32>
        %eq3A_222 = vector.broadcast %add3A_89 : i32 to vector<16xi32>
        %eq3A_223 = arith.cmpi eq, %get3A_221, %eq3A_222 : vector<16xi32>
        %or3A_224 = arith.ori %or3A, %eq3A_223 : vector<16xi1>
        %get3A_225 = arith.constant 1 : i32
        %get3A_226 = arith.index_cast %get3A_225 : i32 to index
        %get3A_227 = arith.index_cast %shift_right_arithmetic3A_152 : i32 to index
        %get3A_228 = arith.index_cast %mul3A_156 : i32 to index
        %get3A_229 = tpu.vector_load %arg9[%get3A_226, %get3A_227, %get3A_228] {strides = array<i32>} : memref<8x2x128xf32, #tpu.memory_space<vmem>>, vector<1x1x16xf32>,
        %get3A_230 = vector.shape_cast %get3A_229 : vector<1x1x16xf32> to vector<16xf32>
        %select_n3A_231 = arith.select %eq3A_223, %get3A_230, %select_n3A_194 : vector<16xi1>, vector<16xf32>
        %get3A_232 = arith.constant 1 : i32
        %get3A_233 = arith.index_cast %get3A_232 : i32 to index
        %get3A_234 = arith.index_cast %shift_right_arithmetic3A_152 : i32 to index
        %get3A_235 = arith.index_cast %mul3A_156 : i32 to index
        %get3A_236 = tpu.vector_load %arg10[%get3A_233, %get3A_234, %get3A_235] {strides = array<i32>} : memref<8x2x128xf32, #tpu.memory_space<vmem>>, vector<1x1x16xf32>,
        %get3A_237 = vector.shape_cast %get3A_236 : vector<1x1x16xf32> to vector<16xf32>
        %select_n3A_238 = arith.select %eq3A_223, %get3A_237, %select_n3A_201 : vector<16xi1>, vector<16xf32>
        %get3A_239 = arith.constant 1 : i32
        %get3A_240 = arith.index_cast %get3A_239 : i32 to index
        %get3A_241 = arith.index_cast %shift_right_arithmetic3A_152 : i32 to index
        %get3A_242 = arith.index_cast %mul3A_156 : i32 to index
        %get3A_243 = tpu.vector_load %arg11[%get3A_240, %get3A_241, %get3A_242] {strides = array<i32>} : memref<8x2x128xf32, #tpu.memory_space<vmem>>, vector<1x1x16xf32>,
        %get3A_244 = vector.shape_cast %get3A_243 : vector<1x1x16xf32> to vector<16xf32>
        %select_n3A_245 = arith.select %eq3A_223, %get3A_244, %select_n3A_208 : vector<16xi1>, vector<16xf32>
        %get3A_246 = arith.constant 1 : i32
        %get3A_247 = arith.index_cast %get3A_246 : i32 to index
        %get3A_248 = arith.index_cast %shift_right_arithmetic3A_152 : i32 to index
        %get3A_249 = arith.index_cast %mul3A_156 : i32 to index
        %get3A_250 = tpu.vector_load %arg12[%get3A_247, %get3A_248, %get3A_249] {strides = array<i32>} : memref<8x2x128xf32, #tpu.memory_space<vmem>>, vector<1x1x16xf32>,
        %get3A_251 = vector.shape_cast %get3A_250 : vector<1x1x16xf32> to vector<16xf32>
        %select_n3A_252 = arith.select %eq3A_223, %get3A_251, %select_n3A_215 : vector<16xi1>, vector<16xf32>
        %get3A_253 = arith.constant 2 : i32
        %get3A_254 = arith.index_cast %get3A_253 : i32 to index
        %get3A_255 = arith.index_cast %shift_right_arithmetic3A_152 : i32 to index
        %get3A_256 = arith.index_cast %mul3A_156 : i32 to index
        %get3A_257 = tpu.vector_load %arg8[%get3A_254, %get3A_255, %get3A_256] {strides = array<i32>} : memref<8x2x128xi32, #tpu.memory_space<vmem>>, vector<1x1x16xi32>,
        %get3A_258 = vector.shape_cast %get3A_257 : vector<1x1x16xi32> to vector<16xi32>
        %eq3A_259 = vector.broadcast %add3A_89 : i32 to vector<16xi32>
        %eq3A_260 = arith.cmpi eq, %get3A_258, %eq3A_259 : vector<16xi32>
        %or3A_261 = arith.ori %or3A_224, %eq3A_260 : vector<16xi1>
        %get3A_262 = arith.constant 2 : i32
        %get3A_263 = arith.index_cast %get3A_262 : i32 to index
        %get3A_264 = arith.index_cast %shift_right_arithmetic3A_152 : i32 to index
        %get3A_265 = arith.index_cast %mul3A_156 : i32 to index
        %get3A_266 = tpu.vector_load %arg9[%get3A_263, %get3A_264, %get3A_265] {strides = array<i32>} : memref<8x2x128xf32, #tpu.memory_space<vmem>>, vector<1x1x16xf32>,
        %get3A_267 = vector.shape_cast %get3A_266 : vector<1x1x16xf32> to vector<16xf32>
        %select_n3A_268 = arith.select %eq3A_260, %get3A_267, %select_n3A_231 : vector<16xi1>, vector<16xf32>
        %get3A_269 = arith.constant 2 : i32
        %get3A_270 = arith.index_cast %get3A_269 : i32 to index
        %get3A_271 = arith.index_cast %shift_right_arithmetic3A_152 : i32 to index
        %get3A_272 = arith.index_cast %mul3A_156 : i32 to index
        %get3A_273 = tpu.vector_load %arg10[%get3A_270, %get3A_271, %get3A_272] {strides = array<i32>} : memref<8x2x128xf32, #tpu.memory_space<vmem>>, vector<1x1x16xf32>,
        %get3A_274 = vector.shape_cast %get3A_273 : vector<1x1x16xf32> to vector<16xf32>
        %select_n3A_275 = arith.select %eq3A_260, %get3A_274, %select_n3A_238 : vector<16xi1>, vector<16xf32>
        %get3A_276 = arith.constant 2 : i32
        %get3A_277 = arith.index_cast %get3A_276 : i32 to index
        %get3A_278 = arith.index_cast %shift_right_arithmetic3A_152 : i32 to index
        %get3A_279 = arith.index_cast %mul3A_156 : i32 to index
        %get3A_280 = tpu.vector_load %arg11[%get3A_277, %get3A_278, %get3A_279] {strides = array<i32>} : memref<8x2x128xf32, #tpu.memory_space<vmem>>, vector<1x1x16xf32>,
        %get3A_281 = vector.shape_cast %get3A_280 : vector<1x1x16xf32> to vector<16xf32>
        %select_n3A_282 = arith.select %eq3A_260, %get3A_281, %select_n3A_245 : vector<16xi1>, vector<16xf32>
        %get3A_283 = arith.constant 2 : i32
        %get3A_284 = arith.index_cast %get3A_283 : i32 to index
        %get3A_285 = arith.index_cast %shift_right_arithmetic3A_152 : i32 to index
        %get3A_286 = arith.index_cast %mul3A_156 : i32 to index
        %get3A_287 = tpu.vector_load %arg12[%get3A_284, %get3A_285, %get3A_286] {strides = array<i32>} : memref<8x2x128xf32, #tpu.memory_space<vmem>>, vector<1x1x16xf32>,
        %get3A_288 = vector.shape_cast %get3A_287 : vector<1x1x16xf32> to vector<16xf32>
        %select_n3A_289 = arith.select %eq3A_260, %get3A_288, %select_n3A_252 : vector<16xi1>, vector<16xf32>
        %get3A_290 = arith.constant 3 : i32
        %get3A_291 = arith.index_cast %get3A_290 : i32 to index
        %get3A_292 = arith.index_cast %shift_right_arithmetic3A_152 : i32 to index
        %get3A_293 = arith.index_cast %mul3A_156 : i32 to index
        %get3A_294 = tpu.vector_load %arg8[%get3A_291, %get3A_292, %get3A_293] {strides = array<i32>} : memref<8x2x128xi32, #tpu.memory_space<vmem>>, vector<1x1x16xi32>,
        %get3A_295 = vector.shape_cast %get3A_294 : vector<1x1x16xi32> to vector<16xi32>
        %eq3A_296 = vector.broadcast %add3A_89 : i32 to vector<16xi32>
        %eq3A_297 = arith.cmpi eq, %get3A_295, %eq3A_296 : vector<16xi32>
        %or3A_298 = arith.ori %or3A_261, %eq3A_297 : vector<16xi1>
        %get3A_299 = arith.constant 3 : i32
        %get3A_300 = arith.index_cast %get3A_299 : i32 to index
        %get3A_301 = arith.index_cast %shift_right_arithmetic3A_152 : i32 to index
        %get3A_302 = arith.index_cast %mul3A_156 : i32 to index
        %get3A_303 = tpu.vector_load %arg9[%get3A_300, %get3A_301, %get3A_302] {strides = array<i32>} : memref<8x2x128xf32, #tpu.memory_space<vmem>>, vector<1x1x16xf32>,
        %get3A_304 = vector.shape_cast %get3A_303 : vector<1x1x16xf32> to vector<16xf32>
        %select_n3A_305 = arith.select %eq3A_297, %get3A_304, %select_n3A_268 : vector<16xi1>, vector<16xf32>
        %get3A_306 = arith.constant 3 : i32
        %get3A_307 = arith.index_cast %get3A_306 : i32 to index
        %get3A_308 = arith.index_cast %shift_right_arithmetic3A_152 : i32 to index
        %get3A_309 = arith.index_cast %mul3A_156 : i32 to index
        %get3A_310 = tpu.vector_load %arg10[%get3A_307, %get3A_308, %get3A_309] {strides = array<i32>} : memref<8x2x128xf32, #tpu.memory_space<vmem>>, vector<1x1x16xf32>,
        %get3A_311 = vector.shape_cast %get3A_310 : vector<1x1x16xf32> to vector<16xf32>
        %select_n3A_312 = arith.select %eq3A_297, %get3A_311, %select_n3A_275 : vector<16xi1>, vector<16xf32>
        %get3A_313 = arith.constant 3 : i32
        %get3A_314 = arith.index_cast %get3A_313 : i32 to index
        %get3A_315 = arith.index_cast %shift_right_arithmetic3A_152 : i32 to index
        %get3A_316 = arith.index_cast %mul3A_156 : i32 to index
        %get3A_317 = tpu.vector_load %arg11[%get3A_314, %get3A_315, %get3A_316] {strides = array<i32>} : memref<8x2x128xf32, #tpu.memory_space<vmem>>, vector<1x1x16xf32>,
        %get3A_318 = vector.shape_cast %get3A_317 : vector<1x1x16xf32> to vector<16xf32>
        %select_n3A_319 = arith.select %eq3A_297, %get3A_318, %select_n3A_282 : vector<16xi1>, vector<16xf32>
        %get3A_320 = arith.constant 3 : i32
        %get3A_321 = arith.index_cast %get3A_320 : i32 to index
        %get3A_322 = arith.index_cast %shift_right_arithmetic3A_152 : i32 to index
        %get3A_323 = arith.index_cast %mul3A_156 : i32 to index
        %get3A_324 = tpu.vector_load %arg12[%get3A_321, %get3A_322, %get3A_323] {strides = array<i32>} : memref<8x2x128xf32, #tpu.memory_space<vmem>>, vector<1x1x16xf32>,
        %get3A_325 = vector.shape_cast %get3A_324 : vector<1x1x16xf32> to vector<16xf32>
        %select_n3A_326 = arith.select %eq3A_297, %get3A_325, %select_n3A_289 : vector<16xi1>, vector<16xf32>
        %get3A_327 = arith.constant 4 : i32
        %get3A_328 = arith.index_cast %get3A_327 : i32 to index
        %get3A_329 = arith.index_cast %shift_right_arithmetic3A_152 : i32 to index
        %get3A_330 = arith.index_cast %mul3A_156 : i32 to index
        %get3A_331 = tpu.vector_load %arg8[%get3A_328, %get3A_329, %get3A_330] {strides = array<i32>} : memref<8x2x128xi32, #tpu.memory_space<vmem>>, vector<1x1x16xi32>,
        %get3A_332 = vector.shape_cast %get3A_331 : vector<1x1x16xi32> to vector<16xi32>
        %eq3A_333 = vector.broadcast %add3A_89 : i32 to vector<16xi32>
        %eq3A_334 = arith.cmpi eq, %get3A_332, %eq3A_333 : vector<16xi32>
        %or3A_335 = arith.ori %or3A_298, %eq3A_334 : vector<16xi1>
        %get3A_336 = arith.constant 4 : i32
        %get3A_337 = arith.index_cast %get3A_336 : i32 to index
        %get3A_338 = arith.index_cast %shift_right_arithmetic3A_152 : i32 to index
        %get3A_339 = arith.index_cast %mul3A_156 : i32 to index
        %get3A_340 = tpu.vector_load %arg9[%get3A_337, %get3A_338, %get3A_339] {strides = array<i32>} : memref<8x2x128xf32, #tpu.memory_space<vmem>>, vector<1x1x16xf32>,
        %get3A_341 = vector.shape_cast %get3A_340 : vector<1x1x16xf32> to vector<16xf32>
        %select_n3A_342 = arith.select %eq3A_334, %get3A_341, %select_n3A_305 : vector<16xi1>, vector<16xf32>
        %get3A_343 = arith.constant 4 : i32
        %get3A_344 = arith.index_cast %get3A_343 : i32 to index
        %get3A_345 = arith.index_cast %shift_right_arithmetic3A_152 : i32 to index
        %get3A_346 = arith.index_cast %mul3A_156 : i32 to index
        %get3A_347 = tpu.vector_load %arg10[%get3A_344, %get3A_345, %get3A_346] {strides = array<i32>} : memref<8x2x128xf32, #tpu.memory_space<vmem>>, vector<1x1x16xf32>,
        %get3A_348 = vector.shape_cast %get3A_347 : vector<1x1x16xf32> to vector<16xf32>
        %select_n3A_349 = arith.select %eq3A_334, %get3A_348, %select_n3A_312 : vector<16xi1>, vector<16xf32>
        %get3A_350 = arith.constant 4 : i32
        %get3A_351 = arith.index_cast %get3A_350 : i32 to index
        %get3A_352 = arith.index_cast %shift_right_arithmetic3A_152 : i32 to index
        %get3A_353 = arith.index_cast %mul3A_156 : i32 to index
        %get3A_354 = tpu.vector_load %arg11[%get3A_351, %get3A_352, %get3A_353] {strides = array<i32>} : memref<8x2x128xf32, #tpu.memory_space<vmem>>, vector<1x1x16xf32>,
        %get3A_355 = vector.shape_cast %get3A_354 : vector<1x1x16xf32> to vector<16xf32>
        %select_n3A_356 = arith.select %eq3A_334, %get3A_355, %select_n3A_319 : vector<16xi1>, vector<16xf32>
        %get3A_357 = arith.constant 4 : i32
        %get3A_358 = arith.index_cast %get3A_357 : i32 to index
        %get3A_359 = arith.index_cast %shift_right_arithmetic3A_152 : i32 to index
        %get3A_360 = arith.index_cast %mul3A_156 : i32 to index
        %get3A_361 = tpu.vector_load %arg12[%get3A_358, %get3A_359, %get3A_360] {strides = array<i32>} : memref<8x2x128xf32, #tpu.memory_space<vmem>>, vector<1x1x16xf32>,
        %get3A_362 = vector.shape_cast %get3A_361 : vector<1x1x16xf32> to vector<16xf32>
        %select_n3A_363 = arith.select %eq3A_334, %get3A_362, %select_n3A_326 : vector<16xi1>, vector<16xf32>
        %get3A_364 = arith.constant 5 : i32
        %get3A_365 = arith.index_cast %get3A_364 : i32 to index
        %get3A_366 = arith.index_cast %shift_right_arithmetic3A_152 : i32 to index
        %get3A_367 = arith.index_cast %mul3A_156 : i32 to index
        %get3A_368 = tpu.vector_load %arg8[%get3A_365, %get3A_366, %get3A_367] {strides = array<i32>} : memref<8x2x128xi32, #tpu.memory_space<vmem>>, vector<1x1x16xi32>,
        %get3A_369 = vector.shape_cast %get3A_368 : vector<1x1x16xi32> to vector<16xi32>
        %eq3A_370 = vector.broadcast %add3A_89 : i32 to vector<16xi32>
        %eq3A_371 = arith.cmpi eq, %get3A_369, %eq3A_370 : vector<16xi32>
        %or3A_372 = arith.ori %or3A_335, %eq3A_371 : vector<16xi1>
        %get3A_373 = arith.constant 5 : i32
        %get3A_374 = arith.index_cast %get3A_373 : i32 to index
        %get3A_375 = arith.index_cast %shift_right_arithmetic3A_152 : i32 to index
        %get3A_376 = arith.index_cast %mul3A_156 : i32 to index
        %get3A_377 = tpu.vector_load %arg9[%get3A_374, %get3A_375, %get3A_376] {strides = array<i32>} : memref<8x2x128xf32, #tpu.memory_space<vmem>>, vector<1x1x16xf32>,
        %get3A_378 = vector.shape_cast %get3A_377 : vector<1x1x16xf32> to vector<16xf32>
        %select_n3A_379 = arith.select %eq3A_371, %get3A_378, %select_n3A_342 : vector<16xi1>, vector<16xf32>
        %get3A_380 = arith.constant 5 : i32
        %get3A_381 = arith.index_cast %get3A_380 : i32 to index
        %get3A_382 = arith.index_cast %shift_right_arithmetic3A_152 : i32 to index
        %get3A_383 = arith.index_cast %mul3A_156 : i32 to index
        %get3A_384 = tpu.vector_load %arg10[%get3A_381, %get3A_382, %get3A_383] {strides = array<i32>} : memref<8x2x128xf32, #tpu.memory_space<vmem>>, vector<1x1x16xf32>,
        %get3A_385 = vector.shape_cast %get3A_384 : vector<1x1x16xf32> to vector<16xf32>
        %select_n3A_386 = arith.select %eq3A_371, %get3A_385, %select_n3A_349 : vector<16xi1>, vector<16xf32>
        %get3A_387 = arith.constant 5 : i32
        %get3A_388 = arith.index_cast %get3A_387 : i32 to index
        %get3A_389 = arith.index_cast %shift_right_arithmetic3A_152 : i32 to index
        %get3A_390 = arith.index_cast %mul3A_156 : i32 to index
        %get3A_391 = tpu.vector_load %arg11[%get3A_388, %get3A_389, %get3A_390] {strides = array<i32>} : memref<8x2x128xf32, #tpu.memory_space<vmem>>, vector<1x1x16xf32>,
        %get3A_392 = vector.shape_cast %get3A_391 : vector<1x1x16xf32> to vector<16xf32>
        %select_n3A_393 = arith.select %eq3A_371, %get3A_392, %select_n3A_356 : vector<16xi1>, vector<16xf32>
        %get3A_394 = arith.constant 5 : i32
        %get3A_395 = arith.index_cast %get3A_394 : i32 to index
        %get3A_396 = arith.index_cast %shift_right_arithmetic3A_152 : i32 to index
        %get3A_397 = arith.index_cast %mul3A_156 : i32 to index
        %get3A_398 = tpu.vector_load %arg12[%get3A_395, %get3A_396, %get3A_397] {strides = array<i32>} : memref<8x2x128xf32, #tpu.memory_space<vmem>>, vector<1x1x16xf32>,
        %get3A_399 = vector.shape_cast %get3A_398 : vector<1x1x16xf32> to vector<16xf32>
        %select_n3A_400 = arith.select %eq3A_371, %get3A_399, %select_n3A_363 : vector<16xi1>, vector<16xf32>
        %get3A_401 = arith.constant 6 : i32
        %get3A_402 = arith.index_cast %get3A_401 : i32 to index
        %get3A_403 = arith.index_cast %shift_right_arithmetic3A_152 : i32 to index
        %get3A_404 = arith.index_cast %mul3A_156 : i32 to index
        %get3A_405 = tpu.vector_load %arg8[%get3A_402, %get3A_403, %get3A_404] {strides = array<i32>} : memref<8x2x128xi32, #tpu.memory_space<vmem>>, vector<1x1x16xi32>,
        %get3A_406 = vector.shape_cast %get3A_405 : vector<1x1x16xi32> to vector<16xi32>
        %eq3A_407 = vector.broadcast %add3A_89 : i32 to vector<16xi32>
        %eq3A_408 = arith.cmpi eq, %get3A_406, %eq3A_407 : vector<16xi32>
        %or3A_409 = arith.ori %or3A_372, %eq3A_408 : vector<16xi1>
        %get3A_410 = arith.constant 6 : i32
        %get3A_411 = arith.index_cast %get3A_410 : i32 to index
        %get3A_412 = arith.index_cast %shift_right_arithmetic3A_152 : i32 to index
        %get3A_413 = arith.index_cast %mul3A_156 : i32 to index
        %get3A_414 = tpu.vector_load %arg9[%get3A_411, %get3A_412, %get3A_413] {strides = array<i32>} : memref<8x2x128xf32, #tpu.memory_space<vmem>>, vector<1x1x16xf32>,
        %get3A_415 = vector.shape_cast %get3A_414 : vector<1x1x16xf32> to vector<16xf32>
        %select_n3A_416 = arith.select %eq3A_408, %get3A_415, %select_n3A_379 : vector<16xi1>, vector<16xf32>
        %get3A_417 = arith.constant 6 : i32
        %get3A_418 = arith.index_cast %get3A_417 : i32 to index
        %get3A_419 = arith.index_cast %shift_right_arithmetic3A_152 : i32 to index
        %get3A_420 = arith.index_cast %mul3A_156 : i32 to index
        %get3A_421 = tpu.vector_load %arg10[%get3A_418, %get3A_419, %get3A_420] {strides = array<i32>} : memref<8x2x128xf32, #tpu.memory_space<vmem>>, vector<1x1x16xf32>,
        %get3A_422 = vector.shape_cast %get3A_421 : vector<1x1x16xf32> to vector<16xf32>
        %select_n3A_423 = arith.select %eq3A_408, %get3A_422, %select_n3A_386 : vector<16xi1>, vector<16xf32>
        %get3A_424 = arith.constant 6 : i32
        %get3A_425 = arith.index_cast %get3A_424 : i32 to index
        %get3A_426 = arith.index_cast %shift_right_arithmetic3A_152 : i32 to index
        %get3A_427 = arith.index_cast %mul3A_156 : i32 to index
        %get3A_428 = tpu.vector_load %arg11[%get3A_425, %get3A_426, %get3A_427] {strides = array<i32>} : memref<8x2x128xf32, #tpu.memory_space<vmem>>, vector<1x1x16xf32>,
        %get3A_429 = vector.shape_cast %get3A_428 : vector<1x1x16xf32> to vector<16xf32>
        %select_n3A_430 = arith.select %eq3A_408, %get3A_429, %select_n3A_393 : vector<16xi1>, vector<16xf32>
        %get3A_431 = arith.constant 6 : i32
        %get3A_432 = arith.index_cast %get3A_431 : i32 to index
        %get3A_433 = arith.index_cast %shift_right_arithmetic3A_152 : i32 to index
        %get3A_434 = arith.index_cast %mul3A_156 : i32 to index
        %get3A_435 = tpu.vector_load %arg12[%get3A_432, %get3A_433, %get3A_434] {strides = array<i32>} : memref<8x2x128xf32, #tpu.memory_space<vmem>>, vector<1x1x16xf32>,
        %get3A_436 = vector.shape_cast %get3A_435 : vector<1x1x16xf32> to vector<16xf32>
        %select_n3A_437 = arith.select %eq3A_408, %get3A_436, %select_n3A_400 : vector<16xi1>, vector<16xf32>
        %get3A_438 = arith.constant 7 : i32
        %get3A_439 = arith.index_cast %get3A_438 : i32 to index
        %get3A_440 = arith.index_cast %shift_right_arithmetic3A_152 : i32 to index
        %get3A_441 = arith.index_cast %mul3A_156 : i32 to index
        %get3A_442 = tpu.vector_load %arg8[%get3A_439, %get3A_440, %get3A_441] {strides = array<i32>} : memref<8x2x128xi32, #tpu.memory_space<vmem>>, vector<1x1x16xi32>,
        %get3A_443 = vector.shape_cast %get3A_442 : vector<1x1x16xi32> to vector<16xi32>
        %eq3A_444 = vector.broadcast %add3A_89 : i32 to vector<16xi32>
        %eq3A_445 = arith.cmpi eq, %get3A_443, %eq3A_444 : vector<16xi32>
        %or3A_446 = arith.ori %or3A_409, %eq3A_445 : vector<16xi1>
        %get3A_447 = arith.constant 7 : i32
        %get3A_448 = arith.index_cast %get3A_447 : i32 to index
        %get3A_449 = arith.index_cast %shift_right_arithmetic3A_152 : i32 to index
        %get3A_450 = arith.index_cast %mul3A_156 : i32 to index
        %get3A_451 = tpu.vector_load %arg9[%get3A_448, %get3A_449, %get3A_450] {strides = array<i32>} : memref<8x2x128xf32, #tpu.memory_space<vmem>>, vector<1x1x16xf32>,
        %get3A_452 = vector.shape_cast %get3A_451 : vector<1x1x16xf32> to vector<16xf32>
        %select_n3A_453 = arith.select %eq3A_445, %get3A_452, %select_n3A_416 : vector<16xi1>, vector<16xf32>
        %get3A_454 = arith.constant 7 : i32
        %get3A_455 = arith.index_cast %get3A_454 : i32 to index
        %get3A_456 = arith.index_cast %shift_right_arithmetic3A_152 : i32 to index
        %get3A_457 = arith.index_cast %mul3A_156 : i32 to index
        %get3A_458 = tpu.vector_load %arg10[%get3A_455, %get3A_456, %get3A_457] {strides = array<i32>} : memref<8x2x128xf32, #tpu.memory_space<vmem>>, vector<1x1x16xf32>,
        %get3A_459 = vector.shape_cast %get3A_458 : vector<1x1x16xf32> to vector<16xf32>
        %select_n3A_460 = arith.select %eq3A_445, %get3A_459, %select_n3A_423 : vector<16xi1>, vector<16xf32>
        %get3A_461 = arith.constant 7 : i32
        %get3A_462 = arith.index_cast %get3A_461 : i32 to index
        %get3A_463 = arith.index_cast %shift_right_arithmetic3A_152 : i32 to index
        %get3A_464 = arith.index_cast %mul3A_156 : i32 to index
        %get3A_465 = tpu.vector_load %arg11[%get3A_462, %get3A_463, %get3A_464] {strides = array<i32>} : memref<8x2x128xf32, #tpu.memory_space<vmem>>, vector<1x1x16xf32>,
        %get3A_466 = vector.shape_cast %get3A_465 : vector<1x1x16xf32> to vector<16xf32>
        %select_n3A_467 = arith.select %eq3A_445, %get3A_466, %select_n3A_430 : vector<16xi1>, vector<16xf32>
        %get3A_468 = arith.constant 7 : i32
        %get3A_469 = arith.index_cast %get3A_468 : i32 to index
        %get3A_470 = arith.index_cast %shift_right_arithmetic3A_152 : i32 to index
        %get3A_471 = arith.index_cast %mul3A_156 : i32 to index
        %get3A_472 = tpu.vector_load %arg12[%get3A_469, %get3A_470, %get3A_471] {strides = array<i32>} : memref<8x2x128xf32, #tpu.memory_space<vmem>>, vector<1x1x16xf32>,
        %get3A_473 = vector.shape_cast %get3A_472 : vector<1x1x16xf32> to vector<16xf32>
        %select_n3A_474 = arith.select %eq3A_445, %get3A_473, %select_n3A_437 : vector<16xi1>, vector<16xf32>
        %get3A_475 = arith.constant 0 : i32
        %get3A_476 = arith.constant 0 : i32
        %get3A_477 = arith.index_cast %get3A_475 : i32 to index
        %get3A_478 = arith.index_cast %shift_right_arithmetic3A_152 : i32 to index
        %get3A_479 = arith.index_cast %get3A_476 : i32 to index
        %get3A_480 = arith.index_cast %mul3A_156 : i32 to index
        %get3A_481 = tpu.vector_load %arg6[%get3A_477, %get3A_478, %get3A_479, %get3A_480] {strides = array<i32>} : memref<25x2x2x128xf32, #tpu.memory_space<vmem>>, vector<1x1x1x16xf32>,
        %get3A_482 = vector.shape_cast %get3A_481 : vector<1x1x1x16xf32> to vector<16xf32>
        %sub3A_483 = arith.subf %get3A_482, %select_n3A_453 : vector<16xf32>
        %mul3A_484 = arith.mulf %sub3A_483, %sub3A_483 : vector<16xf32>
        %add3A_485 = arith.addf %mul3A_8, %mul3A_484 : vector<16xf32>
        %get3A_486 = arith.constant 1 : i32
        %get3A_487 = arith.constant 0 : i32
        %get3A_488 = arith.index_cast %get3A_486 : i32 to index
        %get3A_489 = arith.index_cast %shift_right_arithmetic3A_152 : i32 to index
        %get3A_490 = arith.index_cast %get3A_487 : i32 to index
        %get3A_491 = arith.index_cast %mul3A_156 : i32 to index
        %get3A_492 = tpu.vector_load %arg6[%get3A_488, %get3A_489, %get3A_490, %get3A_491] {strides = array<i32>} : memref<25x2x2x128xf32, #tpu.memory_space<vmem>>, vector<1x1x1x16xf32>,
        %get3A_493 = vector.shape_cast %get3A_492 : vector<1x1x1x16xf32> to vector<16xf32>
        %sub3A_494 = arith.subf %get3A_493, %select_n3A_460 : vector<16xf32>
        %mul3A_495 = arith.mulf %sub3A_494, %sub3A_494 : vector<16xf32>
        %add3A_496 = arith.addf %add3A_485, %mul3A_495 : vector<16xf32>
        %get3A_497 = arith.constant 2 : i32
        %get3A_498 = arith.constant 0 : i32
        %get3A_499 = arith.index_cast %get3A_497 : i32 to index
        %get3A_500 = arith.index_cast %shift_right_arithmetic3A_152 : i32 to index
        %get3A_501 = arith.index_cast %get3A_498 : i32 to index
        %get3A_502 = arith.index_cast %mul3A_156 : i32 to index
        %get3A_503 = tpu.vector_load %arg6[%get3A_499, %get3A_500, %get3A_501, %get3A_502] {strides = array<i32>} : memref<25x2x2x128xf32, #tpu.memory_space<vmem>>, vector<1x1x1x16xf32>,
        %get3A_504 = vector.shape_cast %get3A_503 : vector<1x1x1x16xf32> to vector<16xf32>
        %sub3A_505 = arith.subf %get3A_504, %select_n3A_467 : vector<16xf32>
        %mul3A_506 = arith.mulf %sub3A_505, %sub3A_505 : vector<16xf32>
        %add3A_507 = arith.addf %add3A_496, %mul3A_506 : vector<16xf32>
        %get3A_508 = arith.constant 3 : i32
        %get3A_509 = arith.constant 0 : i32
        %get3A_510 = arith.index_cast %get3A_508 : i32 to index
        %get3A_511 = arith.index_cast %shift_right_arithmetic3A_152 : i32 to index
        %get3A_512 = arith.index_cast %get3A_509 : i32 to index
        %get3A_513 = arith.index_cast %mul3A_156 : i32 to index
        %get3A_514 = tpu.vector_load %arg6[%get3A_510, %get3A_511, %get3A_512, %get3A_513] {strides = array<i32>} : memref<25x2x2x128xf32, #tpu.memory_space<vmem>>, vector<1x1x1x16xf32>,
        %get3A_515 = vector.shape_cast %get3A_514 : vector<1x1x1x16xf32> to vector<16xf32>
        %sub3A_516 = arith.subf %get3A_515, %select_n3A_474 : vector<16xf32>
        %mul3A_517 = arith.mulf %sub3A_516, %sub3A_516 : vector<16xf32>
        %add3A_518 = arith.addf %add3A_507, %mul3A_517 : vector<16xf32>
        %get3A_519 = arith.constant 4 : i32
        %get3A_520 = arith.constant 0 : i32
        %get3A_521 = arith.index_cast %get3A_519 : i32 to index
        %get3A_522 = arith.index_cast %shift_right_arithmetic3A_152 : i32 to index
        %get3A_523 = arith.index_cast %get3A_520 : i32 to index
        %get3A_524 = arith.index_cast %mul3A_156 : i32 to index
        %get3A_525 = tpu.vector_load %arg6[%get3A_521, %get3A_522, %get3A_523, %get3A_524] {strides = array<i32>} : memref<25x2x2x128xf32, #tpu.memory_space<vmem>>, vector<1x1x1x16xf32>,
        %get3A_526 = vector.shape_cast %get3A_525 : vector<1x1x1x16xf32> to vector<16xf32>
        %mul3A_527 = arith.constant 2.000000e+00 : f32
        %mul3A_528 = vector.broadcast %mul3A_527 : f32 to vector<16xf32>
        %mul3A_529 = arith.mulf %mul3A_528, %get3A_526 : vector<16xf32>
        %sub3A_530 = arith.constant 1.000000e+00 : f32
        %sub3A_531 = vector.broadcast %sub3A_530 : f32 to vector<16xf32>
        %sub3A_532 = arith.subf %sub3A_531, %mul3A_529 : vector<16xf32>
        %get3A_533 = arith.constant 5 : i32
        %get3A_534 = arith.constant 0 : i32
        %get3A_535 = arith.index_cast %get3A_533 : i32 to index
        %get3A_536 = arith.index_cast %shift_right_arithmetic3A_152 : i32 to index
        %get3A_537 = arith.index_cast %get3A_534 : i32 to index
        %get3A_538 = arith.index_cast %mul3A_156 : i32 to index
        %get3A_539 = tpu.vector_load %arg6[%get3A_535, %get3A_536, %get3A_537, %get3A_538] {strides = array<i32>} : memref<25x2x2x128xf32, #tpu.memory_space<vmem>>, vector<1x1x1x16xf32>,
        %get3A_540 = vector.shape_cast %get3A_539 : vector<1x1x1x16xf32> to vector<16xf32>
        %mul3A_541 = arith.mulf %get3A_540, %get3A_540 : vector<16xf32>
        %add3A_542 = arith.addf %mul3A_8, %mul3A_541 : vector<16xf32>
        %get3A_543 = arith.constant 6 : i32
        %get3A_544 = arith.constant 0 : i32
        %get3A_545 = arith.index_cast %get3A_543 : i32 to index
        %get3A_546 = arith.index_cast %shift_right_arithmetic3A_152 : i32 to index
        %get3A_547 = arith.index_cast %get3A_544 : i32 to index
        %get3A_548 = arith.index_cast %mul3A_156 : i32 to index
        %get3A_549 = tpu.vector_load %arg6[%get3A_545, %get3A_546, %get3A_547, %get3A_548] {strides = array<i32>} : memref<25x2x2x128xf32, #tpu.memory_space<vmem>>, vector<1x1x1x16xf32>,
        %get3A_550 = vector.shape_cast %get3A_549 : vector<1x1x1x16xf32> to vector<16xf32>
        %mul3A_551 = arith.mulf %get3A_550, %get3A_550 : vector<16xf32>
        %add3A_552 = arith.addf %add3A_542, %mul3A_551 : vector<16xf32>
        %get3A_553 = arith.constant 7 : i32
        %get3A_554 = arith.constant 0 : i32
        %get3A_555 = arith.index_cast %get3A_553 : i32 to index
        %get3A_556 = arith.index_cast %shift_right_arithmetic3A_152 : i32 to index
        %get3A_557 = arith.index_cast %get3A_554 : i32 to index
        %get3A_558 = arith.index_cast %mul3A_156 : i32 to index
        %get3A_559 = tpu.vector_load %arg6[%get3A_555, %get3A_556, %get3A_557, %get3A_558] {strides = array<i32>} : memref<25x2x2x128xf32, #tpu.memory_space<vmem>>, vector<1x1x1x16xf32>,
        %get3A_560 = vector.shape_cast %get3A_559 : vector<1x1x1x16xf32> to vector<16xf32>
        %mul3A_561 = arith.mulf %get3A_560, %get3A_560 : vector<16xf32>
        %add3A_562 = arith.addf %add3A_552, %mul3A_561 : vector<16xf32>
        %get3A_563 = arith.constant 8 : i32
        %get3A_564 = arith.constant 0 : i32
        %get3A_565 = arith.index_cast %get3A_563 : i32 to index
        %get3A_566 = arith.index_cast %shift_right_arithmetic3A_152 : i32 to index
        %get3A_567 = arith.index_cast %get3A_564 : i32 to index
        %get3A_568 = arith.index_cast %mul3A_156 : i32 to index
        %get3A_569 = tpu.vector_load %arg6[%get3A_565, %get3A_566, %get3A_567, %get3A_568] {strides = array<i32>} : memref<25x2x2x128xf32, #tpu.memory_space<vmem>>, vector<1x1x1x16xf32>,
        %get3A_570 = vector.shape_cast %get3A_569 : vector<1x1x1x16xf32> to vector<16xf32>
        %mul3A_571 = arith.mulf %get3A_570, %get3A_570 : vector<16xf32>
        %add3A_572 = arith.addf %add3A_562, %mul3A_571 : vector<16xf32>
        %get3A_573 = arith.constant 9 : i32
        %get3A_574 = arith.constant 0 : i32
        %get3A_575 = arith.index_cast %get3A_573 : i32 to index
        %get3A_576 = arith.index_cast %shift_right_arithmetic3A_152 : i32 to index
        %get3A_577 = arith.index_cast %get3A_574 : i32 to index
        %get3A_578 = arith.index_cast %mul3A_156 : i32 to index
        %get3A_579 = tpu.vector_load %arg6[%get3A_575, %get3A_576, %get3A_577, %get3A_578] {strides = array<i32>} : memref<25x2x2x128xf32, #tpu.memory_space<vmem>>, vector<1x1x1x16xf32>,
        %get3A_580 = vector.shape_cast %get3A_579 : vector<1x1x1x16xf32> to vector<16xf32>
        %mul3A_581 = arith.mulf %get3A_580, %get3A_580 : vector<16xf32>
        %add3A_582 = arith.addf %add3A_572, %mul3A_581 : vector<16xf32>
        %get3A_583 = arith.constant 10 : i32
        %get3A_584 = arith.constant 0 : i32
        %get3A_585 = arith.index_cast %get3A_583 : i32 to index
        %get3A_586 = arith.index_cast %shift_right_arithmetic3A_152 : i32 to index
        %get3A_587 = arith.index_cast %get3A_584 : i32 to index
        %get3A_588 = arith.index_cast %mul3A_156 : i32 to index
        %get3A_589 = tpu.vector_load %arg6[%get3A_585, %get3A_586, %get3A_587, %get3A_588] {strides = array<i32>} : memref<25x2x2x128xf32, #tpu.memory_space<vmem>>, vector<1x1x1x16xf32>,
        %get3A_590 = vector.shape_cast %get3A_589 : vector<1x1x1x16xf32> to vector<16xf32>
        %mul3A_591 = arith.mulf %get3A_590, %get3A_590 : vector<16xf32>
        %add3A_592 = arith.addf %add3A_582, %mul3A_591 : vector<16xf32>
        %get3A_593 = arith.constant 11 : i32
        %get3A_594 = arith.constant 0 : i32
        %get3A_595 = arith.index_cast %get3A_593 : i32 to index
        %get3A_596 = arith.index_cast %shift_right_arithmetic3A_152 : i32 to index
        %get3A_597 = arith.index_cast %get3A_594 : i32 to index
        %get3A_598 = arith.index_cast %mul3A_156 : i32 to index
        %get3A_599 = tpu.vector_load %arg6[%get3A_595, %get3A_596, %get3A_597, %get3A_598] {strides = array<i32>} : memref<25x2x2x128xf32, #tpu.memory_space<vmem>>, vector<1x1x1x16xf32>,
        %get3A_600 = vector.shape_cast %get3A_599 : vector<1x1x1x16xf32> to vector<16xf32>
        %mul3A_601 = arith.mulf %get3A_600, %get3A_600 : vector<16xf32>
        %add3A_602 = arith.addf %add3A_592, %mul3A_601 : vector<16xf32>
        %get3A_603 = arith.constant 12 : i32
        %get3A_604 = arith.constant 0 : i32
        %get3A_605 = arith.index_cast %get3A_603 : i32 to index
        %get3A_606 = arith.index_cast %shift_right_arithmetic3A_152 : i32 to index
        %get3A_607 = arith.index_cast %get3A_604 : i32 to index
        %get3A_608 = arith.index_cast %mul3A_156 : i32 to index
        %get3A_609 = tpu.vector_load %arg6[%get3A_605, %get3A_606, %get3A_607, %get3A_608] {strides = array<i32>} : memref<25x2x2x128xf32, #tpu.memory_space<vmem>>, vector<1x1x1x16xf32>,
        %get3A_610 = vector.shape_cast %get3A_609 : vector<1x1x1x16xf32> to vector<16xf32>
        %mul3A_611 = arith.mulf %get3A_610, %get3A_610 : vector<16xf32>
        %add3A_612 = arith.addf %add3A_602, %mul3A_611 : vector<16xf32>
        %get3A_613 = arith.constant 13 : i32
        %get3A_614 = arith.constant 0 : i32
        %get3A_615 = arith.index_cast %get3A_613 : i32 to index
        %get3A_616 = arith.index_cast %shift_right_arithmetic3A_152 : i32 to index
        %get3A_617 = arith.index_cast %get3A_614 : i32 to index
        %get3A_618 = arith.index_cast %mul3A_156 : i32 to index
        %get3A_619 = tpu.vector_load %arg6[%get3A_615, %get3A_616, %get3A_617, %get3A_618] {strides = array<i32>} : memref<25x2x2x128xf32, #tpu.memory_space<vmem>>, vector<1x1x1x16xf32>,
        %get3A_620 = vector.shape_cast %get3A_619 : vector<1x1x1x16xf32> to vector<16xf32>
        %mul3A_621 = arith.mulf %get3A_620, %get3A_620 : vector<16xf32>
        %add3A_622 = arith.addf %add3A_612, %mul3A_621 : vector<16xf32>
        %get3A_623 = arith.constant 14 : i32
        %get3A_624 = arith.constant 0 : i32
        %get3A_625 = arith.index_cast %get3A_623 : i32 to index
        %get3A_626 = arith.index_cast %shift_right_arithmetic3A_152 : i32 to index
        %get3A_627 = arith.index_cast %get3A_624 : i32 to index
        %get3A_628 = arith.index_cast %mul3A_156 : i32 to index
        %get3A_629 = tpu.vector_load %arg6[%get3A_625, %get3A_626, %get3A_627, %get3A_628] {strides = array<i32>} : memref<25x2x2x128xf32, #tpu.memory_space<vmem>>, vector<1x1x1x16xf32>,
        %get3A_630 = vector.shape_cast %get3A_629 : vector<1x1x1x16xf32> to vector<16xf32>
        %mul3A_631 = arith.mulf %get3A_630, %get3A_630 : vector<16xf32>
        %add3A_632 = arith.addf %add3A_622, %mul3A_631 : vector<16xf32>
        %get3A_633 = arith.constant 15 : i32
        %get3A_634 = arith.constant 0 : i32
        %get3A_635 = arith.index_cast %get3A_633 : i32 to index
        %get3A_636 = arith.index_cast %shift_right_arithmetic3A_152 : i32 to index
        %get3A_637 = arith.index_cast %get3A_634 : i32 to index
        %get3A_638 = arith.index_cast %mul3A_156 : i32 to index
        %get3A_639 = tpu.vector_load %arg6[%get3A_635, %get3A_636, %get3A_637, %get3A_638] {strides = array<i32>} : memref<25x2x2x128xf32, #tpu.memory_space<vmem>>, vector<1x1x1x16xf32>,
        %get3A_640 = vector.shape_cast %get3A_639 : vector<1x1x1x16xf32> to vector<16xf32>
        %mul3A_641 = arith.mulf %get3A_640, %get3A_640 : vector<16xf32>
        %add3A_642 = arith.addf %add3A_632, %mul3A_641 : vector<16xf32>
        %get3A_643 = arith.constant 16 : i32
        %get3A_644 = arith.constant 0 : i32
        %get3A_645 = arith.index_cast %get3A_643 : i32 to index
        %get3A_646 = arith.index_cast %shift_right_arithmetic3A_152 : i32 to index
        %get3A_647 = arith.index_cast %get3A_644 : i32 to index
        %get3A_648 = arith.index_cast %mul3A_156 : i32 to index
        %get3A_649 = tpu.vector_load %arg6[%get3A_645, %get3A_646, %get3A_647, %get3A_648] {strides = array<i32>} : memref<25x2x2x128xf32, #tpu.memory_space<vmem>>, vector<1x1x1x16xf32>,
        %get3A_650 = vector.shape_cast %get3A_649 : vector<1x1x1x16xf32> to vector<16xf32>
        %mul3A_651 = arith.mulf %get3A_650, %get3A_650 : vector<16xf32>
        %add3A_652 = arith.addf %add3A_642, %mul3A_651 : vector<16xf32>
        %get3A_653 = arith.constant 17 : i32
        %get3A_654 = arith.constant 0 : i32
        %get3A_655 = arith.index_cast %get3A_653 : i32 to index
        %get3A_656 = arith.index_cast %shift_right_arithmetic3A_152 : i32 to index
        %get3A_657 = arith.index_cast %get3A_654 : i32 to index
        %get3A_658 = arith.index_cast %mul3A_156 : i32 to index
        %get3A_659 = tpu.vector_load %arg6[%get3A_655, %get3A_656, %get3A_657, %get3A_658] {strides = array<i32>} : memref<25x2x2x128xf32, #tpu.memory_space<vmem>>, vector<1x1x1x16xf32>,
        %get3A_660 = vector.shape_cast %get3A_659 : vector<1x1x1x16xf32> to vector<16xf32>
        %mul3A_661 = arith.mulf %get3A_660, %get3A_660 : vector<16xf32>
        %add3A_662 = arith.addf %add3A_652, %mul3A_661 : vector<16xf32>
        %get3A_663 = arith.constant 18 : i32
        %get3A_664 = arith.constant 0 : i32
        %get3A_665 = arith.index_cast %get3A_663 : i32 to index
        %get3A_666 = arith.index_cast %shift_right_arithmetic3A_152 : i32 to index
        %get3A_667 = arith.index_cast %get3A_664 : i32 to index
        %get3A_668 = arith.index_cast %mul3A_156 : i32 to index
        %get3A_669 = tpu.vector_load %arg6[%get3A_665, %get3A_666, %get3A_667, %get3A_668] {strides = array<i32>} : memref<25x2x2x128xf32, #tpu.memory_space<vmem>>, vector<1x1x1x16xf32>,
        %get3A_670 = vector.shape_cast %get3A_669 : vector<1x1x1x16xf32> to vector<16xf32>
        %mul3A_671 = arith.mulf %get3A_670, %get3A_670 : vector<16xf32>
        %add3A_672 = arith.addf %add3A_662, %mul3A_671 : vector<16xf32>
        %get3A_673 = arith.constant 19 : i32
        %get3A_674 = arith.constant 0 : i32
        %get3A_675 = arith.index_cast %get3A_673 : i32 to index
        %get3A_676 = arith.index_cast %shift_right_arithmetic3A_152 : i32 to index
        %get3A_677 = arith.index_cast %get3A_674 : i32 to index
        %get3A_678 = arith.index_cast %mul3A_156 : i32 to index
        %get3A_679 = tpu.vector_load %arg6[%get3A_675, %get3A_676, %get3A_677, %get3A_678] {strides = array<i32>} : memref<25x2x2x128xf32, #tpu.memory_space<vmem>>, vector<1x1x1x16xf32>,
        %get3A_680 = vector.shape_cast %get3A_679 : vector<1x1x1x16xf32> to vector<16xf32>
        %mul3A_681 = arith.mulf %get3A_680, %get3A_680 : vector<16xf32>
        %add3A_682 = arith.addf %add3A_672, %mul3A_681 : vector<16xf32>
        %get3A_683 = arith.constant 20 : i32
        %get3A_684 = arith.constant 0 : i32
        %get3A_685 = arith.index_cast %get3A_683 : i32 to index
        %get3A_686 = arith.index_cast %shift_right_arithmetic3A_152 : i32 to index
        %get3A_687 = arith.index_cast %get3A_684 : i32 to index
        %get3A_688 = arith.index_cast %mul3A_156 : i32 to index
        %get3A_689 = tpu.vector_load %arg6[%get3A_685, %get3A_686, %get3A_687, %get3A_688] {strides = array<i32>} : memref<25x2x2x128xf32, #tpu.memory_space<vmem>>, vector<1x1x1x16xf32>,
        %get3A_690 = vector.shape_cast %get3A_689 : vector<1x1x1x16xf32> to vector<16xf32>
        %mul3A_691 = arith.mulf %get3A_690, %get3A_690 : vector<16xf32>
        %add3A_692 = arith.addf %add3A_682, %mul3A_691 : vector<16xf32>
        %get3A_693 = arith.constant 21 : i32
        %get3A_694 = arith.constant 0 : i32
        %get3A_695 = arith.index_cast %get3A_693 : i32 to index
        %get3A_696 = arith.index_cast %shift_right_arithmetic3A_152 : i32 to index
        %get3A_697 = arith.index_cast %get3A_694 : i32 to index
        %get3A_698 = arith.index_cast %mul3A_156 : i32 to index
        %get3A_699 = tpu.vector_load %arg6[%get3A_695, %get3A_696, %get3A_697, %get3A_698] {strides = array<i32>} : memref<25x2x2x128xf32, #tpu.memory_space<vmem>>, vector<1x1x1x16xf32>,
        %get3A_700 = vector.shape_cast %get3A_699 : vector<1x1x1x16xf32> to vector<16xf32>
        %mul3A_701 = arith.mulf %get3A_700, %get3A_700 : vector<16xf32>
        %add3A_702 = arith.addf %add3A_692, %mul3A_701 : vector<16xf32>
        %get3A_703 = arith.constant 22 : i32
        %get3A_704 = arith.constant 0 : i32
        %get3A_705 = arith.index_cast %get3A_703 : i32 to index
        %get3A_706 = arith.index_cast %shift_right_arithmetic3A_152 : i32 to index
        %get3A_707 = arith.index_cast %get3A_704 : i32 to index
        %get3A_708 = arith.index_cast %mul3A_156 : i32 to index
        %get3A_709 = tpu.vector_load %arg6[%get3A_705, %get3A_706, %get3A_707, %get3A_708] {strides = array<i32>} : memref<25x2x2x128xf32, #tpu.memory_space<vmem>>, vector<1x1x1x16xf32>,
        %get3A_710 = vector.shape_cast %get3A_709 : vector<1x1x1x16xf32> to vector<16xf32>
        %mul3A_711 = arith.mulf %get3A_710, %get3A_710 : vector<16xf32>
        %add3A_712 = arith.addf %add3A_702, %mul3A_711 : vector<16xf32>
        %get3A_713 = arith.constant 23 : i32
        %get3A_714 = arith.constant 0 : i32
        %get3A_715 = arith.index_cast %get3A_713 : i32 to index
        %get3A_716 = arith.index_cast %shift_right_arithmetic3A_152 : i32 to index
        %get3A_717 = arith.index_cast %get3A_714 : i32 to index
        %get3A_718 = arith.index_cast %mul3A_156 : i32 to index
        %get3A_719 = tpu.vector_load %arg6[%get3A_715, %get3A_716, %get3A_717, %get3A_718] {strides = array<i32>} : memref<25x2x2x128xf32, #tpu.memory_space<vmem>>, vector<1x1x1x16xf32>,
        %get3A_720 = vector.shape_cast %get3A_719 : vector<1x1x1x16xf32> to vector<16xf32>
        %mul3A_721 = arith.mulf %get3A_720, %get3A_720 : vector<16xf32>
        %add3A_722 = arith.addf %add3A_712, %mul3A_721 : vector<16xf32>
        %get3A_723 = arith.constant 24 : i32
        %get3A_724 = arith.constant 0 : i32
        %get3A_725 = arith.index_cast %get3A_723 : i32 to index
        %get3A_726 = arith.index_cast %shift_right_arithmetic3A_152 : i32 to index
        %get3A_727 = arith.index_cast %get3A_724 : i32 to index
        %get3A_728 = arith.index_cast %mul3A_156 : i32 to index
        %get3A_729 = tpu.vector_load %arg6[%get3A_725, %get3A_726, %get3A_727, %get3A_728] {strides = array<i32>} : memref<25x2x2x128xf32, #tpu.memory_space<vmem>>, vector<1x1x1x16xf32>,
        %get3A_730 = vector.shape_cast %get3A_729 : vector<1x1x1x16xf32> to vector<16xf32>
        %mul3A_731 = arith.mulf %get3A_730, %get3A_730 : vector<16xf32>
        %add3A_732 = arith.addf %add3A_722, %mul3A_731 : vector<16xf32>
        %mul3A_733 = arith.constant 5.000000e+00 : f32
        %mul3A_734 = vector.broadcast %mul3A_733 : f32 to vector<16xf32>
        %mul3A_735 = arith.mulf %mul3A_734, %add3A_518 : vector<16xf32>
        %add3A_736 = arith.addf %mul3A_735, %sub3A_532 : vector<16xf32>
        %add3A_737 = arith.addf %add3A_736, %add3A_732 : vector<16xf32>
        %jit3A_738 = arith.constant 0.000000e+00 : f32
        %broadcast_in_dim3A = vector.broadcast %jit3A_738 : f32 to vector<16xf32>
        %select_n3A_739 = arith.select %or3A_446, %add3A_737, %broadcast_in_dim3A : vector<16xi1>, vector<16xf32>
        %add3A_740 = arith.addf %add3A_176, %select_n3A_739 : vector<16xf32>
        scf.yield %add3A_740 : vector<16xf32>
      }
      %scan3A_142 = arith.constant 16 : i32
      %get3A = arith.constant 0 : index
      %get3A_143 = tpu.vector_load %arg13[%get3A] {strides = array<i32>} : memref<16xf32, #tpu.memory_space<vmem>>, vector<16xf32>,
      %get3A_144 = vector.shape_cast %get3A_143 : vector<16xf32> to vector<16xf32>
      %add3A_145 = arith.addf %get3A_144, %scan3A_141 : vector<16xf32>
      %swap3A_146 = arith.constant 0 : index
      %swap3A_147 = tpu.vector_load %arg13[%swap3A_146] {strides = array<i32>} : memref<16xf32, #tpu.memory_space<vmem>>, vector<16xf32>,
      %swap3A_148 = vector.shape_cast %swap3A_147 : vector<16xf32> to vector<16xf32>
      %swap3A_149 = vector.shape_cast %add3A_145 : vector<16xf32> to vector<16xf32>
      tpu.vector_store %arg13[%swap3A_146], %swap3A_149 {strides = array<i32>} : memref<16xf32, #tpu.memory_space<vmem>>, vector<16xf32>,
    } else {
    }
    "tpu.region"() ({
      %run_scoped3A = tpu.sem_alloc : memref<!tpu.dma_semaphore, #tpu.memory_space<semaphore_mem>>
      %dma_start3A = arith.constant 0 : i32
      %dma_start3A_95 = tpu.memref_slice %arg4[%add3A, %dma_start3A] : memref<32x16xf32, #tpu.memory_space<hbm>> -> memref<1x16xf32, #tpu.memory_space<hbm>>
      %dma_start3A_96 = tpu.memref_squeeze %dma_start3A_95 : memref<1x16xf32, #tpu.memory_space<hbm>> -> memref<16xf32, #tpu.memory_space<hbm>>
      %dma_start3A_97 = arith.constant 0 : i32
      %dma_start3A_98 = tpu.memref_slice %arg4[%add3A, %dma_start3A_97] : memref<32x16xf32, #tpu.memory_space<hbm>> -> memref<1x16xf32, #tpu.memory_space<hbm>>
      %dma_start3A_99 = tpu.memref_squeeze %dma_start3A_98 : memref<1x16xf32, #tpu.memory_space<hbm>> -> memref<16xf32, #tpu.memory_space<hbm>>
      tpu.enqueue_dma source(%arg13 : memref<16xf32, #tpu.memory_space<vmem>>) target(%dma_start3A_99 : memref<16xf32, #tpu.memory_space<hbm>>) target_semaphore(%run_scoped3A : memref<!tpu.dma_semaphore, #tpu.memory_space<semaphore_mem>>)
      %dma_wait3A = arith.constant 0 : i32
      %dma_wait3A_100 = tpu.memref_slice %arg4[%add3A, %dma_wait3A] : memref<32x16xf32, #tpu.memory_space<hbm>> -> memref<1x16xf32, #tpu.memory_space<hbm>>
      %dma_wait3A_101 = tpu.memref_squeeze %dma_wait3A_100 : memref<1x16xf32, #tpu.memory_space<hbm>> -> memref<16xf32, #tpu.memory_space<hbm>>
      %dma_wait3A_102 = arith.constant 0 : i32
      %dma_wait3A_103 = tpu.memref_slice %arg4[%add3A, %dma_wait3A_102] : memref<32x16xf32, #tpu.memory_space<hbm>> -> memref<1x16xf32, #tpu.memory_space<hbm>>
      %dma_wait3A_104 = tpu.memref_squeeze %dma_wait3A_103 : memref<1x16xf32, #tpu.memory_space<hbm>> -> memref<16xf32, #tpu.memory_space<hbm>>
      tpu.wait_dma2 semaphore(%run_scoped3A : memref<!tpu.dma_semaphore, #tpu.memory_space<semaphore_mem>>) src(%arg13 : memref<16xf32, #tpu.memory_space<vmem>>) dst(%dma_wait3A_104 : memref<16xf32, #tpu.memory_space<hbm>>)
      tpu.yield
    }) : () -> ()
    return
  }
}

</mosaic_0001>

<sc_bundles>
// kernel: kernel.3.cloned.1.call-start
scs
__scs_entry_jumppad:
0x0: {  	(pc) =	sbr.rel $0x88, $3  }
0x1: {  	(tag) =	ssettag $0x0;
	lr =	simm.s32 $0x1  }
0x2: {  	[smem:$0x3F9F] =	sst lr;
	_ =	strace $0xD0000000  }
0x3: {  	_ = 	snop  }
0x4: {  	_ = 	snop  }
0x5: {  	_ = 	snop  }
0x6: {  	_ = 	snop  }
0x7: {  	_ = 	snop  }
__scs_overlays_trampoline_lowered:
0x8: {  	[smem:$0x3FAE] =	sst s0  }
0x9: {  	[smem:$0x3FAF] =	sst s1  }
0xa: {  	[smem:$0x3FB0] =	sst s2  }
0xb: {  	[smem:$0x3FB1] =	sst s3  }
0xc: {  	[smem:$0x3FB2] =	sst s4  }
0xd: {  	[smem:$0x3FB3] =	sst s5  }
0xe: {  	[smem:$0x3FB4] =	sst s6  }
0xf: {  	[smem:$0x3FB5] =	sst s7  }
0x10: {  	[smem:$0x3FB6] =	sst s8  }
0x11: {  	[smem:$0x3FB7] =	sst s9;
	s0 =	simm.s32 @!p0 $0x0  }
0x12: {  	s1 =	sld [smem:$0x3F9D];
	s0 =	simm.s32 @p0 $0x1  }
0x13: {  	[smem:$0x3FB8] =	sst s0;
	s0 =	simm.s32 @!p1 $0x0  }
0x14: {  	s2 =	sld [smem:$0x3F9C];
	s0 =	simm.s32 @p1 $0x1  }
0x15: {  	[smem:$0x3FB9] =	sst s0;
	s0 =	simm.s32 @!p2 $0x0  }
0x16: {  	s3 =	sld [smem:$0x3FDB];
	s0 =	simm.s32 @p2 $0x1  }
0x17: {  	s4 =	simm.s32 $0x1BF5;
	[smem:$0x3FBB] =	sst s0  }
0x18: {  	s0 =	sld [smem:$0x3F9E];
	_ =	swait.ge [sflag:s4], $0x0  }
0x19: {  	s7 =	sld [smem:$0x3F9F]  }
0x1a: {  	s8 =	sadd.s32 $0xFFFFE003, lr  }
0x1b: {  	s9 =	sadd.s32 $0xFFFFFEF7, lr;
	s5 =	simm.s32 $0xFFFFFFFF;
	p2 =	slt.u32 s8, $0xFFFFF086  }
0x1c: {  	p1 =	slt.u32 s9, $0xF7A;
	s5 =	simm.s32 @!p2 $0x0  }
0x1d: {  	s5 =	simm.s32 @p1 $0x1;
	p0 =	seq.s32 s7, s2  }
0x1e: {  	s7 =	smul.u32 @!p0 $0xF7A, s2;
	p2 =	seq.s32 @!p0 s5, $0x0  }
0x1f: {  	s9 =	smul.u32 $0xF7A, s1;
	s8 =	simm.s32 @!p0 $0x1BF5;
	p2 =	por !p2, p0  }
0x20: {  	[sflag:s8] =	ssyncset.s32 @!p0 $0xFFFFF086;
	s6 =	sadd.s32 @!p0 s3, s7;
	s7 =	simm.s32 @!p0 $0x108  }
0x21: {  	s3 =	sadd.s32 s3, s9;
	s6 =	sadd.s32 @!p0 $0x88, s6;
	s7 =	simm.s32 @p2 $0x1082  }
0x22: {  	[simem:s7], [sflag:s8] =	dma.local @!p0 [hbm:s6], $0xF7A  }
0x23: {  	s9 =	sor.u32 $0xD0000000, s2;
	s6 =	simm.s32 $0x108;
	_ =	swait.ge @!p0 [sflag:s8], $0x0  }
0x24: {  	s3 =	sadd.s32 $0x88, s3;
	s6 =	simm.s32 @!p1 $0x1082;
	[sflag:s4] =	ssyncset.s32 $0xFFFFF086  }
0x25: {  	[simem:s6], [sflag:s4] =	dma.local [hbm:s3], $0xF7A  }
0x26: {  	[smem:$0x3F9F] =	sst s1;
	(tag) =	ssettag s2;
	_ =	strace s9  }
0x27: {  	s1 =	sld [smem:$0x3FAF]  }
0x28: {  	s2 =	sld [smem:$0x3FB0]  }
0x29: {  	s4 =	sld [smem:$0x3FB2]  }
0x2a: {  	p0 =	seq.s32 s5, $0x0;
	s5 =	sld [smem:$0x3FB3]  }
0x2b: {  	s6 =	sld [smem:$0x3FB4]  }
0x2c: {  	s7 =	sld [smem:$0x3FB5]  }
0x2d: {  	s3 =	simm.s32 $0x108;
	s8 =	sld [smem:$0x3FB6]  }
0x2e: {  	s3 =	simm.s32 @!p0 $0x1082;
	s9 =	sld [smem:$0x3FB7]  }
0x2f: {  	lr =	sadd.s32 s0, s3;
	s0 =	sld [smem:$0x3FAE]  }
0x30: {  	s3 =	sld [smem:$0x3FB1]  }
0x31: {  	[smem:$0x3FBA] =	sst s10  }
0x32: {  	s10 =	sld [smem:$0x3FB8];
	_ =	sdelay $0x3  }
0x33: {  	p0 =	seq.s32 s10, $0x1;
	s10 =	sld [smem:$0x3FBA];
	_ =	sdelay $0x3  }
0x34: {  	[smem:$0x3FBA] =	sst s10  }
0x35: {  	s10 =	sld [smem:$0x3FB9];
	_ =	sdelay $0x3  }
0x36: {  	p1 =	seq.s32 s10, $0x1;
	s10 =	sld [smem:$0x3FBA];
	_ =	sdelay $0x3  }
0x37: {  	[smem:$0x3FBA] =	sst s10  }
0x38: {  	s10 =	sld [smem:$0x3FBB]  }
0x39: {  	_ = 	snop;
	(pc) =	sbr.ind lr, $3  }
0x3a: {  	_ = 	snop  }
0x3b: {  	_ = 	snop  }
0x3c: {  	p2 =	seq.s32 s10, $0x1;
	s10 =	sld [smem:$0x3FBA]  }
0x3d: {  	_ =	shalt  }
0x3e: {  	_ =	shalt  }
0x3f: {  	_ =	shalt  }
0x40: {  	_ =	shalt  }
0x41: {  	_ =	shalt  }
0x42: {  	_ =	shalt  }
0x43: {  	_ =	shalt  }
0x44: {  	_ =	shalt  }
0x45: {  	_ =	shalt  }
0x46: {  	_ =	shalt  }
0x47: {  	_ =	shalt  }
0x48: {  	_ =	shalt  }
0x49: {  	_ =	shalt  }
0x4a: {  	_ =	shalt  }
0x4b: {  	_ =	shalt  }
0x4c: {  	_ =	shalt  }
0x4d: {  	_ =	shalt  }
0x4e: {  	_ =	shalt  }
0x4f: {  	_ =	shalt  }
0x50: {  	_ =	shalt  }
0x51: {  	_ =	shalt  }
0x52: {  	_ =	shalt  }
0x53: {  	_ =	shalt  }
0x54: {  	_ =	shalt  }
0x55: {  	_ =	shalt  }
0x56: {  	_ =	shalt  }
0x57: {  	_ =	shalt  }
0x58: {  	_ =	shalt  }
0x59: {  	_ =	shalt  }
0x5a: {  	_ =	shalt  }
0x5b: {  	_ =	shalt  }
0x5c: {  	_ =	shalt  }
0x5d: {  	_ =	shalt  }
0x5e: {  	_ =	shalt  }
0x5f: {  	_ =	shalt  }
0x60: {  	_ =	shalt  }
0x61: {  	_ =	shalt  }
0x62: {  	_ =	shalt  }
0x63: {  	_ =	shalt  }
0x64: {  	_ =	shalt  }
0x65: {  	_ =	shalt  }
0x66: {  	_ =	shalt  }
0x67: {  	_ =	shalt  }
0x68: {  	_ =	shalt  }
0x69: {  	_ =	shalt  }
0x6a: {  	_ =	shalt  }
0x6b: {  	_ =	shalt  }
0x6c: {  	_ =	shalt  }
0x6d: {  	_ =	shalt  }
0x6e: {  	_ =	shalt  }
0x6f: {  	_ =	shalt  }
0x70: {  	_ =	shalt  }
0x71: {  	_ =	shalt  }
0x72: {  	_ =	shalt  }
0x73: {  	_ =	shalt  }
0x74: {  	_ =	shalt  }
0x75: {  	_ =	shalt  }
0x76: {  	_ =	shalt  }
0x77: {  	_ =	shalt  }
0x78: {  	_ =	shalt  }
0x79: {  	_ =	shalt  }
0x7a: {  	_ =	shalt  }
0x7b: {  	_ =	shalt  }
0x7c: {  	_ =	shalt  }
0x7d: {  	_ =	shalt  }
0x7e: {  	_ =	shalt  }
0x7f: {  	_ =	shalt  }
0x80: {  	_ =	shalt  }
0x81: {  	_ =	shalt  }
0x82: {  	_ =	shalt  }
0x83: {  	_ =	shalt  }
0x84: {  	_ =	shalt  }
0x85: {  	_ =	shalt  }
0x86: {  	_ =	shalt  }
0x87: {  	_ =	shalt  }
.Lfunc_end0:
.L_simem_size_0:
called_computation_lowered:
.L_overlay_start_0:
0x88: {  	s2 =	sld [smem:$0x3FD9]  }
0x89: {  	s3 =	sld [smem:$0x3FFE];
	_ =	sdelay $0x1  }
0x8a: {  	s1 =	srdreg.scid  }
0x8b: {  	s0 =	sand.u32 $0x1, s1  }
0x8c: {  	s17 =	sshll.u32 s0, $0xA;
	s2 =	sadd.s32 s3, s2  }
0x8d: {  	s2 =	sadd.s32 s2, s17  }
0x8e: {  	[smem:$0x3FC6] =	sst s2  }
0x8f: {  	_ = 	snop  }
0x90: {  	s2 =	sld [smem:$0x3FC9]  }
0x91: {  	s18 =	sld [smem:$0x3FC8];
	(tm) =	ssettm $0x1  }
0x92: {  	s4 =	sld [smem:$0x3FFB];
	_ =	sdelay $0x3  }
0x93: {  	_ =	strace s4  }
0x94: {  	s4 =	sld [smem:$0x3FFC];
	_ =	sdelay $0x3  }
0x95: {  	_ =	strace s4  }
0x96: {  	s4 =	sld [smem:$0x3FFD];
	_ =	sdelay $0x3  }
0x97: {  	_ =	strace s4  }
0x98: {  	_ =	strace $0x8FFFFFFF  }
0x99: {  	s19 =	sld [smem:$0x3FDB];
	_ =	sdelay $0x1  }
0x9a: {  	s5 =	simm.s32 $_scs_section_size  }
0x9b: {  	s6 =	simm.s32 $_size__tile_overlayer_lowered;
	s7 =	simm.s32 $_tile_overlayer_lowered  }
0x9c: {  	s22 =	simm.s32 $0x1BFF;
	s21 =	sshll.u32 s7, $0x1;
	s4 =	sadd.s32 s5, s19  }
0x9d: {  	s8 =	simm.s32 $0x0;
	s20 =	sshll.u32 s6, $0x1;
	s6 =	sadd.s32 s21, s4  }
0x9e: {  	[timem:s8], [sflag:s22] =	dma.local [hbm:s6], s20  }
0x9f: {  	_ =	swait.ge [sflag:s22], s20  }
0xa0: {  	s5 =	ssub.s32 $0x0, s20;
	[sflag:s22] =	ssyncset.done $0x0  }
0xa1: {  	[sflag:s22] =	ssyncadd.s32 s5;
	_ =	sdelay $0x1  }
0xa2: {  	s23 =	simm.s32 $0x1B8B  }
0xa3: {  	_ =	swait.ge [sflag:s23], $0x1  }
0xa4: {  	[sflag:s23] =	ssyncset.done $0x0  }
0xa5: {  	s25 =	simm.s32 $0x1B8E;
	s24 =	sld [smem:$0x3FFE];
	[sflag:s23] =	ssyncadd.s32 $0xFFFFFFFF  }
0xa6: {  	s26 =	simm.s32 $execute0_lowered;
	[smem:$0x3FD2] =	sst s25  }
0xa7: {  	s6 =	sshll.u32 s26, $0x1;
	_ =	strace $0x80000046;
	[dreg:$0x1] =	wrdreg $0xFFFFFFFF  }
0xa8: {  	s28 =	simm.s32 $_size_execute0_lowered;
	s4 =	sadd.s32 s4, s6;
	[dreg:$0x0] =	wrdreg $0x0  }
0xa9: {  	s6 =	sshll.u32 s28, $0x1;
	[dreg:$0x2] =	wrdreg s4  }
0xaa: {  	[dreg:$0x3] =	wrdreg s6  }
0xab: {  	[dreg:$0x4] =	wrdreg $0xC0  }
0xac: {  	_ =	task [dreg:s8], $0x5FFFF  }
0xad: {  	[dreg:$0x1] =	wrdreg $0xFFFFFFFF  }
0xae: {  	[dreg:$0x0] =	wrdreg $0x60  }
0xaf: {  	[dreg:$0x2] =	wrdreg s2  }
0xb0: {  	[dreg:$0x3] =	wrdreg s18  }
0xb1: {  	[dreg:$0x4] =	wrdreg s24  }
0xb2: {  	[dreg:$0x5] =	wrdreg $0x9  }
0xb3: {  	_ =	task.clear_ibuf [dreg:s8], $0x6FFFF;
	_ =	strace $0x90000046  }
0xb4: {  	s29 =	simm.s32 $0x9;
	_ =	strace $0x80000048  }
0xb5: {  	_ =	swait.ge [sflag:s29], $0x1  }
0xb6: {  	[sflag:s29] =	ssyncadd.s32 $0xFFFFFFFF  }
0xb7: {  	_ =	strace $0x90000048  }
0xb8: {  	_ =	sfence  }
0xb9: {  	s30 =	sld [smem:$0x0];
	_ =	sdelay $0x2  }
0xba: {  	s31 =	sshll.u32 s1, $0xD;
	s1 =	sshrl.u32 s1, $0x2  }
0xbb: {  	s3 =	sand.u32 $0x4000, s31;
	s1 =	sadd.s32 s1, s30  }
0xbc: {  	s0 =	sor.u32 s3, s0;
	s1 =	sshll.u32 s1, $0x11  }
0xbd: {  	s0 =	sor.u32 s1, s0  }
0xbe: {  	s0 =	sadd.s32 $0x8F2B, s0  }
0xbf: {  	[sflag:s0] =	ssyncadd.remote.s32 $0x1  }
0xc0: {  	_ =	sfence.sel $0xFFFF  }
0xc1: {  	[dreg:$0x0] =	wrdreg $0xFFFFFFFF;
	(pc) =	sbr.abs _section_cstart, $3  }
0xc2: {  	[dreg:$0x1] =	wrdreg $0xFFFFFFFF  }
0xc3: {  	_ =	task.clear_ibuf [dreg:s8], $0x2FFFF;
	_ =	strace $0x9FFFFFFF  }
0xc4: {  	(tm) =	ssettm $0x7FFFFFFF  }
0xc5: {  	_ =	shalt  }
tec
execute0_lowered:
.L_overlay_start_1:
0x0: {  	(tag) =	ssettag $0x1  }
0x1: {  	s1 =	srdreg.scid;
	s0 =	stileid.u32  }
0x2: {  	s4 =	sand.u32 $0x1, s1;
	s21 =	sshll.u32 s0, $0x1  }
0x3: {  	s17 =	sor.u32 s4, s21  }
0x4: {  	s1 =	smul.u32 $0x14, s17;
	s11 =	sor.u32 $0x20, s17  }
0x5: {  	s14 =	sor.u32 $0x40, s17;
	s2 =	smul.u32 $0x14, s11  }
0x6: {  	s15 =	sor.u32 $0x60, s17;
	s6 =	smul.u32 $0x4F, s14  }
0x7: {  	s20 =	sor.u32 $0x80, s17;
	s13 =	smul.u32 $0x4F, s15  }
0x8: {  	s21 =	smul.u32 $0x4F, s20;
	s1 =	sshrl.u32 s1, $0x8  }
0x9: {  	s3 =	smul.u32 $0xD, s1  }
0xa: {  	s5 =	smul.u32 $0x28A00, s1;
	s22 =	sshrl.u32 s2, $0x8  }
0xb: {  	s24 =	smul.u32 $0xD, s22  }
0xc: {  	s8 =	rddreg [dreg:$0x0];
	s26 =	sshrl.u32 s6, $0xA;
	s9 =	smul.u32 $0x28A00, s22  }
0xd: {  	s12 =	rddreg [dreg:$0x2];
	s4 =	ssub.s32 $0x2, s4;
	s6 =	smul.u32 $0xD, s26  }
0xe: {  	s19 =	sshrl.u32 s4, $0x1;
	s13 =	sshrl.u32 s13, $0xA;
	s16 =	smul.u32 $0x28A00, s26  }
0xf: {  	p0 =	sgt.u32 s17, $0x8;
	s19 =	ssub.s32 s4, s19;
	s18 =	smul.u32 $0xD, s13  }
0x10: {  	s21 =	sshrl.u32 s21, $0xA;
	s13 =	smul.u32 $0x28A00, s13;
	s22 =	sor.u32 $0xA0, s17  }
0x11: {  	s30 =	smul.u32 $0xD, s21;
	s23 =	ssub.s32 s17, s3;
	s3 =	simm.s32 $0x0  }
0x12: {  	s29 =	smul.u32 $0x4F, s22;
	s2 =	sand.u32 $0xFF, s23;
	s25 =	ssub.s32 s11, s24  }
0x13: {  	s6 =	ssub.s32 s14, s6;
	[smem:$0x7FF] =	sst s3;
	s18 =	ssub.s32 s15, s18  }
0x14: {  	v1 =	vmov s11;
	v3 =	vmov s14;
	s23 =	smul.u32 $0x28A00, s21;
	s11 =	smax.u32 s19, $0x1;
	s14 =	simm.s32 $0x3200  }
0x15: {  	s7 =	smul.u32 $0x3200, s2;
	s1 =	sand.u32 $0xFF, s25;
	s2 =	rddreg [dreg:$0x1]  }
0x16: {  	s6 =	sand.u32 $0xFF, s6;
	s28 =	sand.u32 $0xFF, s18;
	s10 =	smul.u32 $0x3200, s1  }
0x17: {  	v0 =	vimm.f32 $2.000000000e+00;
	s1 =	rddreg [dreg:$0x3];
	s6 =	smul.u32 $0x3200, s6;
	_ =	strace $0x80000047  }
0x18: {  	v4 =	vmov s15;
	s15 =	simm.s32 $0x1;
	s18 =	sshrl.u32 s29, $0xA;
	s4 =	smul.u32 $0x3200, s28;
	(erf) = vrcp.f32 v0;
	v0 =	vimm.f32 $3.200000000e+01  }
0x19: {  	s31 =	smul.u32 $0xD, s18;
	s18 =	ssub.s32 s20, s30;
	s5 =	sadd.s32 s7, s5;
	(erf) = vrcp.f32 v0;
	v0 =	vimm.f32 $4.160000000e+02  }
0x1a: {  	s9 =	sadd.s32 s10, s9;
	s6 =	sadd.s32 s6, s16;
	s13 =	sadd.s32 s4, s13;
	(erf) = vrcp.f32 v0  }
0x1b: {  	s16 =	sshrl.u32 s5, $0x3;
	s5 =	sand.u32 $0xFF, s18;
	s24 =	ssub.s32 s22, s31  }
0x1c: {  	v7 =	vmov s17;
	s31 =	sshll.u32 s17, $0x4;
	s17 =	simm.s32 $0xAC00;
	s18 =	simm.s32 $0x0  }
0x1d: {  	s4 =	sadd.s32 s8, s16;
	s25 =	smul.u32 $0x3200, s5;
	s26 =	sand.u32 $0xFF, s24  }
0x1e: {  	s28 =	sshrl.u32 s9, $0x3;
	s6 =	sshrl.u32 s6, $0x3;
	s29 =	smul.u32 $0x3200, s26  }
.Ltmp0:
0x1f: {  	s30 =	sshrl.u32 s13, $0x3;
	s13 =	simm.s32 $0x3;
	(pc) =	sbr.rel .LBB2_1-.Ltmp0, $4  }
0x20: {  	s16 =	simm.s32 $0x2;
	s5 =	sadd.s32 s8, s28;
	s10 =	sadd.s32 s25, s23  }
0x21: {  	s6 =	sadd.s32 s8, s6;
	s9 =	sshrl.u32 s29, $0x3;
	s10 =	sshrl.u32 s10, $0x3;
	v0 =	vpop (erf)  }
0x22: {  	s7 =	sadd.s32 s8, s30;
	s9 =	sadd.s32 s8, s9;
	s8 =	sadd.s32 s8, s10;
	v2 =	vpop (erf)  }
0x23: {  	v9 =	vimm.f32 $0.0e+00;
	v5 =	vmov s20;
	v8 =	vmov s22;
	s10 =	sadd.s32 s12, s31;
	s12 =	simm.s32 $0x6400;
	s9 =	sadd.s32 $0x3CF00, s9;
	v6 =	vpop (erf)  }
.LBB2_16:
0x24: {  	v41 =	vld [tilespmem:s19+$0x5200]  }
0x25: {  	v42 =	vld [tilespmem:s19+$0x3C00]  }
0x26: {  	v43 =	vld [tilespmem:s19+$0x3E00]  }
0x27: {  	v44 =	vld [tilespmem:s20+$0x8D00]  }
0x28: {  	v45 =	vld [tilespmem:s19+$0x4000]  }
0x29: {  	v46 =	vld [tilespmem:s20+$0x8600]  }
0x2a: {  	v47 =	vld [tilespmem:s19+$0x4200]  }
0x2b: {  	v48 =	vld [tilespmem:s20+$0x8500];
	v42 =	vmul.f32 v42, v42;
	v43 =	vmul.f32 v43, v43  }
0x2c: {  	v49 =	vld [tilespmem:s19+$0x4400]  }
0x2d: {  	v50 =	vld [tilespmem:s19+$0x4600];
	v63 =	vmul.f32 v45, v45;
	v42 =	vadd.f32 v43, v42  }
0x2e: {  	v51 =	vld [tilespmem:s20+$0x8400]  }
0x2f: {  	v55 =	vld [tilespmem:s19+$0x4800];
	v54 =	vmul.f32 v47, v47;
	v42 =	vadd.f32 v63, v42  }
0x30: {  	v57 =	vld [tilespmem:s19+$0x4E00]  }
0x31: {  	v32 =	vmul.f32 v32, v32;
	v58 =	vld [tilespmem:s19+$0x4A00];
	v56 =	vmul.f32 v49, v49;
	v42 =	vadd.f32 v54, v42  }
0x32: {  	vm1 =	veq.s32 v38, v8;
	vm0 =	veq.s32 v35, v8;
	v34 =	vmul.f32 v34, v34;
	v61 =	vld [tilespmem:s19+$0x4C00]  }
0x33: {  	vm2 =	veq.s32 v39, v8;
	v62 =	vld [tilespmem:s20+$0x8C00];
	v60 =	vmul.f32 v50, v50;
	v59 =	vadd.f32 v56, v42  }
0x34: {  	vm3 =	veq.s32 v40, v8;
	vm4 =	veq.s32 v37, v8;
	v36 =	vmul.f32 v36, v36;
	v52 =	vld [tilespmem:s20+$0x9500]  }
0x35: {  	v53 =	vld [tilespmem:s20+$0x8E00];
	v50 =	vmul.f32 v55, v55;
	v40 =	vmul.f32 v41, v41;
	v38 =	vadd.f32 v60, v59  }
0x36: {  	v45 =	vld [tilespmem:s19+$0x5000];
	vm6 =	veq.s32 v48, v8;
	vm5 =	veq.s32 v46, v8;
	vm7 =	veq.s32 v51, v8  }
0x37: {  	v35 =	vmul.f32 v58, v58;
	v55 =	vmul.f32 v57, v57;
	v57 =	vld [tilespmem:s20+$0x9000];
	v38 =	vadd.f32 v50, v38  }
0x38: {  	v31 =	vnsel vm7, $0x0, v31;
	v33 =	vnsel vm7, $0x0, v33;
	v43 =	vnsel vm7, $0x0, v62;
	v63 =	vld [tilespmem:s20+$0x9400]  }
0x39: {  	v30 =	vsel vm6, v30, v33;
	v54 =	vld [tilespmem:s20+$0x9600];
	v42 =	vmul.f32 v61, v61;
	v35 =	vadd.f32 v35, v38  }
0x3a: {  	v29 =	vsel vm6, v29, v31;
	v58 =	vsel vm6, v44, v43;
	v28 =	vsel vm5, v28, v30;
	v56 =	vld [tilespmem:s20+$0x9700]  }
0x3b: {  	v25 =	vsel vm5, v25, v29;
	v33 =	vsel vm5, v53, v58;
	v59 =	vld [tilespmem:s20+$0x9800];
	v35 =	vadd.f32 v42, v35  }
0x3c: {  	v23 =	vsel vm3, v23, v25;
	v26 =	vsel vm3, v26, v28;
	v45 =	vmul.f32 v45, v45;
	v60 =	vld [tilespmem:s20+$0x9100]  }
0x3d: {  	v62 =	vld [tilespmem:s20+$0x9900];
	v27 =	vsel vm3, v27, v33;
	v37 =	vnsel vm7, $0x0, v63;
	v35 =	vadd.f32 v55, v35  }
0x3e: {  	v24 =	vsel vm4, v24, v26;
	v20 =	vsel vm4, v20, v23;
	v63 =	vld [tilespmem:s20+$0x9A00];
	v37 =	vsel vm6, v52, v37  }
0x3f: {  	v33 =	vld [tilespmem:s20+$0x9B00];
	v27 =	vsel vm4, v57, v27;
	v61 =	vsel vm5, v54, v37;
	v37 =	vadd.f32 v45, v35  }
0x40: {  	v39 =	vld [tilespmem:s19+$0x3400];
	v18 =	vsel vm2, v18, v20;
	v21 =	vsel vm2, v21, v24;
	v30 =	vsel vm3, v56, v61  }
0x41: {  	v41 =	vld [tilespmem:s19+$0x5A00];
	v30 =	vsel vm4, v59, v30;
	v27 =	vsel vm2, v60, v27;
	v40 =	vadd.f32 v40, v37  }
0x42: {  	v44 =	vld [tilespmem:s19+$0x5C00];
	v15 =	vsel vm1, v15, v18;
	v25 =	vsel vm2, v62, v30;
	v22 =	vsel vm1, v22, v27  }
0x43: {  	v42 =	vld [tilespmem:s19+$0x3800];
	v25 =	vsel vm1, v63, v25;
	v19 =	vsel vm0, v19, v22;
	v43 =	vadd.f32 v36, v40  }
0x44: {  	v16 =	vsel vm1, v16, v21;
	v17 =	vsub.f32 v17, v19;
	v45 =	vsel vm0, v33, v25  }
0x45: {  	v48 =	vld [tilespmem:s19+$0x5E00];
	v14 =	vsel vm0, v14, v16;
	v46 =	vsub.f32 v39, v45;
	v47 =	vadd.f32 v34, v43  }
0x46: {  	v49 =	vld [tilespmem:s19+$0x3A00];
	v12 =	vsel vm0, v12, v15;
	v13 =	vsub.f32 v13, v14;
	v50 =	vmul.f32 v41, v41  }
0x47: {  	v53 =	vld [tilespmem:s19+$0x6000];
	v51 =	vmul.f32 v17, v17;
	v16 =	vmul.f32 v46, v46;
	v52 =	vadd.f32 v32, v47  }
0x48: {  	v54 =	vmul.f32 v44, v44;
	v12 =	vsub.f32 v42, v12  }
0x49: {  	v13 =	vmul.f32 v13, v13;
	v55 =	vld [tilespmem:s19+$0x6200];
	v15 =	vadd.f32 v16, v51;
	v14 =	vadd.f32 v50, v52  }
0x4a: {  	v56 =	vmul.f32 v48, v48  }
0x4b: {  	v12 =	vmul.f32 v12, v12;
	v13 =	vadd.f32 v13, v15;
	v14 =	vadd.f32 v54, v14  }
0x4c: {  	v57 =	vadd.f32 v49, v49;
	v58 =	vmul.f32 v53, v53  }
0x4d: {  	vm6 =	vmor vm7, vm6;
	v59 =	vld [tilespmem:s19+$0x3A80];
	v12 =	vadd.f32 v12, v13;
	v60 =	vadd.f32 v56, v14  }
0x4e: {  	vm5 =	vmor vm6, vm5;
	v61 =	vmul.f32 v55, v55  }
0x4f: {  	v15 =	vsub.f32 $1.000000000e+00, v57;
	v12 =	vmul.f32 $5.000000000e+00, v12;
	v13 =	vadd.f32 v58, v60  }
0x50: {  	vm3 =	vmor vm5, vm3;
	v62 =	vmul.f32 v49, v49  }
0x51: {  	vm3 =	vmor vm3, vm4;
	v12 =	vadd.f32 v12, v15;
	v13 =	vadd.f32 v61, v13  }
0x52: {  	vm2 =	vmor vm3, vm2;
	v11 =	vadd.f32 v62, v11;
	v63 =	vmul.f32 v59, v59  }
0x53: {  	vm1 =	vmor vm2, vm1;
	v12 =	vadd.f32 v13, v12  }
0x54: {  	vm0 =	vmor vm1, vm0;
	v11 =	vadd.f32 v63, v11  }
0x55: {  	v12 =	vnsel vm0, $0x0, v12  }
0x56: {  	v11 =	vadd.f32 v12, v11;
	_ =	sdelay $0x1  }
0x57: {  	v10 =	vadd.f32 v11, v10;
	_ =	sdelay $0x1  }
0x58: {  	[tilespmem:$0xAC00] =	vst v10  }
.LBB2_17:
0x59: {  	s18 =	sadd.s32 $0x1, s18  }
0x5a: {  	p1 =	sne.s32 s18, s11  }
.Ltmp1:
0x5b: {  	_ = 	snop;
	(pc) =	sbr.rel @!p1 .LBB2_18-.Ltmp1, $4  }
0x5c: {  	[hbm4b:s10+s3] =	stream.linear.scatter [tilespmem:s17], [sflag:$0x3], $0x80, $0x38;
	[tilespmem:$0xAC80] =	vst v63  }
0x5d: {  	_ =	swait.ge [sflag:s13], $0x80  }
0x5e: {  	[sflag:s13] =	ssyncset.done $0x0  }
0x5f: {  	[sflag:s13] =	ssyncadd.s32 $0xFFFFFF80  }
.LBB2_1:
0x60: {  	[tilespmem:s3], [sflag:$0x1] =	stream.linear.gather [hbm4b:s4+s3], $0x3200, $0x38;
	[tilespmem:$0xAC80] =	vst v63  }
0x61: {  	s19 =	simm.s32 $0x0  }
0x62: {  	[tilespmem:s12], [sflag:$0x3] =	stream.linear.gather [hbm4b:s2+s3], $0x2000, $0x38;
	[tilespmem:$0xAC80] =	vst v63  }
0x63: {  	s20 =	simm.s32 $0x0;
	s19 =	sand.u32 $0x1, s19;
	_ =	swait.ge [sflag:s13], $0x2000  }
0x64: {  	s20 =	sand.u32 $0x3FFFFC00, s20;
	s21 =	sshll.u32 s19, $0x9;
	[sflag:s13] =	ssyncset.done $0x0  }
0x65: {  	s22 =	sand.u32 $0x70, s3;
	s20 =	sor.u32 s21, s20;
	[sflag:s13] =	ssyncadd.s32 $0xFFFFE000  }
0x66: {  	s20 =	sor.u32 s22, s20;
	[tilespmem:$0xAC00] =	vst v9  }
0x67: {  	v10 =	vld [tilespmem:s20+$0x6480]  }
0x68: {  	v11 =	vld [tilespmem:s20+$0x6580]  }
0x69: {  	v12 =	vld [tilespmem:s20+$0x6400]  }
0x6a: {  	v13 =	vld [tilespmem:s20+$0x6500];
	_ =	sdelay $0x2  }
0x6b: {  	v14 =	vadd.f32 v11, v10;
	_ =	sdelay $0x1  }
0x6c: {  	v15 =	vadd.f32 v13, v12;
	v14 =	vmul.f32 v14, v0;
	_ =	sdelay $0x1  }
0x6d: {  	v15 =	vmul.f32 v15, v0;
	v14 =	vmul.f32 v14, v2;
	_ =	sdelay $0x1  }
0x6e: {  	v10 =	vsub.f32 v11, v10;
	v11 =	vmul.f32 v15, v2;
	v14 =	vmin.f32 v14, $1.299999900e+01  }
0x6f: {  	s31 =	simm.s32 $0x0;
	v12 =	vsub.f32 v13, v12;
	v13 =	vtrunc.f32 v14  }
0x70: {  	s19 =	sshll.u32 s19, $0x7;
	s20 =	sand.u32 $0xFFFFFF00, s31;
	v15 =	vmul.f32 v10, v6;
	v10 =	vmin.f32 v11, $1.299999900e+01;
	v11 =	vcvt.f32.s32 v13  }
0x71: {  	s19 =	sor.u32 s20, s19;
	v12 =	vmul.f32 v12, v6;
	v13 =	vtrunc.f32 v10  }
0x72: {  	s21 =	sor.u32 s22, s19;
	v13 =	vcvt.f32.s32 v13;
	v16 =	vmul.u32 $0xD, v11;
	v17 =	vcvt.s32.f32 v11  }
0x73: {  	s23 =	simm.s32 $0x0;
	[tilespmem:s21+$0x9C00] =	vst v12  }
0x74: {  	s20 =	simm.s32 $0x10;
	s19 =	simm.s32 $0x1;
	s22 =	simm.s32 $0x2;
	[tilespmem:s21+$0xA400] =	vst v15;
	v12 =	vcvt.s32.f32 v13;
	v11 =	vadd.s32 v13, v16;
	v13 =	vsub.f32 v14, v17  }
.LBB2_2:
0x75: {  	s23 =	sand.u32 $0x1, s23  }
0x76: {  	s24 =	sshll.u32 s19, $0x6;
	s25 =	sshll.u32 s19, $0x4;
	s19 =	smov.u32 s22  }
0x77: {  	s24 =	sand.u32 $0x3FFFFC00, s24;
	s26 =	sshll.u32 s23, $0x9;
	s23 =	sshll.u32 s23, $0x7;
	v10 =	vsub.f32 v10, v12;
	[tilespmem:s21+$0x9400] =	vst v13  }
0x78: {  	s28 =	sand.u32 $0x70, s20;
	s25 =	sand.u32 $0xFFFFFF00, s25;
	s24 =	sor.u32 s26, s24;
	[tilespmem:s21+$0x8400] =	vst v11  }
0x79: {  	s26 =	sadd.s32 $0x1, s22;
	s23 =	sor.u32 s25, s23;
	s24 =	sor.u32 s28, s24;
	[tilespmem:s21+$0x8C00] =	vst v10  }
0x7a: {  	p1 =	sne.s32 s22, $0x7F;
	v10 =	vld [tilespmem:s24+$0x6480]  }
0x7b: {  	v11 =	vld [tilespmem:s24+$0x6580]  }
0x7c: {  	v12 =	vld [tilespmem:s24+$0x6400]  }
0x7d: {  	v13 =	vld [tilespmem:s24+$0x6500];
	_ =	sdelay $0x2  }
0x7e: {  	v14 =	vadd.f32 v11, v10;
	v10 =	vsub.f32 v11, v10;
	_ =	sdelay $0x1  }
0x7f: {  	v11 =	vadd.f32 v13, v12;
	v14 =	vmul.f32 v14, v0;
	v12 =	vsub.f32 v13, v12  }
0x80: {  	v10 =	vmul.f32 v10, v6  }
0x81: {  	s21 =	sor.u32 s28, s23;
	v11 =	vmul.f32 v11, v0;
	v13 =	vmul.f32 v14, v2  }
0x82: {  	v12 =	vmul.f32 v12, v6;
	[tilespmem:s21+$0xA400] =	vst v10  }
0x83: {  	v10 =	vmul.f32 v11, v2;
	v13 =	vmin.f32 v13, $1.299999900e+01  }
0x84: {  	v11 =	vtrunc.f32 v13;
	[tilespmem:s21+$0x9C00] =	vst v12  }
.Ltmp2:
0x85: {  	v10 =	vmin.f32 v10, $1.299999900e+01;
	v11 =	vcvt.f32.s32 v11;
	(pc) =	sbr.rel @p1 .LBB2_2-.Ltmp2, $3  }
0x86: {  	v12 =	vtrunc.f32 v10  }
0x87: {  	v12 =	vcvt.f32.s32 v12;
	v14 =	vmul.u32 $0xD, v11;
	v15 =	vcvt.s32.f32 v11;
	_ =	sdelay $0x1  }
0x88: {  	s20 =	sadd.s32 $0x10, s20;
	s23 =	sshrl.u32 s19, $0x3;
	s22 =	smov.u32 s26;
	v11 =	vadd.s32 v12, v14;
	v12 =	vcvt.s32.f32 v12;
	v13 =	vsub.f32 v13, v15  }
0x89: {  	s22 =	sand.u32 $0x1, s23;
	s24 =	sshll.u32 s19, $0x6  }
0x8a: {  	[tilespmem:s21+$0x8400] =	vst v11;
	s23 =	sand.u32 $0x3FFFFC00, s24;
	s24 =	sshll.u32 s22, $0x9;
	v10 =	vsub.f32 v10, v12  }
0x8b: {  	s20 =	sand.u32 $0x70, s20;
	[tilespmem:s21+$0x9400] =	vst v13;
	s23 =	sor.u32 s24, s23  }
0x8c: {  	s23 =	sor.u32 s20, s23;
	[tilespmem:s21+$0x8C00] =	vst v10  }
0x8d: {  	v10 =	vld [tilespmem:s23+$0x6480]  }
0x8e: {  	v11 =	vld [tilespmem:s23+$0x6580]  }
0x8f: {  	v12 =	vld [tilespmem:s23+$0x6400]  }
0x90: {  	v13 =	vld [tilespmem:s23+$0x6500];
	_ =	sdelay $0x3  }
0x91: {  	v14 =	vadd.f32 v11, v10  }
0x92: {  	v15 =	vadd.f32 v13, v12  }
0x93: {  	v14 =	vmul.f32 v14, v0  }
0x94: {  	v15 =	vmul.f32 v15, v0  }
0x95: {  	v14 =	vmul.f32 v14, v2  }
0x96: {  	v10 =	vsub.f32 v11, v10;
	v15 =	vmul.f32 v15, v2  }
0x97: {  	s25 =	sshll.u32 s19, $0x4;
	v14 =	vmin.f32 v14, $1.299999900e+01  }
0x98: {  	s26 =	sshll.u32 s22, $0x7;
	s19 =	sand.u32 $0xFFFFFF00, s25;
	v10 =	vmul.f32 v10, v6;
	v15 =	vmin.f32 v15, $1.299999900e+01;
	v11 =	vtrunc.f32 v14  }
0x99: {  	s19 =	sor.u32 s19, s26;
	v12 =	vsub.f32 v13, v12;
	v13 =	vtrunc.f32 v15;
	v11 =	vcvt.f32.s32 v11  }
0x9a: {  	s19 =	sor.u32 s20, s19;
	v13 =	vcvt.f32.s32 v13  }
0x9b: {  	v12 =	vmul.f32 v12, v6;
	[tilespmem:s19+$0xA400] =	vst v10;
	v16 =	vcvt.s32.f32 v11;
	v10 =	vmul.u32 $0xD, v11  }
0x9c: {  	v11 =	vcvt.s32.f32 v13  }
0x9d: {  	[tilespmem:s19+$0x9C00] =	vst v12;
	v14 =	vsub.f32 v14, v16;
	v10 =	vadd.s32 v13, v10  }
0x9e: {  	v11 =	vsub.f32 v15, v11;
	[tilespmem:s19+$0x8400] =	vst v10  }
0x9f: {  	[tilespmem:s19+$0x9400] =	vst v14  }
0xa0: {  	s21 =	simm.s32 $0x0;
	[tilespmem:s19+$0x8C00] =	vst v11  }
0xa1: {  	[tilespmem:s14], [sflag:$0x2] =	stream.linear.gather [hbm4b:s5+s21], $0x3200, $0x38;
	[tilespmem:$0xAC80] =	vst v63  }
0xa2: {  	s28 =	simm.s32 $0x0;
	_ =	swait.ge [sflag:s15], $0x3200  }
0xa3: {  	s29 =	sand.u32 $0x70, s21;
	s19 =	sand.u32 $0xFFFFFF80, s28;
	[sflag:s15] =	ssyncset.done $0x0  }
0xa4: {  	s30 =	simm.s32 $0x0;
	s20 =	sor.u32 s29, s19;
	[sflag:s15] =	ssyncadd.s32 $0xFFFFCE00  }
0xa5: {  	s31 =	sand.u32 $0x3FFFFF00, s30;
	v11 =	vld [tilespmem:s20+$0xAB00]  }
0xa6: {  	s19 =	sor.u32 s29, s31;
	v14 =	vld [tilespmem:s20+$0xAA00]  }
0xa7: {  	v12 =	vld [tilespmem:s19+$0x400]  }
0xa8: {  	v17 =	vld [tilespmem:s20+$0xA900]  }
0xa9: {  	v13 =	vld [tilespmem:s20+$0xA300]  }
0xaa: {  	v19 =	vld [tilespmem:s20+$0xA800]  }
0xab: {  	v15 =	vld [tilespmem:s20+$0xA200]  }
0xac: {  	v16 =	vld [tilespmem:s19+$0x0]  }
0xad: {  	v31 =	vld [tilespmem:s19+$0x2600]  }
0xae: {  	v22 =	vld [tilespmem:s20+$0xA700]  }
0xaf: {  	v20 =	vld [tilespmem:s20+$0xA100]  }
0xb0: {  	v18 =	vld [tilespmem:s20+$0x9300]  }
0xb1: {  	v24 =	vld [tilespmem:s20+$0xA600]  }
0xb2: {  	v23 =	vld [tilespmem:s20+$0xA000]  }
0xb3: {  	v21 =	vld [tilespmem:s20+$0x9200]  }
0xb4: {  	v34 =	vld [tilespmem:s20+$0x8B00]  }
0xb5: {  	v33 =	vld [tilespmem:s19+$0x2400]  }
0xb6: {  	v28 =	vld [tilespmem:s20+$0xA500]  }
0xb7: {  	v25 =	vld [tilespmem:s20+$0x9F00]  }
0xb8: {  	v37 =	vld [tilespmem:s20+$0x8A00]  }
0xb9: {  	v30 =	vld [tilespmem:s20+$0xA400]  }
0xba: {  	v27 =	vld [tilespmem:s20+$0x9E00]  }
0xbb: {  	v38 =	vld [tilespmem:s20+$0x8900]  }
0xbc: {  	v35 =	vld [tilespmem:s19+$0x2200]  }
0xbd: {  	v29 =	vld [tilespmem:s20+$0x9D00]  }
0xbe: {  	v26 =	vld [tilespmem:s20+$0x8F00]  }
0xbf: {  	v36 =	vld [tilespmem:s20+$0x8800]  }
0xc0: {  	v32 =	vld [tilespmem:s20+$0x9C00]  }
0xc1: {  	s22 =	simm.s32 $0x1;
	v10 =	vimm.f32 $0.0e+00;
	v39 =	vld [tilespmem:s20+$0x8700]  }
.LBB2_4:
0xc2: {  	p1 =	sne.s32 s22, $0xF;
	v40 =	vld [tilespmem:s19+$0x2000]  }
0xc3: {  	v41 =	vld [tilespmem:s19+$0xA00]  }
0xc4: {  	v42 =	vld [tilespmem:s19+$0xC00]  }
0xc5: {  	v43 =	vld [tilespmem:s20+$0x8D00]  }
0xc6: {  	v44 =	vld [tilespmem:s19+$0xE00]  }
0xc7: {  	v45 =	vld [tilespmem:s20+$0x8600]  }
0xc8: {  	v46 =	vld [tilespmem:s19+$0x1000]  }
0xc9: {  	v41 =	vmul.f32 v41, v41;
	v47 =	vld [tilespmem:s20+$0x8500];
	v42 =	vmul.f32 v42, v42  }
0xca: {  	v48 =	vld [tilespmem:s19+$0x1200]  }
0xcb: {  	v41 =	vadd.f32 v42, v41;
	v42 =	vmul.f32 v44, v44;
	v44 =	vld [tilespmem:s19+$0x1E00]  }
0xcc: {  	v49 =	vld [tilespmem:s19+$0x1400]  }
0xcd: {  	v50 =	vld [tilespmem:s20+$0x8400];
	v41 =	vadd.f32 v42, v41;
	v42 =	vmul.f32 v46, v46  }
0xce: {  	v46 =	vld [tilespmem:s19+$0x1600]  }
0xcf: {  	v31 =	vmul.f32 v31, v31;
	v41 =	vadd.f32 v42, v41;
	v42 =	vmul.f32 v48, v48;
	v48 =	vld [tilespmem:s19+$0x1C00]  }
0xd0: {  	vm1 =	veq.s32 v37, v7;
	vm0 =	veq.s32 v34, v7;
	v33 =	vmul.f32 v33, v33;
	v34 =	vld [tilespmem:s19+$0x1800]  }
0xd1: {  	vm2 =	veq.s32 v38, v7;
	v37 =	vadd.f32 v42, v41;
	v38 =	vmul.f32 v49, v49;
	v41 =	vld [tilespmem:s19+$0x1A00]  }
0xd2: {  	v35 =	vmul.f32 v35, v35;
	vm3 =	veq.s32 v36, v7;
	vm4 =	veq.s32 v39, v7;
	v42 =	vld [tilespmem:s20+$0x8C00]  }
0xd3: {  	v39 =	vmul.f32 v40, v40;
	v36 =	vld [tilespmem:s20+$0x9400];
	v37 =	vadd.f32 v38, v37;
	v38 =	vmul.f32 v46, v46  }
0xd4: {  	vm5 =	veq.s32 v45, v7;
	vm6 =	veq.s32 v47, v7;
	v44 =	vmul.f32 v44, v44;
	v40 =	vld [tilespmem:s20+$0x9500]  }
0xd5: {  	vm7 =	veq.s32 v50, v7;
	v45 =	vld [tilespmem:s20+$0x8E00];
	v37 =	vadd.f32 v38, v37;
	v34 =	vmul.f32 v34, v34  }
0xd6: {  	v30 =	vnsel vm7, $0x0, v30;
	v46 =	vmul.f32 v48, v48;
	v38 =	vld [tilespmem:s20+$0x9600];
	v41 =	vmul.f32 v41, v41  }
0xd7: {  	v32 =	vnsel vm7, $0x0, v32;
	v42 =	vnsel vm7, $0x0, v42;
	v47 =	vld [tilespmem:s20+$0x9700];
	v34 =	vadd.f32 v34, v37  }
0xd8: {  	v29 =	vsel vm6, v29, v32;
	v28 =	vsel vm6, v28, v30;
	v36 =	vnsel vm7, $0x0, v36;
	v30 =	vld [tilespmem:s20+$0x9000]  }
0xd9: {  	v32 =	vsel vm6, v43, v42;
	v36 =	vsel vm6, v40, v36;
	v37 =	vld [tilespmem:s20+$0x9800];
	v34 =	vadd.f32 v41, v34  }
0xda: {  	v27 =	vsel vm5, v27, v29;
	v24 =	vsel vm5, v24, v28;
	v32 =	vsel vm5, v45, v32;
	v28 =	vld [tilespmem:s20+$0x9100]  }
0xdb: {  	v22 =	vsel vm4, v22, v24;
	v29 =	vsel vm5, v38, v36;
	v24 =	vld [tilespmem:s20+$0x9900];
	v34 =	vadd.f32 v46, v34  }
0xdc: {  	v25 =	vsel vm4, v25, v27;
	v26 =	vsel vm4, v26, v32;
	v29 =	vsel vm4, v47, v29;
	v27 =	vld [tilespmem:s20+$0x9A00]  }
0xdd: {  	v23 =	vsel vm3, v23, v25;
	v19 =	vsel vm3, v19, v22;
	v22 =	vld [tilespmem:s20+$0x9B00];
	v25 =	vadd.f32 v44, v34  }
0xde: {  	v17 =	vsel vm2, v17, v19;
	v26 =	vsel vm3, v30, v26;
	v29 =	vsel vm3, v37, v29;
	v19 =	vld [tilespmem:s19+$0x200]  }
0xdf: {  	v20 =	vsel vm2, v20, v23;
	v26 =	vsel vm2, v28, v26;
	v23 =	vadd.f32 v39, v25;
	v25 =	vld [tilespmem:s19+$0x2800]  }
0xe0: {  	v14 =	vsel vm1, v14, v17;
	v24 =	vsel vm2, v24, v29;
	v21 =	vsel vm1, v21, v26;
	v17 =	vld [tilespmem:s19+$0x600]  }
0xe1: {  	v24 =	vsel vm1, v27, v24;
	v18 =	vsel vm0, v18, v21;
	v21 =	vadd.f32 v35, v23;
	v23 =	vld [tilespmem:s19+$0x2A00]  }
0xe2: {  	v15 =	vsel vm1, v15, v20;
	v26 =	vld [tilespmem:s19+$0x880];
	v20 =	vsel vm0, v22, v24;
	v16 =	vsub.f32 v16, v18  }
0xe3: {  	v13 =	vsel vm0, v13, v15;
	v15 =	vsub.f32 v19, v20;
	v18 =	vadd.f32 v33, v21;
	v19 =	vld [tilespmem:s19+$0x2C00]  }
0xe4: {  	s21 =	sadd.s32 $0x10, s21;
	v11 =	vsel vm0, v11, v14;
	v12 =	vsub.f32 v12, v13;
	s20 =	sshll.u32 s22, $0x4;
	v20 =	vld [tilespmem:s19+$0x800];
	v13 =	vmul.f32 v25, v25  }
0xe5: {  	s23 =	sand.u32 $0x70, s21;
	s20 =	sand.u32 $0xFFFFFF80, s20;
	v14 =	vmul.f32 v16, v16;
	v15 =	vmul.f32 v15, v15;
	v16 =	vadd.f32 v31, v18;
	v18 =	vld [tilespmem:s19+$0x2E00]  }
0xe6: {  	s24 =	sshll.u32 s22, $0x5;
	s20 =	sor.u32 s23, s20;
	v17 =	vsub.f32 v17, v11;
	v21 =	vmul.f32 v23, v23;
	v22 =	vld [tilespmem:s19+$0x3000]  }
0xe7: {  	s19 =	sand.u32 $0x3FFFFF00, s24;
	v23 =	vmul.f32 v12, v12;
	v11 =	vld [tilespmem:s20+$0xAB00];
	v15 =	vadd.f32 v15, v14;
	v13 =	vadd.f32 v13, v16  }
0xe8: {  	s19 =	sor.u32 s23, s19;
	v14 =	vld [tilespmem:s20+$0xAA00];
	v16 =	vmul.f32 v19, v19  }
0xe9: {  	v19 =	vmul.f32 v17, v17;
	v12 =	vld [tilespmem:s19+$0x400];
	v15 =	vadd.f32 v23, v15;
	v21 =	vadd.f32 v21, v13  }
0xea: {  	v23 =	vadd.f32 v20, v20;
	v17 =	vld [tilespmem:s20+$0xA900];
	v18 =	vmul.f32 v18, v18  }
0xeb: {  	vm6 =	vmor vm7, vm6;
	v13 =	vld [tilespmem:s20+$0xA300];
	v24 =	vadd.f32 v19, v15;
	v16 =	vadd.f32 v16, v21  }
0xec: {  	vm5 =	vmor vm6, vm5;
	v21 =	vmul.f32 v22, v22;
	v19 =	vld [tilespmem:s20+$0xA800]  }
0xed: {  	v22 =	vsub.f32 $1.000000000e+00, v23;
	v15 =	vld [tilespmem:s20+$0xA200];
	v18 =	vadd.f32 v18, v16;
	v23 =	vmul.f32 $5.000000000e+00, v24  }
0xee: {  	vm4 =	vmor vm5, vm4;
	v20 =	vmul.f32 v20, v20;
	v16 =	vld [tilespmem:s19+$0x0]  }
0xef: {  	vm3 =	vmor vm4, vm3;
	v31 =	vld [tilespmem:s19+$0x2600];
	v18 =	vadd.f32 v21, v18;
	v21 =	vadd.f32 v23, v22  }
0xf0: {  	vm2 =	vmor vm3, vm2;
	v10 =	vadd.f32 v20, v10;
	v23 =	vmul.f32 v26, v26;
	v22 =	vld [tilespmem:s20+$0xA700]  }
0xf1: {  	vm1 =	vmor vm2, vm1;
	v20 =	vld [tilespmem:s20+$0xA100];
	v21 =	vadd.f32 v18, v21  }
0xf2: {  	vm0 =	vmor vm1, vm0;
	v10 =	vadd.f32 v23, v10;
	v18 =	vld [tilespmem:s20+$0x9300]  }
0xf3: {  	v24 =	vld [tilespmem:s20+$0xA600];
	v21 =	vnsel vm0, $0x0, v21  }
0xf4: {  	v23 =	vld [tilespmem:s20+$0xA000];
	v10 =	vadd.f32 v21, v10  }
0xf5: {  	v21 =	vld [tilespmem:s20+$0x9200]  }
0xf6: {  	v34 =	vld [tilespmem:s20+$0x8B00]  }
0xf7: {  	v33 =	vld [tilespmem:s19+$0x2400]  }
0xf8: {  	v28 =	vld [tilespmem:s20+$0xA500]  }
0xf9: {  	v25 =	vld [tilespmem:s20+$0x9F00]  }
0xfa: {  	v37 =	vld [tilespmem:s20+$0x8A00]  }
0xfb: {  	v30 =	vld [tilespmem:s20+$0xA400]  }
0xfc: {  	v27 =	vld [tilespmem:s20+$0x9E00]  }
0xfd: {  	v38 =	vld [tilespmem:s20+$0x8900]  }
0xfe: {  	v35 =	vld [tilespmem:s19+$0x2200]  }
.Ltmp3:
0xff: {  	v29 =	vld [tilespmem:s20+$0x9D00];
	(pc) =	sbr.rel @p1 .LBB2_4-.Ltmp3, $4  }
0x100: {  	v26 =	vld [tilespmem:s20+$0x8F00]  }
0x101: {  	v36 =	vld [tilespmem:s20+$0x8800]  }
0x102: {  	v32 =	vld [tilespmem:s20+$0x9C00]  }
0x103: {  	s22 =	sadd.s32 $0x1, s22;
	v39 =	vld [tilespmem:s20+$0x8700]  }
0x104: {  	v40 =	vld [tilespmem:s19+$0x2000]  }
0x105: {  	v41 =	vld [tilespmem:s19+$0xA00]  }
0x106: {  	v42 =	vld [tilespmem:s19+$0xC00]  }
0x107: {  	v43 =	vld [tilespmem:s20+$0x8D00]  }
0x108: {  	v44 =	vld [tilespmem:s19+$0xE00]  }
0x109: {  	v45 =	vld [tilespmem:s20+$0x8600]  }
0x10a: {  	v46 =	vld [tilespmem:s19+$0x1000]  }
0x10b: {  	v47 =	vld [tilespmem:s20+$0x8500];
	v41 =	vmul.f32 v41, v41;
	v42 =	vmul.f32 v42, v42  }
0x10c: {  	v48 =	vld [tilespmem:s19+$0x1200]  }
0x10d: {  	v49 =	vld [tilespmem:s19+$0x1400];
	v57 =	vmul.f32 v44, v44;
	v41 =	vadd.f32 v42, v41  }
0x10e: {  	v50 =	vld [tilespmem:s20+$0x8400]  }
0x10f: {  	v59 =	vld [tilespmem:s19+$0x1600];
	v58 =	vmul.f32 v46, v46;
	v41 =	vadd.f32 v57, v41  }
0x110: {  	v61 =	vld [tilespmem:s19+$0x1C00]  }
0x111: {  	v31 =	vmul.f32 v31, v31;
	v62 =	vld [tilespmem:s19+$0x1800];
	v60 =	vmul.f32 v48, v48;
	v41 =	vadd.f32 v58, v41  }
0x112: {  	vm1 =	veq.s32 v37, v7;
	vm0 =	veq.s32 v34, v7;
	v33 =	vmul.f32 v33, v33;
	v52 =	vld [tilespmem:s19+$0x1A00]  }
0x113: {  	vm2 =	veq.s32 v38, v7;
	v54 =	vld [tilespmem:s20+$0x9400];
	v51 =	vmul.f32 v49, v49;
	v63 =	vadd.f32 v60, v41  }
0x114: {  	v53 =	vld [tilespmem:s20+$0x8C00];
	v35 =	vmul.f32 v35, v35;
	vm4 =	veq.s32 v36, v7;
	vm3 =	veq.s32 v39, v7  }
0x115: {  	v44 =	vld [tilespmem:s19+$0x1E00];
	v55 =	vmul.f32 v59, v59;
	vm7 =	veq.s32 v50, v7;
	v37 =	vadd.f32 v51, v63  }
0x116: {  	v56 =	vmul.f32 v40, v40;
	vm6 =	veq.s32 v47, v7;
	v59 =	vld [tilespmem:s20+$0x9600];
	v30 =	vnsel vm7, $0x0, v30  }
0x117: {  	v34 =	vmul.f32 v62, v62;
	v28 =	vsel vm6, v28, v30;
	v30 =	vld [tilespmem:s20+$0x9000];
	v37 =	vadd.f32 v55, v37  }
0x118: {  	vm5 =	veq.s32 v45, v7;
	v32 =	vnsel vm7, $0x0, v32;
	v36 =	vnsel vm7, $0x0, v54;
	v57 =	vld [tilespmem:s20+$0x9500]  }
0x119: {  	v42 =	vnsel vm7, $0x0, v53;
	v58 =	vld [tilespmem:s20+$0x8E00];
	v41 =	vmul.f32 v52, v52;
	v34 =	vadd.f32 v34, v37  }
0x11a: {  	v29 =	vsel vm6, v29, v32;
	v62 =	vsel vm6, v43, v42;
	v24 =	vsel vm5, v24, v28;
	v28 =	vld [tilespmem:s20+$0x9100]  }
0x11b: {  	v27 =	vsel vm5, v27, v29;
	v60 =	vmul.f32 v61, v61;
	v61 =	vld [tilespmem:s20+$0x9700];
	v34 =	vadd.f32 v41, v34  }
0x11c: {  	v22 =	vsel vm3, v22, v24;
	v25 =	vsel vm3, v25, v27;
	v44 =	vmul.f32 v44, v44;
	v63 =	vld [tilespmem:s20+$0x9800]  }
0x11d: {  	v24 =	vld [tilespmem:s20+$0x9900];
	v23 =	vsel vm4, v23, v25;
	v19 =	vsel vm4, v19, v22;
	v34 =	vadd.f32 v60, v34  }
0x11e: {  	v27 =	vld [tilespmem:s20+$0x9A00];
	v17 =	vsel vm2, v17, v19;
	v36 =	vsel vm6, v57, v36;
	v32 =	vsel vm5, v58, v62  }
0x11f: {  	v22 =	vld [tilespmem:s20+$0x9B00];
	v29 =	vsel vm5, v59, v36;
	v26 =	vsel vm3, v26, v32;
	v25 =	vadd.f32 v44, v34  }
0x120: {  	v19 =	vld [tilespmem:s19+$0x200];
	v20 =	vsel vm2, v20, v23;
	v29 =	vsel vm3, v61, v29;
	v26 =	vsel vm4, v30, v26  }
0x121: {  	v26 =	vsel vm2, v28, v26;
	v29 =	vsel vm4, v63, v29;
	v23 =	vadd.f32 v56, v25  }
0x122: {  	v14 =	vsel vm1, v14, v17;
	v21 =	vsel vm1, v21, v26;
	v24 =	vsel vm2, v24, v29;
	v25 =	vld [tilespmem:s19+$0x2800]  }
0x123: {  	v17 =	vld [tilespmem:s19+$0x600];
	v18 =	vsel vm0, v18, v21;
	v24 =	vsel vm1, v27, v24;
	v21 =	vadd.f32 v35, v23  }
0x124: {  	v15 =	vsel vm1, v15, v20;
	v16 =	vsub.f32 v16, v18;
	v20 =	vsel vm0, v22, v24;
	v23 =	vld [tilespmem:s19+$0x2A00]  }
0x125: {  	v13 =	vsel vm0, v13, v15;
	v15 =	vsub.f32 v19, v20;
	v18 =	vadd.f32 v33, v21  }
0x126: {  	v11 =	vsel vm0, v11, v14;
	v12 =	vsub.f32 v12, v13;
	v19 =	vld [tilespmem:s19+$0x2C00];
	v14 =	vmul.f32 v16, v16  }
0x127: {  	v20 =	vld [tilespmem:s19+$0x800];
	v15 =	vmul.f32 v15, v15;
	v13 =	vmul.f32 v25, v25;
	v16 =	vadd.f32 v31, v18  }
0x128: {  	v12 =	vmul.f32 v12, v12;
	v11 =	vsub.f32 v17, v11;
	v18 =	vld [tilespmem:s19+$0x2E00]  }
0x129: {  	v14 =	vadd.f32 v15, v14;
	v17 =	vmul.f32 v23, v23;
	v13 =	vadd.f32 v13, v16  }
0x12a: {  	v11 =	vmul.f32 v11, v11;
	v21 =	vld [tilespmem:s19+$0x3000]  }
0x12b: {  	v15 =	vmul.f32 v19, v19;
	v12 =	vadd.f32 v12, v14;
	v13 =	vadd.f32 v17, v13  }
0x12c: {  	vm6 =	vmor vm7, vm6;
	v14 =	vadd.f32 v20, v20  }
0x12d: {  	v11 =	vadd.f32 v11, v12;
	v17 =	vld [tilespmem:s19+$0x880];
	v16 =	vmul.f32 v18, v18;
	v12 =	vadd.f32 v15, v13  }
0x12e: {  	vm5 =	vmor vm6, vm5;
	v14 =	vsub.f32 $1.000000000e+00, v14  }
0x12f: {  	v11 =	vmul.f32 $5.000000000e+00, v11;
	v13 =	vmul.f32 v21, v21;
	v12 =	vadd.f32 v16, v12  }
0x130: {  	vm3 =	vmor vm5, vm3;
	v15 =	vmul.f32 v20, v20  }
0x131: {  	vm3 =	vmor vm3, vm4;
	v11 =	vadd.f32 v11, v14;
	v12 =	vadd.f32 v13, v12  }
0x132: {  	vm2 =	vmor vm3, vm2;
	v10 =	vadd.f32 v15, v10;
	v13 =	vmul.f32 v17, v17  }
0x133: {  	vm1 =	vmor vm2, vm1;
	v11 =	vadd.f32 v12, v11;
	v12 =	vld [tilespmem:$0xAC00]  }
0x134: {  	vm0 =	vmor vm1, vm0;
	v10 =	vadd.f32 v13, v10  }
0x135: {  	v11 =	vnsel vm0, $0x0, v11  }
0x136: {  	v10 =	vadd.f32 v11, v10;
	_ =	sdelay $0x1  }
0x137: {  	v10 =	vadd.f32 v12, v10;
	_ =	sdelay $0x1  }
0x138: {  	s21 =	simm.s32 $0x0;
	[tilespmem:$0xAC00] =	vst v10  }
0x139: {  	[tilespmem:s21], [sflag:$0x1] =	stream.linear.gather [hbm4b:s6+s21], $0x3200, $0x38;
	[tilespmem:$0xAC80] =	vst v63  }
0x13a: {  	s30 =	simm.s32 $0x0;
	_ =	swait.ge [sflag:s16], $0x3200  }
0x13b: {  	s22 =	sand.u32 $0x70, s21;
	s19 =	sand.u32 $0xFFFFFF80, s30;
	[sflag:s16] =	ssyncset.done $0x0  }
0x13c: {  	s23 =	simm.s32 $0x0;
	s20 =	sor.u32 s22, s19;
	[sflag:s16] =	ssyncadd.s32 $0xFFFFCE00  }
0x13d: {  	s31 =	sand.u32 $0x3FFFFF00, s23;
	v11 =	vld [tilespmem:s20+$0xAB00]  }
0x13e: {  	s19 =	sor.u32 s22, s31;
	v14 =	vld [tilespmem:s20+$0xAA00]  }
0x13f: {  	v12 =	vld [tilespmem:s19+$0x3600]  }
0x140: {  	v17 =	vld [tilespmem:s20+$0xA900]  }
0x141: {  	v13 =	vld [tilespmem:s20+$0xA300]  }
0x142: {  	v19 =	vld [tilespmem:s20+$0xA800]  }
0x143: {  	v15 =	vld [tilespmem:s20+$0xA200]  }
0x144: {  	v16 =	vld [tilespmem:s19+$0x3200]  }
0x145: {  	v31 =	vld [tilespmem:s19+$0x5800]  }
0x146: {  	v22 =	vld [tilespmem:s20+$0xA700]  }
0x147: {  	v20 =	vld [tilespmem:s20+$0xA100]  }
0x148: {  	v18 =	vld [tilespmem:s20+$0x9300]  }
0x149: {  	v24 =	vld [tilespmem:s20+$0xA600]  }
0x14a: {  	v23 =	vld [tilespmem:s20+$0xA000]  }
0x14b: {  	v21 =	vld [tilespmem:s20+$0x9200]  }
0x14c: {  	v34 =	vld [tilespmem:s20+$0x8B00]  }
0x14d: {  	v33 =	vld [tilespmem:s19+$0x5600]  }
0x14e: {  	v28 =	vld [tilespmem:s20+$0xA500]  }
0x14f: {  	v25 =	vld [tilespmem:s20+$0x9F00]  }
0x150: {  	v37 =	vld [tilespmem:s20+$0x8A00]  }
0x151: {  	v30 =	vld [tilespmem:s20+$0xA400]  }
0x152: {  	v27 =	vld [tilespmem:s20+$0x9E00]  }
0x153: {  	v38 =	vld [tilespmem:s20+$0x8900]  }
0x154: {  	v35 =	vld [tilespmem:s19+$0x5400]  }
0x155: {  	v29 =	vld [tilespmem:s20+$0x9D00]  }
0x156: {  	v26 =	vld [tilespmem:s20+$0x8F00]  }
0x157: {  	v36 =	vld [tilespmem:s20+$0x8800]  }
0x158: {  	v32 =	vld [tilespmem:s20+$0x9C00]  }
0x159: {  	s22 =	simm.s32 $0x1;
	v10 =	vimm.f32 $0.0e+00;
	v39 =	vld [tilespmem:s20+$0x8700]  }
.LBB2_6:
0x15a: {  	p1 =	sne.s32 s22, $0xF;
	v40 =	vld [tilespmem:s19+$0x5200]  }
0x15b: {  	v41 =	vld [tilespmem:s19+$0x3C00]  }
0x15c: {  	v42 =	vld [tilespmem:s19+$0x3E00]  }
0x15d: {  	v43 =	vld [tilespmem:s20+$0x8D00]  }
0x15e: {  	v44 =	vld [tilespmem:s19+$0x4000]  }
0x15f: {  	v45 =	vld [tilespmem:s20+$0x8600]  }
0x160: {  	v46 =	vld [tilespmem:s19+$0x4200]  }
0x161: {  	v41 =	vmul.f32 v41, v41;
	v47 =	vld [tilespmem:s20+$0x8500];
	v42 =	vmul.f32 v42, v42  }
0x162: {  	v48 =	vld [tilespmem:s19+$0x4400]  }
0x163: {  	v41 =	vadd.f32 v42, v41;
	v42 =	vmul.f32 v44, v44;
	v44 =	vld [tilespmem:s19+$0x5000]  }
0x164: {  	v49 =	vld [tilespmem:s19+$0x4600]  }
0x165: {  	v50 =	vld [tilespmem:s20+$0x8400];
	v41 =	vadd.f32 v42, v41;
	v42 =	vmul.f32 v46, v46  }
0x166: {  	v46 =	vld [tilespmem:s19+$0x4800]  }
0x167: {  	v31 =	vmul.f32 v31, v31;
	v41 =	vadd.f32 v42, v41;
	v42 =	vmul.f32 v48, v48;
	v48 =	vld [tilespmem:s19+$0x4E00]  }
0x168: {  	vm1 =	veq.s32 v37, v1;
	vm0 =	veq.s32 v34, v1;
	v33 =	vmul.f32 v33, v33;
	v34 =	vld [tilespmem:s19+$0x4A00]  }
0x169: {  	vm2 =	veq.s32 v38, v1;
	v37 =	vadd.f32 v42, v41;
	v38 =	vmul.f32 v49, v49;
	v41 =	vld [tilespmem:s19+$0x4C00]  }
0x16a: {  	v35 =	vmul.f32 v35, v35;
	vm3 =	veq.s32 v36, v1;
	vm4 =	veq.s32 v39, v1;
	v42 =	vld [tilespmem:s20+$0x8C00]  }
0x16b: {  	v39 =	vmul.f32 v40, v40;
	v36 =	vld [tilespmem:s20+$0x9400];
	v37 =	vadd.f32 v38, v37;
	v38 =	vmul.f32 v46, v46  }
0x16c: {  	vm5 =	veq.s32 v45, v1;
	vm6 =	veq.s32 v47, v1;
	v44 =	vmul.f32 v44, v44;
	v40 =	vld [tilespmem:s20+$0x9500]  }
0x16d: {  	vm7 =	veq.s32 v50, v1;
	v45 =	vld [tilespmem:s20+$0x8E00];
	v37 =	vadd.f32 v38, v37;
	v34 =	vmul.f32 v34, v34  }
0x16e: {  	v30 =	vnsel vm7, $0x0, v30;
	v46 =	vmul.f32 v48, v48;
	v38 =	vld [tilespmem:s20+$0x9600];
	v41 =	vmul.f32 v41, v41  }
0x16f: {  	v32 =	vnsel vm7, $0x0, v32;
	v42 =	vnsel vm7, $0x0, v42;
	v47 =	vld [tilespmem:s20+$0x9700];
	v34 =	vadd.f32 v34, v37  }
0x170: {  	v29 =	vsel vm6, v29, v32;
	v28 =	vsel vm6, v28, v30;
	v36 =	vnsel vm7, $0x0, v36;
	v30 =	vld [tilespmem:s20+$0x9000]  }
0x171: {  	v32 =	vsel vm6, v43, v42;
	v36 =	vsel vm6, v40, v36;
	v37 =	vld [tilespmem:s20+$0x9800];
	v34 =	vadd.f32 v41, v34  }
0x172: {  	v27 =	vsel vm5, v27, v29;
	v24 =	vsel vm5, v24, v28;
	v32 =	vsel vm5, v45, v32;
	v28 =	vld [tilespmem:s20+$0x9100]  }
0x173: {  	v22 =	vsel vm4, v22, v24;
	v29 =	vsel vm5, v38, v36;
	v24 =	vld [tilespmem:s20+$0x9900];
	v34 =	vadd.f32 v46, v34  }
0x174: {  	v25 =	vsel vm4, v25, v27;
	v26 =	vsel vm4, v26, v32;
	v29 =	vsel vm4, v47, v29;
	v27 =	vld [tilespmem:s20+$0x9A00]  }
0x175: {  	v23 =	vsel vm3, v23, v25;
	v19 =	vsel vm3, v19, v22;
	v22 =	vld [tilespmem:s20+$0x9B00];
	v25 =	vadd.f32 v44, v34  }
0x176: {  	v17 =	vsel vm2, v17, v19;
	v26 =	vsel vm3, v30, v26;
	v29 =	vsel vm3, v37, v29;
	v19 =	vld [tilespmem:s19+$0x3400]  }
0x177: {  	v20 =	vsel vm2, v20, v23;
	v26 =	vsel vm2, v28, v26;
	v23 =	vadd.f32 v39, v25;
	v25 =	vld [tilespmem:s19+$0x5A00]  }
0x178: {  	v14 =	vsel vm1, v14, v17;
	v24 =	vsel vm2, v24, v29;
	v21 =	vsel vm1, v21, v26;
	v17 =	vld [tilespmem:s19+$0x3800]  }
0x179: {  	v24 =	vsel vm1, v27, v24;
	v18 =	vsel vm0, v18, v21;
	v21 =	vadd.f32 v35, v23;
	v23 =	vld [tilespmem:s19+$0x5C00]  }
0x17a: {  	v15 =	vsel vm1, v15, v20;
	v26 =	vld [tilespmem:s19+$0x3A80];
	v20 =	vsel vm0, v22, v24;
	v16 =	vsub.f32 v16, v18  }
0x17b: {  	v13 =	vsel vm0, v13, v15;
	v15 =	vsub.f32 v19, v20;
	v18 =	vadd.f32 v33, v21;
	v19 =	vld [tilespmem:s19+$0x5E00]  }
0x17c: {  	s21 =	sadd.s32 $0x10, s21;
	v11 =	vsel vm0, v11, v14;
	v12 =	vsub.f32 v12, v13;
	s20 =	sshll.u32 s22, $0x4;
	v20 =	vld [tilespmem:s19+$0x3A00];
	v13 =	vmul.f32 v25, v25  }
0x17d: {  	s23 =	sand.u32 $0x70, s21;
	s20 =	sand.u32 $0xFFFFFF80, s20;
	v14 =	vmul.f32 v16, v16;
	v15 =	vmul.f32 v15, v15;
	v16 =	vadd.f32 v31, v18;
	v18 =	vld [tilespmem:s19+$0x6000]  }
0x17e: {  	s24 =	sshll.u32 s22, $0x5;
	s20 =	sor.u32 s23, s20;
	v17 =	vsub.f32 v17, v11;
	v21 =	vmul.f32 v23, v23;
	v22 =	vld [tilespmem:s19+$0x6200]  }
0x17f: {  	s19 =	sand.u32 $0x3FFFFF00, s24;
	v23 =	vmul.f32 v12, v12;
	v11 =	vld [tilespmem:s20+$0xAB00];
	v15 =	vadd.f32 v15, v14;
	v13 =	vadd.f32 v13, v16  }
0x180: {  	s19 =	sor.u32 s23, s19;
	v14 =	vld [tilespmem:s20+$0xAA00];
	v16 =	vmul.f32 v19, v19  }
0x181: {  	v19 =	vmul.f32 v17, v17;
	v12 =	vld [tilespmem:s19+$0x3600];
	v15 =	vadd.f32 v23, v15;
	v21 =	vadd.f32 v21, v13  }
0x182: {  	v23 =	vadd.f32 v20, v20;
	v17 =	vld [tilespmem:s20+$0xA900];
	v18 =	vmul.f32 v18, v18  }
0x183: {  	vm6 =	vmor vm7, vm6;
	v13 =	vld [tilespmem:s20+$0xA300];
	v24 =	vadd.f32 v19, v15;
	v16 =	vadd.f32 v16, v21  }
0x184: {  	vm5 =	vmor vm6, vm5;
	v21 =	vmul.f32 v22, v22;
	v19 =	vld [tilespmem:s20+$0xA800]  }
0x185: {  	v22 =	vsub.f32 $1.000000000e+00, v23;
	v15 =	vld [tilespmem:s20+$0xA200];
	v18 =	vadd.f32 v18, v16;
	v23 =	vmul.f32 $5.000000000e+00, v24  }
0x186: {  	vm4 =	vmor vm5, vm4;
	v20 =	vmul.f32 v20, v20;
	v16 =	vld [tilespmem:s19+$0x3200]  }
0x187: {  	vm3 =	vmor vm4, vm3;
	v31 =	vld [tilespmem:s19+$0x5800];
	v18 =	vadd.f32 v21, v18;
	v21 =	vadd.f32 v23, v22  }
0x188: {  	vm2 =	vmor vm3, vm2;
	v10 =	vadd.f32 v20, v10;
	v23 =	vmul.f32 v26, v26;
	v22 =	vld [tilespmem:s20+$0xA700]  }
0x189: {  	vm1 =	vmor vm2, vm1;
	v20 =	vld [tilespmem:s20+$0xA100];
	v21 =	vadd.f32 v18, v21  }
0x18a: {  	vm0 =	vmor vm1, vm0;
	v10 =	vadd.f32 v23, v10;
	v18 =	vld [tilespmem:s20+$0x9300]  }
0x18b: {  	v24 =	vld [tilespmem:s20+$0xA600];
	v21 =	vnsel vm0, $0x0, v21  }
0x18c: {  	v23 =	vld [tilespmem:s20+$0xA000];
	v10 =	vadd.f32 v21, v10  }
0x18d: {  	v21 =	vld [tilespmem:s20+$0x9200]  }
0x18e: {  	v34 =	vld [tilespmem:s20+$0x8B00]  }
0x18f: {  	v33 =	vld [tilespmem:s19+$0x5600]  }
0x190: {  	v28 =	vld [tilespmem:s20+$0xA500]  }
0x191: {  	v25 =	vld [tilespmem:s20+$0x9F00]  }
0x192: {  	v37 =	vld [tilespmem:s20+$0x8A00]  }
0x193: {  	v30 =	vld [tilespmem:s20+$0xA400]  }
0x194: {  	v27 =	vld [tilespmem:s20+$0x9E00]  }
0x195: {  	v38 =	vld [tilespmem:s20+$0x8900]  }
0x196: {  	v35 =	vld [tilespmem:s19+$0x5400]  }
.Ltmp4:
0x197: {  	v29 =	vld [tilespmem:s20+$0x9D00];
	(pc) =	sbr.rel @p1 .LBB2_6-.Ltmp4, $4  }
0x198: {  	v26 =	vld [tilespmem:s20+$0x8F00]  }
0x199: {  	v36 =	vld [tilespmem:s20+$0x8800]  }
0x19a: {  	v32 =	vld [tilespmem:s20+$0x9C00]  }
0x19b: {  	s22 =	sadd.s32 $0x1, s22;
	v39 =	vld [tilespmem:s20+$0x8700]  }
0x19c: {  	v40 =	vld [tilespmem:s19+$0x5200]  }
0x19d: {  	v41 =	vld [tilespmem:s19+$0x3C00]  }
0x19e: {  	v42 =	vld [tilespmem:s19+$0x3E00]  }
0x19f: {  	v43 =	vld [tilespmem:s20+$0x8D00]  }
0x1a0: {  	v44 =	vld [tilespmem:s19+$0x4000]  }
0x1a1: {  	v45 =	vld [tilespmem:s20+$0x8600]  }
0x1a2: {  	v46 =	vld [tilespmem:s19+$0x4200]  }
0x1a3: {  	v47 =	vld [tilespmem:s20+$0x8500];
	v41 =	vmul.f32 v41, v41;
	v42 =	vmul.f32 v42, v42  }
0x1a4: {  	v48 =	vld [tilespmem:s19+$0x4400]  }
0x1a5: {  	v49 =	vld [tilespmem:s19+$0x4600];
	v57 =	vmul.f32 v44, v44;
	v41 =	vadd.f32 v42, v41  }
0x1a6: {  	v50 =	vld [tilespmem:s20+$0x8400]  }
0x1a7: {  	v59 =	vld [tilespmem:s19+$0x4800];
	v58 =	vmul.f32 v46, v46;
	v41 =	vadd.f32 v57, v41  }
0x1a8: {  	v61 =	vld [tilespmem:s19+$0x4E00]  }
0x1a9: {  	v31 =	vmul.f32 v31, v31;
	v62 =	vld [tilespmem:s19+$0x4A00];
	v60 =	vmul.f32 v48, v48;
	v41 =	vadd.f32 v58, v41  }
0x1aa: {  	vm1 =	veq.s32 v37, v1;
	vm0 =	veq.s32 v34, v1;
	v33 =	vmul.f32 v33, v33;
	v52 =	vld [tilespmem:s19+$0x4C00]  }
0x1ab: {  	vm2 =	veq.s32 v38, v1;
	v54 =	vld [tilespmem:s20+$0x9400];
	v51 =	vmul.f32 v49, v49;
	v63 =	vadd.f32 v60, v41  }
0x1ac: {  	v53 =	vld [tilespmem:s20+$0x8C00];
	v35 =	vmul.f32 v35, v35;
	vm4 =	veq.s32 v36, v1;
	vm3 =	veq.s32 v39, v1  }
0x1ad: {  	v44 =	vld [tilespmem:s19+$0x5000];
	v55 =	vmul.f32 v59, v59;
	vm7 =	veq.s32 v50, v1;
	v37 =	vadd.f32 v51, v63  }
0x1ae: {  	v56 =	vmul.f32 v40, v40;
	vm6 =	veq.s32 v47, v1;
	v59 =	vld [tilespmem:s20+$0x9600];
	v30 =	vnsel vm7, $0x0, v30  }
0x1af: {  	v34 =	vmul.f32 v62, v62;
	v28 =	vsel vm6, v28, v30;
	v30 =	vld [tilespmem:s20+$0x9000];
	v37 =	vadd.f32 v55, v37  }
0x1b0: {  	vm5 =	veq.s32 v45, v1;
	v32 =	vnsel vm7, $0x0, v32;
	v36 =	vnsel vm7, $0x0, v54;
	v57 =	vld [tilespmem:s20+$0x9500]  }
0x1b1: {  	v42 =	vnsel vm7, $0x0, v53;
	v58 =	vld [tilespmem:s20+$0x8E00];
	v41 =	vmul.f32 v52, v52;
	v34 =	vadd.f32 v34, v37  }
0x1b2: {  	v29 =	vsel vm6, v29, v32;
	v62 =	vsel vm6, v43, v42;
	v24 =	vsel vm5, v24, v28;
	v28 =	vld [tilespmem:s20+$0x9100]  }
0x1b3: {  	v27 =	vsel vm5, v27, v29;
	v60 =	vmul.f32 v61, v61;
	v61 =	vld [tilespmem:s20+$0x9700];
	v34 =	vadd.f32 v41, v34  }
0x1b4: {  	v22 =	vsel vm3, v22, v24;
	v25 =	vsel vm3, v25, v27;
	v44 =	vmul.f32 v44, v44;
	v63 =	vld [tilespmem:s20+$0x9800]  }
0x1b5: {  	v24 =	vld [tilespmem:s20+$0x9900];
	v23 =	vsel vm4, v23, v25;
	v19 =	vsel vm4, v19, v22;
	v34 =	vadd.f32 v60, v34  }
0x1b6: {  	v27 =	vld [tilespmem:s20+$0x9A00];
	v17 =	vsel vm2, v17, v19;
	v36 =	vsel vm6, v57, v36;
	v32 =	vsel vm5, v58, v62  }
0x1b7: {  	v22 =	vld [tilespmem:s20+$0x9B00];
	v29 =	vsel vm5, v59, v36;
	v26 =	vsel vm3, v26, v32;
	v25 =	vadd.f32 v44, v34  }
0x1b8: {  	v19 =	vld [tilespmem:s19+$0x3400];
	v20 =	vsel vm2, v20, v23;
	v29 =	vsel vm3, v61, v29;
	v26 =	vsel vm4, v30, v26  }
0x1b9: {  	v26 =	vsel vm2, v28, v26;
	v29 =	vsel vm4, v63, v29;
	v23 =	vadd.f32 v56, v25  }
0x1ba: {  	v14 =	vsel vm1, v14, v17;
	v21 =	vsel vm1, v21, v26;
	v24 =	vsel vm2, v24, v29;
	v25 =	vld [tilespmem:s19+$0x5A00]  }
0x1bb: {  	v17 =	vld [tilespmem:s19+$0x3800];
	v18 =	vsel vm0, v18, v21;
	v24 =	vsel vm1, v27, v24;
	v21 =	vadd.f32 v35, v23  }
0x1bc: {  	v15 =	vsel vm1, v15, v20;
	v16 =	vsub.f32 v16, v18;
	v20 =	vsel vm0, v22, v24;
	v23 =	vld [tilespmem:s19+$0x5C00]  }
0x1bd: {  	v13 =	vsel vm0, v13, v15;
	v15 =	vsub.f32 v19, v20;
	v18 =	vadd.f32 v33, v21  }
0x1be: {  	v11 =	vsel vm0, v11, v14;
	v12 =	vsub.f32 v12, v13;
	v19 =	vld [tilespmem:s19+$0x5E00];
	v14 =	vmul.f32 v16, v16  }
0x1bf: {  	v20 =	vld [tilespmem:s19+$0x3A00];
	v15 =	vmul.f32 v15, v15;
	v13 =	vmul.f32 v25, v25;
	v16 =	vadd.f32 v31, v18  }
0x1c0: {  	v12 =	vmul.f32 v12, v12;
	v11 =	vsub.f32 v17, v11;
	v18 =	vld [tilespmem:s19+$0x6000]  }
0x1c1: {  	v14 =	vadd.f32 v15, v14;
	v17 =	vmul.f32 v23, v23;
	v13 =	vadd.f32 v13, v16  }
0x1c2: {  	v11 =	vmul.f32 v11, v11;
	v21 =	vld [tilespmem:s19+$0x6200]  }
0x1c3: {  	v15 =	vmul.f32 v19, v19;
	v12 =	vadd.f32 v12, v14;
	v13 =	vadd.f32 v17, v13  }
0x1c4: {  	vm6 =	vmor vm7, vm6;
	v14 =	vadd.f32 v20, v20  }
0x1c5: {  	v11 =	vadd.f32 v11, v12;
	v17 =	vld [tilespmem:s19+$0x3A80];
	v16 =	vmul.f32 v18, v18;
	v12 =	vadd.f32 v15, v13  }
0x1c6: {  	vm5 =	vmor vm6, vm5;
	v14 =	vsub.f32 $1.000000000e+00, v14  }
0x1c7: {  	v11 =	vmul.f32 $5.000000000e+00, v11;
	v13 =	vmul.f32 v21, v21;
	v12 =	vadd.f32 v16, v12  }
0x1c8: {  	vm3 =	vmor vm5, vm3;
	v15 =	vmul.f32 v20, v20  }
0x1c9: {  	vm3 =	vmor vm3, vm4;
	v11 =	vadd.f32 v11, v14;
	v12 =	vadd.f32 v13, v12  }
0x1ca: {  	vm2 =	vmor vm3, vm2;
	v10 =	vadd.f32 v15, v10;
	v13 =	vmul.f32 v17, v17  }
0x1cb: {  	vm1 =	vmor vm2, vm1;
	v11 =	vadd.f32 v12, v11;
	v12 =	vld [tilespmem:$0xAC00]  }
0x1cc: {  	vm0 =	vmor vm1, vm0;
	v10 =	vadd.f32 v13, v10  }
0x1cd: {  	v11 =	vnsel vm0, $0x0, v11  }
0x1ce: {  	v10 =	vadd.f32 v11, v10;
	_ =	sdelay $0x1  }
0x1cf: {  	v10 =	vadd.f32 v12, v10;
	_ =	sdelay $0x1  }
0x1d0: {  	s21 =	simm.s32 $0x0;
	[tilespmem:$0xAC00] =	vst v10  }
0x1d1: {  	[tilespmem:s14], [sflag:$0x2] =	stream.linear.gather [hbm4b:s7+s21], $0x3200, $0x38;
	[tilespmem:$0xAC80] =	vst v63  }
0x1d2: {  	s30 =	simm.s32 $0x0;
	_ =	swait.ge [sflag:s15], $0x3200  }
0x1d3: {  	s22 =	sand.u32 $0x70, s21;
	s19 =	sand.u32 $0xFFFFFF80, s30;
	[sflag:s15] =	ssyncset.done $0x0  }
0x1d4: {  	s23 =	simm.s32 $0x0;
	s20 =	sor.u32 s22, s19;
	[sflag:s15] =	ssyncadd.s32 $0xFFFFCE00  }
0x1d5: {  	s31 =	sand.u32 $0x3FFFFF00, s23;
	v11 =	vld [tilespmem:s20+$0xAB00]  }
0x1d6: {  	s19 =	sor.u32 s22, s31;
	v14 =	vld [tilespmem:s20+$0xAA00]  }
0x1d7: {  	v12 =	vld [tilespmem:s19+$0x400]  }
0x1d8: {  	v17 =	vld [tilespmem:s20+$0xA900]  }
0x1d9: {  	v13 =	vld [tilespmem:s20+$0xA300]  }
0x1da: {  	v19 =	vld [tilespmem:s20+$0xA800]  }
0x1db: {  	v15 =	vld [tilespmem:s20+$0xA200]  }
0x1dc: {  	v16 =	vld [tilespmem:s19+$0x0]  }
0x1dd: {  	v31 =	vld [tilespmem:s19+$0x2600]  }
0x1de: {  	v22 =	vld [tilespmem:s20+$0xA700]  }
0x1df: {  	v20 =	vld [tilespmem:s20+$0xA100]  }
0x1e0: {  	v18 =	vld [tilespmem:s20+$0x9300]  }
0x1e1: {  	v24 =	vld [tilespmem:s20+$0xA600]  }
0x1e2: {  	v23 =	vld [tilespmem:s20+$0xA000]  }
0x1e3: {  	v21 =	vld [tilespmem:s20+$0x9200]  }
0x1e4: {  	v34 =	vld [tilespmem:s20+$0x8B00]  }
0x1e5: {  	v33 =	vld [tilespmem:s19+$0x2400]  }
0x1e6: {  	v28 =	vld [tilespmem:s20+$0xA500]  }
0x1e7: {  	v25 =	vld [tilespmem:s20+$0x9F00]  }
0x1e8: {  	v37 =	vld [tilespmem:s20+$0x8A00]  }
0x1e9: {  	v30 =	vld [tilespmem:s20+$0xA400]  }
0x1ea: {  	v27 =	vld [tilespmem:s20+$0x9E00]  }
0x1eb: {  	v38 =	vld [tilespmem:s20+$0x8900]  }
0x1ec: {  	v35 =	vld [tilespmem:s19+$0x2200]  }
0x1ed: {  	v29 =	vld [tilespmem:s20+$0x9D00]  }
0x1ee: {  	v26 =	vld [tilespmem:s20+$0x8F00]  }
0x1ef: {  	v36 =	vld [tilespmem:s20+$0x8800]  }
0x1f0: {  	v32 =	vld [tilespmem:s20+$0x9C00]  }
0x1f1: {  	s22 =	simm.s32 $0x1;
	v10 =	vimm.f32 $0.0e+00;
	v39 =	vld [tilespmem:s20+$0x8700]  }
.LBB2_8:
0x1f2: {  	p1 =	sne.s32 s22, $0xF;
	v40 =	vld [tilespmem:s19+$0x2000]  }
0x1f3: {  	v41 =	vld [tilespmem:s19+$0xA00]  }
0x1f4: {  	v42 =	vld [tilespmem:s19+$0xC00]  }
0x1f5: {  	v43 =	vld [tilespmem:s20+$0x8D00]  }
0x1f6: {  	v44 =	vld [tilespmem:s19+$0xE00]  }
0x1f7: {  	v45 =	vld [tilespmem:s20+$0x8600]  }
0x1f8: {  	v46 =	vld [tilespmem:s19+$0x1000]  }
0x1f9: {  	v41 =	vmul.f32 v41, v41;
	v47 =	vld [tilespmem:s20+$0x8500];
	v42 =	vmul.f32 v42, v42  }
0x1fa: {  	v48 =	vld [tilespmem:s19+$0x1200]  }
0x1fb: {  	v41 =	vadd.f32 v42, v41;
	v42 =	vmul.f32 v44, v44;
	v44 =	vld [tilespmem:s19+$0x1E00]  }
0x1fc: {  	v49 =	vld [tilespmem:s19+$0x1400]  }
0x1fd: {  	v50 =	vld [tilespmem:s20+$0x8400];
	v41 =	vadd.f32 v42, v41;
	v42 =	vmul.f32 v46, v46  }
0x1fe: {  	v46 =	vld [tilespmem:s19+$0x1600]  }
0x1ff: {  	v31 =	vmul.f32 v31, v31;
	v41 =	vadd.f32 v42, v41;
	v42 =	vmul.f32 v48, v48;
	v48 =	vld [tilespmem:s19+$0x1C00]  }
0x200: {  	vm1 =	veq.s32 v37, v3;
	vm0 =	veq.s32 v34, v3;
	v33 =	vmul.f32 v33, v33;
	v34 =	vld [tilespmem:s19+$0x1800]  }
0x201: {  	vm2 =	veq.s32 v38, v3;
	v37 =	vadd.f32 v42, v41;
	v38 =	vmul.f32 v49, v49;
	v41 =	vld [tilespmem:s19+$0x1A00]  }
0x202: {  	v35 =	vmul.f32 v35, v35;
	vm3 =	veq.s32 v36, v3;
	vm4 =	veq.s32 v39, v3;
	v42 =	vld [tilespmem:s20+$0x8C00]  }
0x203: {  	v39 =	vmul.f32 v40, v40;
	v36 =	vld [tilespmem:s20+$0x9400];
	v37 =	vadd.f32 v38, v37;
	v38 =	vmul.f32 v46, v46  }
0x204: {  	vm5 =	veq.s32 v45, v3;
	vm6 =	veq.s32 v47, v3;
	v44 =	vmul.f32 v44, v44;
	v40 =	vld [tilespmem:s20+$0x9500]  }
0x205: {  	vm7 =	veq.s32 v50, v3;
	v45 =	vld [tilespmem:s20+$0x8E00];
	v37 =	vadd.f32 v38, v37;
	v34 =	vmul.f32 v34, v34  }
0x206: {  	v30 =	vnsel vm7, $0x0, v30;
	v46 =	vmul.f32 v48, v48;
	v38 =	vld [tilespmem:s20+$0x9600];
	v41 =	vmul.f32 v41, v41  }
0x207: {  	v32 =	vnsel vm7, $0x0, v32;
	v42 =	vnsel vm7, $0x0, v42;
	v47 =	vld [tilespmem:s20+$0x9700];
	v34 =	vadd.f32 v34, v37  }
0x208: {  	v29 =	vsel vm6, v29, v32;
	v28 =	vsel vm6, v28, v30;
	v36 =	vnsel vm7, $0x0, v36;
	v30 =	vld [tilespmem:s20+$0x9000]  }
0x209: {  	v32 =	vsel vm6, v43, v42;
	v36 =	vsel vm6, v40, v36;
	v37 =	vld [tilespmem:s20+$0x9800];
	v34 =	vadd.f32 v41, v34  }
0x20a: {  	v27 =	vsel vm5, v27, v29;
	v24 =	vsel vm5, v24, v28;
	v32 =	vsel vm5, v45, v32;
	v28 =	vld [tilespmem:s20+$0x9100]  }
0x20b: {  	v22 =	vsel vm4, v22, v24;
	v29 =	vsel vm5, v38, v36;
	v24 =	vld [tilespmem:s20+$0x9900];
	v34 =	vadd.f32 v46, v34  }
0x20c: {  	v25 =	vsel vm4, v25, v27;
	v26 =	vsel vm4, v26, v32;
	v29 =	vsel vm4, v47, v29;
	v27 =	vld [tilespmem:s20+$0x9A00]  }
0x20d: {  	v23 =	vsel vm3, v23, v25;
	v19 =	vsel vm3, v19, v22;
	v22 =	vld [tilespmem:s20+$0x9B00];
	v25 =	vadd.f32 v44, v34  }
0x20e: {  	v17 =	vsel vm2, v17, v19;
	v26 =	vsel vm3, v30, v26;
	v29 =	vsel vm3, v37, v29;
	v19 =	vld [tilespmem:s19+$0x200]  }
0x20f: {  	v20 =	vsel vm2, v20, v23;
	v26 =	vsel vm2, v28, v26;
	v23 =	vadd.f32 v39, v25;
	v25 =	vld [tilespmem:s19+$0x2800]  }
0x210: {  	v14 =	vsel vm1, v14, v17;
	v24 =	vsel vm2, v24, v29;
	v21 =	vsel vm1, v21, v26;
	v17 =	vld [tilespmem:s19+$0x600]  }
0x211: {  	v24 =	vsel vm1, v27, v24;
	v18 =	vsel vm0, v18, v21;
	v21 =	vadd.f32 v35, v23;
	v23 =	vld [tilespmem:s19+$0x2A00]  }
0x212: {  	v15 =	vsel vm1, v15, v20;
	v26 =	vld [tilespmem:s19+$0x880];
	v20 =	vsel vm0, v22, v24;
	v16 =	vsub.f32 v16, v18  }
0x213: {  	v13 =	vsel vm0, v13, v15;
	v15 =	vsub.f32 v19, v20;
	v18 =	vadd.f32 v33, v21;
	v19 =	vld [tilespmem:s19+$0x2C00]  }
0x214: {  	s21 =	sadd.s32 $0x10, s21;
	v11 =	vsel vm0, v11, v14;
	v12 =	vsub.f32 v12, v13;
	s20 =	sshll.u32 s22, $0x4;
	v20 =	vld [tilespmem:s19+$0x800];
	v13 =	vmul.f32 v25, v25  }
0x215: {  	s23 =	sand.u32 $0x70, s21;
	s20 =	sand.u32 $0xFFFFFF80, s20;
	v14 =	vmul.f32 v16, v16;
	v15 =	vmul.f32 v15, v15;
	v16 =	vadd.f32 v31, v18;
	v18 =	vld [tilespmem:s19+$0x2E00]  }
0x216: {  	s24 =	sshll.u32 s22, $0x5;
	s20 =	sor.u32 s23, s20;
	v17 =	vsub.f32 v17, v11;
	v21 =	vmul.f32 v23, v23;
	v22 =	vld [tilespmem:s19+$0x3000]  }
0x217: {  	s19 =	sand.u32 $0x3FFFFF00, s24;
	v23 =	vmul.f32 v12, v12;
	v11 =	vld [tilespmem:s20+$0xAB00];
	v15 =	vadd.f32 v15, v14;
	v13 =	vadd.f32 v13, v16  }
0x218: {  	s19 =	sor.u32 s23, s19;
	v14 =	vld [tilespmem:s20+$0xAA00];
	v16 =	vmul.f32 v19, v19  }
0x219: {  	v19 =	vmul.f32 v17, v17;
	v12 =	vld [tilespmem:s19+$0x400];
	v15 =	vadd.f32 v23, v15;
	v21 =	vadd.f32 v21, v13  }
0x21a: {  	v23 =	vadd.f32 v20, v20;
	v17 =	vld [tilespmem:s20+$0xA900];
	v18 =	vmul.f32 v18, v18  }
0x21b: {  	vm6 =	vmor vm7, vm6;
	v13 =	vld [tilespmem:s20+$0xA300];
	v24 =	vadd.f32 v19, v15;
	v16 =	vadd.f32 v16, v21  }
0x21c: {  	vm5 =	vmor vm6, vm5;
	v21 =	vmul.f32 v22, v22;
	v19 =	vld [tilespmem:s20+$0xA800]  }
0x21d: {  	v22 =	vsub.f32 $1.000000000e+00, v23;
	v15 =	vld [tilespmem:s20+$0xA200];
	v18 =	vadd.f32 v18, v16;
	v23 =	vmul.f32 $5.000000000e+00, v24  }
0x21e: {  	vm4 =	vmor vm5, vm4;
	v20 =	vmul.f32 v20, v20;
	v16 =	vld [tilespmem:s19+$0x0]  }
0x21f: {  	vm3 =	vmor vm4, vm3;
	v31 =	vld [tilespmem:s19+$0x2600];
	v18 =	vadd.f32 v21, v18;
	v21 =	vadd.f32 v23, v22  }
0x220: {  	vm2 =	vmor vm3, vm2;
	v10 =	vadd.f32 v20, v10;
	v23 =	vmul.f32 v26, v26;
	v22 =	vld [tilespmem:s20+$0xA700]  }
0x221: {  	vm1 =	vmor vm2, vm1;
	v20 =	vld [tilespmem:s20+$0xA100];
	v21 =	vadd.f32 v18, v21  }
0x222: {  	vm0 =	vmor vm1, vm0;
	v10 =	vadd.f32 v23, v10;
	v18 =	vld [tilespmem:s20+$0x9300]  }
0x223: {  	v24 =	vld [tilespmem:s20+$0xA600];
	v21 =	vnsel vm0, $0x0, v21  }
0x224: {  	v23 =	vld [tilespmem:s20+$0xA000];
	v10 =	vadd.f32 v21, v10  }
0x225: {  	v21 =	vld [tilespmem:s20+$0x9200]  }
0x226: {  	v34 =	vld [tilespmem:s20+$0x8B00]  }
0x227: {  	v33 =	vld [tilespmem:s19+$0x2400]  }
0x228: {  	v28 =	vld [tilespmem:s20+$0xA500]  }
0x229: {  	v25 =	vld [tilespmem:s20+$0x9F00]  }
0x22a: {  	v37 =	vld [tilespmem:s20+$0x8A00]  }
0x22b: {  	v30 =	vld [tilespmem:s20+$0xA400]  }
0x22c: {  	v27 =	vld [tilespmem:s20+$0x9E00]  }
0x22d: {  	v38 =	vld [tilespmem:s20+$0x8900]  }
0x22e: {  	v35 =	vld [tilespmem:s19+$0x2200]  }
.Ltmp5:
0x22f: {  	v29 =	vld [tilespmem:s20+$0x9D00];
	(pc) =	sbr.rel @p1 .LBB2_8-.Ltmp5, $4  }
0x230: {  	v26 =	vld [tilespmem:s20+$0x8F00]  }
0x231: {  	v36 =	vld [tilespmem:s20+$0x8800]  }
0x232: {  	v32 =	vld [tilespmem:s20+$0x9C00]  }
0x233: {  	s22 =	sadd.s32 $0x1, s22;
	v39 =	vld [tilespmem:s20+$0x8700]  }
0x234: {  	v40 =	vld [tilespmem:s19+$0x2000]  }
0x235: {  	v41 =	vld [tilespmem:s19+$0xA00]  }
0x236: {  	v42 =	vld [tilespmem:s19+$0xC00]  }
0x237: {  	v43 =	vld [tilespmem:s20+$0x8D00]  }
0x238: {  	v44 =	vld [tilespmem:s19+$0xE00]  }
0x239: {  	v45 =	vld [tilespmem:s20+$0x8600]  }
0x23a: {  	v46 =	vld [tilespmem:s19+$0x1000]  }
0x23b: {  	v47 =	vld [tilespmem:s20+$0x8500];
	v41 =	vmul.f32 v41, v41;
	v42 =	vmul.f32 v42, v42  }
0x23c: {  	v48 =	vld [tilespmem:s19+$0x1200]  }
0x23d: {  	v49 =	vld [tilespmem:s19+$0x1400];
	v57 =	vmul.f32 v44, v44;
	v41 =	vadd.f32 v42, v41  }
0x23e: {  	v50 =	vld [tilespmem:s20+$0x8400]  }
0x23f: {  	v59 =	vld [tilespmem:s19+$0x1600];
	v58 =	vmul.f32 v46, v46;
	v41 =	vadd.f32 v57, v41  }
0x240: {  	v61 =	vld [tilespmem:s19+$0x1C00]  }
0x241: {  	v31 =	vmul.f32 v31, v31;
	v62 =	vld [tilespmem:s19+$0x1800];
	v60 =	vmul.f32 v48, v48;
	v41 =	vadd.f32 v58, v41  }
0x242: {  	vm1 =	veq.s32 v37, v3;
	vm0 =	veq.s32 v34, v3;
	v33 =	vmul.f32 v33, v33;
	v52 =	vld [tilespmem:s19+$0x1A00]  }
0x243: {  	vm2 =	veq.s32 v38, v3;
	v54 =	vld [tilespmem:s20+$0x9400];
	v51 =	vmul.f32 v49, v49;
	v63 =	vadd.f32 v60, v41  }
0x244: {  	v53 =	vld [tilespmem:s20+$0x8C00];
	v35 =	vmul.f32 v35, v35;
	vm4 =	veq.s32 v36, v3;
	vm3 =	veq.s32 v39, v3  }
0x245: {  	v44 =	vld [tilespmem:s19+$0x1E00];
	v55 =	vmul.f32 v59, v59;
	vm7 =	veq.s32 v50, v3;
	v37 =	vadd.f32 v51, v63  }
0x246: {  	v56 =	vmul.f32 v40, v40;
	vm6 =	veq.s32 v47, v3;
	v59 =	vld [tilespmem:s20+$0x9600];
	v30 =	vnsel vm7, $0x0, v30  }
0x247: {  	v34 =	vmul.f32 v62, v62;
	v28 =	vsel vm6, v28, v30;
	v30 =	vld [tilespmem:s20+$0x9000];
	v37 =	vadd.f32 v55, v37  }
0x248: {  	vm5 =	veq.s32 v45, v3;
	v32 =	vnsel vm7, $0x0, v32;
	v36 =	vnsel vm7, $0x0, v54;
	v57 =	vld [tilespmem:s20+$0x9500]  }
0x249: {  	v42 =	vnsel vm7, $0x0, v53;
	v58 =	vld [tilespmem:s20+$0x8E00];
	v41 =	vmul.f32 v52, v52;
	v34 =	vadd.f32 v34, v37  }
0x24a: {  	v29 =	vsel vm6, v29, v32;
	v62 =	vsel vm6, v43, v42;
	v24 =	vsel vm5, v24, v28;
	v28 =	vld [tilespmem:s20+$0x9100]  }
0x24b: {  	v27 =	vsel vm5, v27, v29;
	v60 =	vmul.f32 v61, v61;
	v61 =	vld [tilespmem:s20+$0x9700];
	v34 =	vadd.f32 v41, v34  }
0x24c: {  	v22 =	vsel vm3, v22, v24;
	v25 =	vsel vm3, v25, v27;
	v44 =	vmul.f32 v44, v44;
	v63 =	vld [tilespmem:s20+$0x9800]  }
0x24d: {  	v24 =	vld [tilespmem:s20+$0x9900];
	v23 =	vsel vm4, v23, v25;
	v19 =	vsel vm4, v19, v22;
	v34 =	vadd.f32 v60, v34  }
0x24e: {  	v27 =	vld [tilespmem:s20+$0x9A00];
	v17 =	vsel vm2, v17, v19;
	v36 =	vsel vm6, v57, v36;
	v32 =	vsel vm5, v58, v62  }
0x24f: {  	v22 =	vld [tilespmem:s20+$0x9B00];
	v29 =	vsel vm5, v59, v36;
	v26 =	vsel vm3, v26, v32;
	v25 =	vadd.f32 v44, v34  }
0x250: {  	v19 =	vld [tilespmem:s19+$0x200];
	v20 =	vsel vm2, v20, v23;
	v29 =	vsel vm3, v61, v29;
	v26 =	vsel vm4, v30, v26  }
0x251: {  	v26 =	vsel vm2, v28, v26;
	v29 =	vsel vm4, v63, v29;
	v23 =	vadd.f32 v56, v25  }
0x252: {  	v14 =	vsel vm1, v14, v17;
	v21 =	vsel vm1, v21, v26;
	v24 =	vsel vm2, v24, v29;
	v25 =	vld [tilespmem:s19+$0x2800]  }
0x253: {  	v17 =	vld [tilespmem:s19+$0x600];
	v18 =	vsel vm0, v18, v21;
	v24 =	vsel vm1, v27, v24;
	v21 =	vadd.f32 v35, v23  }
0x254: {  	v15 =	vsel vm1, v15, v20;
	v16 =	vsub.f32 v16, v18;
	v20 =	vsel vm0, v22, v24;
	v23 =	vld [tilespmem:s19+$0x2A00]  }
0x255: {  	v13 =	vsel vm0, v13, v15;
	v15 =	vsub.f32 v19, v20;
	v18 =	vadd.f32 v33, v21  }
0x256: {  	v11 =	vsel vm0, v11, v14;
	v12 =	vsub.f32 v12, v13;
	v19 =	vld [tilespmem:s19+$0x2C00];
	v14 =	vmul.f32 v16, v16  }
0x257: {  	v20 =	vld [tilespmem:s19+$0x800];
	v15 =	vmul.f32 v15, v15;
	v13 =	vmul.f32 v25, v25;
	v16 =	vadd.f32 v31, v18  }
0x258: {  	v12 =	vmul.f32 v12, v12;
	v11 =	vsub.f32 v17, v11;
	v18 =	vld [tilespmem:s19+$0x2E00]  }
0x259: {  	v14 =	vadd.f32 v15, v14;
	v17 =	vmul.f32 v23, v23;
	v13 =	vadd.f32 v13, v16  }
0x25a: {  	v11 =	vmul.f32 v11, v11;
	v21 =	vld [tilespmem:s19+$0x3000]  }
0x25b: {  	v15 =	vmul.f32 v19, v19;
	v12 =	vadd.f32 v12, v14;
	v13 =	vadd.f32 v17, v13  }
0x25c: {  	vm6 =	vmor vm7, vm6;
	v14 =	vadd.f32 v20, v20  }
0x25d: {  	v11 =	vadd.f32 v11, v12;
	v17 =	vld [tilespmem:s19+$0x880];
	v16 =	vmul.f32 v18, v18;
	v12 =	vadd.f32 v15, v13  }
0x25e: {  	vm5 =	vmor vm6, vm5;
	v14 =	vsub.f32 $1.000000000e+00, v14  }
0x25f: {  	v11 =	vmul.f32 $5.000000000e+00, v11;
	v13 =	vmul.f32 v21, v21;
	v12 =	vadd.f32 v16, v12  }
0x260: {  	vm3 =	vmor vm5, vm3;
	v15 =	vmul.f32 v20, v20  }
0x261: {  	vm3 =	vmor vm3, vm4;
	v11 =	vadd.f32 v11, v14;
	v12 =	vadd.f32 v13, v12  }
0x262: {  	vm2 =	vmor vm3, vm2;
	v10 =	vadd.f32 v15, v10;
	v13 =	vmul.f32 v17, v17  }
0x263: {  	vm1 =	vmor vm2, vm1;
	v11 =	vadd.f32 v12, v11;
	v12 =	vld [tilespmem:$0xAC00]  }
0x264: {  	vm0 =	vmor vm1, vm0;
	v10 =	vadd.f32 v13, v10  }
0x265: {  	v11 =	vnsel vm0, $0x0, v11  }
0x266: {  	v10 =	vadd.f32 v11, v10;
	_ =	sdelay $0x1  }
0x267: {  	v10 =	vadd.f32 v12, v10;
	_ =	sdelay $0x1  }
0x268: {  	s21 =	simm.s32 $0x0;
	[tilespmem:$0xAC00] =	vst v10  }
0x269: {  	[tilespmem:s21], [sflag:$0x1] =	stream.linear.gather [hbm4b:s8+s21], $0x3200, $0x38;
	[tilespmem:$0xAC80] =	vst v63  }
0x26a: {  	s30 =	simm.s32 $0x0;
	_ =	swait.ge [sflag:s16], $0x3200  }
0x26b: {  	s22 =	sand.u32 $0x70, s21;
	s19 =	sand.u32 $0xFFFFFF80, s30;
	[sflag:s16] =	ssyncset.done $0x0  }
0x26c: {  	s23 =	simm.s32 $0x0;
	s20 =	sor.u32 s22, s19;
	[sflag:s16] =	ssyncadd.s32 $0xFFFFCE00  }
0x26d: {  	s31 =	sand.u32 $0x3FFFFF00, s23;
	v11 =	vld [tilespmem:s20+$0xAB00]  }
0x26e: {  	s19 =	sor.u32 s22, s31;
	v14 =	vld [tilespmem:s20+$0xAA00]  }
0x26f: {  	v12 =	vld [tilespmem:s19+$0x3600]  }
0x270: {  	v17 =	vld [tilespmem:s20+$0xA900]  }
0x271: {  	v13 =	vld [tilespmem:s20+$0xA300]  }
0x272: {  	v19 =	vld [tilespmem:s20+$0xA800]  }
0x273: {  	v15 =	vld [tilespmem:s20+$0xA200]  }
0x274: {  	v16 =	vld [tilespmem:s19+$0x3200]  }
0x275: {  	v31 =	vld [tilespmem:s19+$0x5800]  }
0x276: {  	v22 =	vld [tilespmem:s20+$0xA700]  }
0x277: {  	v20 =	vld [tilespmem:s20+$0xA100]  }
0x278: {  	v18 =	vld [tilespmem:s20+$0x9300]  }
0x279: {  	v24 =	vld [tilespmem:s20+$0xA600]  }
0x27a: {  	v23 =	vld [tilespmem:s20+$0xA000]  }
0x27b: {  	v21 =	vld [tilespmem:s20+$0x9200]  }
0x27c: {  	v34 =	vld [tilespmem:s20+$0x8B00]  }
0x27d: {  	v33 =	vld [tilespmem:s19+$0x5600]  }
0x27e: {  	v28 =	vld [tilespmem:s20+$0xA500]  }
0x27f: {  	v25 =	vld [tilespmem:s20+$0x9F00]  }
0x280: {  	v37 =	vld [tilespmem:s20+$0x8A00]  }
0x281: {  	v30 =	vld [tilespmem:s20+$0xA400]  }
0x282: {  	v27 =	vld [tilespmem:s20+$0x9E00]  }
0x283: {  	v38 =	vld [tilespmem:s20+$0x8900]  }
0x284: {  	v35 =	vld [tilespmem:s19+$0x5400]  }
0x285: {  	v29 =	vld [tilespmem:s20+$0x9D00]  }
0x286: {  	v26 =	vld [tilespmem:s20+$0x8F00]  }
0x287: {  	v36 =	vld [tilespmem:s20+$0x8800]  }
0x288: {  	v32 =	vld [tilespmem:s20+$0x9C00]  }
0x289: {  	s22 =	simm.s32 $0x1;
	v10 =	vimm.f32 $0.0e+00;
	v39 =	vld [tilespmem:s20+$0x8700]  }
.LBB2_10:
0x28a: {  	p1 =	sne.s32 s22, $0xF;
	v40 =	vld [tilespmem:s19+$0x5200]  }
0x28b: {  	v41 =	vld [tilespmem:s19+$0x3C00]  }
0x28c: {  	v42 =	vld [tilespmem:s19+$0x3E00]  }
0x28d: {  	v43 =	vld [tilespmem:s20+$0x8D00]  }
0x28e: {  	v44 =	vld [tilespmem:s19+$0x4000]  }
0x28f: {  	v45 =	vld [tilespmem:s20+$0x8600]  }
0x290: {  	v46 =	vld [tilespmem:s19+$0x4200]  }
0x291: {  	v41 =	vmul.f32 v41, v41;
	v47 =	vld [tilespmem:s20+$0x8500];
	v42 =	vmul.f32 v42, v42  }
0x292: {  	v48 =	vld [tilespmem:s19+$0x4400]  }
0x293: {  	v41 =	vadd.f32 v42, v41;
	v42 =	vmul.f32 v44, v44;
	v44 =	vld [tilespmem:s19+$0x5000]  }
0x294: {  	v49 =	vld [tilespmem:s19+$0x4600]  }
0x295: {  	v50 =	vld [tilespmem:s20+$0x8400];
	v41 =	vadd.f32 v42, v41;
	v42 =	vmul.f32 v46, v46  }
0x296: {  	v46 =	vld [tilespmem:s19+$0x4800]  }
0x297: {  	v31 =	vmul.f32 v31, v31;
	v41 =	vadd.f32 v42, v41;
	v42 =	vmul.f32 v48, v48;
	v48 =	vld [tilespmem:s19+$0x4E00]  }
0x298: {  	vm1 =	veq.s32 v37, v4;
	vm0 =	veq.s32 v34, v4;
	v33 =	vmul.f32 v33, v33;
	v34 =	vld [tilespmem:s19+$0x4A00]  }
0x299: {  	vm2 =	veq.s32 v38, v4;
	v37 =	vadd.f32 v42, v41;
	v38 =	vmul.f32 v49, v49;
	v41 =	vld [tilespmem:s19+$0x4C00]  }
0x29a: {  	v35 =	vmul.f32 v35, v35;
	vm3 =	veq.s32 v36, v4;
	vm4 =	veq.s32 v39, v4;
	v42 =	vld [tilespmem:s20+$0x8C00]  }
0x29b: {  	v39 =	vmul.f32 v40, v40;
	v36 =	vld [tilespmem:s20+$0x9400];
	v37 =	vadd.f32 v38, v37;
	v38 =	vmul.f32 v46, v46  }
0x29c: {  	vm5 =	veq.s32 v45, v4;
	vm6 =	veq.s32 v47, v4;
	v44 =	vmul.f32 v44, v44;
	v40 =	vld [tilespmem:s20+$0x9500]  }
0x29d: {  	vm7 =	veq.s32 v50, v4;
	v45 =	vld [tilespmem:s20+$0x8E00];
	v37 =	vadd.f32 v38, v37;
	v34 =	vmul.f32 v34, v34  }
0x29e: {  	v30 =	vnsel vm7, $0x0, v30;
	v46 =	vmul.f32 v48, v48;
	v38 =	vld [tilespmem:s20+$0x9600];
	v41 =	vmul.f32 v41, v41  }
0x29f: {  	v32 =	vnsel vm7, $0x0, v32;
	v42 =	vnsel vm7, $0x0, v42;
	v47 =	vld [tilespmem:s20+$0x9700];
	v34 =	vadd.f32 v34, v37  }
0x2a0: {  	v29 =	vsel vm6, v29, v32;
	v28 =	vsel vm6, v28, v30;
	v36 =	vnsel vm7, $0x0, v36;
	v30 =	vld [tilespmem:s20+$0x9000]  }
0x2a1: {  	v32 =	vsel vm6, v43, v42;
	v36 =	vsel vm6, v40, v36;
	v37 =	vld [tilespmem:s20+$0x9800];
	v34 =	vadd.f32 v41, v34  }
0x2a2: {  	v27 =	vsel vm5, v27, v29;
	v24 =	vsel vm5, v24, v28;
	v32 =	vsel vm5, v45, v32;
	v28 =	vld [tilespmem:s20+$0x9100]  }
0x2a3: {  	v22 =	vsel vm4, v22, v24;
	v29 =	vsel vm5, v38, v36;
	v24 =	vld [tilespmem:s20+$0x9900];
	v34 =	vadd.f32 v46, v34  }
0x2a4: {  	v25 =	vsel vm4, v25, v27;
	v26 =	vsel vm4, v26, v32;
	v29 =	vsel vm4, v47, v29;
	v27 =	vld [tilespmem:s20+$0x9A00]  }
0x2a5: {  	v23 =	vsel vm3, v23, v25;
	v19 =	vsel vm3, v19, v22;
	v22 =	vld [tilespmem:s20+$0x9B00];
	v25 =	vadd.f32 v44, v34  }
0x2a6: {  	v17 =	vsel vm2, v17, v19;
	v26 =	vsel vm3, v30, v26;
	v29 =	vsel vm3, v37, v29;
	v19 =	vld [tilespmem:s19+$0x3400]  }
0x2a7: {  	v20 =	vsel vm2, v20, v23;
	v26 =	vsel vm2, v28, v26;
	v23 =	vadd.f32 v39, v25;
	v25 =	vld [tilespmem:s19+$0x5A00]  }
0x2a8: {  	v14 =	vsel vm1, v14, v17;
	v24 =	vsel vm2, v24, v29;
	v21 =	vsel vm1, v21, v26;
	v17 =	vld [tilespmem:s19+$0x3800]  }
0x2a9: {  	v24 =	vsel vm1, v27, v24;
	v18 =	vsel vm0, v18, v21;
	v21 =	vadd.f32 v35, v23;
	v23 =	vld [tilespmem:s19+$0x5C00]  }
0x2aa: {  	v15 =	vsel vm1, v15, v20;
	v26 =	vld [tilespmem:s19+$0x3A80];
	v20 =	vsel vm0, v22, v24;
	v16 =	vsub.f32 v16, v18  }
0x2ab: {  	v13 =	vsel vm0, v13, v15;
	v15 =	vsub.f32 v19, v20;
	v18 =	vadd.f32 v33, v21;
	v19 =	vld [tilespmem:s19+$0x5E00]  }
0x2ac: {  	s21 =	sadd.s32 $0x10, s21;
	v11 =	vsel vm0, v11, v14;
	v12 =	vsub.f32 v12, v13;
	s20 =	sshll.u32 s22, $0x4;
	v20 =	vld [tilespmem:s19+$0x3A00];
	v13 =	vmul.f32 v25, v25  }
0x2ad: {  	s23 =	sand.u32 $0x70, s21;
	s20 =	sand.u32 $0xFFFFFF80, s20;
	v14 =	vmul.f32 v16, v16;
	v15 =	vmul.f32 v15, v15;
	v16 =	vadd.f32 v31, v18;
	v18 =	vld [tilespmem:s19+$0x6000]  }
0x2ae: {  	s24 =	sshll.u32 s22, $0x5;
	s20 =	sor.u32 s23, s20;
	v17 =	vsub.f32 v17, v11;
	v21 =	vmul.f32 v23, v23;
	v22 =	vld [tilespmem:s19+$0x6200]  }
0x2af: {  	s19 =	sand.u32 $0x3FFFFF00, s24;
	v23 =	vmul.f32 v12, v12;
	v11 =	vld [tilespmem:s20+$0xAB00];
	v15 =	vadd.f32 v15, v14;
	v13 =	vadd.f32 v13, v16  }
0x2b0: {  	s19 =	sor.u32 s23, s19;
	v14 =	vld [tilespmem:s20+$0xAA00];
	v16 =	vmul.f32 v19, v19  }
0x2b1: {  	v19 =	vmul.f32 v17, v17;
	v12 =	vld [tilespmem:s19+$0x3600];
	v15 =	vadd.f32 v23, v15;
	v21 =	vadd.f32 v21, v13  }
0x2b2: {  	v23 =	vadd.f32 v20, v20;
	v17 =	vld [tilespmem:s20+$0xA900];
	v18 =	vmul.f32 v18, v18  }
0x2b3: {  	vm6 =	vmor vm7, vm6;
	v13 =	vld [tilespmem:s20+$0xA300];
	v24 =	vadd.f32 v19, v15;
	v16 =	vadd.f32 v16, v21  }
0x2b4: {  	vm5 =	vmor vm6, vm5;
	v21 =	vmul.f32 v22, v22;
	v19 =	vld [tilespmem:s20+$0xA800]  }
0x2b5: {  	v22 =	vsub.f32 $1.000000000e+00, v23;
	v15 =	vld [tilespmem:s20+$0xA200];
	v18 =	vadd.f32 v18, v16;
	v23 =	vmul.f32 $5.000000000e+00, v24  }
0x2b6: {  	vm4 =	vmor vm5, vm4;
	v20 =	vmul.f32 v20, v20;
	v16 =	vld [tilespmem:s19+$0x3200]  }
0x2b7: {  	vm3 =	vmor vm4, vm3;
	v31 =	vld [tilespmem:s19+$0x5800];
	v18 =	vadd.f32 v21, v18;
	v21 =	vadd.f32 v23, v22  }
0x2b8: {  	vm2 =	vmor vm3, vm2;
	v10 =	vadd.f32 v20, v10;
	v23 =	vmul.f32 v26, v26;
	v22 =	vld [tilespmem:s20+$0xA700]  }
0x2b9: {  	vm1 =	vmor vm2, vm1;
	v20 =	vld [tilespmem:s20+$0xA100];
	v21 =	vadd.f32 v18, v21  }
0x2ba: {  	vm0 =	vmor vm1, vm0;
	v10 =	vadd.f32 v23, v10;
	v18 =	vld [tilespmem:s20+$0x9300]  }
0x2bb: {  	v24 =	vld [tilespmem:s20+$0xA600];
	v21 =	vnsel vm0, $0x0, v21  }
0x2bc: {  	v23 =	vld [tilespmem:s20+$0xA000];
	v10 =	vadd.f32 v21, v10  }
0x2bd: {  	v21 =	vld [tilespmem:s20+$0x9200]  }
0x2be: {  	v34 =	vld [tilespmem:s20+$0x8B00]  }
0x2bf: {  	v33 =	vld [tilespmem:s19+$0x5600]  }
0x2c0: {  	v28 =	vld [tilespmem:s20+$0xA500]  }
0x2c1: {  	v25 =	vld [tilespmem:s20+$0x9F00]  }
0x2c2: {  	v37 =	vld [tilespmem:s20+$0x8A00]  }
0x2c3: {  	v30 =	vld [tilespmem:s20+$0xA400]  }
0x2c4: {  	v27 =	vld [tilespmem:s20+$0x9E00]  }
0x2c5: {  	v38 =	vld [tilespmem:s20+$0x8900]  }
0x2c6: {  	v35 =	vld [tilespmem:s19+$0x5400]  }
.Ltmp6:
0x2c7: {  	v29 =	vld [tilespmem:s20+$0x9D00];
	(pc) =	sbr.rel @p1 .LBB2_10-.Ltmp6, $4  }
0x2c8: {  	v26 =	vld [tilespmem:s20+$0x8F00]  }
0x2c9: {  	v36 =	vld [tilespmem:s20+$0x8800]  }
0x2ca: {  	v32 =	vld [tilespmem:s20+$0x9C00]  }
0x2cb: {  	s22 =	sadd.s32 $0x1, s22;
	v39 =	vld [tilespmem:s20+$0x8700]  }
0x2cc: {  	v40 =	vld [tilespmem:s19+$0x5200]  }
0x2cd: {  	v41 =	vld [tilespmem:s19+$0x3C00]  }
0x2ce: {  	v42 =	vld [tilespmem:s19+$0x3E00]  }
0x2cf: {  	v43 =	vld [tilespmem:s20+$0x8D00]  }
0x2d0: {  	v44 =	vld [tilespmem:s19+$0x4000]  }
0x2d1: {  	v45 =	vld [tilespmem:s20+$0x8600]  }
0x2d2: {  	v46 =	vld [tilespmem:s19+$0x4200]  }
0x2d3: {  	v47 =	vld [tilespmem:s20+$0x8500];
	v41 =	vmul.f32 v41, v41;
	v42 =	vmul.f32 v42, v42  }
0x2d4: {  	v48 =	vld [tilespmem:s19+$0x4400]  }
0x2d5: {  	v49 =	vld [tilespmem:s19+$0x4600];
	v57 =	vmul.f32 v44, v44;
	v41 =	vadd.f32 v42, v41  }
0x2d6: {  	v50 =	vld [tilespmem:s20+$0x8400]  }
0x2d7: {  	v59 =	vld [tilespmem:s19+$0x4800];
	v58 =	vmul.f32 v46, v46;
	v41 =	vadd.f32 v57, v41  }
0x2d8: {  	v61 =	vld [tilespmem:s19+$0x4E00]  }
0x2d9: {  	v31 =	vmul.f32 v31, v31;
	v62 =	vld [tilespmem:s19+$0x4A00];
	v60 =	vmul.f32 v48, v48;
	v41 =	vadd.f32 v58, v41  }
0x2da: {  	vm1 =	veq.s32 v37, v4;
	vm0 =	veq.s32 v34, v4;
	v33 =	vmul.f32 v33, v33;
	v52 =	vld [tilespmem:s19+$0x4C00]  }
0x2db: {  	vm2 =	veq.s32 v38, v4;
	v54 =	vld [tilespmem:s20+$0x9400];
	v51 =	vmul.f32 v49, v49;
	v63 =	vadd.f32 v60, v41  }
0x2dc: {  	v53 =	vld [tilespmem:s20+$0x8C00];
	v35 =	vmul.f32 v35, v35;
	vm4 =	veq.s32 v36, v4;
	vm3 =	veq.s32 v39, v4  }
0x2dd: {  	v44 =	vld [tilespmem:s19+$0x5000];
	v55 =	vmul.f32 v59, v59;
	vm7 =	veq.s32 v50, v4;
	v37 =	vadd.f32 v51, v63  }
0x2de: {  	v56 =	vmul.f32 v40, v40;
	vm6 =	veq.s32 v47, v4;
	v59 =	vld [tilespmem:s20+$0x9600];
	v30 =	vnsel vm7, $0x0, v30  }
0x2df: {  	v34 =	vmul.f32 v62, v62;
	v28 =	vsel vm6, v28, v30;
	v30 =	vld [tilespmem:s20+$0x9000];
	v37 =	vadd.f32 v55, v37  }
0x2e0: {  	vm5 =	veq.s32 v45, v4;
	v32 =	vnsel vm7, $0x0, v32;
	v36 =	vnsel vm7, $0x0, v54;
	v57 =	vld [tilespmem:s20+$0x9500]  }
0x2e1: {  	v42 =	vnsel vm7, $0x0, v53;
	v58 =	vld [tilespmem:s20+$0x8E00];
	v41 =	vmul.f32 v52, v52;
	v34 =	vadd.f32 v34, v37  }
0x2e2: {  	v29 =	vsel vm6, v29, v32;
	v62 =	vsel vm6, v43, v42;
	v24 =	vsel vm5, v24, v28;
	v28 =	vld [tilespmem:s20+$0x9100]  }
0x2e3: {  	v27 =	vsel vm5, v27, v29;
	v60 =	vmul.f32 v61, v61;
	v61 =	vld [tilespmem:s20+$0x9700];
	v34 =	vadd.f32 v41, v34  }
0x2e4: {  	v22 =	vsel vm3, v22, v24;
	v25 =	vsel vm3, v25, v27;
	v44 =	vmul.f32 v44, v44;
	v63 =	vld [tilespmem:s20+$0x9800]  }
0x2e5: {  	v24 =	vld [tilespmem:s20+$0x9900];
	v23 =	vsel vm4, v23, v25;
	v19 =	vsel vm4, v19, v22;
	v34 =	vadd.f32 v60, v34  }
0x2e6: {  	v27 =	vld [tilespmem:s20+$0x9A00];
	v17 =	vsel vm2, v17, v19;
	v36 =	vsel vm6, v57, v36;
	v32 =	vsel vm5, v58, v62  }
0x2e7: {  	v22 =	vld [tilespmem:s20+$0x9B00];
	v29 =	vsel vm5, v59, v36;
	v26 =	vsel vm3, v26, v32;
	v25 =	vadd.f32 v44, v34  }
0x2e8: {  	v19 =	vld [tilespmem:s19+$0x3400];
	v20 =	vsel vm2, v20, v23;
	v29 =	vsel vm3, v61, v29;
	v26 =	vsel vm4, v30, v26  }
0x2e9: {  	v26 =	vsel vm2, v28, v26;
	v29 =	vsel vm4, v63, v29;
	v23 =	vadd.f32 v56, v25  }
0x2ea: {  	v14 =	vsel vm1, v14, v17;
	v21 =	vsel vm1, v21, v26;
	v24 =	vsel vm2, v24, v29;
	v25 =	vld [tilespmem:s19+$0x5A00]  }
0x2eb: {  	v17 =	vld [tilespmem:s19+$0x3800];
	v18 =	vsel vm0, v18, v21;
	v24 =	vsel vm1, v27, v24;
	v21 =	vadd.f32 v35, v23  }
0x2ec: {  	v15 =	vsel vm1, v15, v20;
	v16 =	vsub.f32 v16, v18;
	v20 =	vsel vm0, v22, v24;
	v23 =	vld [tilespmem:s19+$0x5C00]  }
0x2ed: {  	v13 =	vsel vm0, v13, v15;
	v15 =	vsub.f32 v19, v20;
	v18 =	vadd.f32 v33, v21  }
0x2ee: {  	v11 =	vsel vm0, v11, v14;
	v12 =	vsub.f32 v12, v13;
	v19 =	vld [tilespmem:s19+$0x5E00];
	v14 =	vmul.f32 v16, v16  }
0x2ef: {  	v20 =	vld [tilespmem:s19+$0x3A00];
	v15 =	vmul.f32 v15, v15;
	v13 =	vmul.f32 v25, v25;
	v16 =	vadd.f32 v31, v18  }
0x2f0: {  	v12 =	vmul.f32 v12, v12;
	v11 =	vsub.f32 v17, v11;
	v18 =	vld [tilespmem:s19+$0x6000]  }
0x2f1: {  	v14 =	vadd.f32 v15, v14;
	v17 =	vmul.f32 v23, v23;
	v13 =	vadd.f32 v13, v16  }
0x2f2: {  	v11 =	vmul.f32 v11, v11;
	v21 =	vld [tilespmem:s19+$0x6200]  }
0x2f3: {  	v15 =	vmul.f32 v19, v19;
	v12 =	vadd.f32 v12, v14;
	v13 =	vadd.f32 v17, v13  }
0x2f4: {  	vm6 =	vmor vm7, vm6;
	v14 =	vadd.f32 v20, v20  }
0x2f5: {  	v11 =	vadd.f32 v11, v12;
	v17 =	vld [tilespmem:s19+$0x3A80];
	v16 =	vmul.f32 v18, v18;
	v12 =	vadd.f32 v15, v13  }
0x2f6: {  	vm5 =	vmor vm6, vm5;
	v14 =	vsub.f32 $1.000000000e+00, v14  }
0x2f7: {  	v11 =	vmul.f32 $5.000000000e+00, v11;
	v13 =	vmul.f32 v21, v21;
	v12 =	vadd.f32 v16, v12  }
0x2f8: {  	vm3 =	vmor vm5, vm3;
	v15 =	vmul.f32 v20, v20  }
0x2f9: {  	vm3 =	vmor vm3, vm4;
	v11 =	vadd.f32 v11, v14;
	v12 =	vadd.f32 v13, v12  }
0x2fa: {  	vm2 =	vmor vm3, vm2;
	v10 =	vadd.f32 v15, v10;
	v13 =	vmul.f32 v17, v17  }
0x2fb: {  	vm1 =	vmor vm2, vm1;
	v11 =	vadd.f32 v12, v11;
	v12 =	vld [tilespmem:$0xAC00]  }
0x2fc: {  	vm0 =	vmor vm1, vm0;
	v10 =	vadd.f32 v13, v10  }
0x2fd: {  	v11 =	vnsel vm0, $0x0, v11  }
0x2fe: {  	v10 =	vadd.f32 v11, v10;
	_ =	sdelay $0x1  }
0x2ff: {  	v10 =	vadd.f32 v12, v10;
	_ =	sdelay $0x1  }
0x300: {  	s20 =	simm.s32 @!p0 $0x3200;
	s19 =	simm.s32 @!p0 $0x0;
	[tilespmem:$0xAC00] =	vst v10  }
0x301: {  	[tilespmem:s20], [sflag:$0x2] =	stream.linear.gather @!p0 [hbm4b:s9+s19], $0x3200, $0x38;
	[tilespmem:$0xAC80] =	vst v63  }
0x302: {  	s21 =	simm.s32 $0x0;
	s30 =	simm.s32 $0x0;
	_ =	swait.ge [sflag:s15], $0x3200  }
0x303: {  	s22 =	sand.u32 $0x70, s21;
	s19 =	sand.u32 $0xFFFFFF80, s30;
	[sflag:s15] =	ssyncset.done $0x0  }
0x304: {  	s23 =	simm.s32 $0x0;
	s20 =	sor.u32 s22, s19;
	[sflag:s15] =	ssyncadd.s32 $0xFFFFCE00  }
0x305: {  	s31 =	sand.u32 $0x3FFFFF00, s23;
	v11 =	vld [tilespmem:s20+$0xAB00]  }
0x306: {  	s19 =	sor.u32 s22, s31;
	v14 =	vld [tilespmem:s20+$0xAA00]  }
0x307: {  	v12 =	vld [tilespmem:s19+$0x400]  }
0x308: {  	v17 =	vld [tilespmem:s20+$0xA900]  }
0x309: {  	v13 =	vld [tilespmem:s20+$0xA300]  }
0x30a: {  	v19 =	vld [tilespmem:s20+$0xA800]  }
0x30b: {  	v15 =	vld [tilespmem:s20+$0xA200]  }
0x30c: {  	v16 =	vld [tilespmem:s19+$0x0]  }
0x30d: {  	v31 =	vld [tilespmem:s19+$0x2600]  }
0x30e: {  	v22 =	vld [tilespmem:s20+$0xA700]  }
0x30f: {  	v20 =	vld [tilespmem:s20+$0xA100]  }
0x310: {  	v18 =	vld [tilespmem:s20+$0x9300]  }
0x311: {  	v24 =	vld [tilespmem:s20+$0xA600]  }
0x312: {  	v23 =	vld [tilespmem:s20+$0xA000]  }
0x313: {  	v21 =	vld [tilespmem:s20+$0x9200]  }
0x314: {  	v34 =	vld [tilespmem:s20+$0x8B00]  }
0x315: {  	v33 =	vld [tilespmem:s19+$0x2400]  }
0x316: {  	v28 =	vld [tilespmem:s20+$0xA500]  }
0x317: {  	v25 =	vld [tilespmem:s20+$0x9F00]  }
0x318: {  	v37 =	vld [tilespmem:s20+$0x8A00]  }
0x319: {  	v30 =	vld [tilespmem:s20+$0xA400]  }
0x31a: {  	v27 =	vld [tilespmem:s20+$0x9E00]  }
0x31b: {  	v38 =	vld [tilespmem:s20+$0x8900]  }
0x31c: {  	v35 =	vld [tilespmem:s19+$0x2200]  }
0x31d: {  	v29 =	vld [tilespmem:s20+$0x9D00]  }
0x31e: {  	v26 =	vld [tilespmem:s20+$0x8F00]  }
0x31f: {  	v36 =	vld [tilespmem:s20+$0x8800]  }
0x320: {  	v32 =	vld [tilespmem:s20+$0x9C00]  }
0x321: {  	v10 =	vimm.f32 $0.0e+00;
	s22 =	simm.s32 $0x1;
	v39 =	vld [tilespmem:s20+$0x8700]  }
.LBB2_12:
0x322: {  	p1 =	sne.s32 s22, $0xF;
	v40 =	vld [tilespmem:s19+$0x2000]  }
0x323: {  	v41 =	vld [tilespmem:s19+$0xA00]  }
0x324: {  	v42 =	vld [tilespmem:s19+$0xC00]  }
0x325: {  	v43 =	vld [tilespmem:s20+$0x8D00]  }
0x326: {  	v44 =	vld [tilespmem:s19+$0xE00]  }
0x327: {  	v45 =	vld [tilespmem:s20+$0x8600]  }
0x328: {  	v46 =	vld [tilespmem:s19+$0x1000]  }
0x329: {  	v41 =	vmul.f32 v41, v41;
	v47 =	vld [tilespmem:s20+$0x8500];
	v42 =	vmul.f32 v42, v42  }
0x32a: {  	v48 =	vld [tilespmem:s19+$0x1200]  }
0x32b: {  	v41 =	vadd.f32 v42, v41;
	v42 =	vmul.f32 v44, v44;
	v44 =	vld [tilespmem:s19+$0x1E00]  }
0x32c: {  	v49 =	vld [tilespmem:s19+$0x1400]  }
0x32d: {  	v50 =	vld [tilespmem:s20+$0x8400];
	v41 =	vadd.f32 v42, v41;
	v42 =	vmul.f32 v46, v46  }
0x32e: {  	v46 =	vld [tilespmem:s19+$0x1600]  }
0x32f: {  	v31 =	vmul.f32 v31, v31;
	v41 =	vadd.f32 v42, v41;
	v42 =	vmul.f32 v48, v48;
	v48 =	vld [tilespmem:s19+$0x1C00]  }
0x330: {  	vm1 =	veq.s32 v37, v5;
	vm0 =	veq.s32 v34, v5;
	v33 =	vmul.f32 v33, v33;
	v34 =	vld [tilespmem:s19+$0x1800]  }
0x331: {  	vm2 =	veq.s32 v38, v5;
	v37 =	vadd.f32 v42, v41;
	v38 =	vmul.f32 v49, v49;
	v41 =	vld [tilespmem:s19+$0x1A00]  }
0x332: {  	v35 =	vmul.f32 v35, v35;
	vm3 =	veq.s32 v36, v5;
	vm4 =	veq.s32 v39, v5;
	v42 =	vld [tilespmem:s20+$0x8C00]  }
0x333: {  	v39 =	vmul.f32 v40, v40;
	v36 =	vld [tilespmem:s20+$0x9400];
	v37 =	vadd.f32 v38, v37;
	v38 =	vmul.f32 v46, v46  }
0x334: {  	vm5 =	veq.s32 v45, v5;
	vm6 =	veq.s32 v47, v5;
	v44 =	vmul.f32 v44, v44;
	v40 =	vld [tilespmem:s20+$0x9500]  }
0x335: {  	vm7 =	veq.s32 v50, v5;
	v45 =	vld [tilespmem:s20+$0x8E00];
	v37 =	vadd.f32 v38, v37;
	v34 =	vmul.f32 v34, v34  }
0x336: {  	v30 =	vnsel vm7, $0x0, v30;
	v46 =	vmul.f32 v48, v48;
	v38 =	vld [tilespmem:s20+$0x9600];
	v41 =	vmul.f32 v41, v41  }
0x337: {  	v32 =	vnsel vm7, $0x0, v32;
	v42 =	vnsel vm7, $0x0, v42;
	v47 =	vld [tilespmem:s20+$0x9700];
	v34 =	vadd.f32 v34, v37  }
0x338: {  	v29 =	vsel vm6, v29, v32;
	v28 =	vsel vm6, v28, v30;
	v36 =	vnsel vm7, $0x0, v36;
	v30 =	vld [tilespmem:s20+$0x9000]  }
0x339: {  	v32 =	vsel vm6, v43, v42;
	v36 =	vsel vm6, v40, v36;
	v37 =	vld [tilespmem:s20+$0x9800];
	v34 =	vadd.f32 v41, v34  }
0x33a: {  	v27 =	vsel vm5, v27, v29;
	v24 =	vsel vm5, v24, v28;
	v32 =	vsel vm5, v45, v32;
	v28 =	vld [tilespmem:s20+$0x9100]  }
0x33b: {  	v22 =	vsel vm4, v22, v24;
	v29 =	vsel vm5, v38, v36;
	v24 =	vld [tilespmem:s20+$0x9900];
	v34 =	vadd.f32 v46, v34  }
0x33c: {  	v25 =	vsel vm4, v25, v27;
	v26 =	vsel vm4, v26, v32;
	v29 =	vsel vm4, v47, v29;
	v27 =	vld [tilespmem:s20+$0x9A00]  }
0x33d: {  	v23 =	vsel vm3, v23, v25;
	v19 =	vsel vm3, v19, v22;
	v22 =	vld [tilespmem:s20+$0x9B00];
	v25 =	vadd.f32 v44, v34  }
0x33e: {  	v17 =	vsel vm2, v17, v19;
	v26 =	vsel vm3, v30, v26;
	v29 =	vsel vm3, v37, v29;
	v19 =	vld [tilespmem:s19+$0x200]  }
0x33f: {  	v20 =	vsel vm2, v20, v23;
	v26 =	vsel vm2, v28, v26;
	v23 =	vadd.f32 v39, v25;
	v25 =	vld [tilespmem:s19+$0x2800]  }
0x340: {  	v14 =	vsel vm1, v14, v17;
	v24 =	vsel vm2, v24, v29;
	v21 =	vsel vm1, v21, v26;
	v17 =	vld [tilespmem:s19+$0x600]  }
0x341: {  	v24 =	vsel vm1, v27, v24;
	v18 =	vsel vm0, v18, v21;
	v21 =	vadd.f32 v35, v23;
	v23 =	vld [tilespmem:s19+$0x2A00]  }
0x342: {  	v15 =	vsel vm1, v15, v20;
	v26 =	vld [tilespmem:s19+$0x880];
	v20 =	vsel vm0, v22, v24;
	v16 =	vsub.f32 v16, v18  }
0x343: {  	v13 =	vsel vm0, v13, v15;
	v15 =	vsub.f32 v19, v20;
	v18 =	vadd.f32 v33, v21;
	v19 =	vld [tilespmem:s19+$0x2C00]  }
0x344: {  	s21 =	sadd.s32 $0x10, s21;
	v11 =	vsel vm0, v11, v14;
	v12 =	vsub.f32 v12, v13;
	s20 =	sshll.u32 s22, $0x4;
	v20 =	vld [tilespmem:s19+$0x800];
	v13 =	vmul.f32 v25, v25  }
0x345: {  	s23 =	sand.u32 $0x70, s21;
	s20 =	sand.u32 $0xFFFFFF80, s20;
	v14 =	vmul.f32 v16, v16;
	v15 =	vmul.f32 v15, v15;
	v16 =	vadd.f32 v31, v18;
	v18 =	vld [tilespmem:s19+$0x2E00]  }
0x346: {  	s24 =	sshll.u32 s22, $0x5;
	s20 =	sor.u32 s23, s20;
	v17 =	vsub.f32 v17, v11;
	v21 =	vmul.f32 v23, v23;
	v22 =	vld [tilespmem:s19+$0x3000]  }
0x347: {  	s19 =	sand.u32 $0x3FFFFF00, s24;
	v23 =	vmul.f32 v12, v12;
	v11 =	vld [tilespmem:s20+$0xAB00];
	v15 =	vadd.f32 v15, v14;
	v13 =	vadd.f32 v13, v16  }
0x348: {  	s19 =	sor.u32 s23, s19;
	v14 =	vld [tilespmem:s20+$0xAA00];
	v16 =	vmul.f32 v19, v19  }
0x349: {  	v19 =	vmul.f32 v17, v17;
	v12 =	vld [tilespmem:s19+$0x400];
	v15 =	vadd.f32 v23, v15;
	v21 =	vadd.f32 v21, v13  }
0x34a: {  	v23 =	vadd.f32 v20, v20;
	v17 =	vld [tilespmem:s20+$0xA900];
	v18 =	vmul.f32 v18, v18  }
0x34b: {  	vm6 =	vmor vm7, vm6;
	v13 =	vld [tilespmem:s20+$0xA300];
	v24 =	vadd.f32 v19, v15;
	v16 =	vadd.f32 v16, v21  }
0x34c: {  	vm5 =	vmor vm6, vm5;
	v21 =	vmul.f32 v22, v22;
	v19 =	vld [tilespmem:s20+$0xA800]  }
0x34d: {  	v22 =	vsub.f32 $1.000000000e+00, v23;
	v15 =	vld [tilespmem:s20+$0xA200];
	v18 =	vadd.f32 v18, v16;
	v23 =	vmul.f32 $5.000000000e+00, v24  }
0x34e: {  	vm4 =	vmor vm5, vm4;
	v20 =	vmul.f32 v20, v20;
	v16 =	vld [tilespmem:s19+$0x0]  }
0x34f: {  	vm3 =	vmor vm4, vm3;
	v31 =	vld [tilespmem:s19+$0x2600];
	v18 =	vadd.f32 v21, v18;
	v21 =	vadd.f32 v23, v22  }
0x350: {  	vm2 =	vmor vm3, vm2;
	v10 =	vadd.f32 v20, v10;
	v23 =	vmul.f32 v26, v26;
	v22 =	vld [tilespmem:s20+$0xA700]  }
0x351: {  	vm1 =	vmor vm2, vm1;
	v20 =	vld [tilespmem:s20+$0xA100];
	v21 =	vadd.f32 v18, v21  }
0x352: {  	vm0 =	vmor vm1, vm0;
	v10 =	vadd.f32 v23, v10;
	v18 =	vld [tilespmem:s20+$0x9300]  }
0x353: {  	v24 =	vld [tilespmem:s20+$0xA600];
	v21 =	vnsel vm0, $0x0, v21  }
0x354: {  	v23 =	vld [tilespmem:s20+$0xA000];
	v10 =	vadd.f32 v21, v10  }
0x355: {  	v21 =	vld [tilespmem:s20+$0x9200]  }
0x356: {  	v34 =	vld [tilespmem:s20+$0x8B00]  }
0x357: {  	v33 =	vld [tilespmem:s19+$0x2400]  }
0x358: {  	v28 =	vld [tilespmem:s20+$0xA500]  }
0x359: {  	v25 =	vld [tilespmem:s20+$0x9F00]  }
0x35a: {  	v37 =	vld [tilespmem:s20+$0x8A00]  }
0x35b: {  	v30 =	vld [tilespmem:s20+$0xA400]  }
0x35c: {  	v27 =	vld [tilespmem:s20+$0x9E00]  }
0x35d: {  	v38 =	vld [tilespmem:s20+$0x8900]  }
0x35e: {  	v35 =	vld [tilespmem:s19+$0x2200]  }
.Ltmp7:
0x35f: {  	v29 =	vld [tilespmem:s20+$0x9D00];
	(pc) =	sbr.rel @p1 .LBB2_12-.Ltmp7, $4  }
0x360: {  	v26 =	vld [tilespmem:s20+$0x8F00]  }
0x361: {  	v36 =	vld [tilespmem:s20+$0x8800]  }
0x362: {  	v32 =	vld [tilespmem:s20+$0x9C00]  }
0x363: {  	s22 =	sadd.s32 $0x1, s22;
	v39 =	vld [tilespmem:s20+$0x8700]  }
0x364: {  	v40 =	vld [tilespmem:s19+$0x2000]  }
0x365: {  	v41 =	vld [tilespmem:s19+$0xA00]  }
0x366: {  	v42 =	vld [tilespmem:s19+$0xC00]  }
0x367: {  	v43 =	vld [tilespmem:s20+$0x8D00]  }
0x368: {  	v44 =	vld [tilespmem:s19+$0xE00]  }
0x369: {  	v45 =	vld [tilespmem:s20+$0x8600]  }
0x36a: {  	v46 =	vld [tilespmem:s19+$0x1000]  }
0x36b: {  	v47 =	vld [tilespmem:s20+$0x8500];
	v41 =	vmul.f32 v41, v41;
	v42 =	vmul.f32 v42, v42  }
0x36c: {  	v48 =	vld [tilespmem:s19+$0x1200]  }
0x36d: {  	v53 =	vld [tilespmem:s19+$0x1E00];
	v52 =	vmul.f32 v44, v44;
	v41 =	vadd.f32 v42, v41  }
0x36e: {  	v49 =	vld [tilespmem:s19+$0x1400]  }
0x36f: {  	v50 =	vld [tilespmem:s20+$0x8400];
	v54 =	vmul.f32 v46, v46;
	v41 =	vadd.f32 v52, v41  }
0x370: {  	v55 =	vld [tilespmem:s19+$0x1600]  }
0x371: {  	v57 =	vld [tilespmem:s19+$0x1C00];
	v31 =	vmul.f32 v31, v31;
	v56 =	vmul.f32 v48, v48;
	v41 =	vadd.f32 v54, v41  }
0x372: {  	vm1 =	veq.s32 v37, v5;
	vm0 =	veq.s32 v34, v5;
	v58 =	vld [tilespmem:s19+$0x1800];
	v33 =	vmul.f32 v33, v33  }
0x373: {  	vm2 =	veq.s32 v38, v5;
	v61 =	vld [tilespmem:s19+$0x1A00];
	v60 =	vmul.f32 v49, v49;
	v59 =	vadd.f32 v56, v41  }
0x374: {  	v35 =	vmul.f32 v35, v35;
	v63 =	vld [tilespmem:s20+$0x9400];
	vm4 =	veq.s32 v36, v5;
	vm3 =	veq.s32 v39, v5  }
0x375: {  	v62 =	vld [tilespmem:s20+$0x8C00];
	v49 =	vmul.f32 v55, v55;
	v51 =	vmul.f32 v40, v40;
	v37 =	vadd.f32 v60, v59  }
0x376: {  	vm6 =	veq.s32 v47, v5;
	v44 =	vmul.f32 v53, v53;
	vm7 =	veq.s32 v50, v5;
	v53 =	vld [tilespmem:s20+$0x8E00]  }
0x377: {  	v34 =	vmul.f32 v58, v58;
	v55 =	vmul.f32 v57, v57;
	v57 =	vld [tilespmem:s20+$0x9000];
	v37 =	vadd.f32 v49, v37  }
0x378: {  	vm5 =	veq.s32 v45, v5;
	v30 =	vnsel vm7, $0x0, v30;
	v32 =	vnsel vm7, $0x0, v32;
	v52 =	vld [tilespmem:s20+$0x9500]  }
0x379: {  	v36 =	vnsel vm7, $0x0, v63;
	v54 =	vld [tilespmem:s20+$0x9600];
	v41 =	vmul.f32 v61, v61;
	v34 =	vadd.f32 v34, v37  }
0x37a: {  	v42 =	vnsel vm7, $0x0, v62;
	v29 =	vsel vm6, v29, v32;
	v28 =	vsel vm6, v28, v30;
	v56 =	vld [tilespmem:s20+$0x9700]  }
0x37b: {  	v27 =	vsel vm5, v27, v29;
	v24 =	vsel vm5, v24, v28;
	v59 =	vld [tilespmem:s20+$0x9800];
	v34 =	vadd.f32 v41, v34  }
0x37c: {  	v58 =	vsel vm6, v43, v42;
	v22 =	vsel vm3, v22, v24;
	v25 =	vsel vm3, v25, v27;
	v60 =	vld [tilespmem:s20+$0x9100]  }
0x37d: {  	v62 =	vld [tilespmem:s20+$0x9900];
	v32 =	vsel vm5, v53, v58;
	v23 =	vsel vm4, v23, v25;
	v34 =	vadd.f32 v55, v34  }
0x37e: {  	v63 =	vld [tilespmem:s20+$0x9A00];
	v19 =	vsel vm4, v19, v22;
	v26 =	vsel vm3, v26, v32;
	v36 =	vsel vm6, v52, v36  }
0x37f: {  	v32 =	vld [tilespmem:s20+$0x9B00];
	v17 =	vsel vm2, v17, v19;
	v61 =	vsel vm5, v54, v36;
	v36 =	vadd.f32 v44, v34  }
0x380: {  	v38 =	vld [tilespmem:s19+$0x200];
	v20 =	vsel vm2, v20, v23;
	v26 =	vsel vm4, v57, v26;
	v29 =	vsel vm3, v56, v61  }
0x381: {  	v40 =	vld [tilespmem:s19+$0x2800];
	v29 =	vsel vm4, v59, v29;
	v26 =	vsel vm2, v60, v26;
	v39 =	vadd.f32 v51, v36  }
0x382: {  	v43 =	vld [tilespmem:s19+$0x2A00];
	v14 =	vsel vm1, v14, v17;
	v24 =	vsel vm2, v62, v29;
	v21 =	vsel vm1, v21, v26  }
0x383: {  	v41 =	vld [tilespmem:s19+$0x600];
	v24 =	vsel vm1, v63, v24;
	v18 =	vsel vm0, v18, v21;
	v42 =	vadd.f32 v35, v39  }
0x384: {  	v15 =	vsel vm1, v15, v20;
	v16 =	vsub.f32 v16, v18;
	v44 =	vsel vm0, v32, v24  }
0x385: {  	v47 =	vld [tilespmem:s19+$0x2C00];
	v13 =	vsel vm0, v13, v15;
	v45 =	vsub.f32 v38, v44;
	v46 =	vadd.f32 v33, v42  }
0x386: {  	v11 =	vsel vm0, v11, v14;
	v12 =	vsub.f32 v12, v13;
	v49 =	vmul.f32 v40, v40  }
0x387: {  	v48 =	vld [tilespmem:s19+$0x800];
	v50 =	vmul.f32 v16, v16;
	v15 =	vmul.f32 v45, v45;
	v51 =	vadd.f32 v31, v46  }
0x388: {  	v53 =	vmul.f32 v43, v43;
	v52 =	vld [tilespmem:s19+$0x2E00];
	v11 =	vsub.f32 v41, v11  }
0x389: {  	v54 =	vld [tilespmem:s19+$0x3000];
	v12 =	vmul.f32 v12, v12;
	v14 =	vadd.f32 v15, v50;
	v13 =	vadd.f32 v49, v51  }
0x38a: {  	v55 =	vmul.f32 v47, v47  }
0x38b: {  	v11 =	vmul.f32 v11, v11;
	v12 =	vadd.f32 v12, v14;
	v13 =	vadd.f32 v53, v13  }
0x38c: {  	vm6 =	vmor vm7, vm6;
	v56 =	vadd.f32 v48, v48  }
0x38d: {  	v58 =	vld [tilespmem:s19+$0x880];
	v57 =	vmul.f32 v52, v52;
	v11 =	vadd.f32 v11, v12;
	v59 =	vadd.f32 v55, v13  }
0x38e: {  	vm5 =	vmor vm6, vm5;
	v60 =	vmul.f32 v54, v54  }
0x38f: {  	v14 =	vsub.f32 $1.000000000e+00, v56;
	v11 =	vmul.f32 $5.000000000e+00, v11;
	v12 =	vadd.f32 v57, v59  }
0x390: {  	v61 =	vmul.f32 v48, v48;
	vm3 =	vmor vm5, vm3  }
0x391: {  	vm3 =	vmor vm3, vm4;
	v11 =	vadd.f32 v11, v14;
	v12 =	vadd.f32 v60, v12  }
0x392: {  	v10 =	vadd.f32 v61, v10;
	v62 =	vmul.f32 v58, v58;
	vm2 =	vmor vm3, vm2  }
0x393: {  	vm1 =	vmor vm2, vm1;
	v63 =	vld [tilespmem:$0xAC00];
	v11 =	vadd.f32 v12, v11  }
0x394: {  	v10 =	vadd.f32 v62, v10;
	vm0 =	vmor vm1, vm0  }
0x395: {  	v11 =	vnsel vm0, $0x0, v11  }
.Ltmp8:
0x396: {  	v10 =	vadd.f32 v11, v10;
	(pc) =	sbr.rel @p0 .LBB2_17-.Ltmp8, $3  }
0x397: {  	_ = 	snop  }
0x398: {  	v10 =	vadd.f32 v63, v10;
	_ =	sdelay $0x1  }
0x399: {  	[tilespmem:$0xAC00] =	vst v10  }
0x39a: {  	_ =	swait.ge [sflag:s16], $0x3200;
	s21 =	simm.s32 $0x0;
	s19 =	simm.s32 $0x0  }
0x39b: {  	[sflag:s16] =	ssyncset.done $0x0;
	s22 =	sand.u32 $0x70, s21;
	s19 =	sand.u32 $0xFFFFFF80, s19  }
0x39c: {  	s23 =	simm.s32 $0x0;
	[sflag:s16] =	ssyncadd.s32 $0xFFFFCE00;
	s20 =	sor.u32 s22, s19  }
0x39d: {  	s31 =	sand.u32 $0x3FFFFF00, s23;
	v12 =	vld [tilespmem:s20+$0xAB00]  }
0x39e: {  	s19 =	sor.u32 s22, s31;
	v15 =	vld [tilespmem:s20+$0xAA00]  }
0x39f: {  	v13 =	vld [tilespmem:s19+$0x3600]  }
0x3a0: {  	v18 =	vld [tilespmem:s20+$0xA900]  }
0x3a1: {  	v14 =	vld [tilespmem:s20+$0xA300]  }
0x3a2: {  	v20 =	vld [tilespmem:s20+$0xA800]  }
0x3a3: {  	v16 =	vld [tilespmem:s20+$0xA200]  }
0x3a4: {  	v17 =	vld [tilespmem:s19+$0x3200]  }
0x3a5: {  	v32 =	vld [tilespmem:s19+$0x5800]  }
0x3a6: {  	v23 =	vld [tilespmem:s20+$0xA700]  }
0x3a7: {  	v21 =	vld [tilespmem:s20+$0xA100]  }
0x3a8: {  	v19 =	vld [tilespmem:s20+$0x9300]  }
0x3a9: {  	v25 =	vld [tilespmem:s20+$0xA600]  }
0x3aa: {  	v24 =	vld [tilespmem:s20+$0xA000]  }
0x3ab: {  	v22 =	vld [tilespmem:s20+$0x9200]  }
0x3ac: {  	v35 =	vld [tilespmem:s20+$0x8B00]  }
0x3ad: {  	v34 =	vld [tilespmem:s19+$0x5600]  }
0x3ae: {  	v29 =	vld [tilespmem:s20+$0xA500]  }
0x3af: {  	v26 =	vld [tilespmem:s20+$0x9F00]  }
0x3b0: {  	v38 =	vld [tilespmem:s20+$0x8A00]  }
0x3b1: {  	v31 =	vld [tilespmem:s20+$0xA400]  }
0x3b2: {  	v28 =	vld [tilespmem:s20+$0x9E00]  }
0x3b3: {  	v39 =	vld [tilespmem:s20+$0x8900]  }
0x3b4: {  	v36 =	vld [tilespmem:s19+$0x5400]  }
0x3b5: {  	v30 =	vld [tilespmem:s20+$0x9D00]  }
0x3b6: {  	v27 =	vld [tilespmem:s20+$0x8F00]  }
0x3b7: {  	v37 =	vld [tilespmem:s20+$0x8800]  }
0x3b8: {  	v33 =	vld [tilespmem:s20+$0x9C00]  }
0x3b9: {  	v11 =	vimm.f32 $0.0e+00;
	s22 =	simm.s32 $0x1;
	v40 =	vld [tilespmem:s20+$0x8700]  }
.LBB2_15:
0x3ba: {  	p1 =	sne.s32 s22, $0xF;
	v41 =	vld [tilespmem:s19+$0x5200]  }
0x3bb: {  	v42 =	vld [tilespmem:s19+$0x3C00]  }
0x3bc: {  	v43 =	vld [tilespmem:s19+$0x3E00]  }
0x3bd: {  	v44 =	vld [tilespmem:s20+$0x8D00]  }
0x3be: {  	v45 =	vld [tilespmem:s19+$0x4000]  }
0x3bf: {  	v46 =	vld [tilespmem:s20+$0x8600]  }
0x3c0: {  	v47 =	vld [tilespmem:s19+$0x4200]  }
0x3c1: {  	v42 =	vmul.f32 v42, v42;
	v48 =	vld [tilespmem:s20+$0x8500];
	v43 =	vmul.f32 v43, v43  }
0x3c2: {  	v49 =	vld [tilespmem:s19+$0x4400]  }
0x3c3: {  	v42 =	vadd.f32 v43, v42;
	v43 =	vmul.f32 v45, v45;
	v45 =	vld [tilespmem:s19+$0x5000]  }
0x3c4: {  	v50 =	vld [tilespmem:s19+$0x4600]  }
0x3c5: {  	v51 =	vld [tilespmem:s20+$0x8400];
	v42 =	vadd.f32 v43, v42;
	v43 =	vmul.f32 v47, v47  }
0x3c6: {  	v47 =	vld [tilespmem:s19+$0x4800]  }
0x3c7: {  	v32 =	vmul.f32 v32, v32;
	v42 =	vadd.f32 v43, v42;
	v43 =	vmul.f32 v49, v49;
	v49 =	vld [tilespmem:s19+$0x4E00]  }
0x3c8: {  	vm1 =	veq.s32 v38, v8;
	vm0 =	veq.s32 v35, v8;
	v34 =	vmul.f32 v34, v34;
	v35 =	vld [tilespmem:s19+$0x4A00]  }
0x3c9: {  	vm2 =	veq.s32 v39, v8;
	v38 =	vadd.f32 v43, v42;
	v39 =	vmul.f32 v50, v50;
	v42 =	vld [tilespmem:s19+$0x4C00]  }
0x3ca: {  	vm4 =	veq.s32 v40, v8;
	vm3 =	veq.s32 v37, v8;
	v36 =	vmul.f32 v36, v36;
	v43 =	vld [tilespmem:s20+$0x8C00]  }
0x3cb: {  	v40 =	vmul.f32 v41, v41;
	v37 =	vld [tilespmem:s20+$0x9400];
	v38 =	vadd.f32 v39, v38;
	v39 =	vmul.f32 v47, v47  }
0x3cc: {  	vm5 =	veq.s32 v46, v8;
	vm6 =	veq.s32 v48, v8;
	v45 =	vmul.f32 v45, v45;
	v41 =	vld [tilespmem:s20+$0x9500]  }
0x3cd: {  	vm7 =	veq.s32 v51, v8;
	v46 =	vld [tilespmem:s20+$0x8E00];
	v38 =	vadd.f32 v39, v38;
	v35 =	vmul.f32 v35, v35  }
0x3ce: {  	v31 =	vnsel vm7, $0x0, v31;
	v47 =	vmul.f32 v49, v49;
	v39 =	vld [tilespmem:s20+$0x9600];
	v42 =	vmul.f32 v42, v42  }
0x3cf: {  	v33 =	vnsel vm7, $0x0, v33;
	v43 =	vnsel vm7, $0x0, v43;
	v48 =	vld [tilespmem:s20+$0x9700];
	v35 =	vadd.f32 v35, v38  }
0x3d0: {  	v30 =	vsel vm6, v30, v33;
	v29 =	vsel vm6, v29, v31;
	v37 =	vnsel vm7, $0x0, v37;
	v31 =	vld [tilespmem:s20+$0x9000]  }
0x3d1: {  	v33 =	vsel vm6, v44, v43;
	v37 =	vsel vm6, v41, v37;
	v38 =	vld [tilespmem:s20+$0x9800];
	v35 =	vadd.f32 v42, v35  }
0x3d2: {  	v28 =	vsel vm5, v28, v30;
	v25 =	vsel vm5, v25, v29;
	v33 =	vsel vm5, v46, v33;
	v29 =	vld [tilespmem:s20+$0x9100]  }
0x3d3: {  	v23 =	vsel vm4, v23, v25;
	v30 =	vsel vm5, v39, v37;
	v25 =	vld [tilespmem:s20+$0x9900];
	v35 =	vadd.f32 v47, v35  }
0x3d4: {  	v26 =	vsel vm4, v26, v28;
	v27 =	vsel vm4, v27, v33;
	v30 =	vsel vm4, v48, v30;
	v28 =	vld [tilespmem:s20+$0x9A00]  }
0x3d5: {  	v24 =	vsel vm3, v24, v26;
	v20 =	vsel vm3, v20, v23;
	v23 =	vld [tilespmem:s20+$0x9B00];
	v26 =	vadd.f32 v45, v35  }
0x3d6: {  	v18 =	vsel vm2, v18, v20;
	v27 =	vsel vm3, v31, v27;
	v30 =	vsel vm3, v38, v30;
	v20 =	vld [tilespmem:s19+$0x3400]  }
0x3d7: {  	v21 =	vsel vm2, v21, v24;
	v27 =	vsel vm2, v29, v27;
	v24 =	vadd.f32 v40, v26;
	v26 =	vld [tilespmem:s19+$0x5A00]  }
0x3d8: {  	v15 =	vsel vm1, v15, v18;
	v25 =	vsel vm2, v25, v30;
	v22 =	vsel vm1, v22, v27;
	v18 =	vld [tilespmem:s19+$0x3800]  }
0x3d9: {  	v25 =	vsel vm1, v28, v25;
	v19 =	vsel vm0, v19, v22;
	v22 =	vadd.f32 v36, v24;
	v24 =	vld [tilespmem:s19+$0x5C00]  }
0x3da: {  	v16 =	vsel vm1, v16, v21;
	v27 =	vld [tilespmem:s19+$0x3A80];
	v21 =	vsel vm0, v23, v25;
	v17 =	vsub.f32 v17, v19  }
0x3db: {  	v14 =	vsel vm0, v14, v16;
	v16 =	vsub.f32 v20, v21;
	v19 =	vadd.f32 v34, v22;
	v20 =	vld [tilespmem:s19+$0x5E00]  }
0x3dc: {  	s21 =	sadd.s32 $0x10, s21;
	v12 =	vsel vm0, v12, v15;
	v13 =	vsub.f32 v13, v14;
	s20 =	sshll.u32 s22, $0x4;
	v21 =	vld [tilespmem:s19+$0x3A00];
	v14 =	vmul.f32 v26, v26  }
0x3dd: {  	s23 =	sand.u32 $0x70, s21;
	s20 =	sand.u32 $0xFFFFFF80, s20;
	v15 =	vmul.f32 v17, v17;
	v16 =	vmul.f32 v16, v16;
	v17 =	vadd.f32 v32, v19;
	v19 =	vld [tilespmem:s19+$0x6000]  }
0x3de: {  	s24 =	sshll.u32 s22, $0x5;
	s20 =	sor.u32 s23, s20;
	v18 =	vsub.f32 v18, v12;
	v22 =	vmul.f32 v24, v24;
	v23 =	vld [tilespmem:s19+$0x6200]  }
0x3df: {  	s19 =	sand.u32 $0x3FFFFF00, s24;
	v24 =	vmul.f32 v13, v13;
	v12 =	vld [tilespmem:s20+$0xAB00];
	v16 =	vadd.f32 v16, v15;
	v14 =	vadd.f32 v14, v17  }
0x3e0: {  	s19 =	sor.u32 s23, s19;
	v15 =	vld [tilespmem:s20+$0xAA00];
	v17 =	vmul.f32 v20, v20  }
0x3e1: {  	v20 =	vmul.f32 v18, v18;
	v13 =	vld [tilespmem:s19+$0x3600];
	v16 =	vadd.f32 v24, v16;
	v22 =	vadd.f32 v22, v14  }
0x3e2: {  	v24 =	vadd.f32 v21, v21;
	v18 =	vld [tilespmem:s20+$0xA900];
	v19 =	vmul.f32 v19, v19  }
0x3e3: {  	vm6 =	vmor vm7, vm6;
	v14 =	vld [tilespmem:s20+$0xA300];
	v25 =	vadd.f32 v20, v16;
	v17 =	vadd.f32 v17, v22  }
0x3e4: {  	vm5 =	vmor vm6, vm5;
	v22 =	vmul.f32 v23, v23;
	v20 =	vld [tilespmem:s20+$0xA800]  }
0x3e5: {  	v23 =	vsub.f32 $1.000000000e+00, v24;
	v16 =	vld [tilespmem:s20+$0xA200];
	v19 =	vadd.f32 v19, v17;
	v24 =	vmul.f32 $5.000000000e+00, v25  }
0x3e6: {  	vm4 =	vmor vm5, vm4;
	v21 =	vmul.f32 v21, v21;
	v17 =	vld [tilespmem:s19+$0x3200]  }
0x3e7: {  	vm3 =	vmor vm4, vm3;
	v32 =	vld [tilespmem:s19+$0x5800];
	v19 =	vadd.f32 v22, v19;
	v22 =	vadd.f32 v24, v23  }
0x3e8: {  	vm2 =	vmor vm3, vm2;
	v11 =	vadd.f32 v21, v11;
	v24 =	vmul.f32 v27, v27;
	v23 =	vld [tilespmem:s20+$0xA700]  }
0x3e9: {  	vm1 =	vmor vm2, vm1;
	v21 =	vld [tilespmem:s20+$0xA100];
	v22 =	vadd.f32 v19, v22  }
0x3ea: {  	vm0 =	vmor vm1, vm0;
	v11 =	vadd.f32 v24, v11;
	v19 =	vld [tilespmem:s20+$0x9300]  }
0x3eb: {  	v25 =	vld [tilespmem:s20+$0xA600];
	v22 =	vnsel vm0, $0x0, v22  }
0x3ec: {  	v24 =	vld [tilespmem:s20+$0xA000];
	v11 =	vadd.f32 v22, v11  }
0x3ed: {  	v22 =	vld [tilespmem:s20+$0x9200]  }
0x3ee: {  	v35 =	vld [tilespmem:s20+$0x8B00]  }
0x3ef: {  	v34 =	vld [tilespmem:s19+$0x5600]  }
0x3f0: {  	v29 =	vld [tilespmem:s20+$0xA500]  }
0x3f1: {  	v26 =	vld [tilespmem:s20+$0x9F00]  }
0x3f2: {  	v38 =	vld [tilespmem:s20+$0x8A00]  }
0x3f3: {  	v31 =	vld [tilespmem:s20+$0xA400]  }
0x3f4: {  	v28 =	vld [tilespmem:s20+$0x9E00]  }
0x3f5: {  	v39 =	vld [tilespmem:s20+$0x8900]  }
0x3f6: {  	v36 =	vld [tilespmem:s19+$0x5400]  }
.Ltmp9:
0x3f7: {  	v30 =	vld [tilespmem:s20+$0x9D00];
	(pc) =	sbr.rel @p1 .LBB2_15-.Ltmp9, $4  }
0x3f8: {  	v27 =	vld [tilespmem:s20+$0x8F00]  }
0x3f9: {  	v37 =	vld [tilespmem:s20+$0x8800]  }
0x3fa: {  	v33 =	vld [tilespmem:s20+$0x9C00]  }
0x3fb: {  	s22 =	sadd.s32 $0x1, s22;
	v40 =	vld [tilespmem:s20+$0x8700]  }
.Ltmp10:
0x3fc: {  	_ = 	snop;
	(pc) =	sbr.rel .LBB2_16-.Ltmp10, $1  }
0x3fd: {  	_ =	sdelay $0x3  }
.LBB2_18:
0x3fe: {  	_ =	sfence.sel $0x180000  }
0x3ff: {  	[bflag:$0x0] =	sbarrier.arrive $0xFFFF  }
0x400: {  	p0 =	sne.s32 s0, $0x0;
	_ =	strace $0x90000047  }
0x401: {  	s0 =	sadd.s32 @!p0 $0x100000, s1;
	[bflag:$0x2] =	sbarrier.arrive $0xFFFF  }
0x402: {  	[sflag:s0] =	ssyncadd.tile.s32 @!p0 $0x1;
	_ =	shalt  }
.Lfunc_end2:
_tile_overlayer_lowered:
.L_overlay_start_2:
0x403: {  	(tag) =	ssettag $0x2  }
0x404: {  	s0 =	rddreg [dreg:$0x0];
	s2 =	stileid.u32  }
0x405: {  	s1 =	rddreg [dreg:$0x1];
	p0 =	sne.s32 s2, $0x0  }
0x406: {  	s3 =	rddreg [dreg:$0x2];
	[bflag:$0x3] =	sbarrier.arrive $0xFFFF;
	s2 =	simm.s32 @!p0 $0x1C03  }
0x407: {  	[timem:s3], [sflag:s2] =	dma.local @!p0 [hbm:s0], s1  }
0x408: {  	s0 =	simm.s32 @!p0 $0x3  }
0x409: {  	_ =	swait.ge @!p0 [sflag:s0], s1  }
0x40a: {  	s1 =	ssub.s32 @!p0 $0x0, s1;
	[sflag:s0] =	ssyncset.done @!p0 $0x0  }
0x40b: {  	[sflag:s0] =	ssyncadd.s32 @!p0 s1  }
0x40c: {  	[bflag:$0x3] =	sbarrier.arrive $0xFFFF  }
0x40d: {  	_ =	shalt  }

</sc_bundles>
